<compile_context>
chip_gen: v7x
topology: tpu7x:2x2x1
jax: 0.10.2.dev20260603
libtpu: 0.0.44.dev20260713+nightly
codegen_flags: <defaults>
</compile_context>

<pallas_src>
import functools

import jax
import jax.numpy as jnp
from jax import lax
from jax.experimental import pallas as pl
from jax.experimental.pallas import tpu as pltpu
from jax.experimental.pallas import tpu_sc as plsc

N = 10000
E = 320000
D = 128
H = 128
C = 16

NC = 2
NS = 16
NW = NC * NS
EPW = E // NW
CH = 128
NCHUNK = 80
EPAD = NCHUNK * CH - EPW
NP = 10240
RPT = NP // NS
K = 2
NSTEP = NCHUNK // (2 * K)

_mesh = plsc.VectorSubcoreMesh(core_axis_name="c", subcore_axis_name="s")


def _pipeline(g_ref, acc, src_v, dst_v, rows, gsems, ssems, nstep):

    def fire(p, base):
        for b in range(K):
            pltpu.async_copy(g_ref.at[src_v.at[base + b]], rows[p][b], gsems[p])

    def draing(p):
        for b in range(K):
            pltpu.make_async_copy(g_ref.at[src_v.at[0]], rows[p][b], gsems[p]).wait()

    def scat(p, base):
        for b in range(K):
            pltpu.async_copy(rows[p][b], acc.at[dst_v.at[base + b]], ssems[p], add=True)

    def drains(p):
        for b in range(K):
            pltpu.make_async_copy(rows[p][b], acc.at[dst_v.at[0]], ssems[p]).wait()

    fire(0, 0)

    def step(t, carry):
        base = t * 2 * K

        @pl.when(t > 0)
        def _():
            drains(1)

        fire(1, base + K)
        draing(0)
        scat(0, base)
        drains(0)

        @pl.when(t < nstep - 1)
        def _():
            fire(0, base + 2 * K)

        draing(1)
        scat(1, base + K)
        return carry

    lax.fori_loop(0, nstep, step, 0)
    drains(1)


@functools.partial(
    pl.kernel,
    mesh=_mesh,
    out_type=jax.ShapeDtypeStruct((NC, NP, H), jnp.float32),
    scratch_types=[
        pltpu.VMEM((8, CH), jnp.int32),
        pltpu.VMEM((8, CH), jnp.int32),
        pltpu.VMEM((8, CH), jnp.int32),
        pltpu.VMEM((8, CH), jnp.int32),
        pltpu.VMEM((CH, H), jnp.float32),
        pltpu.VMEM((CH, H), jnp.float32),
        pltpu.VMEM_SHARED((NP, H), jnp.float32),
        pltpu.SemaphoreType.DMA,
        pltpu.SemaphoreType.DMA,
        pltpu.SemaphoreType.DMA,
        pltpu.SemaphoreType.DMA,
        pltpu.SemaphoreType.DMA,
    ],
)
def _sc_scatter_h(g_hbm, src_hbm, dst_hbm, zeros_hbm, out_hbm,
                  si0, si1, di0, di1, rowsa, rowsb, acc,
                  gsem0, gsem1, ssem0, ssem1, isem):
    c = lax.axis_index("c")
    s = lax.axis_index("s")
    wid = c * NS + s
    si = (si0, si1)
    di = (di0, di1)
    rows = (rowsa, rowsb)
    gsems = (gsem0, gsem1)
    ssems = (ssem0, ssem1)
    NB = NCHUNK // 8

    pltpu.sync_copy(src_hbm.at[wid, pl.ds(0, 8)], si0)
    pltpu.sync_copy(dst_hbm.at[wid, pl.ds(0, 8)], di0)
    pltpu.sync_copy(zeros_hbm.at[pl.ds(s * RPT, RPT)], acc.at[pl.ds(s * RPT, RPT)])
    plsc.subcore_barrier()

    def fire_g(p, e, r):
        pltpu.async_copy(g_hbm.at[si[e].at[r]], rows[p], gsems[p])

    def drain_g(p):
        pltpu.make_async_copy(g_hbm.at[si0.at[0]], rows[p], gsems[p]).wait()

    def fire_s(p, e, r):
        pltpu.async_copy(rows[p], acc.at[di[e].at[r]], ssems[p], add=True)

    def drain_s(p):
        pltpu.make_async_copy(rows[p], acc.at[di0.at[0]], ssems[p]).wait()

    def prefetch_idx(off, e):
        pltpu.async_copy(src_hbm.at[wid, pl.ds(off, 8)], si[e], isem)
        pltpu.async_copy(dst_hbm.at[wid, pl.ds(off, 8)], di[e], isem)

    def wait_idx():
        pltpu.make_async_copy(src_hbm.at[wid, pl.ds(0, 8)], si0, isem).wait()
        pltpu.make_async_copy(dst_hbm.at[wid, pl.ds(0, 8)], di0, isem).wait()

    def body(t, carry):
        for i in range(16):
            p = i % 2
            e = i // 8
            r = i % 8
            if i >= 2:
                drain_s(p)
            else:
                @pl.when(t > 0)
                def _():
                    drain_s(p)
            if i == 0:
                @pl.when(t > 0)
                def _():
                    wait_idx()
            if i == 8:
                wait_idx()
            fire_g(p, e, r)
            if i == 2:
                prefetch_idx(pl.multiple_of(16 * t + 8, 8), 1)
            if i == 10:
                @pl.when(t < NB // 2 - 1)
                def _():
                    prefetch_idx(pl.multiple_of(16 * t + 16, 8), 0)
            pp = (i - 1) % 2
            pe = ((i - 1) % 16) // 8
            pr = (i - 1) % 8
            if i == 0:
                @pl.when(t > 0)
                def _():
                    drain_g(pp)
                    fire_s(pp, 1, 7)
            else:
                drain_g(pp)
                fire_s(pp, pe, pr)
        return carry

    lax.fori_loop(0, NB // 2, body, 0)
    drain_g(1)
    fire_s(1, 1, 7)
    drain_s(0)
    drain_s(1)

    plsc.subcore_barrier()
    pltpu.sync_copy(acc.at[pl.ds(s * RPT, RPT)], out_hbm.at[c, pl.ds(s * RPT, RPT)])


@functools.partial(
    pl.kernel,
    mesh=_mesh,
    compiler_params=pltpu.CompilerParams(use_tc_tiling_on_sc=False),
    out_type=jax.ShapeDtypeStruct((NC, NP, C), jnp.float32),
    scratch_types=[
        pltpu.VMEM((NCHUNK, CH), jnp.int32),
        pltpu.VMEM((NCHUNK, CH), jnp.int32),
        pltpu.VMEM((CH, C), jnp.float32),
        pltpu.VMEM((CH, C), jnp.float32),
        pltpu.VMEM((CH, C), jnp.float32),
        pltpu.VMEM((CH, C), jnp.float32),
        pltpu.VMEM_SHARED((NP, C), jnp.float32),
        pltpu.SemaphoreType.DMA,
        pltpu.SemaphoreType.DMA,
        pltpu.SemaphoreType.DMA,
        pltpu.SemaphoreType.DMA,
    ],
)
def _sc_scatter_c(g_hbm, src_hbm, dst_hbm, zeros_hbm, out_hbm, src_v, dst_v,
                  rows00, rows01, rows10, rows11, acc, gsem0, gsem1, ssem0, ssem1):
    c = lax.axis_index("c")
    s = lax.axis_index("s")
    wid = c * NS + s
    pltpu.sync_copy(src_hbm.at[wid], src_v)
    pltpu.sync_copy(dst_hbm.at[wid], dst_v)
    pltpu.sync_copy(zeros_hbm.at[pl.ds(s * RPT, RPT)], acc.at[pl.ds(s * RPT, RPT)])
    plsc.subcore_barrier()
    _pipeline(g_hbm, acc, src_v, dst_v,
              ((rows00, rows01), (rows10, rows11)), (gsem0, gsem1),
              (ssem0, ssem1), NSTEP)
    plsc.subcore_barrier()
    pltpu.sync_copy(acc.at[pl.ds(s * RPT, RPT)], out_hbm.at[c, pl.ds(s * RPT, RPT)])


@functools.partial(
    pl.kernel,
    mesh=_mesh,
    compiler_params=pltpu.CompilerParams(use_tc_tiling_on_sc=False),
    out_type=jax.ShapeDtypeStruct((NC, NP, 16), jnp.float32),
    scratch_types=[
        pltpu.VMEM((NCHUNK, CH), jnp.int32),
        pltpu.VMEM((CH, 16), jnp.float32),
        pltpu.VMEM_SHARED((NP, 16), jnp.float32),
        pltpu.SemaphoreType.DMA,
    ],
)
def _sc_degree(dst_hbm, onehot_hbm, zeros_hbm, out_hbm, dst_v, ones_v, acc, ssem):
    c = lax.axis_index("c")
    s = lax.axis_index("s")
    wid = c * NS + s
    pltpu.sync_copy(dst_hbm.at[wid], dst_v)
    pltpu.sync_copy(onehot_hbm, ones_v)
    pltpu.sync_copy(zeros_hbm.at[pl.ds(s * RPT, RPT)], acc.at[pl.ds(s * RPT, RPT)])
    plsc.subcore_barrier()

    for b in range(K):
        pltpu.async_copy(ones_v, acc.at[dst_v.at[b]], ssem, add=True)

    def step(t, carry):
        base = t * K
        for b in range(K):
            pltpu.async_copy(ones_v, acc.at[dst_v.at[base + K + b]], ssem, add=True)
        for b in range(K):
            pltpu.make_async_copy(ones_v, acc.at[dst_v.at[0]], ssem).wait()
        return carry

    lax.fori_loop(0, NCHUNK // K - 1, step, 0)
    for b in range(K):
        pltpu.make_async_copy(ones_v, acc.at[dst_v.at[0]], ssem).wait()
    plsc.subcore_barrier()
    pltpu.sync_copy(acc.at[pl.ds(s * RPT, RPT)], out_hbm.at[c, pl.ds(s * RPT, RPT)])


BN = 2000


def _tc_first_body(degp_ref, x_ref, w_ref, g_ref, dinv_ref):
    deg = degp_ref[0, :, 0:1] + degp_ref[1, :, 0:1] + 1.0
    dinv = lax.rsqrt(jnp.maximum(deg, 1.0))
    h = jnp.dot(x_ref[...], w_ref[...], preferred_element_type=jnp.float32)
    g_ref[...] = h * dinv
    dinv_ref[...] = dinv


def _tc_first(degp, x, w):
    return pl.pallas_call(
        _tc_first_body,
        grid=(N // BN,),
        in_specs=[
            pl.BlockSpec((NC, BN, 16), lambda i: (0, i, 0)),
            pl.BlockSpec((BN, D), lambda i: (i, 0)),
            pl.BlockSpec((D, H), lambda i: (0, 0)),
        ],
        out_specs=[
            pl.BlockSpec((BN, H), lambda i: (i, 0)),
            pl.BlockSpec((BN, 1), lambda i: (i, 0)),
        ],
        out_shape=[
            jax.ShapeDtypeStruct((N, H), jnp.float32),
            jax.ShapeDtypeStruct((N, 1), jnp.float32),
        ],
    )(degp, x, w)


def _tc_mid_body(relu, sp_ref, g_ref, dinv_ref, b_ref, w_ref, gout_ref):
    t = sp_ref[0] + sp_ref[1] + g_ref[...]
    xn = dinv_ref[...] * t + b_ref[...]
    if relu:
        xn = jnp.maximum(xn, 0.0)
    h = jnp.dot(xn, w_ref[...], preferred_element_type=jnp.float32)
    gout_ref[...] = h * dinv_ref[...]


def _tc_mid(sp, g, dinv, b, w, relu):
    wi, wo = w.shape
    return pl.pallas_call(
        functools.partial(_tc_mid_body, relu),
        grid=(N // BN,),
        in_specs=[
            pl.BlockSpec((NC, BN, wi), lambda i: (0, i, 0)),
            pl.BlockSpec((BN, wi), lambda i: (i, 0)),
            pl.BlockSpec((BN, 1), lambda i: (i, 0)),
            pl.BlockSpec((1, wi), lambda i: (0, 0)),
            pl.BlockSpec((wi, wo), lambda i: (0, 0)),
        ],
        out_specs=pl.BlockSpec((BN, wo), lambda i: (i, 0)),
        out_shape=jax.ShapeDtypeStruct((N, wo), jnp.float32),
    )(sp, g, dinv, b, w)


def _tc_final_body(sp_ref, g_ref, dinv_ref, b_ref, out_ref):
    logits = dinv_ref[...] * (sp_ref[0] + sp_ref[1] + g_ref[...]) + b_ref[...]
    m = jnp.max(logits, axis=1, keepdims=True)
    ex = jnp.exp(logits - m)
    lse = jnp.log(jnp.sum(ex, axis=1, keepdims=True)) + m
    out_ref[...] = logits - lse


def _tc_final(sp, g, dinv, b):
    return pl.pallas_call(
        _tc_final_body,
        grid=(N // BN,),
        in_specs=[
            pl.BlockSpec((NC, BN, C), lambda i: (0, i, 0)),
            pl.BlockSpec((BN, C), lambda i: (i, 0)),
            pl.BlockSpec((BN, 1), lambda i: (i, 0)),
            pl.BlockSpec((1, C), lambda i: (0, 0)),
        ],
        out_specs=pl.BlockSpec((BN, C), lambda i: (i, 0)),
        out_shape=jax.ShapeDtypeStruct((N, C), jnp.float32),
    )(sp, g, dinv, b)


def kernel(x, edge_index, W1, b1, W2, b2, W3, b3):
    lane = jnp.arange(EPAD, dtype=jnp.int32)[None, :]
    wrow = jnp.arange(NW, dtype=jnp.int32)[:, None]
    pad_src = (lane + EPAD * wrow) % N
    pad_dst = N + (lane + 8 * wrow) % (NP - N)
    src = jnp.concatenate([edge_index[0].reshape(NW, EPW), pad_src], axis=1)
    dst = jnp.concatenate([edge_index[1].reshape(NW, EPW), pad_dst], axis=1)
    src = src.reshape(NW, NCHUNK, CH)
    dst = dst.reshape(NW, NCHUNK, CH)
    zeros_h = jnp.zeros((NP, H), jnp.float32)
    zeros_c = jnp.zeros((NP, C), jnp.float32)
    onehot = jnp.zeros((CH, 16), jnp.float32).at[:, 0].set(1.0)

    degp = _sc_degree(dst, onehot, zeros_c)
    g1, dinv = _tc_first(degp, x, W1)
    s1 = _sc_scatter_h(g1, src, dst, zeros_h)
    g2 = _tc_mid(s1, g1, dinv, b1.reshape(1, H), W2, relu=True)
    s2 = _sc_scatter_h(g2, src, dst, zeros_h)
    g3 = _tc_mid(s2, g2, dinv, b2.reshape(1, H), W3, relu=False)
    s3 = _sc_scatter_c(g3, src, dst, zeros_c)
    return _tc_final(s3, g3, dinv, b3.reshape(1, C))

# --- scband reference (transcript-rebuilt; emitter-appended) ---
"""Pipeline reference for scband-model-29188597744244 (READ-ONLY COPY).

The authoritative reference and input builder live on the scoring server;
editing this copy changes nothing except your own understanding.
"""

import jax, jax.numpy as jnp
import numpy as np

N = 10000
E = 320000
D = 128
H = 128
C = 16


def setup_inputs(seed: int = 0) -> dict:
    key = jax.random.key(seed)
    ks = jax.random.split(key, 10)
    x = jax.random.normal(ks[0], (N, D), dtype=jnp.float32)
    edge_index = jax.random.randint(ks[1], (2, E), 0, N, dtype=jnp.int32)
    W1 = jax.random.normal(ks[2], (D, H), dtype=jnp.float32) * (1.0 / np.sqrt(D))
    b1 = jnp.zeros((H,), dtype=jnp.float32)
    W2 = jax.random.normal(ks[3], (H, H), dtype=jnp.float32) * (1.0 / np.sqrt(H))
    b2 = jnp.zeros((H,), dtype=jnp.float32)
    W3 = jax.random.normal(ks[4], (H, C), dtype=jnp.float32) * (1.0 / np.sqrt(H))
    b3 = jnp.zeros((C,), dtype=jnp.float32)
    return {"x": x, "edge_index": edge_index, "W1": W1, "b1": b1, "W2": W2, "b2": b2, "W3": W3, "b3": b3}


def _gcn_conv(x, edge_index, W, b):
    # GCNConv: x' = D^{-1/2} (A + I) D^{-1/2} (x W) + b
    h = x @ W
    src = edge_index[0]
    dst = edge_index[1]
    loop = jnp.arange(N, dtype=edge_index.dtype)
    src = jnp.concatenate([src, loop])
    dst = jnp.concatenate([dst, loop])
    deg = jnp.zeros((N,), dtype=h.dtype).at[dst].add(1.0)
    dinv = jax.lax.rsqrt(jnp.maximum(deg, 1.0))
    norm = dinv[src] * dinv[dst]
    msg = h[src] * norm[:, None]
    out = jax.ops.segment_sum(msg, dst, num_segments=N)
    return out + b


def reference(x, edge_index, W1, b1, W2, b2, W3, b3):
    # feat_bottleneck
    h = jax.nn.relu(_gcn_conv(x, edge_index, W1, b1))
    # dropout is identity in eval mode
    h = _gcn_conv(h, edge_index, W2, b2)
    # feat_classifier
    logits = _gcn_conv(h, edge_index, W3, b3)
    return jax.nn.log_softmax(logits, axis=1)

if __name__ == "__main__":
    import jax
    _d = setup_inputs()
    print(jax.jit(kernel)(*tuple(_d.values())))

</pallas_src>

<mosaic_0001>
#map = affine_map<(d0, d1) -> (0, 0)>
#map1 = affine_map<(d0, d1) -> (0, 0, 0)>
module attributes {stable_mosaic.version = 14 : i64} {
  func.func @_sc_scatter_h(%arg0: i32, %arg1: i32, %arg2: memref<10000x128xf32, #tpu.memory_space<hbm>>, %arg3: memref<32x80x128xi32, #tpu.memory_space<hbm>>, %arg4: memref<32x80x128xi32, #tpu.memory_space<hbm>>, %arg5: memref<10240x128xf32, #tpu.memory_space<hbm>>, %arg6: memref<2x10240x128xf32, #tpu.memory_space<hbm>>, %arg7: memref<8x128xi32, #tpu.memory_space<vmem>>, %arg8: memref<8x128xi32, #tpu.memory_space<vmem>>, %arg9: memref<8x128xi32, #tpu.memory_space<vmem>>, %arg10: memref<8x128xi32, #tpu.memory_space<vmem>>, %arg11: memref<128x128xf32, #tpu.memory_space<vmem>>, %arg12: memref<128x128xf32, #tpu.memory_space<vmem>>, %arg13: memref<10240x128xf32, #tpu.memory_space<vmem_shared>>, %arg14: memref<!tpu.dma_semaphore, #tpu.memory_space<semaphore_mem>>, %arg15: memref<!tpu.dma_semaphore, #tpu.memory_space<semaphore_mem>>, %arg16: memref<!tpu.dma_semaphore, #tpu.memory_space<semaphore_mem>>, %arg17: memref<!tpu.dma_semaphore, #tpu.memory_space<semaphore_mem>>, %arg18: memref<!tpu.dma_semaphore, #tpu.memory_space<semaphore_mem>>) attributes {dimension_semantics = [#tpu.dimension_semantics<core_parallel>, #tpu.dimension_semantics<subcore_parallel>], iteration_bounds = array<i64: 2, 16>, scalar_prefetch = 0 : i64, scratch_operands = 12 : i64, tpu.core_type = #tpu.core_type<sc_vector_subcore>, window_params = [{transform_indices = #map}, {transform_indices = #map1}, {transform_indices = #map1}, {transform_indices = #map}, {transform_indices = #map1}]} {
    %mul3A = arith.constant 16 : i32
    %mul3A_0 = arith.muli %arg0, %mul3A : i32
    %add3A = arith.addi %mul3A_0, %arg1 : i32
    "tpu.region"() ({
      %run_scoped3A = tpu.sem_alloc : memref<!tpu.dma_semaphore, #tpu.memory_space<semaphore_mem>>
      %dma_start3A_41 = arith.constant 0 : i32
      %dma_start3A_42 = arith.constant 0 : i32
      %dma_start3A_43 = tpu.memref_slice %arg3[%add3A, %dma_start3A_41, %dma_start3A_42] : memref<32x80x128xi32, #tpu.memory_space<hbm>> -> memref<1x8x128xi32, #tpu.memory_space<hbm>>
      %dma_start3A_44 = tpu.memref_squeeze %dma_start3A_43 : memref<1x8x128xi32, #tpu.memory_space<hbm>> -> memref<8x128xi32, #tpu.memory_space<hbm>>
      %dma_start3A_45 = arith.constant 0 : i32
      %dma_start3A_46 = arith.constant 0 : i32
      %dma_start3A_47 = tpu.memref_slice %arg3[%add3A, %dma_start3A_45, %dma_start3A_46] : memref<32x80x128xi32, #tpu.memory_space<hbm>> -> memref<1x8x128xi32, #tpu.memory_space<hbm>>
      %dma_start3A_48 = tpu.memref_squeeze %dma_start3A_47 : memref<1x8x128xi32, #tpu.memory_space<hbm>> -> memref<8x128xi32, #tpu.memory_space<hbm>>
      tpu.enqueue_dma source(%dma_start3A_48 : memref<8x128xi32, #tpu.memory_space<hbm>>) target(%arg7 : memref<8x128xi32, #tpu.memory_space<vmem>>) target_semaphore(%run_scoped3A : memref<!tpu.dma_semaphore, #tpu.memory_space<semaphore_mem>>)
      %dma_wait3A_49 = arith.constant 0 : i32
      %dma_wait3A_50 = arith.constant 0 : i32
      %dma_wait3A_51 = tpu.memref_slice %arg3[%add3A, %dma_wait3A_49, %dma_wait3A_50] : memref<32x80x128xi32, #tpu.memory_space<hbm>> -> memref<1x8x128xi32, #tpu.memory_space<hbm>>
      %dma_wait3A_52 = tpu.memref_squeeze %dma_wait3A_51 : memref<1x8x128xi32, #tpu.memory_space<hbm>> -> memref<8x128xi32, #tpu.memory_space<hbm>>
      %dma_wait3A_53 = arith.constant 0 : i32
      %dma_wait3A_54 = arith.constant 0 : i32
      %dma_wait3A_55 = tpu.memref_slice %arg3[%add3A, %dma_wait3A_53, %dma_wait3A_54] : memref<32x80x128xi32, #tpu.memory_space<hbm>> -> memref<1x8x128xi32, #tpu.memory_space<hbm>>
      %dma_wait3A_56 = tpu.memref_squeeze %dma_wait3A_55 : memref<1x8x128xi32, #tpu.memory_space<hbm>> -> memref<8x128xi32, #tpu.memory_space<hbm>>
      tpu.wait_dma2 semaphore(%run_scoped3A : memref<!tpu.dma_semaphore, #tpu.memory_space<semaphore_mem>>) src(%dma_wait3A_56 : memref<8x128xi32, #tpu.memory_space<hbm>>) dst(%arg7 : memref<8x128xi32, #tpu.memory_space<vmem>>)
      tpu.yield
    }) : () -> ()
    "tpu.region"() ({
      %run_scoped3A = tpu.sem_alloc : memref<!tpu.dma_semaphore, #tpu.memory_space<semaphore_mem>>
      %dma_start3A_41 = arith.constant 0 : i32
      %dma_start3A_42 = arith.constant 0 : i32
      %dma_start3A_43 = tpu.memref_slice %arg4[%add3A, %dma_start3A_41, %dma_start3A_42] : memref<32x80x128xi32, #tpu.memory_space<hbm>> -> memref<1x8x128xi32, #tpu.memory_space<hbm>>
      %dma_start3A_44 = tpu.memref_squeeze %dma_start3A_43 : memref<1x8x128xi32, #tpu.memory_space<hbm>> -> memref<8x128xi32, #tpu.memory_space<hbm>>
      %dma_start3A_45 = arith.constant 0 : i32
      %dma_start3A_46 = arith.constant 0 : i32
      %dma_start3A_47 = tpu.memref_slice %arg4[%add3A, %dma_start3A_45, %dma_start3A_46] : memref<32x80x128xi32, #tpu.memory_space<hbm>> -> memref<1x8x128xi32, #tpu.memory_space<hbm>>
      %dma_start3A_48 = tpu.memref_squeeze %dma_start3A_47 : memref<1x8x128xi32, #tpu.memory_space<hbm>> -> memref<8x128xi32, #tpu.memory_space<hbm>>
      tpu.enqueue_dma source(%dma_start3A_48 : memref<8x128xi32, #tpu.memory_space<hbm>>) target(%arg9 : memref<8x128xi32, #tpu.memory_space<vmem>>) target_semaphore(%run_scoped3A : memref<!tpu.dma_semaphore, #tpu.memory_space<semaphore_mem>>)
      %dma_wait3A_49 = arith.constant 0 : i32
      %dma_wait3A_50 = arith.constant 0 : i32
      %dma_wait3A_51 = tpu.memref_slice %arg4[%add3A, %dma_wait3A_49, %dma_wait3A_50] : memref<32x80x128xi32, #tpu.memory_space<hbm>> -> memref<1x8x128xi32, #tpu.memory_space<hbm>>
      %dma_wait3A_52 = tpu.memref_squeeze %dma_wait3A_51 : memref<1x8x128xi32, #tpu.memory_space<hbm>> -> memref<8x128xi32, #tpu.memory_space<hbm>>
      %dma_wait3A_53 = arith.constant 0 : i32
      %dma_wait3A_54 = arith.constant 0 : i32
      %dma_wait3A_55 = tpu.memref_slice %arg4[%add3A, %dma_wait3A_53, %dma_wait3A_54] : memref<32x80x128xi32, #tpu.memory_space<hbm>> -> memref<1x8x128xi32, #tpu.memory_space<hbm>>
      %dma_wait3A_56 = tpu.memref_squeeze %dma_wait3A_55 : memref<1x8x128xi32, #tpu.memory_space<hbm>> -> memref<8x128xi32, #tpu.memory_space<hbm>>
      tpu.wait_dma2 semaphore(%run_scoped3A : memref<!tpu.dma_semaphore, #tpu.memory_space<semaphore_mem>>) src(%dma_wait3A_56 : memref<8x128xi32, #tpu.memory_space<hbm>>) dst(%arg9 : memref<8x128xi32, #tpu.memory_space<vmem>>)
      tpu.yield
    }) : () -> ()
    %mul3A_1 = arith.constant 640 : i32
    %mul3A_2 = arith.muli %arg1, %mul3A_1 : i32
    %mul3A_3 = arith.constant 640 : i32
    %mul3A_4 = arith.muli %arg1, %mul3A_3 : i32
    "tpu.region"() ({
      %run_scoped3A = tpu.sem_alloc : memref<!tpu.dma_semaphore, #tpu.memory_space<semaphore_mem>>
      %dma_start3A_41 = arith.constant 0 : i32
      %dma_start3A_42 = tpu.memref_slice %arg13[%mul3A_4, %dma_start3A_41] : memref<10240x128xf32, #tpu.memory_space<vmem_shared>> -> memref<640x128xf32, #tpu.memory_space<vmem_shared>>
      %dma_start3A_43 = arith.constant 0 : i32
      %dma_start3A_44 = tpu.memref_slice %arg5[%mul3A_2, %dma_start3A_43] : memref<10240x128xf32, #tpu.memory_space<hbm>> -> memref<640x128xf32, #tpu.memory_space<hbm>>
      tpu.enqueue_dma source(%dma_start3A_44 : memref<640x128xf32, #tpu.memory_space<hbm>>) target(%dma_start3A_42 : memref<640x128xf32, #tpu.memory_space<vmem_shared>>) target_semaphore(%run_scoped3A : memref<!tpu.dma_semaphore, #tpu.memory_space<semaphore_mem>>)
      %dma_wait3A_45 = arith.constant 0 : i32
      %dma_wait3A_46 = tpu.memref_slice %arg13[%mul3A_4, %dma_wait3A_45] : memref<10240x128xf32, #tpu.memory_space<vmem_shared>> -> memref<640x128xf32, #tpu.memory_space<vmem_shared>>
      %dma_wait3A_47 = arith.constant 0 : i32
      %dma_wait3A_48 = tpu.memref_slice %arg5[%mul3A_2, %dma_wait3A_47] : memref<10240x128xf32, #tpu.memory_space<hbm>> -> memref<640x128xf32, #tpu.memory_space<hbm>>
      tpu.wait_dma2 semaphore(%run_scoped3A : memref<!tpu.dma_semaphore, #tpu.memory_space<semaphore_mem>>) src(%dma_wait3A_48 : memref<640x128xf32, #tpu.memory_space<hbm>>) dst(%dma_wait3A_46 : memref<640x128xf32, #tpu.memory_space<vmem_shared>>)
      tpu.yield
    }) : () -> ()
    %barrier3A = arith.constant 0 : index
    tpu.barrier barrier_id(%barrier3A)
    %scan3A = arith.constant 0 : i32
    %scan3A_5 = arith.constant 0 : i32
    %scan3A_6 = arith.constant 5 : i32
    %scan3A_7 = arith.addi %scan3A_5, %scan3A_6 : i32
    %scan3A_8 = arith.constant 1 : i32
    scf.for %scan3A_41 = %scan3A_5 to %scan3A_7 step %scan3A_8  : i32 {
      %gt3A = arith.constant 0 : i32
      %gt3A_42 = arith.cmpi sgt, %scan3A_41, %gt3A : i32
      %convert_element_type3A = arith.extui %gt3A_42 : i1 to i32
      %cond3A = arith.constant 0 : i32
      %cond3A_43 = arith.cmpi ne, %convert_element_type3A, %cond3A : i32
      scf.if %cond3A_43 {
        %dma_wait3A_515 = arith.constant 0 : i32
        %dma_wait3A_516 = arith.constant 0 : i32
        %dma_wait3A_517 = tpu.memref_slice %arg9[%dma_wait3A_515, %dma_wait3A_516] : memref<8x128xi32, #tpu.memory_space<vmem>> -> memref<1x128xi32, #tpu.memory_space<vmem>>
        %dma_wait3A_518 = tpu.memref_squeeze %dma_wait3A_517 : memref<1x128xi32, #tpu.memory_space<vmem>> -> memref<128xi32, #tpu.memory_space<vmem>>
        %dma_wait3A_519 = arith.constant 0 : i32
        %dma_wait3A_520 = arith.constant 0 : i32
        %dma_wait3A_521 = tpu.memref_slice %arg13[%dma_wait3A_519, %dma_wait3A_520] : memref<10240x128xf32, #tpu.memory_space<vmem_shared>> -> memref<10240x128xf32, #tpu.memory_space<vmem_shared>>
        tpu.wait_indirect_dma semaphore(%arg16 : memref<!tpu.dma_semaphore, #tpu.memory_space<semaphore_mem>>) src(%arg11 : memref<128x128xf32, #tpu.memory_space<vmem>>) dst(%dma_wait3A_521 : memref<10240x128xf32, #tpu.memory_space<vmem_shared>>)
      } else {
      }
      %gt3A_44 = arith.constant 0 : i32
      %gt3A_45 = arith.cmpi sgt, %scan3A_41, %gt3A_44 : i32
      %convert_element_type3A_46 = arith.extui %gt3A_45 : i1 to i32
      %cond3A_47 = arith.constant 0 : i32
      %cond3A_48 = arith.cmpi ne, %convert_element_type3A_46, %cond3A_47 : i32
      scf.if %cond3A_48 {
        %dma_wait3A_515 = arith.constant 0 : i32
        %dma_wait3A_516 = arith.constant 0 : i32
        %dma_wait3A_517 = tpu.memref_slice %arg3[%add3A, %dma_wait3A_515, %dma_wait3A_516] : memref<32x80x128xi32, #tpu.memory_space<hbm>> -> memref<1x8x128xi32, #tpu.memory_space<hbm>>
        %dma_wait3A_518 = tpu.memref_squeeze %dma_wait3A_517 : memref<1x8x128xi32, #tpu.memory_space<hbm>> -> memref<8x128xi32, #tpu.memory_space<hbm>>
        %dma_wait3A_519 = arith.constant 0 : i32
        %dma_wait3A_520 = arith.constant 0 : i32
        %dma_wait3A_521 = tpu.memref_slice %arg3[%add3A, %dma_wait3A_519, %dma_wait3A_520] : memref<32x80x128xi32, #tpu.memory_space<hbm>> -> memref<1x8x128xi32, #tpu.memory_space<hbm>>
        %dma_wait3A_522 = tpu.memref_squeeze %dma_wait3A_521 : memref<1x8x128xi32, #tpu.memory_space<hbm>> -> memref<8x128xi32, #tpu.memory_space<hbm>>
        tpu.wait_dma2 semaphore(%arg18 : memref<!tpu.dma_semaphore, #tpu.memory_space<semaphore_mem>>) src(%dma_wait3A_522 : memref<8x128xi32, #tpu.memory_space<hbm>>) dst(%arg7 : memref<8x128xi32, #tpu.memory_space<vmem>>)
        %dma_wait3A_523 = arith.constant 0 : i32
        %dma_wait3A_524 = arith.constant 0 : i32
        %dma_wait3A_525 = tpu.memref_slice %arg4[%add3A, %dma_wait3A_523, %dma_wait3A_524] : memref<32x80x128xi32, #tpu.memory_space<hbm>> -> memref<1x8x128xi32, #tpu.memory_space<hbm>>
        %dma_wait3A_526 = tpu.memref_squeeze %dma_wait3A_525 : memref<1x8x128xi32, #tpu.memory_space<hbm>> -> memref<8x128xi32, #tpu.memory_space<hbm>>
        %dma_wait3A_527 = arith.constant 0 : i32
        %dma_wait3A_528 = arith.constant 0 : i32
        %dma_wait3A_529 = tpu.memref_slice %arg4[%add3A, %dma_wait3A_527, %dma_wait3A_528] : memref<32x80x128xi32, #tpu.memory_space<hbm>> -> memref<1x8x128xi32, #tpu.memory_space<hbm>>
        %dma_wait3A_530 = tpu.memref_squeeze %dma_wait3A_529 : memref<1x8x128xi32, #tpu.memory_space<hbm>> -> memref<8x128xi32, #tpu.memory_space<hbm>>
        tpu.wait_dma2 semaphore(%arg18 : memref<!tpu.dma_semaphore, #tpu.memory_space<semaphore_mem>>) src(%dma_wait3A_530 : memref<8x128xi32, #tpu.memory_space<hbm>>) dst(%arg9 : memref<8x128xi32, #tpu.memory_space<vmem>>)
      } else {
      }
      %dma_start3A_49 = arith.constant 0 : i32
      %dma_start3A_50 = arith.constant 0 : i32
      %dma_start3A_51 = tpu.memref_slice %arg7[%dma_start3A_49, %dma_start3A_50] : memref<8x128xi32, #tpu.memory_space<vmem>> -> memref<1x128xi32, #tpu.memory_space<vmem>>
      %dma_start3A_52 = tpu.memref_squeeze %dma_start3A_51 : memref<1x128xi32, #tpu.memory_space<vmem>> -> memref<128xi32, #tpu.memory_space<vmem>>
      %dma_start3A_53 = arith.constant 0 : i32
      %dma_start3A_54 = arith.constant 0 : i32
      %dma_start3A_55 = tpu.memref_slice %arg2[%dma_start3A_53, %dma_start3A_54] : memref<10000x128xf32, #tpu.memory_space<hbm>> -> memref<10000x128xf32, #tpu.memory_space<hbm>>
      tpu.enqueue_indirect_dma source(%dma_start3A_55 : memref<10000x128xf32, #tpu.memory_space<hbm>>) target(%arg11 : memref<128x128xf32, #tpu.memory_space<vmem>>) offsets(%dma_start3A_52 : memref<128xi32, #tpu.memory_space<vmem>>) semaphore(%arg14 : memref<!tpu.dma_semaphore, #tpu.memory_space<semaphore_mem>>)
      %gt3A_56 = arith.constant 0 : i32
      %gt3A_57 = arith.cmpi sgt, %scan3A_41, %gt3A_56 : i32
      %convert_element_type3A_58 = arith.extui %gt3A_57 : i1 to i32
      %cond3A_59 = arith.constant 0 : i32
      %cond3A_60 = arith.cmpi ne, %convert_element_type3A_58, %cond3A_59 : i32
      scf.if %cond3A_60 {
        %dma_wait3A_515 = arith.constant 0 : i32
        %dma_wait3A_516 = arith.constant 0 : i32
        %dma_wait3A_517 = tpu.memref_slice %arg7[%dma_wait3A_515, %dma_wait3A_516] : memref<8x128xi32, #tpu.memory_space<vmem>> -> memref<1x128xi32, #tpu.memory_space<vmem>>
        %dma_wait3A_518 = tpu.memref_squeeze %dma_wait3A_517 : memref<1x128xi32, #tpu.memory_space<vmem>> -> memref<128xi32, #tpu.memory_space<vmem>>
        %dma_wait3A_519 = arith.constant 0 : i32
        %dma_wait3A_520 = arith.constant 0 : i32
        %dma_wait3A_521 = tpu.memref_slice %arg2[%dma_wait3A_519, %dma_wait3A_520] : memref<10000x128xf32, #tpu.memory_space<hbm>> -> memref<10000x128xf32, #tpu.memory_space<hbm>>
        tpu.wait_indirect_dma semaphore(%arg15 : memref<!tpu.dma_semaphore, #tpu.memory_space<semaphore_mem>>) src(%dma_wait3A_521 : memref<10000x128xf32, #tpu.memory_space<hbm>>) dst(%arg12 : memref<128x128xf32, #tpu.memory_space<vmem>>)
        %dma_start3A_522 = arith.constant 7 : i32
        %dma_start3A_523 = arith.constant 0 : i32
        %dma_start3A_524 = tpu.memref_slice %arg10[%dma_start3A_522, %dma_start3A_523] : memref<8x128xi32, #tpu.memory_space<vmem>> -> memref<1x128xi32, #tpu.memory_space<vmem>>
        %dma_start3A_525 = tpu.memref_squeeze %dma_start3A_524 : memref<1x128xi32, #tpu.memory_space<vmem>> -> memref<128xi32, #tpu.memory_space<vmem>>
        %dma_start3A_526 = arith.constant 0 : i32
        %dma_start3A_527 = arith.constant 0 : i32
        %dma_start3A_528 = tpu.memref_slice %arg13[%dma_start3A_526, %dma_start3A_527] : memref<10240x128xf32, #tpu.memory_space<vmem_shared>> -> memref<10240x128xf32, #tpu.memory_space<vmem_shared>>
        tpu.enqueue_indirect_dma source(%arg12 : memref<128x128xf32, #tpu.memory_space<vmem>>) target(%dma_start3A_528 : memref<10240x128xf32, #tpu.memory_space<vmem_shared>>) offsets(%dma_start3A_525 : memref<128xi32, #tpu.memory_space<vmem>>) semaphore(%arg17 : memref<!tpu.dma_semaphore, #tpu.memory_space<semaphore_mem>>) {add = true}
      } else {
      }
      %gt3A_61 = arith.constant 0 : i32
      %gt3A_62 = arith.cmpi sgt, %scan3A_41, %gt3A_61 : i32
      %convert_element_type3A_63 = arith.extui %gt3A_62 : i1 to i32
      %cond3A_64 = arith.constant 0 : i32
      %cond3A_65 = arith.cmpi ne, %convert_element_type3A_63, %cond3A_64 : i32
      scf.if %cond3A_65 {
        %dma_wait3A_515 = arith.constant 0 : i32
        %dma_wait3A_516 = arith.constant 0 : i32
        %dma_wait3A_517 = tpu.memref_slice %arg9[%dma_wait3A_515, %dma_wait3A_516] : memref<8x128xi32, #tpu.memory_space<vmem>> -> memref<1x128xi32, #tpu.memory_space<vmem>>
        %dma_wait3A_518 = tpu.memref_squeeze %dma_wait3A_517 : memref<1x128xi32, #tpu.memory_space<vmem>> -> memref<128xi32, #tpu.memory_space<vmem>>
        %dma_wait3A_519 = arith.constant 0 : i32
        %dma_wait3A_520 = arith.constant 0 : i32
        %dma_wait3A_521 = tpu.memref_slice %arg13[%dma_wait3A_519, %dma_wait3A_520] : memref<10240x128xf32, #tpu.memory_space<vmem_shared>> -> memref<10240x128xf32, #tpu.memory_space<vmem_shared>>
        tpu.wait_indirect_dma semaphore(%arg17 : memref<!tpu.dma_semaphore, #tpu.memory_space<semaphore_mem>>) src(%arg12 : memref<128x128xf32, #tpu.memory_space<vmem>>) dst(%dma_wait3A_521 : memref<10240x128xf32, #tpu.memory_space<vmem_shared>>)
      } else {
      }
      %dma_start3A_66 = arith.constant 1 : i32
      %dma_start3A_67 = arith.constant 0 : i32
      %dma_start3A_68 = tpu.memref_slice %arg7[%dma_start3A_66, %dma_start3A_67] : memref<8x128xi32, #tpu.memory_space<vmem>> -> memref<1x128xi32, #tpu.memory_space<vmem>>
      %dma_start3A_69 = tpu.memref_squeeze %dma_start3A_68 : memref<1x128xi32, #tpu.memory_space<vmem>> -> memref<128xi32, #tpu.memory_space<vmem>>
      %dma_start3A_70 = arith.constant 0 : i32
      %dma_start3A_71 = arith.constant 0 : i32
      %dma_start3A_72 = tpu.memref_slice %arg2[%dma_start3A_70, %dma_start3A_71] : memref<10000x128xf32, #tpu.memory_space<hbm>> -> memref<10000x128xf32, #tpu.memory_space<hbm>>
      tpu.enqueue_indirect_dma source(%dma_start3A_72 : memref<10000x128xf32, #tpu.memory_space<hbm>>) target(%arg12 : memref<128x128xf32, #tpu.memory_space<vmem>>) offsets(%dma_start3A_69 : memref<128xi32, #tpu.memory_space<vmem>>) semaphore(%arg15 : memref<!tpu.dma_semaphore, #tpu.memory_space<semaphore_mem>>)
      %dma_wait3A_73 = arith.constant 0 : i32
      %dma_wait3A_74 = arith.constant 0 : i32
      %dma_wait3A_75 = tpu.memref_slice %arg7[%dma_wait3A_73, %dma_wait3A_74] : memref<8x128xi32, #tpu.memory_space<vmem>> -> memref<1x128xi32, #tpu.memory_space<vmem>>
      %dma_wait3A_76 = tpu.memref_squeeze %dma_wait3A_75 : memref<1x128xi32, #tpu.memory_space<vmem>> -> memref<128xi32, #tpu.memory_space<vmem>>
      %dma_wait3A_77 = arith.constant 0 : i32
      %dma_wait3A_78 = arith.constant 0 : i32
      %dma_wait3A_79 = tpu.memref_slice %arg2[%dma_wait3A_77, %dma_wait3A_78] : memref<10000x128xf32, #tpu.memory_space<hbm>> -> memref<10000x128xf32, #tpu.memory_space<hbm>>
      tpu.wait_indirect_dma semaphore(%arg14 : memref<!tpu.dma_semaphore, #tpu.memory_space<semaphore_mem>>) src(%dma_wait3A_79 : memref<10000x128xf32, #tpu.memory_space<hbm>>) dst(%arg11 : memref<128x128xf32, #tpu.memory_space<vmem>>)
      %dma_start3A_80 = arith.constant 0 : i32
      %dma_start3A_81 = arith.constant 0 : i32
      %dma_start3A_82 = tpu.memref_slice %arg9[%dma_start3A_80, %dma_start3A_81] : memref<8x128xi32, #tpu.memory_space<vmem>> -> memref<1x128xi32, #tpu.memory_space<vmem>>
      %dma_start3A_83 = tpu.memref_squeeze %dma_start3A_82 : memref<1x128xi32, #tpu.memory_space<vmem>> -> memref<128xi32, #tpu.memory_space<vmem>>
      %dma_start3A_84 = arith.constant 0 : i32
      %dma_start3A_85 = arith.constant 0 : i32
      %dma_start3A_86 = tpu.memref_slice %arg13[%dma_start3A_84, %dma_start3A_85] : memref<10240x128xf32, #tpu.memory_space<vmem_shared>> -> memref<10240x128xf32, #tpu.memory_space<vmem_shared>>
      tpu.enqueue_indirect_dma source(%arg11 : memref<128x128xf32, #tpu.memory_space<vmem>>) target(%dma_start3A_86 : memref<10240x128xf32, #tpu.memory_space<vmem_shared>>) offsets(%dma_start3A_83 : memref<128xi32, #tpu.memory_space<vmem>>) semaphore(%arg16 : memref<!tpu.dma_semaphore, #tpu.memory_space<semaphore_mem>>) {add = true}
      %dma_wait3A_87 = arith.constant 0 : i32
      %dma_wait3A_88 = arith.constant 0 : i32
      %dma_wait3A_89 = tpu.memref_slice %arg9[%dma_wait3A_87, %dma_wait3A_88] : memref<8x128xi32, #tpu.memory_space<vmem>> -> memref<1x128xi32, #tpu.memory_space<vmem>>
      %dma_wait3A_90 = tpu.memref_squeeze %dma_wait3A_89 : memref<1x128xi32, #tpu.memory_space<vmem>> -> memref<128xi32, #tpu.memory_space<vmem>>
      %dma_wait3A_91 = arith.constant 0 : i32
      %dma_wait3A_92 = arith.constant 0 : i32
      %dma_wait3A_93 = tpu.memref_slice %arg13[%dma_wait3A_91, %dma_wait3A_92] : memref<10240x128xf32, #tpu.memory_space<vmem_shared>> -> memref<10240x128xf32, #tpu.memory_space<vmem_shared>>
      tpu.wait_indirect_dma semaphore(%arg16 : memref<!tpu.dma_semaphore, #tpu.memory_space<semaphore_mem>>) src(%arg11 : memref<128x128xf32, #tpu.memory_space<vmem>>) dst(%dma_wait3A_93 : memref<10240x128xf32, #tpu.memory_space<vmem_shared>>)
      %dma_start3A_94 = arith.constant 2 : i32
      %dma_start3A_95 = arith.constant 0 : i32
      %dma_start3A_96 = tpu.memref_slice %arg7[%dma_start3A_94, %dma_start3A_95] : memref<8x128xi32, #tpu.memory_space<vmem>> -> memref<1x128xi32, #tpu.memory_space<vmem>>
      %dma_start3A_97 = tpu.memref_squeeze %dma_start3A_96 : memref<1x128xi32, #tpu.memory_space<vmem>> -> memref<128xi32, #tpu.memory_space<vmem>>
      %dma_start3A_98 = arith.constant 0 : i32
      %dma_start3A_99 = arith.constant 0 : i32
      %dma_start3A_100 = tpu.memref_slice %arg2[%dma_start3A_98, %dma_start3A_99] : memref<10000x128xf32, #tpu.memory_space<hbm>> -> memref<10000x128xf32, #tpu.memory_space<hbm>>
      tpu.enqueue_indirect_dma source(%dma_start3A_100 : memref<10000x128xf32, #tpu.memory_space<hbm>>) target(%arg11 : memref<128x128xf32, #tpu.memory_space<vmem>>) offsets(%dma_start3A_97 : memref<128xi32, #tpu.memory_space<vmem>>) semaphore(%arg14 : memref<!tpu.dma_semaphore, #tpu.memory_space<semaphore_mem>>)
      %mul3A_101 = arith.constant 16 : i32
      %mul3A_102 = arith.muli %mul3A_101, %scan3A_41 : i32
      %add3A_103 = arith.constant 8 : i32
      %add3A_104 = arith.addi %mul3A_102, %add3A_103 : i32
      %multiple_of3A = tpu.assume_multiple %add3A_104, 8 : i32
      %dma_start3A_105 = arith.constant 0 : i32
      %dma_start3A_106 = tpu.memref_slice %arg3[%add3A, %multiple_of3A, %dma_start3A_105] : memref<32x80x128xi32, #tpu.memory_space<hbm>> -> memref<1x8x128xi32, #tpu.memory_space<hbm>>
      %dma_start3A_107 = tpu.memref_squeeze %dma_start3A_106 : memref<1x8x128xi32, #tpu.memory_space<hbm>> -> memref<8x128xi32, #tpu.memory_space<hbm>>
      %dma_start3A_108 = arith.constant 0 : i32
      %dma_start3A_109 = tpu.memref_slice %arg3[%add3A, %multiple_of3A, %dma_start3A_108] : memref<32x80x128xi32, #tpu.memory_space<hbm>> -> memref<1x8x128xi32, #tpu.memory_space<hbm>>
      %dma_start3A_110 = tpu.memref_squeeze %dma_start3A_109 : memref<1x8x128xi32, #tpu.memory_space<hbm>> -> memref<8x128xi32, #tpu.memory_space<hbm>>
      tpu.enqueue_dma source(%dma_start3A_110 : memref<8x128xi32, #tpu.memory_space<hbm>>) target(%arg8 : memref<8x128xi32, #tpu.memory_space<vmem>>) target_semaphore(%arg18 : memref<!tpu.dma_semaphore, #tpu.memory_space<semaphore_mem>>)
      %dma_start3A_111 = arith.constant 0 : i32
      %dma_start3A_112 = tpu.memref_slice %arg4[%add3A, %multiple_of3A, %dma_start3A_111] : memref<32x80x128xi32, #tpu.memory_space<hbm>> -> memref<1x8x128xi32, #tpu.memory_space<hbm>>
      %dma_start3A_113 = tpu.memref_squeeze %dma_start3A_112 : memref<1x8x128xi32, #tpu.memory_space<hbm>> -> memref<8x128xi32, #tpu.memory_space<hbm>>
      %dma_start3A_114 = arith.constant 0 : i32
      %dma_start3A_115 = tpu.memref_slice %arg4[%add3A, %multiple_of3A, %dma_start3A_114] : memref<32x80x128xi32, #tpu.memory_space<hbm>> -> memref<1x8x128xi32, #tpu.memory_space<hbm>>
      %dma_start3A_116 = tpu.memref_squeeze %dma_start3A_115 : memref<1x8x128xi32, #tpu.memory_space<hbm>> -> memref<8x128xi32, #tpu.memory_space<hbm>>
      tpu.enqueue_dma source(%dma_start3A_116 : memref<8x128xi32, #tpu.memory_space<hbm>>) target(%arg10 : memref<8x128xi32, #tpu.memory_space<vmem>>) target_semaphore(%arg18 : memref<!tpu.dma_semaphore, #tpu.memory_space<semaphore_mem>>)
      %dma_wait3A_117 = arith.constant 0 : i32
      %dma_wait3A_118 = arith.constant 0 : i32
      %dma_wait3A_119 = tpu.memref_slice %arg7[%dma_wait3A_117, %dma_wait3A_118] : memref<8x128xi32, #tpu.memory_space<vmem>> -> memref<1x128xi32, #tpu.memory_space<vmem>>
      %dma_wait3A_120 = tpu.memref_squeeze %dma_wait3A_119 : memref<1x128xi32, #tpu.memory_space<vmem>> -> memref<128xi32, #tpu.memory_space<vmem>>
      %dma_wait3A_121 = arith.constant 0 : i32
      %dma_wait3A_122 = arith.constant 0 : i32
      %dma_wait3A_123 = tpu.memref_slice %arg2[%dma_wait3A_121, %dma_wait3A_122] : memref<10000x128xf32, #tpu.memory_space<hbm>> -> memref<10000x128xf32, #tpu.memory_space<hbm>>
      tpu.wait_indirect_dma semaphore(%arg15 : memref<!tpu.dma_semaphore, #tpu.memory_space<semaphore_mem>>) src(%dma_wait3A_123 : memref<10000x128xf32, #tpu.memory_space<hbm>>) dst(%arg12 : memref<128x128xf32, #tpu.memory_space<vmem>>)
      %dma_start3A_124 = arith.constant 1 : i32
      %dma_start3A_125 = arith.constant 0 : i32
      %dma_start3A_126 = tpu.memref_slice %arg9[%dma_start3A_124, %dma_start3A_125] : memref<8x128xi32, #tpu.memory_space<vmem>> -> memref<1x128xi32, #tpu.memory_space<vmem>>
      %dma_start3A_127 = tpu.memref_squeeze %dma_start3A_126 : memref<1x128xi32, #tpu.memory_space<vmem>> -> memref<128xi32, #tpu.memory_space<vmem>>
      %dma_start3A_128 = arith.constant 0 : i32
      %dma_start3A_129 = arith.constant 0 : i32
      %dma_start3A_130 = tpu.memref_slice %arg13[%dma_start3A_128, %dma_start3A_129] : memref<10240x128xf32, #tpu.memory_space<vmem_shared>> -> memref<10240x128xf32, #tpu.memory_space<vmem_shared>>
      tpu.enqueue_indirect_dma source(%arg12 : memref<128x128xf32, #tpu.memory_space<vmem>>) target(%dma_start3A_130 : memref<10240x128xf32, #tpu.memory_space<vmem_shared>>) offsets(%dma_start3A_127 : memref<128xi32, #tpu.memory_space<vmem>>) semaphore(%arg17 : memref<!tpu.dma_semaphore, #tpu.memory_space<semaphore_mem>>) {add = true}
      %dma_wait3A_131 = arith.constant 0 : i32
      %dma_wait3A_132 = arith.constant 0 : i32
      %dma_wait3A_133 = tpu.memref_slice %arg9[%dma_wait3A_131, %dma_wait3A_132] : memref<8x128xi32, #tpu.memory_space<vmem>> -> memref<1x128xi32, #tpu.memory_space<vmem>>
      %dma_wait3A_134 = tpu.memref_squeeze %dma_wait3A_133 : memref<1x128xi32, #tpu.memory_space<vmem>> -> memref<128xi32, #tpu.memory_space<vmem>>
      %dma_wait3A_135 = arith.constant 0 : i32
      %dma_wait3A_136 = arith.constant 0 : i32
      %dma_wait3A_137 = tpu.memref_slice %arg13[%dma_wait3A_135, %dma_wait3A_136] : memref<10240x128xf32, #tpu.memory_space<vmem_shared>> -> memref<10240x128xf32, #tpu.memory_space<vmem_shared>>
      tpu.wait_indirect_dma semaphore(%arg17 : memref<!tpu.dma_semaphore, #tpu.memory_space<semaphore_mem>>) src(%arg12 : memref<128x128xf32, #tpu.memory_space<vmem>>) dst(%dma_wait3A_137 : memref<10240x128xf32, #tpu.memory_space<vmem_shared>>)
      %dma_start3A_138 = arith.constant 3 : i32
      %dma_start3A_139 = arith.constant 0 : i32
      %dma_start3A_140 = tpu.memref_slice %arg7[%dma_start3A_138, %dma_start3A_139] : memref<8x128xi32, #tpu.memory_space<vmem>> -> memref<1x128xi32, #tpu.memory_space<vmem>>
      %dma_start3A_141 = tpu.memref_squeeze %dma_start3A_140 : memref<1x128xi32, #tpu.memory_space<vmem>> -> memref<128xi32, #tpu.memory_space<vmem>>
      %dma_start3A_142 = arith.constant 0 : i32
      %dma_start3A_143 = arith.constant 0 : i32
      %dma_start3A_144 = tpu.memref_slice %arg2[%dma_start3A_142, %dma_start3A_143] : memref<10000x128xf32, #tpu.memory_space<hbm>> -> memref<10000x128xf32, #tpu.memory_space<hbm>>
      tpu.enqueue_indirect_dma source(%dma_start3A_144 : memref<10000x128xf32, #tpu.memory_space<hbm>>) target(%arg12 : memref<128x128xf32, #tpu.memory_space<vmem>>) offsets(%dma_start3A_141 : memref<128xi32, #tpu.memory_space<vmem>>) semaphore(%arg15 : memref<!tpu.dma_semaphore, #tpu.memory_space<semaphore_mem>>)
      %dma_wait3A_145 = arith.constant 0 : i32
      %dma_wait3A_146 = arith.constant 0 : i32
      %dma_wait3A_147 = tpu.memref_slice %arg7[%dma_wait3A_145, %dma_wait3A_146] : memref<8x128xi32, #tpu.memory_space<vmem>> -> memref<1x128xi32, #tpu.memory_space<vmem>>
      %dma_wait3A_148 = tpu.memref_squeeze %dma_wait3A_147 : memref<1x128xi32, #tpu.memory_space<vmem>> -> memref<128xi32, #tpu.memory_space<vmem>>
      %dma_wait3A_149 = arith.constant 0 : i32
      %dma_wait3A_150 = arith.constant 0 : i32
      %dma_wait3A_151 = tpu.memref_slice %arg2[%dma_wait3A_149, %dma_wait3A_150] : memref<10000x128xf32, #tpu.memory_space<hbm>> -> memref<10000x128xf32, #tpu.memory_space<hbm>>
      tpu.wait_indirect_dma semaphore(%arg14 : memref<!tpu.dma_semaphore, #tpu.memory_space<semaphore_mem>>) src(%dma_wait3A_151 : memref<10000x128xf32, #tpu.memory_space<hbm>>) dst(%arg11 : memref<128x128xf32, #tpu.memory_space<vmem>>)
      %dma_start3A_152 = arith.constant 2 : i32
      %dma_start3A_153 = arith.constant 0 : i32
      %dma_start3A_154 = tpu.memref_slice %arg9[%dma_start3A_152, %dma_start3A_153] : memref<8x128xi32, #tpu.memory_space<vmem>> -> memref<1x128xi32, #tpu.memory_space<vmem>>
      %dma_start3A_155 = tpu.memref_squeeze %dma_start3A_154 : memref<1x128xi32, #tpu.memory_space<vmem>> -> memref<128xi32, #tpu.memory_space<vmem>>
      %dma_start3A_156 = arith.constant 0 : i32
      %dma_start3A_157 = arith.constant 0 : i32
      %dma_start3A_158 = tpu.memref_slice %arg13[%dma_start3A_156, %dma_start3A_157] : memref<10240x128xf32, #tpu.memory_space<vmem_shared>> -> memref<10240x128xf32, #tpu.memory_space<vmem_shared>>
      tpu.enqueue_indirect_dma source(%arg11 : memref<128x128xf32, #tpu.memory_space<vmem>>) target(%dma_start3A_158 : memref<10240x128xf32, #tpu.memory_space<vmem_shared>>) offsets(%dma_start3A_155 : memref<128xi32, #tpu.memory_space<vmem>>) semaphore(%arg16 : memref<!tpu.dma_semaphore, #tpu.memory_space<semaphore_mem>>) {add = true}
      %dma_wait3A_159 = arith.constant 0 : i32
      %dma_wait3A_160 = arith.constant 0 : i32
      %dma_wait3A_161 = tpu.memref_slice %arg9[%dma_wait3A_159, %dma_wait3A_160] : memref<8x128xi32, #tpu.memory_space<vmem>> -> memref<1x128xi32, #tpu.memory_space<vmem>>
      %dma_wait3A_162 = tpu.memref_squeeze %dma_wait3A_161 : memref<1x128xi32, #tpu.memory_space<vmem>> -> memref<128xi32, #tpu.memory_space<vmem>>
      %dma_wait3A_163 = arith.constant 0 : i32
      %dma_wait3A_164 = arith.constant 0 : i32
      %dma_wait3A_165 = tpu.memref_slice %arg13[%dma_wait3A_163, %dma_wait3A_164] : memref<10240x128xf32, #tpu.memory_space<vmem_shared>> -> memref<10240x128xf32, #tpu.memory_space<vmem_shared>>
      tpu.wait_indirect_dma semaphore(%arg16 : memref<!tpu.dma_semaphore, #tpu.memory_space<semaphore_mem>>) src(%arg11 : memref<128x128xf32, #tpu.memory_space<vmem>>) dst(%dma_wait3A_165 : memref<10240x128xf32, #tpu.memory_space<vmem_shared>>)
      %dma_start3A_166 = arith.constant 4 : i32
      %dma_start3A_167 = arith.constant 0 : i32
      %dma_start3A_168 = tpu.memref_slice %arg7[%dma_start3A_166, %dma_start3A_167] : memref<8x128xi32, #tpu.memory_space<vmem>> -> memref<1x128xi32, #tpu.memory_space<vmem>>
      %dma_start3A_169 = tpu.memref_squeeze %dma_start3A_168 : memref<1x128xi32, #tpu.memory_space<vmem>> -> memref<128xi32, #tpu.memory_space<vmem>>
      %dma_start3A_170 = arith.constant 0 : i32
      %dma_start3A_171 = arith.constant 0 : i32
      %dma_start3A_172 = tpu.memref_slice %arg2[%dma_start3A_170, %dma_start3A_171] : memref<10000x128xf32, #tpu.memory_space<hbm>> -> memref<10000x128xf32, #tpu.memory_space<hbm>>
      tpu.enqueue_indirect_dma source(%dma_start3A_172 : memref<10000x128xf32, #tpu.memory_space<hbm>>) target(%arg11 : memref<128x128xf32, #tpu.memory_space<vmem>>) offsets(%dma_start3A_169 : memref<128xi32, #tpu.memory_space<vmem>>) semaphore(%arg14 : memref<!tpu.dma_semaphore, #tpu.memory_space<semaphore_mem>>)
      %dma_wait3A_173 = arith.constant 0 : i32
      %dma_wait3A_174 = arith.constant 0 : i32
      %dma_wait3A_175 = tpu.memref_slice %arg7[%dma_wait3A_173, %dma_wait3A_174] : memref<8x128xi32, #tpu.memory_space<vmem>> -> memref<1x128xi32, #tpu.memory_space<vmem>>
      %dma_wait3A_176 = tpu.memref_squeeze %dma_wait3A_175 : memref<1x128xi32, #tpu.memory_space<vmem>> -> memref<128xi32, #tpu.memory_space<vmem>>
      %dma_wait3A_177 = arith.constant 0 : i32
      %dma_wait3A_178 = arith.constant 0 : i32
      %dma_wait3A_179 = tpu.memref_slice %arg2[%dma_wait3A_177, %dma_wait3A_178] : memref<10000x128xf32, #tpu.memory_space<hbm>> -> memref<10000x128xf32, #tpu.memory_space<hbm>>
      tpu.wait_indirect_dma semaphore(%arg15 : memref<!tpu.dma_semaphore, #tpu.memory_space<semaphore_mem>>) src(%dma_wait3A_179 : memref<10000x128xf32, #tpu.memory_space<hbm>>) dst(%arg12 : memref<128x128xf32, #tpu.memory_space<vmem>>)
      %dma_start3A_180 = arith.constant 3 : i32
      %dma_start3A_181 = arith.constant 0 : i32
      %dma_start3A_182 = tpu.memref_slice %arg9[%dma_start3A_180, %dma_start3A_181] : memref<8x128xi32, #tpu.memory_space<vmem>> -> memref<1x128xi32, #tpu.memory_space<vmem>>
      %dma_start3A_183 = tpu.memref_squeeze %dma_start3A_182 : memref<1x128xi32, #tpu.memory_space<vmem>> -> memref<128xi32, #tpu.memory_space<vmem>>
      %dma_start3A_184 = arith.constant 0 : i32
      %dma_start3A_185 = arith.constant 0 : i32
      %dma_start3A_186 = tpu.memref_slice %arg13[%dma_start3A_184, %dma_start3A_185] : memref<10240x128xf32, #tpu.memory_space<vmem_shared>> -> memref<10240x128xf32, #tpu.memory_space<vmem_shared>>
      tpu.enqueue_indirect_dma source(%arg12 : memref<128x128xf32, #tpu.memory_space<vmem>>) target(%dma_start3A_186 : memref<10240x128xf32, #tpu.memory_space<vmem_shared>>) offsets(%dma_start3A_183 : memref<128xi32, #tpu.memory_space<vmem>>) semaphore(%arg17 : memref<!tpu.dma_semaphore, #tpu.memory_space<semaphore_mem>>) {add = true}
      %dma_wait3A_187 = arith.constant 0 : i32
      %dma_wait3A_188 = arith.constant 0 : i32
      %dma_wait3A_189 = tpu.memref_slice %arg9[%dma_wait3A_187, %dma_wait3A_188] : memref<8x128xi32, #tpu.memory_space<vmem>> -> memref<1x128xi32, #tpu.memory_space<vmem>>
      %dma_wait3A_190 = tpu.memref_squeeze %dma_wait3A_189 : memref<1x128xi32, #tpu.memory_space<vmem>> -> memref<128xi32, #tpu.memory_space<vmem>>
      %dma_wait3A_191 = arith.constant 0 : i32
      %dma_wait3A_192 = arith.constant 0 : i32
      %dma_wait3A_193 = tpu.memref_slice %arg13[%dma_wait3A_191, %dma_wait3A_192] : memref<10240x128xf32, #tpu.memory_space<vmem_shared>> -> memref<10240x128xf32, #tpu.memory_space<vmem_shared>>
      tpu.wait_indirect_dma semaphore(%arg17 : memref<!tpu.dma_semaphore, #tpu.memory_space<semaphore_mem>>) src(%arg12 : memref<128x128xf32, #tpu.memory_space<vmem>>) dst(%dma_wait3A_193 : memref<10240x128xf32, #tpu.memory_space<vmem_shared>>)
      %dma_start3A_194 = arith.constant 5 : i32
      %dma_start3A_195 = arith.constant 0 : i32
      %dma_start3A_196 = tpu.memref_slice %arg7[%dma_start3A_194, %dma_start3A_195] : memref<8x128xi32, #tpu.memory_space<vmem>> -> memref<1x128xi32, #tpu.memory_space<vmem>>
      %dma_start3A_197 = tpu.memref_squeeze %dma_start3A_196 : memref<1x128xi32, #tpu.memory_space<vmem>> -> memref<128xi32, #tpu.memory_space<vmem>>
      %dma_start3A_198 = arith.constant 0 : i32
      %dma_start3A_199 = arith.constant 0 : i32
      %dma_start3A_200 = tpu.memref_slice %arg2[%dma_start3A_198, %dma_start3A_199] : memref<10000x128xf32, #tpu.memory_space<hbm>> -> memref<10000x128xf32, #tpu.memory_space<hbm>>
      tpu.enqueue_indirect_dma source(%dma_start3A_200 : memref<10000x128xf32, #tpu.memory_space<hbm>>) target(%arg12 : memref<128x128xf32, #tpu.memory_space<vmem>>) offsets(%dma_start3A_197 : memref<128xi32, #tpu.memory_space<vmem>>) semaphore(%arg15 : memref<!tpu.dma_semaphore, #tpu.memory_space<semaphore_mem>>)
      %dma_wait3A_201 = arith.constant 0 : i32
      %dma_wait3A_202 = arith.constant 0 : i32
      %dma_wait3A_203 = tpu.memref_slice %arg7[%dma_wait3A_201, %dma_wait3A_202] : memref<8x128xi32, #tpu.memory_space<vmem>> -> memref<1x128xi32, #tpu.memory_space<vmem>>
      %dma_wait3A_204 = tpu.memref_squeeze %dma_wait3A_203 : memref<1x128xi32, #tpu.memory_space<vmem>> -> memref<128xi32, #tpu.memory_space<vmem>>
      %dma_wait3A_205 = arith.constant 0 : i32
      %dma_wait3A_206 = arith.constant 0 : i32
      %dma_wait3A_207 = tpu.memref_slice %arg2[%dma_wait3A_205, %dma_wait3A_206] : memref<10000x128xf32, #tpu.memory_space<hbm>> -> memref<10000x128xf32, #tpu.memory_space<hbm>>
      tpu.wait_indirect_dma semaphore(%arg14 : memref<!tpu.dma_semaphore, #tpu.memory_space<semaphore_mem>>) src(%dma_wait3A_207 : memref<10000x128xf32, #tpu.memory_space<hbm>>) dst(%arg11 : memref<128x128xf32, #tpu.memory_space<vmem>>)
      %dma_start3A_208 = arith.constant 4 : i32
      %dma_start3A_209 = arith.constant 0 : i32
      %dma_start3A_210 = tpu.memref_slice %arg9[%dma_start3A_208, %dma_start3A_209] : memref<8x128xi32, #tpu.memory_space<vmem>> -> memref<1x128xi32, #tpu.memory_space<vmem>>
      %dma_start3A_211 = tpu.memref_squeeze %dma_start3A_210 : memref<1x128xi32, #tpu.memory_space<vmem>> -> memref<128xi32, #tpu.memory_space<vmem>>
      %dma_start3A_212 = arith.constant 0 : i32
      %dma_start3A_213 = arith.constant 0 : i32
      %dma_start3A_214 = tpu.memref_slice %arg13[%dma_start3A_212, %dma_start3A_213] : memref<10240x128xf32, #tpu.memory_space<vmem_shared>> -> memref<10240x128xf32, #tpu.memory_space<vmem_shared>>
      tpu.enqueue_indirect_dma source(%arg11 : memref<128x128xf32, #tpu.memory_space<vmem>>) target(%dma_start3A_214 : memref<10240x128xf32, #tpu.memory_space<vmem_shared>>) offsets(%dma_start3A_211 : memref<128xi32, #tpu.memory_space<vmem>>) semaphore(%arg16 : memref<!tpu.dma_semaphore, #tpu.memory_space<semaphore_mem>>) {add = true}
      %dma_wait3A_215 = arith.constant 0 : i32
      %dma_wait3A_216 = arith.constant 0 : i32
      %dma_wait3A_217 = tpu.memref_slice %arg9[%dma_wait3A_215, %dma_wait3A_216] : memref<8x128xi32, #tpu.memory_space<vmem>> -> memref<1x128xi32, #tpu.memory_space<vmem>>
      %dma_wait3A_218 = tpu.memref_squeeze %dma_wait3A_217 : memref<1x128xi32, #tpu.memory_space<vmem>> -> memref<128xi32, #tpu.memory_space<vmem>>
      %dma_wait3A_219 = arith.constant 0 : i32
      %dma_wait3A_220 = arith.constant 0 : i32
      %dma_wait3A_221 = tpu.memref_slice %arg13[%dma_wait3A_219, %dma_wait3A_220] : memref<10240x128xf32, #tpu.memory_space<vmem_shared>> -> memref<10240x128xf32, #tpu.memory_space<vmem_shared>>
      tpu.wait_indirect_dma semaphore(%arg16 : memref<!tpu.dma_semaphore, #tpu.memory_space<semaphore_mem>>) src(%arg11 : memref<128x128xf32, #tpu.memory_space<vmem>>) dst(%dma_wait3A_221 : memref<10240x128xf32, #tpu.memory_space<vmem_shared>>)
      %dma_start3A_222 = arith.constant 6 : i32
      %dma_start3A_223 = arith.constant 0 : i32
      %dma_start3A_224 = tpu.memref_slice %arg7[%dma_start3A_222, %dma_start3A_223] : memref<8x128xi32, #tpu.memory_space<vmem>> -> memref<1x128xi32, #tpu.memory_space<vmem>>
      %dma_start3A_225 = tpu.memref_squeeze %dma_start3A_224 : memref<1x128xi32, #tpu.memory_space<vmem>> -> memref<128xi32, #tpu.memory_space<vmem>>
      %dma_start3A_226 = arith.constant 0 : i32
      %dma_start3A_227 = arith.constant 0 : i32
      %dma_start3A_228 = tpu.memref_slice %arg2[%dma_start3A_226, %dma_start3A_227] : memref<10000x128xf32, #tpu.memory_space<hbm>> -> memref<10000x128xf32, #tpu.memory_space<hbm>>
      tpu.enqueue_indirect_dma source(%dma_start3A_228 : memref<10000x128xf32, #tpu.memory_space<hbm>>) target(%arg11 : memref<128x128xf32, #tpu.memory_space<vmem>>) offsets(%dma_start3A_225 : memref<128xi32, #tpu.memory_space<vmem>>) semaphore(%arg14 : memref<!tpu.dma_semaphore, #tpu.memory_space<semaphore_mem>>)
      %dma_wait3A_229 = arith.constant 0 : i32
      %dma_wait3A_230 = arith.constant 0 : i32
      %dma_wait3A_231 = tpu.memref_slice %arg7[%dma_wait3A_229, %dma_wait3A_230] : memref<8x128xi32, #tpu.memory_space<vmem>> -> memref<1x128xi32, #tpu.memory_space<vmem>>
      %dma_wait3A_232 = tpu.memref_squeeze %dma_wait3A_231 : memref<1x128xi32, #tpu.memory_space<vmem>> -> memref<128xi32, #tpu.memory_space<vmem>>
      %dma_wait3A_233 = arith.constant 0 : i32
      %dma_wait3A_234 = arith.constant 0 : i32
      %dma_wait3A_235 = tpu.memref_slice %arg2[%dma_wait3A_233, %dma_wait3A_234] : memref<10000x128xf32, #tpu.memory_space<hbm>> -> memref<10000x128xf32, #tpu.memory_space<hbm>>
      tpu.wait_indirect_dma semaphore(%arg15 : memref<!tpu.dma_semaphore, #tpu.memory_space<semaphore_mem>>) src(%dma_wait3A_235 : memref<10000x128xf32, #tpu.memory_space<hbm>>) dst(%arg12 : memref<128x128xf32, #tpu.memory_space<vmem>>)
      %dma_start3A_236 = arith.constant 5 : i32
      %dma_start3A_237 = arith.constant 0 : i32
      %dma_start3A_238 = tpu.memref_slice %arg9[%dma_start3A_236, %dma_start3A_237] : memref<8x128xi32, #tpu.memory_space<vmem>> -> memref<1x128xi32, #tpu.memory_space<vmem>>
      %dma_start3A_239 = tpu.memref_squeeze %dma_start3A_238 : memref<1x128xi32, #tpu.memory_space<vmem>> -> memref<128xi32, #tpu.memory_space<vmem>>
      %dma_start3A_240 = arith.constant 0 : i32
      %dma_start3A_241 = arith.constant 0 : i32
      %dma_start3A_242 = tpu.memref_slice %arg13[%dma_start3A_240, %dma_start3A_241] : memref<10240x128xf32, #tpu.memory_space<vmem_shared>> -> memref<10240x128xf32, #tpu.memory_space<vmem_shared>>
      tpu.enqueue_indirect_dma source(%arg12 : memref<128x128xf32, #tpu.memory_space<vmem>>) target(%dma_start3A_242 : memref<10240x128xf32, #tpu.memory_space<vmem_shared>>) offsets(%dma_start3A_239 : memref<128xi32, #tpu.memory_space<vmem>>) semaphore(%arg17 : memref<!tpu.dma_semaphore, #tpu.memory_space<semaphore_mem>>) {add = true}
      %dma_wait3A_243 = arith.constant 0 : i32
      %dma_wait3A_244 = arith.constant 0 : i32
      %dma_wait3A_245 = tpu.memref_slice %arg9[%dma_wait3A_243, %dma_wait3A_244] : memref<8x128xi32, #tpu.memory_space<vmem>> -> memref<1x128xi32, #tpu.memory_space<vmem>>
      %dma_wait3A_246 = tpu.memref_squeeze %dma_wait3A_245 : memref<1x128xi32, #tpu.memory_space<vmem>> -> memref<128xi32, #tpu.memory_space<vmem>>
      %dma_wait3A_247 = arith.constant 0 : i32
      %dma_wait3A_248 = arith.constant 0 : i32
      %dma_wait3A_249 = tpu.memref_slice %arg13[%dma_wait3A_247, %dma_wait3A_248] : memref<10240x128xf32, #tpu.memory_space<vmem_shared>> -> memref<10240x128xf32, #tpu.memory_space<vmem_shared>>
      tpu.wait_indirect_dma semaphore(%arg17 : memref<!tpu.dma_semaphore, #tpu.memory_space<semaphore_mem>>) src(%arg12 : memref<128x128xf32, #tpu.memory_space<vmem>>) dst(%dma_wait3A_249 : memref<10240x128xf32, #tpu.memory_space<vmem_shared>>)
      %dma_start3A_250 = arith.constant 7 : i32
      %dma_start3A_251 = arith.constant 0 : i32
      %dma_start3A_252 = tpu.memref_slice %arg7[%dma_start3A_250, %dma_start3A_251] : memref<8x128xi32, #tpu.memory_space<vmem>> -> memref<1x128xi32, #tpu.memory_space<vmem>>
      %dma_start3A_253 = tpu.memref_squeeze %dma_start3A_252 : memref<1x128xi32, #tpu.memory_space<vmem>> -> memref<128xi32, #tpu.memory_space<vmem>>
      %dma_start3A_254 = arith.constant 0 : i32
      %dma_start3A_255 = arith.constant 0 : i32
      %dma_start3A_256 = tpu.memref_slice %arg2[%dma_start3A_254, %dma_start3A_255] : memref<10000x128xf32, #tpu.memory_space<hbm>> -> memref<10000x128xf32, #tpu.memory_space<hbm>>
      tpu.enqueue_indirect_dma source(%dma_start3A_256 : memref<10000x128xf32, #tpu.memory_space<hbm>>) target(%arg12 : memref<128x128xf32, #tpu.memory_space<vmem>>) offsets(%dma_start3A_253 : memref<128xi32, #tpu.memory_space<vmem>>) semaphore(%arg15 : memref<!tpu.dma_semaphore, #tpu.memory_space<semaphore_mem>>)
      %dma_wait3A_257 = arith.constant 0 : i32
      %dma_wait3A_258 = arith.constant 0 : i32
      %dma_wait3A_259 = tpu.memref_slice %arg7[%dma_wait3A_257, %dma_wait3A_258] : memref<8x128xi32, #tpu.memory_space<vmem>> -> memref<1x128xi32, #tpu.memory_space<vmem>>
      %dma_wait3A_260 = tpu.memref_squeeze %dma_wait3A_259 : memref<1x128xi32, #tpu.memory_space<vmem>> -> memref<128xi32, #tpu.memory_space<vmem>>
      %dma_wait3A_261 = arith.constant 0 : i32
      %dma_wait3A_262 = arith.constant 0 : i32
      %dma_wait3A_263 = tpu.memref_slice %arg2[%dma_wait3A_261, %dma_wait3A_262] : memref<10000x128xf32, #tpu.memory_space<hbm>> -> memref<10000x128xf32, #tpu.memory_space<hbm>>
      tpu.wait_indirect_dma semaphore(%arg14 : memref<!tpu.dma_semaphore, #tpu.memory_space<semaphore_mem>>) src(%dma_wait3A_263 : memref<10000x128xf32, #tpu.memory_space<hbm>>) dst(%arg11 : memref<128x128xf32, #tpu.memory_space<vmem>>)
      %dma_start3A_264 = arith.constant 6 : i32
      %dma_start3A_265 = arith.constant 0 : i32
      %dma_start3A_266 = tpu.memref_slice %arg9[%dma_start3A_264, %dma_start3A_265] : memref<8x128xi32, #tpu.memory_space<vmem>> -> memref<1x128xi32, #tpu.memory_space<vmem>>
      %dma_start3A_267 = tpu.memref_squeeze %dma_start3A_266 : memref<1x128xi32, #tpu.memory_space<vmem>> -> memref<128xi32, #tpu.memory_space<vmem>>
      %dma_start3A_268 = arith.constant 0 : i32
      %dma_start3A_269 = arith.constant 0 : i32
      %dma_start3A_270 = tpu.memref_slice %arg13[%dma_start3A_268, %dma_start3A_269] : memref<10240x128xf32, #tpu.memory_space<vmem_shared>> -> memref<10240x128xf32, #tpu.memory_space<vmem_shared>>
      tpu.enqueue_indirect_dma source(%arg11 : memref<128x128xf32, #tpu.memory_space<vmem>>) target(%dma_start3A_270 : memref<10240x128xf32, #tpu.memory_space<vmem_shared>>) offsets(%dma_start3A_267 : memref<128xi32, #tpu.memory_space<vmem>>) semaphore(%arg16 : memref<!tpu.dma_semaphore, #tpu.memory_space<semaphore_mem>>) {add = true}
      %dma_wait3A_271 = arith.constant 0 : i32
      %dma_wait3A_272 = arith.constant 0 : i32
      %dma_wait3A_273 = tpu.memref_slice %arg9[%dma_wait3A_271, %dma_wait3A_272] : memref<8x128xi32, #tpu.memory_space<vmem>> -> memref<1x128xi32, #tpu.memory_space<vmem>>
      %dma_wait3A_274 = tpu.memref_squeeze %dma_wait3A_273 : memref<1x128xi32, #tpu.memory_space<vmem>> -> memref<128xi32, #tpu.memory_space<vmem>>
      %dma_wait3A_275 = arith.constant 0 : i32
      %dma_wait3A_276 = arith.constant 0 : i32
      %dma_wait3A_277 = tpu.memref_slice %arg13[%dma_wait3A_275, %dma_wait3A_276] : memref<10240x128xf32, #tpu.memory_space<vmem_shared>> -> memref<10240x128xf32, #tpu.memory_space<vmem_shared>>
      tpu.wait_indirect_dma semaphore(%arg16 : memref<!tpu.dma_semaphore, #tpu.memory_space<semaphore_mem>>) src(%arg11 : memref<128x128xf32, #tpu.memory_space<vmem>>) dst(%dma_wait3A_277 : memref<10240x128xf32, #tpu.memory_space<vmem_shared>>)
      %dma_wait3A_278 = arith.constant 0 : i32
      %dma_wait3A_279 = arith.constant 0 : i32
      %dma_wait3A_280 = tpu.memref_slice %arg3[%add3A, %dma_wait3A_278, %dma_wait3A_279] : memref<32x80x128xi32, #tpu.memory_space<hbm>> -> memref<1x8x128xi32, #tpu.memory_space<hbm>>
      %dma_wait3A_281 = tpu.memref_squeeze %dma_wait3A_280 : memref<1x8x128xi32, #tpu.memory_space<hbm>> -> memref<8x128xi32, #tpu.memory_space<hbm>>
      %dma_wait3A_282 = arith.constant 0 : i32
      %dma_wait3A_283 = arith.constant 0 : i32
      %dma_wait3A_284 = tpu.memref_slice %arg3[%add3A, %dma_wait3A_282, %dma_wait3A_283] : memref<32x80x128xi32, #tpu.memory_space<hbm>> -> memref<1x8x128xi32, #tpu.memory_space<hbm>>
      %dma_wait3A_285 = tpu.memref_squeeze %dma_wait3A_284 : memref<1x8x128xi32, #tpu.memory_space<hbm>> -> memref<8x128xi32, #tpu.memory_space<hbm>>
      tpu.wait_dma2 semaphore(%arg18 : memref<!tpu.dma_semaphore, #tpu.memory_space<semaphore_mem>>) src(%dma_wait3A_285 : memref<8x128xi32, #tpu.memory_space<hbm>>) dst(%arg7 : memref<8x128xi32, #tpu.memory_space<vmem>>)
      %dma_wait3A_286 = arith.constant 0 : i32
      %dma_wait3A_287 = arith.constant 0 : i32
      %dma_wait3A_288 = tpu.memref_slice %arg4[%add3A, %dma_wait3A_286, %dma_wait3A_287] : memref<32x80x128xi32, #tpu.memory_space<hbm>> -> memref<1x8x128xi32, #tpu.memory_space<hbm>>
      %dma_wait3A_289 = tpu.memref_squeeze %dma_wait3A_288 : memref<1x8x128xi32, #tpu.memory_space<hbm>> -> memref<8x128xi32, #tpu.memory_space<hbm>>
      %dma_wait3A_290 = arith.constant 0 : i32
      %dma_wait3A_291 = arith.constant 0 : i32
      %dma_wait3A_292 = tpu.memref_slice %arg4[%add3A, %dma_wait3A_290, %dma_wait3A_291] : memref<32x80x128xi32, #tpu.memory_space<hbm>> -> memref<1x8x128xi32, #tpu.memory_space<hbm>>
      %dma_wait3A_293 = tpu.memref_squeeze %dma_wait3A_292 : memref<1x8x128xi32, #tpu.memory_space<hbm>> -> memref<8x128xi32, #tpu.memory_space<hbm>>
      tpu.wait_dma2 semaphore(%arg18 : memref<!tpu.dma_semaphore, #tpu.memory_space<semaphore_mem>>) src(%dma_wait3A_293 : memref<8x128xi32, #tpu.memory_space<hbm>>) dst(%arg9 : memref<8x128xi32, #tpu.memory_space<vmem>>)
      %dma_start3A_294 = arith.constant 0 : i32
      %dma_start3A_295 = arith.constant 0 : i32
      %dma_start3A_296 = tpu.memref_slice %arg8[%dma_start3A_294, %dma_start3A_295] : memref<8x128xi32, #tpu.memory_space<vmem>> -> memref<1x128xi32, #tpu.memory_space<vmem>>
      %dma_start3A_297 = tpu.memref_squeeze %dma_start3A_296 : memref<1x128xi32, #tpu.memory_space<vmem>> -> memref<128xi32, #tpu.memory_space<vmem>>
      %dma_start3A_298 = arith.constant 0 : i32
      %dma_start3A_299 = arith.constant 0 : i32
      %dma_start3A_300 = tpu.memref_slice %arg2[%dma_start3A_298, %dma_start3A_299] : memref<10000x128xf32, #tpu.memory_space<hbm>> -> memref<10000x128xf32, #tpu.memory_space<hbm>>
      tpu.enqueue_indirect_dma source(%dma_start3A_300 : memref<10000x128xf32, #tpu.memory_space<hbm>>) target(%arg11 : memref<128x128xf32, #tpu.memory_space<vmem>>) offsets(%dma_start3A_297 : memref<128xi32, #tpu.memory_space<vmem>>) semaphore(%arg14 : memref<!tpu.dma_semaphore, #tpu.memory_space<semaphore_mem>>)
      %dma_wait3A_301 = arith.constant 0 : i32
      %dma_wait3A_302 = arith.constant 0 : i32
      %dma_wait3A_303 = tpu.memref_slice %arg7[%dma_wait3A_301, %dma_wait3A_302] : memref<8x128xi32, #tpu.memory_space<vmem>> -> memref<1x128xi32, #tpu.memory_space<vmem>>
      %dma_wait3A_304 = tpu.memref_squeeze %dma_wait3A_303 : memref<1x128xi32, #tpu.memory_space<vmem>> -> memref<128xi32, #tpu.memory_space<vmem>>
      %dma_wait3A_305 = arith.constant 0 : i32
      %dma_wait3A_306 = arith.constant 0 : i32
      %dma_wait3A_307 = tpu.memref_slice %arg2[%dma_wait3A_305, %dma_wait3A_306] : memref<10000x128xf32, #tpu.memory_space<hbm>> -> memref<10000x128xf32, #tpu.memory_space<hbm>>
      tpu.wait_indirect_dma semaphore(%arg15 : memref<!tpu.dma_semaphore, #tpu.memory_space<semaphore_mem>>) src(%dma_wait3A_307 : memref<10000x128xf32, #tpu.memory_space<hbm>>) dst(%arg12 : memref<128x128xf32, #tpu.memory_space<vmem>>)
      %dma_start3A_308 = arith.constant 7 : i32
      %dma_start3A_309 = arith.constant 0 : i32
      %dma_start3A_310 = tpu.memref_slice %arg9[%dma_start3A_308, %dma_start3A_309] : memref<8x128xi32, #tpu.memory_space<vmem>> -> memref<1x128xi32, #tpu.memory_space<vmem>>
      %dma_start3A_311 = tpu.memref_squeeze %dma_start3A_310 : memref<1x128xi32, #tpu.memory_space<vmem>> -> memref<128xi32, #tpu.memory_space<vmem>>
      %dma_start3A_312 = arith.constant 0 : i32
      %dma_start3A_313 = arith.constant 0 : i32
      %dma_start3A_314 = tpu.memref_slice %arg13[%dma_start3A_312, %dma_start3A_313] : memref<10240x128xf32, #tpu.memory_space<vmem_shared>> -> memref<10240x128xf32, #tpu.memory_space<vmem_shared>>
      tpu.enqueue_indirect_dma source(%arg12 : memref<128x128xf32, #tpu.memory_space<vmem>>) target(%dma_start3A_314 : memref<10240x128xf32, #tpu.memory_space<vmem_shared>>) offsets(%dma_start3A_311 : memref<128xi32, #tpu.memory_space<vmem>>) semaphore(%arg17 : memref<!tpu.dma_semaphore, #tpu.memory_space<semaphore_mem>>) {add = true}
      %dma_wait3A_315 = arith.constant 0 : i32
      %dma_wait3A_316 = arith.constant 0 : i32
      %dma_wait3A_317 = tpu.memref_slice %arg9[%dma_wait3A_315, %dma_wait3A_316] : memref<8x128xi32, #tpu.memory_space<vmem>> -> memref<1x128xi32, #tpu.memory_space<vmem>>
      %dma_wait3A_318 = tpu.memref_squeeze %dma_wait3A_317 : memref<1x128xi32, #tpu.memory_space<vmem>> -> memref<128xi32, #tpu.memory_space<vmem>>
      %dma_wait3A_319 = arith.constant 0 : i32
      %dma_wait3A_320 = arith.constant 0 : i32
      %dma_wait3A_321 = tpu.memref_slice %arg13[%dma_wait3A_319, %dma_wait3A_320] : memref<10240x128xf32, #tpu.memory_space<vmem_shared>> -> memref<10240x128xf32, #tpu.memory_space<vmem_shared>>
      tpu.wait_indirect_dma semaphore(%arg17 : memref<!tpu.dma_semaphore, #tpu.memory_space<semaphore_mem>>) src(%arg12 : memref<128x128xf32, #tpu.memory_space<vmem>>) dst(%dma_wait3A_321 : memref<10240x128xf32, #tpu.memory_space<vmem_shared>>)
      %dma_start3A_322 = arith.constant 1 : i32
      %dma_start3A_323 = arith.constant 0 : i32
      %dma_start3A_324 = tpu.memref_slice %arg8[%dma_start3A_322, %dma_start3A_323] : memref<8x128xi32, #tpu.memory_space<vmem>> -> memref<1x128xi32, #tpu.memory_space<vmem>>
      %dma_start3A_325 = tpu.memref_squeeze %dma_start3A_324 : memref<1x128xi32, #tpu.memory_space<vmem>> -> memref<128xi32, #tpu.memory_space<vmem>>
      %dma_start3A_326 = arith.constant 0 : i32
      %dma_start3A_327 = arith.constant 0 : i32
      %dma_start3A_328 = tpu.memref_slice %arg2[%dma_start3A_326, %dma_start3A_327] : memref<10000x128xf32, #tpu.memory_space<hbm>> -> memref<10000x128xf32, #tpu.memory_space<hbm>>
      tpu.enqueue_indirect_dma source(%dma_start3A_328 : memref<10000x128xf32, #tpu.memory_space<hbm>>) target(%arg12 : memref<128x128xf32, #tpu.memory_space<vmem>>) offsets(%dma_start3A_325 : memref<128xi32, #tpu.memory_space<vmem>>) semaphore(%arg15 : memref<!tpu.dma_semaphore, #tpu.memory_space<semaphore_mem>>)
      %dma_wait3A_329 = arith.constant 0 : i32
      %dma_wait3A_330 = arith.constant 0 : i32
      %dma_wait3A_331 = tpu.memref_slice %arg7[%dma_wait3A_329, %dma_wait3A_330] : memref<8x128xi32, #tpu.memory_space<vmem>> -> memref<1x128xi32, #tpu.memory_space<vmem>>
      %dma_wait3A_332 = tpu.memref_squeeze %dma_wait3A_331 : memref<1x128xi32, #tpu.memory_space<vmem>> -> memref<128xi32, #tpu.memory_space<vmem>>
      %dma_wait3A_333 = arith.constant 0 : i32
      %dma_wait3A_334 = arith.constant 0 : i32
      %dma_wait3A_335 = tpu.memref_slice %arg2[%dma_wait3A_333, %dma_wait3A_334] : memref<10000x128xf32, #tpu.memory_space<hbm>> -> memref<10000x128xf32, #tpu.memory_space<hbm>>
      tpu.wait_indirect_dma semaphore(%arg14 : memref<!tpu.dma_semaphore, #tpu.memory_space<semaphore_mem>>) src(%dma_wait3A_335 : memref<10000x128xf32, #tpu.memory_space<hbm>>) dst(%arg11 : memref<128x128xf32, #tpu.memory_space<vmem>>)
      %dma_start3A_336 = arith.constant 0 : i32
      %dma_start3A_337 = arith.constant 0 : i32
      %dma_start3A_338 = tpu.memref_slice %arg10[%dma_start3A_336, %dma_start3A_337] : memref<8x128xi32, #tpu.memory_space<vmem>> -> memref<1x128xi32, #tpu.memory_space<vmem>>
      %dma_start3A_339 = tpu.memref_squeeze %dma_start3A_338 : memref<1x128xi32, #tpu.memory_space<vmem>> -> memref<128xi32, #tpu.memory_space<vmem>>
      %dma_start3A_340 = arith.constant 0 : i32
      %dma_start3A_341 = arith.constant 0 : i32
      %dma_start3A_342 = tpu.memref_slice %arg13[%dma_start3A_340, %dma_start3A_341] : memref<10240x128xf32, #tpu.memory_space<vmem_shared>> -> memref<10240x128xf32, #tpu.memory_space<vmem_shared>>
      tpu.enqueue_indirect_dma source(%arg11 : memref<128x128xf32, #tpu.memory_space<vmem>>) target(%dma_start3A_342 : memref<10240x128xf32, #tpu.memory_space<vmem_shared>>) offsets(%dma_start3A_339 : memref<128xi32, #tpu.memory_space<vmem>>) semaphore(%arg16 : memref<!tpu.dma_semaphore, #tpu.memory_space<semaphore_mem>>) {add = true}
      %dma_wait3A_343 = arith.constant 0 : i32
      %dma_wait3A_344 = arith.constant 0 : i32
      %dma_wait3A_345 = tpu.memref_slice %arg9[%dma_wait3A_343, %dma_wait3A_344] : memref<8x128xi32, #tpu.memory_space<vmem>> -> memref<1x128xi32, #tpu.memory_space<vmem>>
      %dma_wait3A_346 = tpu.memref_squeeze %dma_wait3A_345 : memref<1x128xi32, #tpu.memory_space<vmem>> -> memref<128xi32, #tpu.memory_space<vmem>>
      %dma_wait3A_347 = arith.constant 0 : i32
      %dma_wait3A_348 = arith.constant 0 : i32
      %dma_wait3A_349 = tpu.memref_slice %arg13[%dma_wait3A_347, %dma_wait3A_348] : memref<10240x128xf32, #tpu.memory_space<vmem_shared>> -> memref<10240x128xf32, #tpu.memory_space<vmem_shared>>
      tpu.wait_indirect_dma semaphore(%arg16 : memref<!tpu.dma_semaphore, #tpu.memory_space<semaphore_mem>>) src(%arg11 : memref<128x128xf32, #tpu.memory_space<vmem>>) dst(%dma_wait3A_349 : memref<10240x128xf32, #tpu.memory_space<vmem_shared>>)
      %dma_start3A_350 = arith.constant 2 : i32
      %dma_start3A_351 = arith.constant 0 : i32
      %dma_start3A_352 = tpu.memref_slice %arg8[%dma_start3A_350, %dma_start3A_351] : memref<8x128xi32, #tpu.memory_space<vmem>> -> memref<1x128xi32, #tpu.memory_space<vmem>>
      %dma_start3A_353 = tpu.memref_squeeze %dma_start3A_352 : memref<1x128xi32, #tpu.memory_space<vmem>> -> memref<128xi32, #tpu.memory_space<vmem>>
      %dma_start3A_354 = arith.constant 0 : i32
      %dma_start3A_355 = arith.constant 0 : i32
      %dma_start3A_356 = tpu.memref_slice %arg2[%dma_start3A_354, %dma_start3A_355] : memref<10000x128xf32, #tpu.memory_space<hbm>> -> memref<10000x128xf32, #tpu.memory_space<hbm>>
      tpu.enqueue_indirect_dma source(%dma_start3A_356 : memref<10000x128xf32, #tpu.memory_space<hbm>>) target(%arg11 : memref<128x128xf32, #tpu.memory_space<vmem>>) offsets(%dma_start3A_353 : memref<128xi32, #tpu.memory_space<vmem>>) semaphore(%arg14 : memref<!tpu.dma_semaphore, #tpu.memory_space<semaphore_mem>>)
      %lt3A = arith.constant 4 : i32
      %lt3A_357 = arith.cmpi slt, %scan3A_41, %lt3A : i32
      %convert_element_type3A_358 = arith.extui %lt3A_357 : i1 to i32
      %cond3A_359 = arith.constant 0 : i32
      %cond3A_360 = arith.cmpi ne, %convert_element_type3A_358, %cond3A_359 : i32
      scf.if %cond3A_360 {
        %mul3A_515 = arith.constant 16 : i32
        %mul3A_516 = arith.muli %mul3A_515, %scan3A_41 : i32
        %add3A_517 = arith.constant 16 : i32
        %add3A_518 = arith.addi %mul3A_516, %add3A_517 : i32
        %multiple_of3A_519 = tpu.assume_multiple %add3A_518, 8 : i32
        %dma_start3A_520 = arith.constant 0 : i32
        %dma_start3A_521 = tpu.memref_slice %arg3[%add3A, %multiple_of3A_519, %dma_start3A_520] : memref<32x80x128xi32, #tpu.memory_space<hbm>> -> memref<1x8x128xi32, #tpu.memory_space<hbm>>
        %dma_start3A_522 = tpu.memref_squeeze %dma_start3A_521 : memref<1x8x128xi32, #tpu.memory_space<hbm>> -> memref<8x128xi32, #tpu.memory_space<hbm>>
        %dma_start3A_523 = arith.constant 0 : i32
        %dma_start3A_524 = tpu.memref_slice %arg3[%add3A, %multiple_of3A_519, %dma_start3A_523] : memref<32x80x128xi32, #tpu.memory_space<hbm>> -> memref<1x8x128xi32, #tpu.memory_space<hbm>>
        %dma_start3A_525 = tpu.memref_squeeze %dma_start3A_524 : memref<1x8x128xi32, #tpu.memory_space<hbm>> -> memref<8x128xi32, #tpu.memory_space<hbm>>
        tpu.enqueue_dma source(%dma_start3A_525 : memref<8x128xi32, #tpu.memory_space<hbm>>) target(%arg7 : memref<8x128xi32, #tpu.memory_space<vmem>>) target_semaphore(%arg18 : memref<!tpu.dma_semaphore, #tpu.memory_space<semaphore_mem>>)
        %dma_start3A_526 = arith.constant 0 : i32
        %dma_start3A_527 = tpu.memref_slice %arg4[%add3A, %multiple_of3A_519, %dma_start3A_526] : memref<32x80x128xi32, #tpu.memory_space<hbm>> -> memref<1x8x128xi32, #tpu.memory_space<hbm>>
        %dma_start3A_528 = tpu.memref_squeeze %dma_start3A_527 : memref<1x8x128xi32, #tpu.memory_space<hbm>> -> memref<8x128xi32, #tpu.memory_space<hbm>>
        %dma_start3A_529 = arith.constant 0 : i32
        %dma_start3A_530 = tpu.memref_slice %arg4[%add3A, %multiple_of3A_519, %dma_start3A_529] : memref<32x80x128xi32, #tpu.memory_space<hbm>> -> memref<1x8x128xi32, #tpu.memory_space<hbm>>
        %dma_start3A_531 = tpu.memref_squeeze %dma_start3A_530 : memref<1x8x128xi32, #tpu.memory_space<hbm>> -> memref<8x128xi32, #tpu.memory_space<hbm>>
        tpu.enqueue_dma source(%dma_start3A_531 : memref<8x128xi32, #tpu.memory_space<hbm>>) target(%arg9 : memref<8x128xi32, #tpu.memory_space<vmem>>) target_semaphore(%arg18 : memref<!tpu.dma_semaphore, #tpu.memory_space<semaphore_mem>>)
      } else {
      }
      %dma_wait3A_361 = arith.constant 0 : i32
      %dma_wait3A_362 = arith.constant 0 : i32
      %dma_wait3A_363 = tpu.memref_slice %arg7[%dma_wait3A_361, %dma_wait3A_362] : memref<8x128xi32, #tpu.memory_space<vmem>> -> memref<1x128xi32, #tpu.memory_space<vmem>>
      %dma_wait3A_364 = tpu.memref_squeeze %dma_wait3A_363 : memref<1x128xi32, #tpu.memory_space<vmem>> -> memref<128xi32, #tpu.memory_space<vmem>>
      %dma_wait3A_365 = arith.constant 0 : i32
      %dma_wait3A_366 = arith.constant 0 : i32
      %dma_wait3A_367 = tpu.memref_slice %arg2[%dma_wait3A_365, %dma_wait3A_366] : memref<10000x128xf32, #tpu.memory_space<hbm>> -> memref<10000x128xf32, #tpu.memory_space<hbm>>
      tpu.wait_indirect_dma semaphore(%arg15 : memref<!tpu.dma_semaphore, #tpu.memory_space<semaphore_mem>>) src(%dma_wait3A_367 : memref<10000x128xf32, #tpu.memory_space<hbm>>) dst(%arg12 : memref<128x128xf32, #tpu.memory_space<vmem>>)
      %dma_start3A_368 = arith.constant 1 : i32
      %dma_start3A_369 = arith.constant 0 : i32
      %dma_start3A_370 = tpu.memref_slice %arg10[%dma_start3A_368, %dma_start3A_369] : memref<8x128xi32, #tpu.memory_space<vmem>> -> memref<1x128xi32, #tpu.memory_space<vmem>>
      %dma_start3A_371 = tpu.memref_squeeze %dma_start3A_370 : memref<1x128xi32, #tpu.memory_space<vmem>> -> memref<128xi32, #tpu.memory_space<vmem>>
      %dma_start3A_372 = arith.constant 0 : i32
      %dma_start3A_373 = arith.constant 0 : i32
      %dma_start3A_374 = tpu.memref_slice %arg13[%dma_start3A_372, %dma_start3A_373] : memref<10240x128xf32, #tpu.memory_space<vmem_shared>> -> memref<10240x128xf32, #tpu.memory_space<vmem_shared>>
      tpu.enqueue_indirect_dma source(%arg12 : memref<128x128xf32, #tpu.memory_space<vmem>>) target(%dma_start3A_374 : memref<10240x128xf32, #tpu.memory_space<vmem_shared>>) offsets(%dma_start3A_371 : memref<128xi32, #tpu.memory_space<vmem>>) semaphore(%arg17 : memref<!tpu.dma_semaphore, #tpu.memory_space<semaphore_mem>>) {add = true}
      %dma_wait3A_375 = arith.constant 0 : i32
      %dma_wait3A_376 = arith.constant 0 : i32
      %dma_wait3A_377 = tpu.memref_slice %arg9[%dma_wait3A_375, %dma_wait3A_376] : memref<8x128xi32, #tpu.memory_space<vmem>> -> memref<1x128xi32, #tpu.memory_space<vmem>>
      %dma_wait3A_378 = tpu.memref_squeeze %dma_wait3A_377 : memref<1x128xi32, #tpu.memory_space<vmem>> -> memref<128xi32, #tpu.memory_space<vmem>>
      %dma_wait3A_379 = arith.constant 0 : i32
      %dma_wait3A_380 = arith.constant 0 : i32
      %dma_wait3A_381 = tpu.memref_slice %arg13[%dma_wait3A_379, %dma_wait3A_380] : memref<10240x128xf32, #tpu.memory_space<vmem_shared>> -> memref<10240x128xf32, #tpu.memory_space<vmem_shared>>
      tpu.wait_indirect_dma semaphore(%arg17 : memref<!tpu.dma_semaphore, #tpu.memory_space<semaphore_mem>>) src(%arg12 : memref<128x128xf32, #tpu.memory_space<vmem>>) dst(%dma_wait3A_381 : memref<10240x128xf32, #tpu.memory_space<vmem_shared>>)
      %dma_start3A_382 = arith.constant 3 : i32
      %dma_start3A_383 = arith.constant 0 : i32
      %dma_start3A_384 = tpu.memref_slice %arg8[%dma_start3A_382, %dma_start3A_383] : memref<8x128xi32, #tpu.memory_space<vmem>> -> memref<1x128xi32, #tpu.memory_space<vmem>>
      %dma_start3A_385 = tpu.memref_squeeze %dma_start3A_384 : memref<1x128xi32, #tpu.memory_space<vmem>> -> memref<128xi32, #tpu.memory_space<vmem>>
      %dma_start3A_386 = arith.constant 0 : i32
      %dma_start3A_387 = arith.constant 0 : i32
      %dma_start3A_388 = tpu.memref_slice %arg2[%dma_start3A_386, %dma_start3A_387] : memref<10000x128xf32, #tpu.memory_space<hbm>> -> memref<10000x128xf32, #tpu.memory_space<hbm>>
      tpu.enqueue_indirect_dma source(%dma_start3A_388 : memref<10000x128xf32, #tpu.memory_space<hbm>>) target(%arg12 : memref<128x128xf32, #tpu.memory_space<vmem>>) offsets(%dma_start3A_385 : memref<128xi32, #tpu.memory_space<vmem>>) semaphore(%arg15 : memref<!tpu.dma_semaphore, #tpu.memory_space<semaphore_mem>>)
      %dma_wait3A_389 = arith.constant 0 : i32
      %dma_wait3A_390 = arith.constant 0 : i32
      %dma_wait3A_391 = tpu.memref_slice %arg7[%dma_wait3A_389, %dma_wait3A_390] : memref<8x128xi32, #tpu.memory_space<vmem>> -> memref<1x128xi32, #tpu.memory_space<vmem>>
      %dma_wait3A_392 = tpu.memref_squeeze %dma_wait3A_391 : memref<1x128xi32, #tpu.memory_space<vmem>> -> memref<128xi32, #tpu.memory_space<vmem>>
      %dma_wait3A_393 = arith.constant 0 : i32
      %dma_wait3A_394 = arith.constant 0 : i32
      %dma_wait3A_395 = tpu.memref_slice %arg2[%dma_wait3A_393, %dma_wait3A_394] : memref<10000x128xf32, #tpu.memory_space<hbm>> -> memref<10000x128xf32, #tpu.memory_space<hbm>>
      tpu.wait_indirect_dma semaphore(%arg14 : memref<!tpu.dma_semaphore, #tpu.memory_space<semaphore_mem>>) src(%dma_wait3A_395 : memref<10000x128xf32, #tpu.memory_space<hbm>>) dst(%arg11 : memref<128x128xf32, #tpu.memory_space<vmem>>)
      %dma_start3A_396 = arith.constant 2 : i32
      %dma_start3A_397 = arith.constant 0 : i32
      %dma_start3A_398 = tpu.memref_slice %arg10[%dma_start3A_396, %dma_start3A_397] : memref<8x128xi32, #tpu.memory_space<vmem>> -> memref<1x128xi32, #tpu.memory_space<vmem>>
      %dma_start3A_399 = tpu.memref_squeeze %dma_start3A_398 : memref<1x128xi32, #tpu.memory_space<vmem>> -> memref<128xi32, #tpu.memory_space<vmem>>
      %dma_start3A_400 = arith.constant 0 : i32
      %dma_start3A_401 = arith.constant 0 : i32
      %dma_start3A_402 = tpu.memref_slice %arg13[%dma_start3A_400, %dma_start3A_401] : memref<10240x128xf32, #tpu.memory_space<vmem_shared>> -> memref<10240x128xf32, #tpu.memory_space<vmem_shared>>
      tpu.enqueue_indirect_dma source(%arg11 : memref<128x128xf32, #tpu.memory_space<vmem>>) target(%dma_start3A_402 : memref<10240x128xf32, #tpu.memory_space<vmem_shared>>) offsets(%dma_start3A_399 : memref<128xi32, #tpu.memory_space<vmem>>) semaphore(%arg16 : memref<!tpu.dma_semaphore, #tpu.memory_space<semaphore_mem>>) {add = true}
      %dma_wait3A_403 = arith.constant 0 : i32
      %dma_wait3A_404 = arith.constant 0 : i32
      %dma_wait3A_405 = tpu.memref_slice %arg9[%dma_wait3A_403, %dma_wait3A_404] : memref<8x128xi32, #tpu.memory_space<vmem>> -> memref<1x128xi32, #tpu.memory_space<vmem>>
      %dma_wait3A_406 = tpu.memref_squeeze %dma_wait3A_405 : memref<1x128xi32, #tpu.memory_space<vmem>> -> memref<128xi32, #tpu.memory_space<vmem>>
      %dma_wait3A_407 = arith.constant 0 : i32
      %dma_wait3A_408 = arith.constant 0 : i32
      %dma_wait3A_409 = tpu.memref_slice %arg13[%dma_wait3A_407, %dma_wait3A_408] : memref<10240x128xf32, #tpu.memory_space<vmem_shared>> -> memref<10240x128xf32, #tpu.memory_space<vmem_shared>>
      tpu.wait_indirect_dma semaphore(%arg16 : memref<!tpu.dma_semaphore, #tpu.memory_space<semaphore_mem>>) src(%arg11 : memref<128x128xf32, #tpu.memory_space<vmem>>) dst(%dma_wait3A_409 : memref<10240x128xf32, #tpu.memory_space<vmem_shared>>)
      %dma_start3A_410 = arith.constant 4 : i32
      %dma_start3A_411 = arith.constant 0 : i32
      %dma_start3A_412 = tpu.memref_slice %arg8[%dma_start3A_410, %dma_start3A_411] : memref<8x128xi32, #tpu.memory_space<vmem>> -> memref<1x128xi32, #tpu.memory_space<vmem>>
      %dma_start3A_413 = tpu.memref_squeeze %dma_start3A_412 : memref<1x128xi32, #tpu.memory_space<vmem>> -> memref<128xi32, #tpu.memory_space<vmem>>
      %dma_start3A_414 = arith.constant 0 : i32
      %dma_start3A_415 = arith.constant 0 : i32
      %dma_start3A_416 = tpu.memref_slice %arg2[%dma_start3A_414, %dma_start3A_415] : memref<10000x128xf32, #tpu.memory_space<hbm>> -> memref<10000x128xf32, #tpu.memory_space<hbm>>
      tpu.enqueue_indirect_dma source(%dma_start3A_416 : memref<10000x128xf32, #tpu.memory_space<hbm>>) target(%arg11 : memref<128x128xf32, #tpu.memory_space<vmem>>) offsets(%dma_start3A_413 : memref<128xi32, #tpu.memory_space<vmem>>) semaphore(%arg14 : memref<!tpu.dma_semaphore, #tpu.memory_space<semaphore_mem>>)
      %dma_wait3A_417 = arith.constant 0 : i32
      %dma_wait3A_418 = arith.constant 0 : i32
      %dma_wait3A_419 = tpu.memref_slice %arg7[%dma_wait3A_417, %dma_wait3A_418] : memref<8x128xi32, #tpu.memory_space<vmem>> -> memref<1x128xi32, #tpu.memory_space<vmem>>
      %dma_wait3A_420 = tpu.memref_squeeze %dma_wait3A_419 : memref<1x128xi32, #tpu.memory_space<vmem>> -> memref<128xi32, #tpu.memory_space<vmem>>
      %dma_wait3A_421 = arith.constant 0 : i32
      %dma_wait3A_422 = arith.constant 0 : i32
      %dma_wait3A_423 = tpu.memref_slice %arg2[%dma_wait3A_421, %dma_wait3A_422] : memref<10000x128xf32, #tpu.memory_space<hbm>> -> memref<10000x128xf32, #tpu.memory_space<hbm>>
      tpu.wait_indirect_dma semaphore(%arg15 : memref<!tpu.dma_semaphore, #tpu.memory_space<semaphore_mem>>) src(%dma_wait3A_423 : memref<10000x128xf32, #tpu.memory_space<hbm>>) dst(%arg12 : memref<128x128xf32, #tpu.memory_space<vmem>>)
      %dma_start3A_424 = arith.constant 3 : i32
      %dma_start3A_425 = arith.constant 0 : i32
      %dma_start3A_426 = tpu.memref_slice %arg10[%dma_start3A_424, %dma_start3A_425] : memref<8x128xi32, #tpu.memory_space<vmem>> -> memref<1x128xi32, #tpu.memory_space<vmem>>
      %dma_start3A_427 = tpu.memref_squeeze %dma_start3A_426 : memref<1x128xi32, #tpu.memory_space<vmem>> -> memref<128xi32, #tpu.memory_space<vmem>>
      %dma_start3A_428 = arith.constant 0 : i32
      %dma_start3A_429 = arith.constant 0 : i32
      %dma_start3A_430 = tpu.memref_slice %arg13[%dma_start3A_428, %dma_start3A_429] : memref<10240x128xf32, #tpu.memory_space<vmem_shared>> -> memref<10240x128xf32, #tpu.memory_space<vmem_shared>>
      tpu.enqueue_indirect_dma source(%arg12 : memref<128x128xf32, #tpu.memory_space<vmem>>) target(%dma_start3A_430 : memref<10240x128xf32, #tpu.memory_space<vmem_shared>>) offsets(%dma_start3A_427 : memref<128xi32, #tpu.memory_space<vmem>>) semaphore(%arg17 : memref<!tpu.dma_semaphore, #tpu.memory_space<semaphore_mem>>) {add = true}
      %dma_wait3A_431 = arith.constant 0 : i32
      %dma_wait3A_432 = arith.constant 0 : i32
      %dma_wait3A_433 = tpu.memref_slice %arg9[%dma_wait3A_431, %dma_wait3A_432] : memref<8x128xi32, #tpu.memory_space<vmem>> -> memref<1x128xi32, #tpu.memory_space<vmem>>
      %dma_wait3A_434 = tpu.memref_squeeze %dma_wait3A_433 : memref<1x128xi32, #tpu.memory_space<vmem>> -> memref<128xi32, #tpu.memory_space<vmem>>
      %dma_wait3A_435 = arith.constant 0 : i32
      %dma_wait3A_436 = arith.constant 0 : i32
      %dma_wait3A_437 = tpu.memref_slice %arg13[%dma_wait3A_435, %dma_wait3A_436] : memref<10240x128xf32, #tpu.memory_space<vmem_shared>> -> memref<10240x128xf32, #tpu.memory_space<vmem_shared>>
      tpu.wait_indirect_dma semaphore(%arg17 : memref<!tpu.dma_semaphore, #tpu.memory_space<semaphore_mem>>) src(%arg12 : memref<128x128xf32, #tpu.memory_space<vmem>>) dst(%dma_wait3A_437 : memref<10240x128xf32, #tpu.memory_space<vmem_shared>>)
      %dma_start3A_438 = arith.constant 5 : i32
      %dma_start3A_439 = arith.constant 0 : i32
      %dma_start3A_440 = tpu.memref_slice %arg8[%dma_start3A_438, %dma_start3A_439] : memref<8x128xi32, #tpu.memory_space<vmem>> -> memref<1x128xi32, #tpu.memory_space<vmem>>
      %dma_start3A_441 = tpu.memref_squeeze %dma_start3A_440 : memref<1x128xi32, #tpu.memory_space<vmem>> -> memref<128xi32, #tpu.memory_space<vmem>>
      %dma_start3A_442 = arith.constant 0 : i32
      %dma_start3A_443 = arith.constant 0 : i32
      %dma_start3A_444 = tpu.memref_slice %arg2[%dma_start3A_442, %dma_start3A_443] : memref<10000x128xf32, #tpu.memory_space<hbm>> -> memref<10000x128xf32, #tpu.memory_space<hbm>>
      tpu.enqueue_indirect_dma source(%dma_start3A_444 : memref<10000x128xf32, #tpu.memory_space<hbm>>) target(%arg12 : memref<128x128xf32, #tpu.memory_space<vmem>>) offsets(%dma_start3A_441 : memref<128xi32, #tpu.memory_space<vmem>>) semaphore(%arg15 : memref<!tpu.dma_semaphore, #tpu.memory_space<semaphore_mem>>)
      %dma_wait3A_445 = arith.constant 0 : i32
      %dma_wait3A_446 = arith.constant 0 : i32
      %dma_wait3A_447 = tpu.memref_slice %arg7[%dma_wait3A_445, %dma_wait3A_446] : memref<8x128xi32, #tpu.memory_space<vmem>> -> memref<1x128xi32, #tpu.memory_space<vmem>>
      %dma_wait3A_448 = tpu.memref_squeeze %dma_wait3A_447 : memref<1x128xi32, #tpu.memory_space<vmem>> -> memref<128xi32, #tpu.memory_space<vmem>>
      %dma_wait3A_449 = arith.constant 0 : i32
      %dma_wait3A_450 = arith.constant 0 : i32
      %dma_wait3A_451 = tpu.memref_slice %arg2[%dma_wait3A_449, %dma_wait3A_450] : memref<10000x128xf32, #tpu.memory_space<hbm>> -> memref<10000x128xf32, #tpu.memory_space<hbm>>
      tpu.wait_indirect_dma semaphore(%arg14 : memref<!tpu.dma_semaphore, #tpu.memory_space<semaphore_mem>>) src(%dma_wait3A_451 : memref<10000x128xf32, #tpu.memory_space<hbm>>) dst(%arg11 : memref<128x128xf32, #tpu.memory_space<vmem>>)
      %dma_start3A_452 = arith.constant 4 : i32
      %dma_start3A_453 = arith.constant 0 : i32
      %dma_start3A_454 = tpu.memref_slice %arg10[%dma_start3A_452, %dma_start3A_453] : memref<8x128xi32, #tpu.memory_space<vmem>> -> memref<1x128xi32, #tpu.memory_space<vmem>>
      %dma_start3A_455 = tpu.memref_squeeze %dma_start3A_454 : memref<1x128xi32, #tpu.memory_space<vmem>> -> memref<128xi32, #tpu.memory_space<vmem>>
      %dma_start3A_456 = arith.constant 0 : i32
      %dma_start3A_457 = arith.constant 0 : i32
      %dma_start3A_458 = tpu.memref_slice %arg13[%dma_start3A_456, %dma_start3A_457] : memref<10240x128xf32, #tpu.memory_space<vmem_shared>> -> memref<10240x128xf32, #tpu.memory_space<vmem_shared>>
      tpu.enqueue_indirect_dma source(%arg11 : memref<128x128xf32, #tpu.memory_space<vmem>>) target(%dma_start3A_458 : memref<10240x128xf32, #tpu.memory_space<vmem_shared>>) offsets(%dma_start3A_455 : memref<128xi32, #tpu.memory_space<vmem>>) semaphore(%arg16 : memref<!tpu.dma_semaphore, #tpu.memory_space<semaphore_mem>>) {add = true}
      %dma_wait3A_459 = arith.constant 0 : i32
      %dma_wait3A_460 = arith.constant 0 : i32
      %dma_wait3A_461 = tpu.memref_slice %arg9[%dma_wait3A_459, %dma_wait3A_460] : memref<8x128xi32, #tpu.memory_space<vmem>> -> memref<1x128xi32, #tpu.memory_space<vmem>>
      %dma_wait3A_462 = tpu.memref_squeeze %dma_wait3A_461 : memref<1x128xi32, #tpu.memory_space<vmem>> -> memref<128xi32, #tpu.memory_space<vmem>>
      %dma_wait3A_463 = arith.constant 0 : i32
      %dma_wait3A_464 = arith.constant 0 : i32
      %dma_wait3A_465 = tpu.memref_slice %arg13[%dma_wait3A_463, %dma_wait3A_464] : memref<10240x128xf32, #tpu.memory_space<vmem_shared>> -> memref<10240x128xf32, #tpu.memory_space<vmem_shared>>
      tpu.wait_indirect_dma semaphore(%arg16 : memref<!tpu.dma_semaphore, #tpu.memory_space<semaphore_mem>>) src(%arg11 : memref<128x128xf32, #tpu.memory_space<vmem>>) dst(%dma_wait3A_465 : memref<10240x128xf32, #tpu.memory_space<vmem_shared>>)
      %dma_start3A_466 = arith.constant 6 : i32
      %dma_start3A_467 = arith.constant 0 : i32
      %dma_start3A_468 = tpu.memref_slice %arg8[%dma_start3A_466, %dma_start3A_467] : memref<8x128xi32, #tpu.memory_space<vmem>> -> memref<1x128xi32, #tpu.memory_space<vmem>>
      %dma_start3A_469 = tpu.memref_squeeze %dma_start3A_468 : memref<1x128xi32, #tpu.memory_space<vmem>> -> memref<128xi32, #tpu.memory_space<vmem>>
      %dma_start3A_470 = arith.constant 0 : i32
      %dma_start3A_471 = arith.constant 0 : i32
      %dma_start3A_472 = tpu.memref_slice %arg2[%dma_start3A_470, %dma_start3A_471] : memref<10000x128xf32, #tpu.memory_space<hbm>> -> memref<10000x128xf32, #tpu.memory_space<hbm>>
      tpu.enqueue_indirect_dma source(%dma_start3A_472 : memref<10000x128xf32, #tpu.memory_space<hbm>>) target(%arg11 : memref<128x128xf32, #tpu.memory_space<vmem>>) offsets(%dma_start3A_469 : memref<128xi32, #tpu.memory_space<vmem>>) semaphore(%arg14 : memref<!tpu.dma_semaphore, #tpu.memory_space<semaphore_mem>>)
      %dma_wait3A_473 = arith.constant 0 : i32
      %dma_wait3A_474 = arith.constant 0 : i32
      %dma_wait3A_475 = tpu.memref_slice %arg7[%dma_wait3A_473, %dma_wait3A_474] : memref<8x128xi32, #tpu.memory_space<vmem>> -> memref<1x128xi32, #tpu.memory_space<vmem>>
      %dma_wait3A_476 = tpu.memref_squeeze %dma_wait3A_475 : memref<1x128xi32, #tpu.memory_space<vmem>> -> memref<128xi32, #tpu.memory_space<vmem>>
      %dma_wait3A_477 = arith.constant 0 : i32
      %dma_wait3A_478 = arith.constant 0 : i32
      %dma_wait3A_479 = tpu.memref_slice %arg2[%dma_wait3A_477, %dma_wait3A_478] : memref<10000x128xf32, #tpu.memory_space<hbm>> -> memref<10000x128xf32, #tpu.memory_space<hbm>>
      tpu.wait_indirect_dma semaphore(%arg15 : memref<!tpu.dma_semaphore, #tpu.memory_space<semaphore_mem>>) src(%dma_wait3A_479 : memref<10000x128xf32, #tpu.memory_space<hbm>>) dst(%arg12 : memref<128x128xf32, #tpu.memory_space<vmem>>)
      %dma_start3A_480 = arith.constant 5 : i32
      %dma_start3A_481 = arith.constant 0 : i32
      %dma_start3A_482 = tpu.memref_slice %arg10[%dma_start3A_480, %dma_start3A_481] : memref<8x128xi32, #tpu.memory_space<vmem>> -> memref<1x128xi32, #tpu.memory_space<vmem>>
      %dma_start3A_483 = tpu.memref_squeeze %dma_start3A_482 : memref<1x128xi32, #tpu.memory_space<vmem>> -> memref<128xi32, #tpu.memory_space<vmem>>
      %dma_start3A_484 = arith.constant 0 : i32
      %dma_start3A_485 = arith.constant 0 : i32
      %dma_start3A_486 = tpu.memref_slice %arg13[%dma_start3A_484, %dma_start3A_485] : memref<10240x128xf32, #tpu.memory_space<vmem_shared>> -> memref<10240x128xf32, #tpu.memory_space<vmem_shared>>
      tpu.enqueue_indirect_dma source(%arg12 : memref<128x128xf32, #tpu.memory_space<vmem>>) target(%dma_start3A_486 : memref<10240x128xf32, #tpu.memory_space<vmem_shared>>) offsets(%dma_start3A_483 : memref<128xi32, #tpu.memory_space<vmem>>) semaphore(%arg17 : memref<!tpu.dma_semaphore, #tpu.memory_space<semaphore_mem>>) {add = true}
      %dma_wait3A_487 = arith.constant 0 : i32
      %dma_wait3A_488 = arith.constant 0 : i32
      %dma_wait3A_489 = tpu.memref_slice %arg9[%dma_wait3A_487, %dma_wait3A_488] : memref<8x128xi32, #tpu.memory_space<vmem>> -> memref<1x128xi32, #tpu.memory_space<vmem>>
      %dma_wait3A_490 = tpu.memref_squeeze %dma_wait3A_489 : memref<1x128xi32, #tpu.memory_space<vmem>> -> memref<128xi32, #tpu.memory_space<vmem>>
      %dma_wait3A_491 = arith.constant 0 : i32
      %dma_wait3A_492 = arith.constant 0 : i32
      %dma_wait3A_493 = tpu.memref_slice %arg13[%dma_wait3A_491, %dma_wait3A_492] : memref<10240x128xf32, #tpu.memory_space<vmem_shared>> -> memref<10240x128xf32, #tpu.memory_space<vmem_shared>>
      tpu.wait_indirect_dma semaphore(%arg17 : memref<!tpu.dma_semaphore, #tpu.memory_space<semaphore_mem>>) src(%arg12 : memref<128x128xf32, #tpu.memory_space<vmem>>) dst(%dma_wait3A_493 : memref<10240x128xf32, #tpu.memory_space<vmem_shared>>)
      %dma_start3A_494 = arith.constant 7 : i32
      %dma_start3A_495 = arith.constant 0 : i32
      %dma_start3A_496 = tpu.memref_slice %arg8[%dma_start3A_494, %dma_start3A_495] : memref<8x128xi32, #tpu.memory_space<vmem>> -> memref<1x128xi32, #tpu.memory_space<vmem>>
      %dma_start3A_497 = tpu.memref_squeeze %dma_start3A_496 : memref<1x128xi32, #tpu.memory_space<vmem>> -> memref<128xi32, #tpu.memory_space<vmem>>
      %dma_start3A_498 = arith.constant 0 : i32
      %dma_start3A_499 = arith.constant 0 : i32
      %dma_start3A_500 = tpu.memref_slice %arg2[%dma_start3A_498, %dma_start3A_499] : memref<10000x128xf32, #tpu.memory_space<hbm>> -> memref<10000x128xf32, #tpu.memory_space<hbm>>
      tpu.enqueue_indirect_dma source(%dma_start3A_500 : memref<10000x128xf32, #tpu.memory_space<hbm>>) target(%arg12 : memref<128x128xf32, #tpu.memory_space<vmem>>) offsets(%dma_start3A_497 : memref<128xi32, #tpu.memory_space<vmem>>) semaphore(%arg15 : memref<!tpu.dma_semaphore, #tpu.memory_space<semaphore_mem>>)
      %dma_wait3A_501 = arith.constant 0 : i32
      %dma_wait3A_502 = arith.constant 0 : i32
      %dma_wait3A_503 = tpu.memref_slice %arg7[%dma_wait3A_501, %dma_wait3A_502] : memref<8x128xi32, #tpu.memory_space<vmem>> -> memref<1x128xi32, #tpu.memory_space<vmem>>
      %dma_wait3A_504 = tpu.memref_squeeze %dma_wait3A_503 : memref<1x128xi32, #tpu.memory_space<vmem>> -> memref<128xi32, #tpu.memory_space<vmem>>
      %dma_wait3A_505 = arith.constant 0 : i32
      %dma_wait3A_506 = arith.constant 0 : i32
      %dma_wait3A_507 = tpu.memref_slice %arg2[%dma_wait3A_505, %dma_wait3A_506] : memref<10000x128xf32, #tpu.memory_space<hbm>> -> memref<10000x128xf32, #tpu.memory_space<hbm>>
      tpu.wait_indirect_dma semaphore(%arg14 : memref<!tpu.dma_semaphore, #tpu.memory_space<semaphore_mem>>) src(%dma_wait3A_507 : memref<10000x128xf32, #tpu.memory_space<hbm>>) dst(%arg11 : memref<128x128xf32, #tpu.memory_space<vmem>>)
      %dma_start3A_508 = arith.constant 6 : i32
      %dma_start3A_509 = arith.constant 0 : i32
      %dma_start3A_510 = tpu.memref_slice %arg10[%dma_start3A_508, %dma_start3A_509] : memref<8x128xi32, #tpu.memory_space<vmem>> -> memref<1x128xi32, #tpu.memory_space<vmem>>
      %dma_start3A_511 = tpu.memref_squeeze %dma_start3A_510 : memref<1x128xi32, #tpu.memory_space<vmem>> -> memref<128xi32, #tpu.memory_space<vmem>>
      %dma_start3A_512 = arith.constant 0 : i32
      %dma_start3A_513 = arith.constant 0 : i32
      %dma_start3A_514 = tpu.memref_slice %arg13[%dma_start3A_512, %dma_start3A_513] : memref<10240x128xf32, #tpu.memory_space<vmem_shared>> -> memref<10240x128xf32, #tpu.memory_space<vmem_shared>>
      tpu.enqueue_indirect_dma source(%arg11 : memref<128x128xf32, #tpu.memory_space<vmem>>) target(%dma_start3A_514 : memref<10240x128xf32, #tpu.memory_space<vmem_shared>>) offsets(%dma_start3A_511 : memref<128xi32, #tpu.memory_space<vmem>>) semaphore(%arg16 : memref<!tpu.dma_semaphore, #tpu.memory_space<semaphore_mem>>) {add = true}
    }
    %scan3A_9 = arith.constant 5 : i32
    %dma_wait3A = arith.constant 0 : i32
    %dma_wait3A_10 = arith.constant 0 : i32
    %dma_wait3A_11 = tpu.memref_slice %arg7[%dma_wait3A, %dma_wait3A_10] : memref<8x128xi32, #tpu.memory_space<vmem>> -> memref<1x128xi32, #tpu.memory_space<vmem>>
    %dma_wait3A_12 = tpu.memref_squeeze %dma_wait3A_11 : memref<1x128xi32, #tpu.memory_space<vmem>> -> memref<128xi32, #tpu.memory_space<vmem>>
    %dma_wait3A_13 = arith.constant 0 : i32
    %dma_wait3A_14 = arith.constant 0 : i32
    %dma_wait3A_15 = tpu.memref_slice %arg2[%dma_wait3A_13, %dma_wait3A_14] : memref<10000x128xf32, #tpu.memory_space<hbm>> -> memref<10000x128xf32, #tpu.memory_space<hbm>>
    tpu.wait_indirect_dma semaphore(%arg15 : memref<!tpu.dma_semaphore, #tpu.memory_space<semaphore_mem>>) src(%dma_wait3A_15 : memref<10000x128xf32, #tpu.memory_space<hbm>>) dst(%arg12 : memref<128x128xf32, #tpu.memory_space<vmem>>)
    %dma_start3A = arith.constant 7 : i32
    %dma_start3A_16 = arith.constant 0 : i32
    %dma_start3A_17 = tpu.memref_slice %arg10[%dma_start3A, %dma_start3A_16] : memref<8x128xi32, #tpu.memory_space<vmem>> -> memref<1x128xi32, #tpu.memory_space<vmem>>
    %dma_start3A_18 = tpu.memref_squeeze %dma_start3A_17 : memref<1x128xi32, #tpu.memory_space<vmem>> -> memref<128xi32, #tpu.memory_space<vmem>>
    %dma_start3A_19 = arith.constant 0 : i32
    %dma_start3A_20 = arith.constant 0 : i32
    %dma_start3A_21 = tpu.memref_slice %arg13[%dma_start3A_19, %dma_start3A_20] : memref<10240x128xf32, #tpu.memory_space<vmem_shared>> -> memref<10240x128xf32, #tpu.memory_space<vmem_shared>>
    tpu.enqueue_indirect_dma source(%arg12 : memref<128x128xf32, #tpu.memory_space<vmem>>) target(%dma_start3A_21 : memref<10240x128xf32, #tpu.memory_space<vmem_shared>>) offsets(%dma_start3A_18 : memref<128xi32, #tpu.memory_space<vmem>>) semaphore(%arg17 : memref<!tpu.dma_semaphore, #tpu.memory_space<semaphore_mem>>) {add = true}
    %dma_wait3A_22 = arith.constant 0 : i32
    %dma_wait3A_23 = arith.constant 0 : i32
    %dma_wait3A_24 = tpu.memref_slice %arg9[%dma_wait3A_22, %dma_wait3A_23] : memref<8x128xi32, #tpu.memory_space<vmem>> -> memref<1x128xi32, #tpu.memory_space<vmem>>
    %dma_wait3A_25 = tpu.memref_squeeze %dma_wait3A_24 : memref<1x128xi32, #tpu.memory_space<vmem>> -> memref<128xi32, #tpu.memory_space<vmem>>
    %dma_wait3A_26 = arith.constant 0 : i32
    %dma_wait3A_27 = arith.constant 0 : i32
    %dma_wait3A_28 = tpu.memref_slice %arg13[%dma_wait3A_26, %dma_wait3A_27] : memref<10240x128xf32, #tpu.memory_space<vmem_shared>> -> memref<10240x128xf32, #tpu.memory_space<vmem_shared>>
    tpu.wait_indirect_dma semaphore(%arg16 : memref<!tpu.dma_semaphore, #tpu.memory_space<semaphore_mem>>) src(%arg11 : memref<128x128xf32, #tpu.memory_space<vmem>>) dst(%dma_wait3A_28 : memref<10240x128xf32, #tpu.memory_space<vmem_shared>>)
    %dma_wait3A_29 = arith.constant 0 : i32
    %dma_wait3A_30 = arith.constant 0 : i32
    %dma_wait3A_31 = tpu.memref_slice %arg9[%dma_wait3A_29, %dma_wait3A_30] : memref<8x128xi32, #tpu.memory_space<vmem>> -> memref<1x128xi32, #tpu.memory_space<vmem>>
    %dma_wait3A_32 = tpu.memref_squeeze %dma_wait3A_31 : memref<1x128xi32, #tpu.memory_space<vmem>> -> memref<128xi32, #tpu.memory_space<vmem>>
    %dma_wait3A_33 = arith.constant 0 : i32
    %dma_wait3A_34 = arith.constant 0 : i32
    %dma_wait3A_35 = tpu.memref_slice %arg13[%dma_wait3A_33, %dma_wait3A_34] : memref<10240x128xf32, #tpu.memory_space<vmem_shared>> -> memref<10240x128xf32, #tpu.memory_space<vmem_shared>>
    tpu.wait_indirect_dma semaphore(%arg17 : memref<!tpu.dma_semaphore, #tpu.memory_space<semaphore_mem>>) src(%arg12 : memref<128x128xf32, #tpu.memory_space<vmem>>) dst(%dma_wait3A_35 : memref<10240x128xf32, #tpu.memory_space<vmem_shared>>)
    %barrier3A_36 = arith.constant 0 : index
    tpu.barrier barrier_id(%barrier3A_36)
    %mul3A_37 = arith.constant 640 : i32
    %mul3A_38 = arith.muli %arg1, %mul3A_37 : i32
    %mul3A_39 = arith.constant 640 : i32
    %mul3A_40 = arith.muli %arg1, %mul3A_39 : i32
    "tpu.region"() ({
      %run_scoped3A = tpu.sem_alloc : memref<!tpu.dma_semaphore, #tpu.memory_space<semaphore_mem>>
      %dma_start3A_41 = arith.constant 0 : i32
      %dma_start3A_42 = tpu.memref_slice %arg6[%arg0, %mul3A_40, %dma_start3A_41] : memref<2x10240x128xf32, #tpu.memory_space<hbm>> -> memref<1x640x128xf32, #tpu.memory_space<hbm>>
      %dma_start3A_43 = tpu.memref_squeeze %dma_start3A_42 : memref<1x640x128xf32, #tpu.memory_space<hbm>> -> memref<640x128xf32, #tpu.memory_space<hbm>>
      %dma_start3A_44 = arith.constant 0 : i32
      %dma_start3A_45 = tpu.memref_slice %arg13[%mul3A_38, %dma_start3A_44] : memref<10240x128xf32, #tpu.memory_space<vmem_shared>> -> memref<640x128xf32, #tpu.memory_space<vmem_shared>>
      tpu.enqueue_dma source(%dma_start3A_45 : memref<640x128xf32, #tpu.memory_space<vmem_shared>>) target(%dma_start3A_43 : memref<640x128xf32, #tpu.memory_space<hbm>>) target_semaphore(%run_scoped3A : memref<!tpu.dma_semaphore, #tpu.memory_space<semaphore_mem>>)
      %dma_wait3A_46 = arith.constant 0 : i32
      %dma_wait3A_47 = tpu.memref_slice %arg6[%arg0, %mul3A_40, %dma_wait3A_46] : memref<2x10240x128xf32, #tpu.memory_space<hbm>> -> memref<1x640x128xf32, #tpu.memory_space<hbm>>
      %dma_wait3A_48 = tpu.memref_squeeze %dma_wait3A_47 : memref<1x640x128xf32, #tpu.memory_space<hbm>> -> memref<640x128xf32, #tpu.memory_space<hbm>>
      %dma_wait3A_49 = arith.constant 0 : i32
      %dma_wait3A_50 = tpu.memref_slice %arg13[%mul3A_38, %dma_wait3A_49] : memref<10240x128xf32, #tpu.memory_space<vmem_shared>> -> memref<640x128xf32, #tpu.memory_space<vmem_shared>>
      tpu.wait_dma2 semaphore(%run_scoped3A : memref<!tpu.dma_semaphore, #tpu.memory_space<semaphore_mem>>) src(%dma_wait3A_50 : memref<640x128xf32, #tpu.memory_space<vmem_shared>>) dst(%dma_wait3A_48 : memref<640x128xf32, #tpu.memory_space<hbm>>)
      tpu.yield
    }) : () -> ()
    return
  }
}

#map = affine_map<(d0, d1) -> (0, 0, 0)>
#map1 = affine_map<(d0, d1) -> (0, 0)>
module attributes {stable_mosaic.version = 14 : i64} {
  func.func @_sc_degree(%arg0: i32, %arg1: i32, %arg2: memref<32x80x128xi32, #tpu.memory_space<hbm>>, %arg3: memref<128x16xf32, #tpu.memory_space<hbm>>, %arg4: memref<10240x16xf32, #tpu.memory_space<hbm>>, %arg5: memref<2x10240x16xf32, #tpu.memory_space<hbm>>, %arg6: memref<80x128xi32, #tpu.memory_space<vmem>>, %arg7: memref<128x16xf32, #tpu.memory_space<vmem>>, %arg8: memref<10240x16xf32, #tpu.memory_space<vmem_shared>>, %arg9: memref<!tpu.dma_semaphore, #tpu.memory_space<semaphore_mem>>) attributes {dimension_semantics = [#tpu.dimension_semantics<core_parallel>, #tpu.dimension_semantics<subcore_parallel>], iteration_bounds = array<i64: 2, 16>, scalar_prefetch = 0 : i64, scratch_operands = 4 : i64, tpu.core_type = #tpu.core_type<sc_vector_subcore>, window_params = [{transform_indices = #map}, {transform_indices = #map1}, {transform_indices = #map1}, {transform_indices = #map}]} {
    %mul3A = arith.constant 16 : i32
    %mul3A_0 = arith.muli %arg0, %mul3A : i32
    %add3A = arith.addi %mul3A_0, %arg1 : i32
    "tpu.region"() ({
      %run_scoped3A = tpu.sem_alloc : memref<!tpu.dma_semaphore, #tpu.memory_space<semaphore_mem>>
      %dma_start3A_41 = arith.constant 0 : i32
      %dma_start3A_42 = arith.constant 0 : i32
      %dma_start3A_43 = tpu.memref_slice %arg2[%add3A, %dma_start3A_41, %dma_start3A_42] : memref<32x80x128xi32, #tpu.memory_space<hbm>> -> memref<1x80x128xi32, #tpu.memory_space<hbm>>
      %dma_start3A_44 = tpu.memref_squeeze %dma_start3A_43 : memref<1x80x128xi32, #tpu.memory_space<hbm>> -> memref<80x128xi32, #tpu.memory_space<hbm>>
      %dma_start3A_45 = arith.constant 0 : i32
      %dma_start3A_46 = arith.constant 0 : i32
      %dma_start3A_47 = tpu.memref_slice %arg2[%add3A, %dma_start3A_45, %dma_start3A_46] : memref<32x80x128xi32, #tpu.memory_space<hbm>> -> memref<1x80x128xi32, #tpu.memory_space<hbm>>
      %dma_start3A_48 = tpu.memref_squeeze %dma_start3A_47 : memref<1x80x128xi32, #tpu.memory_space<hbm>> -> memref<80x128xi32, #tpu.memory_space<hbm>>
      tpu.enqueue_dma source(%dma_start3A_48 : memref<80x128xi32, #tpu.memory_space<hbm>>) target(%arg6 : memref<80x128xi32, #tpu.memory_space<vmem>>) target_semaphore(%run_scoped3A : memref<!tpu.dma_semaphore, #tpu.memory_space<semaphore_mem>>)
      %dma_wait3A_49 = arith.constant 0 : i32
      %dma_wait3A_50 = arith.constant 0 : i32
      %dma_wait3A_51 = tpu.memref_slice %arg2[%add3A, %dma_wait3A_49, %dma_wait3A_50] : memref<32x80x128xi32, #tpu.memory_space<hbm>> -> memref<1x80x128xi32, #tpu.memory_space<hbm>>
      %dma_wait3A_52 = tpu.memref_squeeze %dma_wait3A_51 : memref<1x80x128xi32, #tpu.memory_space<hbm>> -> memref<80x128xi32, #tpu.memory_space<hbm>>
      %dma_wait3A_53 = arith.constant 0 : i32
      %dma_wait3A_54 = arith.constant 0 : i32
      %dma_wait3A_55 = tpu.memref_slice %arg2[%add3A, %dma_wait3A_53, %dma_wait3A_54] : memref<32x80x128xi32, #tpu.memory_space<hbm>> -> memref<1x80x128xi32, #tpu.memory_space<hbm>>
      %dma_wait3A_56 = tpu.memref_squeeze %dma_wait3A_55 : memref<1x80x128xi32, #tpu.memory_space<hbm>> -> memref<80x128xi32, #tpu.memory_space<hbm>>
      tpu.wait_dma2 semaphore(%run_scoped3A : memref<!tpu.dma_semaphore, #tpu.memory_space<semaphore_mem>>) src(%dma_wait3A_56 : memref<80x128xi32, #tpu.memory_space<hbm>>) dst(%arg6 : memref<80x128xi32, #tpu.memory_space<vmem>>)
      tpu.yield
    }) : () -> ()
    "tpu.region"() ({
      %run_scoped3A = tpu.sem_alloc : memref<!tpu.dma_semaphore, #tpu.memory_space<semaphore_mem>>
      tpu.enqueue_dma source(%arg3 : memref<128x16xf32, #tpu.memory_space<hbm>>) target(%arg7 : memref<128x16xf32, #tpu.memory_space<vmem>>) target_semaphore(%run_scoped3A : memref<!tpu.dma_semaphore, #tpu.memory_space<semaphore_mem>>)
      tpu.wait_dma2 semaphore(%run_scoped3A : memref<!tpu.dma_semaphore, #tpu.memory_space<semaphore_mem>>) src(%arg3 : memref<128x16xf32, #tpu.memory_space<hbm>>) dst(%arg7 : memref<128x16xf32, #tpu.memory_space<vmem>>)
      tpu.yield
    }) : () -> ()
    %mul3A_1 = arith.constant 640 : i32
    %mul3A_2 = arith.muli %arg1, %mul3A_1 : i32
    %mul3A_3 = arith.constant 640 : i32
    %mul3A_4 = arith.muli %arg1, %mul3A_3 : i32
    "tpu.region"() ({
      %run_scoped3A = tpu.sem_alloc : memref<!tpu.dma_semaphore, #tpu.memory_space<semaphore_mem>>
      %dma_start3A_41 = arith.constant 0 : i32
      %dma_start3A_42 = tpu.memref_slice %arg8[%mul3A_4, %dma_start3A_41] : memref<10240x16xf32, #tpu.memory_space<vmem_shared>> -> memref<640x16xf32, #tpu.memory_space<vmem_shared>>
      %dma_start3A_43 = arith.constant 0 : i32
      %dma_start3A_44 = tpu.memref_slice %arg4[%mul3A_2, %dma_start3A_43] : memref<10240x16xf32, #tpu.memory_space<hbm>> -> memref<640x16xf32, #tpu.memory_space<hbm>>
      tpu.enqueue_dma source(%dma_start3A_44 : memref<640x16xf32, #tpu.memory_space<hbm>>) target(%dma_start3A_42 : memref<640x16xf32, #tpu.memory_space<vmem_shared>>) target_semaphore(%run_scoped3A : memref<!tpu.dma_semaphore, #tpu.memory_space<semaphore_mem>>)
      %dma_wait3A_45 = arith.constant 0 : i32
      %dma_wait3A_46 = tpu.memref_slice %arg8[%mul3A_4, %dma_wait3A_45] : memref<10240x16xf32, #tpu.memory_space<vmem_shared>> -> memref<640x16xf32, #tpu.memory_space<vmem_shared>>
      %dma_wait3A_47 = arith.constant 0 : i32
      %dma_wait3A_48 = tpu.memref_slice %arg4[%mul3A_2, %dma_wait3A_47] : memref<10240x16xf32, #tpu.memory_space<hbm>> -> memref<640x16xf32, #tpu.memory_space<hbm>>
      tpu.wait_dma2 semaphore(%run_scoped3A : memref<!tpu.dma_semaphore, #tpu.memory_space<semaphore_mem>>) src(%dma_wait3A_48 : memref<640x16xf32, #tpu.memory_space<hbm>>) dst(%dma_wait3A_46 : memref<640x16xf32, #tpu.memory_space<vmem_shared>>)
      tpu.yield
    }) : () -> ()
    %barrier3A = arith.constant 0 : index
    tpu.barrier barrier_id(%barrier3A)
    %dma_start3A = arith.constant 0 : i32
    %dma_start3A_5 = arith.constant 0 : i32
    %dma_start3A_6 = tpu.memref_slice %arg6[%dma_start3A, %dma_start3A_5] : memref<80x128xi32, #tpu.memory_space<vmem>> -> memref<1x128xi32, #tpu.memory_space<vmem>>
    %dma_start3A_7 = tpu.memref_squeeze %dma_start3A_6 : memref<1x128xi32, #tpu.memory_space<vmem>> -> memref<128xi32, #tpu.memory_space<vmem>>
    %dma_start3A_8 = arith.constant 0 : i32
    %dma_start3A_9 = arith.constant 0 : i32
    %dma_start3A_10 = tpu.memref_slice %arg8[%dma_start3A_8, %dma_start3A_9] : memref<10240x16xf32, #tpu.memory_space<vmem_shared>> -> memref<10240x16xf32, #tpu.memory_space<vmem_shared>>
    tpu.enqueue_indirect_dma source(%arg7 : memref<128x16xf32, #tpu.memory_space<vmem>>) target(%dma_start3A_10 : memref<10240x16xf32, #tpu.memory_space<vmem_shared>>) offsets(%dma_start3A_7 : memref<128xi32, #tpu.memory_space<vmem>>) semaphore(%arg9 : memref<!tpu.dma_semaphore, #tpu.memory_space<semaphore_mem>>) {add = true}
    %dma_start3A_11 = arith.constant 1 : i32
    %dma_start3A_12 = arith.constant 0 : i32
    %dma_start3A_13 = tpu.memref_slice %arg6[%dma_start3A_11, %dma_start3A_12] : memref<80x128xi32, #tpu.memory_space<vmem>> -> memref<1x128xi32, #tpu.memory_space<vmem>>
    %dma_start3A_14 = tpu.memref_squeeze %dma_start3A_13 : memref<1x128xi32, #tpu.memory_space<vmem>> -> memref<128xi32, #tpu.memory_space<vmem>>
    %dma_start3A_15 = arith.constant 0 : i32
    %dma_start3A_16 = arith.constant 0 : i32
    %dma_start3A_17 = tpu.memref_slice %arg8[%dma_start3A_15, %dma_start3A_16] : memref<10240x16xf32, #tpu.memory_space<vmem_shared>> -> memref<10240x16xf32, #tpu.memory_space<vmem_shared>>
    tpu.enqueue_indirect_dma source(%arg7 : memref<128x16xf32, #tpu.memory_space<vmem>>) target(%dma_start3A_17 : memref<10240x16xf32, #tpu.memory_space<vmem_shared>>) offsets(%dma_start3A_14 : memref<128xi32, #tpu.memory_space<vmem>>) semaphore(%arg9 : memref<!tpu.dma_semaphore, #tpu.memory_space<semaphore_mem>>) {add = true}
    %scan3A = arith.constant 0 : i32
    %scan3A_18 = arith.constant 0 : i32
    %scan3A_19 = arith.constant 39 : i32
    %scan3A_20 = arith.addi %scan3A_18, %scan3A_19 : i32
    %scan3A_21 = arith.constant 1 : i32
    scf.for %scan3A_41 = %scan3A_18 to %scan3A_20 step %scan3A_21  : i32 {
      %mul3A_42 = arith.constant 2 : i32
      %mul3A_43 = arith.muli %scan3A_41, %mul3A_42 : i32
      %add3A_44 = arith.constant 2 : i32
      %add3A_45 = arith.addi %mul3A_43, %add3A_44 : i32
      %add3A_46 = arith.constant 0 : i32
      %add3A_47 = arith.addi %add3A_45, %add3A_46 : i32
      %dma_start3A_48 = arith.constant 0 : i32
      %dma_start3A_49 = tpu.memref_slice %arg6[%add3A_47, %dma_start3A_48] : memref<80x128xi32, #tpu.memory_space<vmem>> -> memref<1x128xi32, #tpu.memory_space<vmem>>
      %dma_start3A_50 = tpu.memref_squeeze %dma_start3A_49 : memref<1x128xi32, #tpu.memory_space<vmem>> -> memref<128xi32, #tpu.memory_space<vmem>>
      %dma_start3A_51 = arith.constant 0 : i32
      %dma_start3A_52 = arith.constant 0 : i32
      %dma_start3A_53 = tpu.memref_slice %arg8[%dma_start3A_51, %dma_start3A_52] : memref<10240x16xf32, #tpu.memory_space<vmem_shared>> -> memref<10240x16xf32, #tpu.memory_space<vmem_shared>>
      tpu.enqueue_indirect_dma source(%arg7 : memref<128x16xf32, #tpu.memory_space<vmem>>) target(%dma_start3A_53 : memref<10240x16xf32, #tpu.memory_space<vmem_shared>>) offsets(%dma_start3A_50 : memref<128xi32, #tpu.memory_space<vmem>>) semaphore(%arg9 : memref<!tpu.dma_semaphore, #tpu.memory_space<semaphore_mem>>) {add = true}
      %add3A_54 = arith.constant 2 : i32
      %add3A_55 = arith.addi %mul3A_43, %add3A_54 : i32
      %add3A_56 = arith.constant 1 : i32
      %add3A_57 = arith.addi %add3A_55, %add3A_56 : i32
      %dma_start3A_58 = arith.constant 0 : i32
      %dma_start3A_59 = tpu.memref_slice %arg6[%add3A_57, %dma_start3A_58] : memref<80x128xi32, #tpu.memory_space<vmem>> -> memref<1x128xi32, #tpu.memory_space<vmem>>
      %dma_start3A_60 = tpu.memref_squeeze %dma_start3A_59 : memref<1x128xi32, #tpu.memory_space<vmem>> -> memref<128xi32, #tpu.memory_space<vmem>>
      %dma_start3A_61 = arith.constant 0 : i32
      %dma_start3A_62 = arith.constant 0 : i32
      %dma_start3A_63 = tpu.memref_slice %arg8[%dma_start3A_61, %dma_start3A_62] : memref<10240x16xf32, #tpu.memory_space<vmem_shared>> -> memref<10240x16xf32, #tpu.memory_space<vmem_shared>>
      tpu.enqueue_indirect_dma source(%arg7 : memref<128x16xf32, #tpu.memory_space<vmem>>) target(%dma_start3A_63 : memref<10240x16xf32, #tpu.memory_space<vmem_shared>>) offsets(%dma_start3A_60 : memref<128xi32, #tpu.memory_space<vmem>>) semaphore(%arg9 : memref<!tpu.dma_semaphore, #tpu.memory_space<semaphore_mem>>) {add = true}
      %dma_wait3A_64 = arith.constant 0 : i32
      %dma_wait3A_65 = arith.constant 0 : i32
      %dma_wait3A_66 = tpu.memref_slice %arg6[%dma_wait3A_64, %dma_wait3A_65] : memref<80x128xi32, #tpu.memory_space<vmem>> -> memref<1x128xi32, #tpu.memory_space<vmem>>
      %dma_wait3A_67 = tpu.memref_squeeze %dma_wait3A_66 : memref<1x128xi32, #tpu.memory_space<vmem>> -> memref<128xi32, #tpu.memory_space<vmem>>
      %dma_wait3A_68 = arith.constant 0 : i32
      %dma_wait3A_69 = arith.constant 0 : i32
      %dma_wait3A_70 = tpu.memref_slice %arg8[%dma_wait3A_68, %dma_wait3A_69] : memref<10240x16xf32, #tpu.memory_space<vmem_shared>> -> memref<10240x16xf32, #tpu.memory_space<vmem_shared>>
      tpu.wait_indirect_dma semaphore(%arg9 : memref<!tpu.dma_semaphore, #tpu.memory_space<semaphore_mem>>) src(%arg7 : memref<128x16xf32, #tpu.memory_space<vmem>>) dst(%dma_wait3A_70 : memref<10240x16xf32, #tpu.memory_space<vmem_shared>>)
      %dma_wait3A_71 = arith.constant 0 : i32
      %dma_wait3A_72 = arith.constant 0 : i32
      %dma_wait3A_73 = tpu.memref_slice %arg6[%dma_wait3A_71, %dma_wait3A_72] : memref<80x128xi32, #tpu.memory_space<vmem>> -> memref<1x128xi32, #tpu.memory_space<vmem>>
      %dma_wait3A_74 = tpu.memref_squeeze %dma_wait3A_73 : memref<1x128xi32, #tpu.memory_space<vmem>> -> memref<128xi32, #tpu.memory_space<vmem>>
      %dma_wait3A_75 = arith.constant 0 : i32
      %dma_wait3A_76 = arith.constant 0 : i32
      %dma_wait3A_77 = tpu.memref_slice %arg8[%dma_wait3A_75, %dma_wait3A_76] : memref<10240x16xf32, #tpu.memory_space<vmem_shared>> -> memref<10240x16xf32, #tpu.memory_space<vmem_shared>>
      tpu.wait_indirect_dma semaphore(%arg9 : memref<!tpu.dma_semaphore, #tpu.memory_space<semaphore_mem>>) src(%arg7 : memref<128x16xf32, #tpu.memory_space<vmem>>) dst(%dma_wait3A_77 : memref<10240x16xf32, #tpu.memory_space<vmem_shared>>)
    }
    %scan3A_22 = arith.constant 39 : i32
    %dma_wait3A = arith.constant 0 : i32
    %dma_wait3A_23 = arith.constant 0 : i32
    %dma_wait3A_24 = tpu.memref_slice %arg6[%dma_wait3A, %dma_wait3A_23] : memref<80x128xi32, #tpu.memory_space<vmem>> -> memref<1x128xi32, #tpu.memory_space<vmem>>
    %dma_wait3A_25 = tpu.memref_squeeze %dma_wait3A_24 : memref<1x128xi32, #tpu.memory_space<vmem>> -> memref<128xi32, #tpu.memory_space<vmem>>
    %dma_wait3A_26 = arith.constant 0 : i32
    %dma_wait3A_27 = arith.constant 0 : i32
    %dma_wait3A_28 = tpu.memref_slice %arg8[%dma_wait3A_26, %dma_wait3A_27] : memref<10240x16xf32, #tpu.memory_space<vmem_shared>> -> memref<10240x16xf32, #tpu.memory_space<vmem_shared>>
    tpu.wait_indirect_dma semaphore(%arg9 : memref<!tpu.dma_semaphore, #tpu.memory_space<semaphore_mem>>) src(%arg7 : memref<128x16xf32, #tpu.memory_space<vmem>>) dst(%dma_wait3A_28 : memref<10240x16xf32, #tpu.memory_space<vmem_shared>>)
    %dma_wait3A_29 = arith.constant 0 : i32
    %dma_wait3A_30 = arith.constant 0 : i32
    %dma_wait3A_31 = tpu.memref_slice %arg6[%dma_wait3A_29, %dma_wait3A_30] : memref<80x128xi32, #tpu.memory_space<vmem>> -> memref<1x128xi32, #tpu.memory_space<vmem>>
    %dma_wait3A_32 = tpu.memref_squeeze %dma_wait3A_31 : memref<1x128xi32, #tpu.memory_space<vmem>> -> memref<128xi32, #tpu.memory_space<vmem>>
    %dma_wait3A_33 = arith.constant 0 : i32
    %dma_wait3A_34 = arith.constant 0 : i32
    %dma_wait3A_35 = tpu.memref_slice %arg8[%dma_wait3A_33, %dma_wait3A_34] : memref<10240x16xf32, #tpu.memory_space<vmem_shared>> -> memref<10240x16xf32, #tpu.memory_space<vmem_shared>>
    tpu.wait_indirect_dma semaphore(%arg9 : memref<!tpu.dma_semaphore, #tpu.memory_space<semaphore_mem>>) src(%arg7 : memref<128x16xf32, #tpu.memory_space<vmem>>) dst(%dma_wait3A_35 : memref<10240x16xf32, #tpu.memory_space<vmem_shared>>)
    %barrier3A_36 = arith.constant 0 : index
    tpu.barrier barrier_id(%barrier3A_36)
    %mul3A_37 = arith.constant 640 : i32
    %mul3A_38 = arith.muli %arg1, %mul3A_37 : i32
    %mul3A_39 = arith.constant 640 : i32
    %mul3A_40 = arith.muli %arg1, %mul3A_39 : i32
    "tpu.region"() ({
      %run_scoped3A = tpu.sem_alloc : memref<!tpu.dma_semaphore, #tpu.memory_space<semaphore_mem>>
      %dma_start3A_41 = arith.constant 0 : i32
      %dma_start3A_42 = tpu.memref_slice %arg5[%arg0, %mul3A_40, %dma_start3A_41] : memref<2x10240x16xf32, #tpu.memory_space<hbm>> -> memref<1x640x16xf32, #tpu.memory_space<hbm>>
      %dma_start3A_43 = tpu.memref_squeeze %dma_start3A_42 : memref<1x640x16xf32, #tpu.memory_space<hbm>> -> memref<640x16xf32, #tpu.memory_space<hbm>>
      %dma_start3A_44 = arith.constant 0 : i32
      %dma_start3A_45 = tpu.memref_slice %arg8[%mul3A_38, %dma_start3A_44] : memref<10240x16xf32, #tpu.memory_space<vmem_shared>> -> memref<640x16xf32, #tpu.memory_space<vmem_shared>>
      tpu.enqueue_dma source(%dma_start3A_45 : memref<640x16xf32, #tpu.memory_space<vmem_shared>>) target(%dma_start3A_43 : memref<640x16xf32, #tpu.memory_space<hbm>>) target_semaphore(%run_scoped3A : memref<!tpu.dma_semaphore, #tpu.memory_space<semaphore_mem>>)
      %dma_wait3A_46 = arith.constant 0 : i32
      %dma_wait3A_47 = tpu.memref_slice %arg5[%arg0, %mul3A_40, %dma_wait3A_46] : memref<2x10240x16xf32, #tpu.memory_space<hbm>> -> memref<1x640x16xf32, #tpu.memory_space<hbm>>
      %dma_wait3A_48 = tpu.memref_squeeze %dma_wait3A_47 : memref<1x640x16xf32, #tpu.memory_space<hbm>> -> memref<640x16xf32, #tpu.memory_space<hbm>>
      %dma_wait3A_49 = arith.constant 0 : i32
      %dma_wait3A_50 = tpu.memref_slice %arg8[%mul3A_38, %dma_wait3A_49] : memref<10240x16xf32, #tpu.memory_space<vmem_shared>> -> memref<640x16xf32, #tpu.memory_space<vmem_shared>>
      tpu.wait_dma2 semaphore(%run_scoped3A : memref<!tpu.dma_semaphore, #tpu.memory_space<semaphore_mem>>) src(%dma_wait3A_50 : memref<640x16xf32, #tpu.memory_space<vmem_shared>>) dst(%dma_wait3A_48 : memref<640x16xf32, #tpu.memory_space<hbm>>)
      tpu.yield
    }) : () -> ()
    return
  }
}

#map = affine_map<(d0, d1) -> (0, 0)>
#map1 = affine_map<(d0, d1) -> (0, 0, 0)>
module attributes {stable_mosaic.version = 14 : i64} {
  func.func @_sc_scatter_c(%arg0: i32, %arg1: i32, %arg2: memref<10000x16xf32, #tpu.memory_space<hbm>>, %arg3: memref<32x80x128xi32, #tpu.memory_space<hbm>>, %arg4: memref<32x80x128xi32, #tpu.memory_space<hbm>>, %arg5: memref<10240x16xf32, #tpu.memory_space<hbm>>, %arg6: memref<2x10240x16xf32, #tpu.memory_space<hbm>>, %arg7: memref<80x128xi32, #tpu.memory_space<vmem>>, %arg8: memref<80x128xi32, #tpu.memory_space<vmem>>, %arg9: memref<128x16xf32, #tpu.memory_space<vmem>>, %arg10: memref<128x16xf32, #tpu.memory_space<vmem>>, %arg11: memref<128x16xf32, #tpu.memory_space<vmem>>, %arg12: memref<128x16xf32, #tpu.memory_space<vmem>>, %arg13: memref<10240x16xf32, #tpu.memory_space<vmem_shared>>, %arg14: memref<!tpu.dma_semaphore, #tpu.memory_space<semaphore_mem>>, %arg15: memref<!tpu.dma_semaphore, #tpu.memory_space<semaphore_mem>>, %arg16: memref<!tpu.dma_semaphore, #tpu.memory_space<semaphore_mem>>, %arg17: memref<!tpu.dma_semaphore, #tpu.memory_space<semaphore_mem>>) attributes {dimension_semantics = [#tpu.dimension_semantics<core_parallel>, #tpu.dimension_semantics<subcore_parallel>], iteration_bounds = array<i64: 2, 16>, scalar_prefetch = 0 : i64, scratch_operands = 11 : i64, tpu.core_type = #tpu.core_type<sc_vector_subcore>, window_params = [{transform_indices = #map}, {transform_indices = #map1}, {transform_indices = #map1}, {transform_indices = #map}, {transform_indices = #map1}]} {
    %mul3A = arith.constant 16 : i32
    %mul3A_0 = arith.muli %arg0, %mul3A : i32
    %add3A = arith.addi %mul3A_0, %arg1 : i32
    "tpu.region"() ({
      %run_scoped3A = tpu.sem_alloc : memref<!tpu.dma_semaphore, #tpu.memory_space<semaphore_mem>>
      %dma_start3A_41 = arith.constant 0 : i32
      %dma_start3A_42 = arith.constant 0 : i32
      %dma_start3A_43 = tpu.memref_slice %arg3[%add3A, %dma_start3A_41, %dma_start3A_42] : memref<32x80x128xi32, #tpu.memory_space<hbm>> -> memref<1x80x128xi32, #tpu.memory_space<hbm>>
      %dma_start3A_44 = tpu.memref_squeeze %dma_start3A_43 : memref<1x80x128xi32, #tpu.memory_space<hbm>> -> memref<80x128xi32, #tpu.memory_space<hbm>>
      %dma_start3A_45 = arith.constant 0 : i32
      %dma_start3A_46 = arith.constant 0 : i32
      %dma_start3A_47 = tpu.memref_slice %arg3[%add3A, %dma_start3A_45, %dma_start3A_46] : memref<32x80x128xi32, #tpu.memory_space<hbm>> -> memref<1x80x128xi32, #tpu.memory_space<hbm>>
      %dma_start3A_48 = tpu.memref_squeeze %dma_start3A_47 : memref<1x80x128xi32, #tpu.memory_space<hbm>> -> memref<80x128xi32, #tpu.memory_space<hbm>>
      tpu.enqueue_dma source(%dma_start3A_48 : memref<80x128xi32, #tpu.memory_space<hbm>>) target(%arg7 : memref<80x128xi32, #tpu.memory_space<vmem>>) target_semaphore(%run_scoped3A : memref<!tpu.dma_semaphore, #tpu.memory_space<semaphore_mem>>)
      %dma_wait3A_49 = arith.constant 0 : i32
      %dma_wait3A_50 = arith.constant 0 : i32
      %dma_wait3A_51 = tpu.memref_slice %arg3[%add3A, %dma_wait3A_49, %dma_wait3A_50] : memref<32x80x128xi32, #tpu.memory_space<hbm>> -> memref<1x80x128xi32, #tpu.memory_space<hbm>>
      %dma_wait3A_52 = tpu.memref_squeeze %dma_wait3A_51 : memref<1x80x128xi32, #tpu.memory_space<hbm>> -> memref<80x128xi32, #tpu.memory_space<hbm>>
      %dma_wait3A_53 = arith.constant 0 : i32
      %dma_wait3A_54 = arith.constant 0 : i32
      %dma_wait3A_55 = tpu.memref_slice %arg3[%add3A, %dma_wait3A_53, %dma_wait3A_54] : memref<32x80x128xi32, #tpu.memory_space<hbm>> -> memref<1x80x128xi32, #tpu.memory_space<hbm>>
      %dma_wait3A_56 = tpu.memref_squeeze %dma_wait3A_55 : memref<1x80x128xi32, #tpu.memory_space<hbm>> -> memref<80x128xi32, #tpu.memory_space<hbm>>
      tpu.wait_dma2 semaphore(%run_scoped3A : memref<!tpu.dma_semaphore, #tpu.memory_space<semaphore_mem>>) src(%dma_wait3A_56 : memref<80x128xi32, #tpu.memory_space<hbm>>) dst(%arg7 : memref<80x128xi32, #tpu.memory_space<vmem>>)
      tpu.yield
    }) : () -> ()
    "tpu.region"() ({
      %run_scoped3A = tpu.sem_alloc : memref<!tpu.dma_semaphore, #tpu.memory_space<semaphore_mem>>
      %dma_start3A_41 = arith.constant 0 : i32
      %dma_start3A_42 = arith.constant 0 : i32
      %dma_start3A_43 = tpu.memref_slice %arg4[%add3A, %dma_start3A_41, %dma_start3A_42] : memref<32x80x128xi32, #tpu.memory_space<hbm>> -> memref<1x80x128xi32, #tpu.memory_space<hbm>>
      %dma_start3A_44 = tpu.memref_squeeze %dma_start3A_43 : memref<1x80x128xi32, #tpu.memory_space<hbm>> -> memref<80x128xi32, #tpu.memory_space<hbm>>
      %dma_start3A_45 = arith.constant 0 : i32
      %dma_start3A_46 = arith.constant 0 : i32
      %dma_start3A_47 = tpu.memref_slice %arg4[%add3A, %dma_start3A_45, %dma_start3A_46] : memref<32x80x128xi32, #tpu.memory_space<hbm>> -> memref<1x80x128xi32, #tpu.memory_space<hbm>>
      %dma_start3A_48 = tpu.memref_squeeze %dma_start3A_47 : memref<1x80x128xi32, #tpu.memory_space<hbm>> -> memref<80x128xi32, #tpu.memory_space<hbm>>
      tpu.enqueue_dma source(%dma_start3A_48 : memref<80x128xi32, #tpu.memory_space<hbm>>) target(%arg8 : memref<80x128xi32, #tpu.memory_space<vmem>>) target_semaphore(%run_scoped3A : memref<!tpu.dma_semaphore, #tpu.memory_space<semaphore_mem>>)
      %dma_wait3A_49 = arith.constant 0 : i32
      %dma_wait3A_50 = arith.constant 0 : i32
      %dma_wait3A_51 = tpu.memref_slice %arg4[%add3A, %dma_wait3A_49, %dma_wait3A_50] : memref<32x80x128xi32, #tpu.memory_space<hbm>> -> memref<1x80x128xi32, #tpu.memory_space<hbm>>
      %dma_wait3A_52 = tpu.memref_squeeze %dma_wait3A_51 : memref<1x80x128xi32, #tpu.memory_space<hbm>> -> memref<80x128xi32, #tpu.memory_space<hbm>>
      %dma_wait3A_53 = arith.constant 0 : i32
      %dma_wait3A_54 = arith.constant 0 : i32
      %dma_wait3A_55 = tpu.memref_slice %arg4[%add3A, %dma_wait3A_53, %dma_wait3A_54] : memref<32x80x128xi32, #tpu.memory_space<hbm>> -> memref<1x80x128xi32, #tpu.memory_space<hbm>>
      %dma_wait3A_56 = tpu.memref_squeeze %dma_wait3A_55 : memref<1x80x128xi32, #tpu.memory_space<hbm>> -> memref<80x128xi32, #tpu.memory_space<hbm>>
      tpu.wait_dma2 semaphore(%run_scoped3A : memref<!tpu.dma_semaphore, #tpu.memory_space<semaphore_mem>>) src(%dma_wait3A_56 : memref<80x128xi32, #tpu.memory_space<hbm>>) dst(%arg8 : memref<80x128xi32, #tpu.memory_space<vmem>>)
      tpu.yield
    }) : () -> ()
    %mul3A_1 = arith.constant 640 : i32
    %mul3A_2 = arith.muli %arg1, %mul3A_1 : i32
    %mul3A_3 = arith.constant 640 : i32
    %mul3A_4 = arith.muli %arg1, %mul3A_3 : i32
    "tpu.region"() ({
      %run_scoped3A = tpu.sem_alloc : memref<!tpu.dma_semaphore, #tpu.memory_space<semaphore_mem>>
      %dma_start3A_41 = arith.constant 0 : i32
      %dma_start3A_42 = tpu.memref_slice %arg13[%mul3A_4, %dma_start3A_41] : memref<10240x16xf32, #tpu.memory_space<vmem_shared>> -> memref<640x16xf32, #tpu.memory_space<vmem_shared>>
      %dma_start3A_43 = arith.constant 0 : i32
      %dma_start3A_44 = tpu.memref_slice %arg5[%mul3A_2, %dma_start3A_43] : memref<10240x16xf32, #tpu.memory_space<hbm>> -> memref<640x16xf32, #tpu.memory_space<hbm>>
      tpu.enqueue_dma source(%dma_start3A_44 : memref<640x16xf32, #tpu.memory_space<hbm>>) target(%dma_start3A_42 : memref<640x16xf32, #tpu.memory_space<vmem_shared>>) target_semaphore(%run_scoped3A : memref<!tpu.dma_semaphore, #tpu.memory_space<semaphore_mem>>)
      %dma_wait3A_45 = arith.constant 0 : i32
      %dma_wait3A_46 = tpu.memref_slice %arg13[%mul3A_4, %dma_wait3A_45] : memref<10240x16xf32, #tpu.memory_space<vmem_shared>> -> memref<640x16xf32, #tpu.memory_space<vmem_shared>>
      %dma_wait3A_47 = arith.constant 0 : i32
      %dma_wait3A_48 = tpu.memref_slice %arg5[%mul3A_2, %dma_wait3A_47] : memref<10240x16xf32, #tpu.memory_space<hbm>> -> memref<640x16xf32, #tpu.memory_space<hbm>>
      tpu.wait_dma2 semaphore(%run_scoped3A : memref<!tpu.dma_semaphore, #tpu.memory_space<semaphore_mem>>) src(%dma_wait3A_48 : memref<640x16xf32, #tpu.memory_space<hbm>>) dst(%dma_wait3A_46 : memref<640x16xf32, #tpu.memory_space<vmem_shared>>)
      tpu.yield
    }) : () -> ()
    %barrier3A = arith.constant 0 : index
    tpu.barrier barrier_id(%barrier3A)
    %dma_start3A = arith.constant 0 : i32
    %dma_start3A_5 = arith.constant 0 : i32
    %dma_start3A_6 = tpu.memref_slice %arg7[%dma_start3A, %dma_start3A_5] : memref<80x128xi32, #tpu.memory_space<vmem>> -> memref<1x128xi32, #tpu.memory_space<vmem>>
    %dma_start3A_7 = tpu.memref_squeeze %dma_start3A_6 : memref<1x128xi32, #tpu.memory_space<vmem>> -> memref<128xi32, #tpu.memory_space<vmem>>
    %dma_start3A_8 = arith.constant 0 : i32
    %dma_start3A_9 = arith.constant 0 : i32
    %dma_start3A_10 = tpu.memref_slice %arg2[%dma_start3A_8, %dma_start3A_9] : memref<10000x16xf32, #tpu.memory_space<hbm>> -> memref<10000x16xf32, #tpu.memory_space<hbm>>
    tpu.enqueue_indirect_dma source(%dma_start3A_10 : memref<10000x16xf32, #tpu.memory_space<hbm>>) target(%arg9 : memref<128x16xf32, #tpu.memory_space<vmem>>) offsets(%dma_start3A_7 : memref<128xi32, #tpu.memory_space<vmem>>) semaphore(%arg14 : memref<!tpu.dma_semaphore, #tpu.memory_space<semaphore_mem>>)
    %dma_start3A_11 = arith.constant 1 : i32
    %dma_start3A_12 = arith.constant 0 : i32
    %dma_start3A_13 = tpu.memref_slice %arg7[%dma_start3A_11, %dma_start3A_12] : memref<80x128xi32, #tpu.memory_space<vmem>> -> memref<1x128xi32, #tpu.memory_space<vmem>>
    %dma_start3A_14 = tpu.memref_squeeze %dma_start3A_13 : memref<1x128xi32, #tpu.memory_space<vmem>> -> memref<128xi32, #tpu.memory_space<vmem>>
    %dma_start3A_15 = arith.constant 0 : i32
    %dma_start3A_16 = arith.constant 0 : i32
    %dma_start3A_17 = tpu.memref_slice %arg2[%dma_start3A_15, %dma_start3A_16] : memref<10000x16xf32, #tpu.memory_space<hbm>> -> memref<10000x16xf32, #tpu.memory_space<hbm>>
    tpu.enqueue_indirect_dma source(%dma_start3A_17 : memref<10000x16xf32, #tpu.memory_space<hbm>>) target(%arg10 : memref<128x16xf32, #tpu.memory_space<vmem>>) offsets(%dma_start3A_14 : memref<128xi32, #tpu.memory_space<vmem>>) semaphore(%arg14 : memref<!tpu.dma_semaphore, #tpu.memory_space<semaphore_mem>>)
    %scan3A = arith.constant 0 : i32
    %scan3A_18 = arith.constant 0 : i32
    %scan3A_19 = arith.constant 20 : i32
    %scan3A_20 = arith.addi %scan3A_18, %scan3A_19 : i32
    %scan3A_21 = arith.constant 1 : i32
    scf.for %scan3A_41 = %scan3A_18 to %scan3A_20 step %scan3A_21  : i32 {
      %mul3A_42 = arith.constant 2 : i32
      %mul3A_43 = arith.muli %scan3A_41, %mul3A_42 : i32
      %mul3A_44 = arith.constant 2 : i32
      %mul3A_45 = arith.muli %mul3A_43, %mul3A_44 : i32
      %gt3A = arith.constant 0 : i32
      %gt3A_46 = arith.cmpi sgt, %scan3A_41, %gt3A : i32
      %convert_element_type3A = arith.extui %gt3A_46 : i1 to i32
      %cond3A = arith.constant 0 : i32
      %cond3A_47 = arith.cmpi ne, %convert_element_type3A, %cond3A : i32
      scf.if %cond3A_47 {
        %dma_wait3A_146 = arith.constant 0 : i32
        %dma_wait3A_147 = arith.constant 0 : i32
        %dma_wait3A_148 = tpu.memref_slice %arg8[%dma_wait3A_146, %dma_wait3A_147] : memref<80x128xi32, #tpu.memory_space<vmem>> -> memref<1x128xi32, #tpu.memory_space<vmem>>
        %dma_wait3A_149 = tpu.memref_squeeze %dma_wait3A_148 : memref<1x128xi32, #tpu.memory_space<vmem>> -> memref<128xi32, #tpu.memory_space<vmem>>
        %dma_wait3A_150 = arith.constant 0 : i32
        %dma_wait3A_151 = arith.constant 0 : i32
        %dma_wait3A_152 = tpu.memref_slice %arg13[%dma_wait3A_150, %dma_wait3A_151] : memref<10240x16xf32, #tpu.memory_space<vmem_shared>> -> memref<10240x16xf32, #tpu.memory_space<vmem_shared>>
        tpu.wait_indirect_dma semaphore(%arg17 : memref<!tpu.dma_semaphore, #tpu.memory_space<semaphore_mem>>) src(%arg11 : memref<128x16xf32, #tpu.memory_space<vmem>>) dst(%dma_wait3A_152 : memref<10240x16xf32, #tpu.memory_space<vmem_shared>>)
        %dma_wait3A_153 = arith.constant 0 : i32
        %dma_wait3A_154 = arith.constant 0 : i32
        %dma_wait3A_155 = tpu.memref_slice %arg8[%dma_wait3A_153, %dma_wait3A_154] : memref<80x128xi32, #tpu.memory_space<vmem>> -> memref<1x128xi32, #tpu.memory_space<vmem>>
        %dma_wait3A_156 = tpu.memref_squeeze %dma_wait3A_155 : memref<1x128xi32, #tpu.memory_space<vmem>> -> memref<128xi32, #tpu.memory_space<vmem>>
        %dma_wait3A_157 = arith.constant 0 : i32
        %dma_wait3A_158 = arith.constant 0 : i32
        %dma_wait3A_159 = tpu.memref_slice %arg13[%dma_wait3A_157, %dma_wait3A_158] : memref<10240x16xf32, #tpu.memory_space<vmem_shared>> -> memref<10240x16xf32, #tpu.memory_space<vmem_shared>>
        tpu.wait_indirect_dma semaphore(%arg17 : memref<!tpu.dma_semaphore, #tpu.memory_space<semaphore_mem>>) src(%arg12 : memref<128x16xf32, #tpu.memory_space<vmem>>) dst(%dma_wait3A_159 : memref<10240x16xf32, #tpu.memory_space<vmem_shared>>)
      } else {
      }
      %add3A_48 = arith.constant 2 : i32
      %add3A_49 = arith.addi %mul3A_45, %add3A_48 : i32
      %add3A_50 = arith.constant 0 : i32
      %add3A_51 = arith.addi %add3A_49, %add3A_50 : i32
      %dma_start3A_52 = arith.constant 0 : i32
      %dma_start3A_53 = tpu.memref_slice %arg7[%add3A_51, %dma_start3A_52] : memref<80x128xi32, #tpu.memory_space<vmem>> -> memref<1x128xi32, #tpu.memory_space<vmem>>
      %dma_start3A_54 = tpu.memref_squeeze %dma_start3A_53 : memref<1x128xi32, #tpu.memory_space<vmem>> -> memref<128xi32, #tpu.memory_space<vmem>>
      %dma_start3A_55 = arith.constant 0 : i32
      %dma_start3A_56 = arith.constant 0 : i32
      %dma_start3A_57 = tpu.memref_slice %arg2[%dma_start3A_55, %dma_start3A_56] : memref<10000x16xf32, #tpu.memory_space<hbm>> -> memref<10000x16xf32, #tpu.memory_space<hbm>>
      tpu.enqueue_indirect_dma source(%dma_start3A_57 : memref<10000x16xf32, #tpu.memory_space<hbm>>) target(%arg11 : memref<128x16xf32, #tpu.memory_space<vmem>>) offsets(%dma_start3A_54 : memref<128xi32, #tpu.memory_space<vmem>>) semaphore(%arg15 : memref<!tpu.dma_semaphore, #tpu.memory_space<semaphore_mem>>)
      %add3A_58 = arith.constant 1 : i32
      %add3A_59 = arith.addi %add3A_49, %add3A_58 : i32
      %dma_start3A_60 = arith.constant 0 : i32
      %dma_start3A_61 = tpu.memref_slice %arg7[%add3A_59, %dma_start3A_60] : memref<80x128xi32, #tpu.memory_space<vmem>> -> memref<1x128xi32, #tpu.memory_space<vmem>>
      %dma_start3A_62 = tpu.memref_squeeze %dma_start3A_61 : memref<1x128xi32, #tpu.memory_space<vmem>> -> memref<128xi32, #tpu.memory_space<vmem>>
      %dma_start3A_63 = arith.constant 0 : i32
      %dma_start3A_64 = arith.constant 0 : i32
      %dma_start3A_65 = tpu.memref_slice %arg2[%dma_start3A_63, %dma_start3A_64] : memref<10000x16xf32, #tpu.memory_space<hbm>> -> memref<10000x16xf32, #tpu.memory_space<hbm>>
      tpu.enqueue_indirect_dma source(%dma_start3A_65 : memref<10000x16xf32, #tpu.memory_space<hbm>>) target(%arg12 : memref<128x16xf32, #tpu.memory_space<vmem>>) offsets(%dma_start3A_62 : memref<128xi32, #tpu.memory_space<vmem>>) semaphore(%arg15 : memref<!tpu.dma_semaphore, #tpu.memory_space<semaphore_mem>>)
      %dma_wait3A_66 = arith.constant 0 : i32
      %dma_wait3A_67 = arith.constant 0 : i32
      %dma_wait3A_68 = tpu.memref_slice %arg7[%dma_wait3A_66, %dma_wait3A_67] : memref<80x128xi32, #tpu.memory_space<vmem>> -> memref<1x128xi32, #tpu.memory_space<vmem>>
      %dma_wait3A_69 = tpu.memref_squeeze %dma_wait3A_68 : memref<1x128xi32, #tpu.memory_space<vmem>> -> memref<128xi32, #tpu.memory_space<vmem>>
      %dma_wait3A_70 = arith.constant 0 : i32
      %dma_wait3A_71 = arith.constant 0 : i32
      %dma_wait3A_72 = tpu.memref_slice %arg2[%dma_wait3A_70, %dma_wait3A_71] : memref<10000x16xf32, #tpu.memory_space<hbm>> -> memref<10000x16xf32, #tpu.memory_space<hbm>>
      tpu.wait_indirect_dma semaphore(%arg14 : memref<!tpu.dma_semaphore, #tpu.memory_space<semaphore_mem>>) src(%dma_wait3A_72 : memref<10000x16xf32, #tpu.memory_space<hbm>>) dst(%arg9 : memref<128x16xf32, #tpu.memory_space<vmem>>)
      %dma_wait3A_73 = arith.constant 0 : i32
      %dma_wait3A_74 = arith.constant 0 : i32
      %dma_wait3A_75 = tpu.memref_slice %arg7[%dma_wait3A_73, %dma_wait3A_74] : memref<80x128xi32, #tpu.memory_space<vmem>> -> memref<1x128xi32, #tpu.memory_space<vmem>>
      %dma_wait3A_76 = tpu.memref_squeeze %dma_wait3A_75 : memref<1x128xi32, #tpu.memory_space<vmem>> -> memref<128xi32, #tpu.memory_space<vmem>>
      %dma_wait3A_77 = arith.constant 0 : i32
      %dma_wait3A_78 = arith.constant 0 : i32
      %dma_wait3A_79 = tpu.memref_slice %arg2[%dma_wait3A_77, %dma_wait3A_78] : memref<10000x16xf32, #tpu.memory_space<hbm>> -> memref<10000x16xf32, #tpu.memory_space<hbm>>
      tpu.wait_indirect_dma semaphore(%arg14 : memref<!tpu.dma_semaphore, #tpu.memory_space<semaphore_mem>>) src(%dma_wait3A_79 : memref<10000x16xf32, #tpu.memory_space<hbm>>) dst(%arg10 : memref<128x16xf32, #tpu.memory_space<vmem>>)
      %add3A_80 = arith.constant 0 : i32
      %add3A_81 = arith.addi %mul3A_45, %add3A_80 : i32
      %dma_start3A_82 = arith.constant 0 : i32
      %dma_start3A_83 = tpu.memref_slice %arg8[%add3A_81, %dma_start3A_82] : memref<80x128xi32, #tpu.memory_space<vmem>> -> memref<1x128xi32, #tpu.memory_space<vmem>>
      %dma_start3A_84 = tpu.memref_squeeze %dma_start3A_83 : memref<1x128xi32, #tpu.memory_space<vmem>> -> memref<128xi32, #tpu.memory_space<vmem>>
      %dma_start3A_85 = arith.constant 0 : i32
      %dma_start3A_86 = arith.constant 0 : i32
      %dma_start3A_87 = tpu.memref_slice %arg13[%dma_start3A_85, %dma_start3A_86] : memref<10240x16xf32, #tpu.memory_space<vmem_shared>> -> memref<10240x16xf32, #tpu.memory_space<vmem_shared>>
      tpu.enqueue_indirect_dma source(%arg9 : memref<128x16xf32, #tpu.memory_space<vmem>>) target(%dma_start3A_87 : memref<10240x16xf32, #tpu.memory_space<vmem_shared>>) offsets(%dma_start3A_84 : memref<128xi32, #tpu.memory_space<vmem>>) semaphore(%arg16 : memref<!tpu.dma_semaphore, #tpu.memory_space<semaphore_mem>>) {add = true}
      %add3A_88 = arith.constant 1 : i32
      %add3A_89 = arith.addi %mul3A_45, %add3A_88 : i32
      %dma_start3A_90 = arith.constant 0 : i32
      %dma_start3A_91 = tpu.memref_slice %arg8[%add3A_89, %dma_start3A_90] : memref<80x128xi32, #tpu.memory_space<vmem>> -> memref<1x128xi32, #tpu.memory_space<vmem>>
      %dma_start3A_92 = tpu.memref_squeeze %dma_start3A_91 : memref<1x128xi32, #tpu.memory_space<vmem>> -> memref<128xi32, #tpu.memory_space<vmem>>
      %dma_start3A_93 = arith.constant 0 : i32
      %dma_start3A_94 = arith.constant 0 : i32
      %dma_start3A_95 = tpu.memref_slice %arg13[%dma_start3A_93, %dma_start3A_94] : memref<10240x16xf32, #tpu.memory_space<vmem_shared>> -> memref<10240x16xf32, #tpu.memory_space<vmem_shared>>
      tpu.enqueue_indirect_dma source(%arg10 : memref<128x16xf32, #tpu.memory_space<vmem>>) target(%dma_start3A_95 : memref<10240x16xf32, #tpu.memory_space<vmem_shared>>) offsets(%dma_start3A_92 : memref<128xi32, #tpu.memory_space<vmem>>) semaphore(%arg16 : memref<!tpu.dma_semaphore, #tpu.memory_space<semaphore_mem>>) {add = true}
      %dma_wait3A_96 = arith.constant 0 : i32
      %dma_wait3A_97 = arith.constant 0 : i32
      %dma_wait3A_98 = tpu.memref_slice %arg8[%dma_wait3A_96, %dma_wait3A_97] : memref<80x128xi32, #tpu.memory_space<vmem>> -> memref<1x128xi32, #tpu.memory_space<vmem>>
      %dma_wait3A_99 = tpu.memref_squeeze %dma_wait3A_98 : memref<1x128xi32, #tpu.memory_space<vmem>> -> memref<128xi32, #tpu.memory_space<vmem>>
      %dma_wait3A_100 = arith.constant 0 : i32
      %dma_wait3A_101 = arith.constant 0 : i32
      %dma_wait3A_102 = tpu.memref_slice %arg13[%dma_wait3A_100, %dma_wait3A_101] : memref<10240x16xf32, #tpu.memory_space<vmem_shared>> -> memref<10240x16xf32, #tpu.memory_space<vmem_shared>>
      tpu.wait_indirect_dma semaphore(%arg16 : memref<!tpu.dma_semaphore, #tpu.memory_space<semaphore_mem>>) src(%arg9 : memref<128x16xf32, #tpu.memory_space<vmem>>) dst(%dma_wait3A_102 : memref<10240x16xf32, #tpu.memory_space<vmem_shared>>)
      %dma_wait3A_103 = arith.constant 0 : i32
      %dma_wait3A_104 = arith.constant 0 : i32
      %dma_wait3A_105 = tpu.memref_slice %arg8[%dma_wait3A_103, %dma_wait3A_104] : memref<80x128xi32, #tpu.memory_space<vmem>> -> memref<1x128xi32, #tpu.memory_space<vmem>>
      %dma_wait3A_106 = tpu.memref_squeeze %dma_wait3A_105 : memref<1x128xi32, #tpu.memory_space<vmem>> -> memref<128xi32, #tpu.memory_space<vmem>>
      %dma_wait3A_107 = arith.constant 0 : i32
      %dma_wait3A_108 = arith.constant 0 : i32
      %dma_wait3A_109 = tpu.memref_slice %arg13[%dma_wait3A_107, %dma_wait3A_108] : memref<10240x16xf32, #tpu.memory_space<vmem_shared>> -> memref<10240x16xf32, #tpu.memory_space<vmem_shared>>
      tpu.wait_indirect_dma semaphore(%arg16 : memref<!tpu.dma_semaphore, #tpu.memory_space<semaphore_mem>>) src(%arg10 : memref<128x16xf32, #tpu.memory_space<vmem>>) dst(%dma_wait3A_109 : memref<10240x16xf32, #tpu.memory_space<vmem_shared>>)
      %lt3A = arith.constant 19 : i32
      %lt3A_110 = arith.cmpi slt, %scan3A_41, %lt3A : i32
      %convert_element_type3A_111 = arith.extui %lt3A_110 : i1 to i32
      %cond3A_112 = arith.constant 0 : i32
      %cond3A_113 = arith.cmpi ne, %convert_element_type3A_111, %cond3A_112 : i32
      scf.if %cond3A_113 {
        %add3A_146 = arith.constant 4 : i32
        %add3A_147 = arith.addi %mul3A_45, %add3A_146 : i32
        %add3A_148 = arith.constant 0 : i32
        %add3A_149 = arith.addi %add3A_147, %add3A_148 : i32
        %dma_start3A_150 = arith.constant 0 : i32
        %dma_start3A_151 = tpu.memref_slice %arg7[%add3A_149, %dma_start3A_150] : memref<80x128xi32, #tpu.memory_space<vmem>> -> memref<1x128xi32, #tpu.memory_space<vmem>>
        %dma_start3A_152 = tpu.memref_squeeze %dma_start3A_151 : memref<1x128xi32, #tpu.memory_space<vmem>> -> memref<128xi32, #tpu.memory_space<vmem>>
        %dma_start3A_153 = arith.constant 0 : i32
        %dma_start3A_154 = arith.constant 0 : i32
        %dma_start3A_155 = tpu.memref_slice %arg2[%dma_start3A_153, %dma_start3A_154] : memref<10000x16xf32, #tpu.memory_space<hbm>> -> memref<10000x16xf32, #tpu.memory_space<hbm>>
        tpu.enqueue_indirect_dma source(%dma_start3A_155 : memref<10000x16xf32, #tpu.memory_space<hbm>>) target(%arg9 : memref<128x16xf32, #tpu.memory_space<vmem>>) offsets(%dma_start3A_152 : memref<128xi32, #tpu.memory_space<vmem>>) semaphore(%arg14 : memref<!tpu.dma_semaphore, #tpu.memory_space<semaphore_mem>>)
        %add3A_156 = arith.constant 1 : i32
        %add3A_157 = arith.addi %add3A_147, %add3A_156 : i32
        %dma_start3A_158 = arith.constant 0 : i32
        %dma_start3A_159 = tpu.memref_slice %arg7[%add3A_157, %dma_start3A_158] : memref<80x128xi32, #tpu.memory_space<vmem>> -> memref<1x128xi32, #tpu.memory_space<vmem>>
        %dma_start3A_160 = tpu.memref_squeeze %dma_start3A_159 : memref<1x128xi32, #tpu.memory_space<vmem>> -> memref<128xi32, #tpu.memory_space<vmem>>
        %dma_start3A_161 = arith.constant 0 : i32
        %dma_start3A_162 = arith.constant 0 : i32
        %dma_start3A_163 = tpu.memref_slice %arg2[%dma_start3A_161, %dma_start3A_162] : memref<10000x16xf32, #tpu.memory_space<hbm>> -> memref<10000x16xf32, #tpu.memory_space<hbm>>
        tpu.enqueue_indirect_dma source(%dma_start3A_163 : memref<10000x16xf32, #tpu.memory_space<hbm>>) target(%arg10 : memref<128x16xf32, #tpu.memory_space<vmem>>) offsets(%dma_start3A_160 : memref<128xi32, #tpu.memory_space<vmem>>) semaphore(%arg14 : memref<!tpu.dma_semaphore, #tpu.memory_space<semaphore_mem>>)
      } else {
      }
      %dma_wait3A_114 = arith.constant 0 : i32
      %dma_wait3A_115 = arith.constant 0 : i32
      %dma_wait3A_116 = tpu.memref_slice %arg7[%dma_wait3A_114, %dma_wait3A_115] : memref<80x128xi32, #tpu.memory_space<vmem>> -> memref<1x128xi32, #tpu.memory_space<vmem>>
      %dma_wait3A_117 = tpu.memref_squeeze %dma_wait3A_116 : memref<1x128xi32, #tpu.memory_space<vmem>> -> memref<128xi32, #tpu.memory_space<vmem>>
      %dma_wait3A_118 = arith.constant 0 : i32
      %dma_wait3A_119 = arith.constant 0 : i32
      %dma_wait3A_120 = tpu.memref_slice %arg2[%dma_wait3A_118, %dma_wait3A_119] : memref<10000x16xf32, #tpu.memory_space<hbm>> -> memref<10000x16xf32, #tpu.memory_space<hbm>>
      tpu.wait_indirect_dma semaphore(%arg15 : memref<!tpu.dma_semaphore, #tpu.memory_space<semaphore_mem>>) src(%dma_wait3A_120 : memref<10000x16xf32, #tpu.memory_space<hbm>>) dst(%arg11 : memref<128x16xf32, #tpu.memory_space<vmem>>)
      %dma_wait3A_121 = arith.constant 0 : i32
      %dma_wait3A_122 = arith.constant 0 : i32
      %dma_wait3A_123 = tpu.memref_slice %arg7[%dma_wait3A_121, %dma_wait3A_122] : memref<80x128xi32, #tpu.memory_space<vmem>> -> memref<1x128xi32, #tpu.memory_space<vmem>>
      %dma_wait3A_124 = tpu.memref_squeeze %dma_wait3A_123 : memref<1x128xi32, #tpu.memory_space<vmem>> -> memref<128xi32, #tpu.memory_space<vmem>>
      %dma_wait3A_125 = arith.constant 0 : i32
      %dma_wait3A_126 = arith.constant 0 : i32
      %dma_wait3A_127 = tpu.memref_slice %arg2[%dma_wait3A_125, %dma_wait3A_126] : memref<10000x16xf32, #tpu.memory_space<hbm>> -> memref<10000x16xf32, #tpu.memory_space<hbm>>
      tpu.wait_indirect_dma semaphore(%arg15 : memref<!tpu.dma_semaphore, #tpu.memory_space<semaphore_mem>>) src(%dma_wait3A_127 : memref<10000x16xf32, #tpu.memory_space<hbm>>) dst(%arg12 : memref<128x16xf32, #tpu.memory_space<vmem>>)
      %add3A_128 = arith.constant 2 : i32
      %add3A_129 = arith.addi %mul3A_45, %add3A_128 : i32
      %add3A_130 = arith.constant 0 : i32
      %add3A_131 = arith.addi %add3A_129, %add3A_130 : i32
      %dma_start3A_132 = arith.constant 0 : i32
      %dma_start3A_133 = tpu.memref_slice %arg8[%add3A_131, %dma_start3A_132] : memref<80x128xi32, #tpu.memory_space<vmem>> -> memref<1x128xi32, #tpu.memory_space<vmem>>
      %dma_start3A_134 = tpu.memref_squeeze %dma_start3A_133 : memref<1x128xi32, #tpu.memory_space<vmem>> -> memref<128xi32, #tpu.memory_space<vmem>>
      %dma_start3A_135 = arith.constant 0 : i32
      %dma_start3A_136 = arith.constant 0 : i32
      %dma_start3A_137 = tpu.memref_slice %arg13[%dma_start3A_135, %dma_start3A_136] : memref<10240x16xf32, #tpu.memory_space<vmem_shared>> -> memref<10240x16xf32, #tpu.memory_space<vmem_shared>>
      tpu.enqueue_indirect_dma source(%arg11 : memref<128x16xf32, #tpu.memory_space<vmem>>) target(%dma_start3A_137 : memref<10240x16xf32, #tpu.memory_space<vmem_shared>>) offsets(%dma_start3A_134 : memref<128xi32, #tpu.memory_space<vmem>>) semaphore(%arg17 : memref<!tpu.dma_semaphore, #tpu.memory_space<semaphore_mem>>) {add = true}
      %add3A_138 = arith.constant 1 : i32
      %add3A_139 = arith.addi %add3A_129, %add3A_138 : i32
      %dma_start3A_140 = arith.constant 0 : i32
      %dma_start3A_141 = tpu.memref_slice %arg8[%add3A_139, %dma_start3A_140] : memref<80x128xi32, #tpu.memory_space<vmem>> -> memref<1x128xi32, #tpu.memory_space<vmem>>
      %dma_start3A_142 = tpu.memref_squeeze %dma_start3A_141 : memref<1x128xi32, #tpu.memory_space<vmem>> -> memref<128xi32, #tpu.memory_space<vmem>>
      %dma_start3A_143 = arith.constant 0 : i32
      %dma_start3A_144 = arith.constant 0 : i32
      %dma_start3A_145 = tpu.memref_slice %arg13[%dma_start3A_143, %dma_start3A_144] : memref<10240x16xf32, #tpu.memory_space<vmem_shared>> -> memref<10240x16xf32, #tpu.memory_space<vmem_shared>>
      tpu.enqueue_indirect_dma source(%arg12 : memref<128x16xf32, #tpu.memory_space<vmem>>) target(%dma_start3A_145 : memref<10240x16xf32, #tpu.memory_space<vmem_shared>>) offsets(%dma_start3A_142 : memref<128xi32, #tpu.memory_space<vmem>>) semaphore(%arg17 : memref<!tpu.dma_semaphore, #tpu.memory_space<semaphore_mem>>) {add = true}
    }
    %scan3A_22 = arith.constant 20 : i32
    %dma_wait3A = arith.constant 0 : i32
    %dma_wait3A_23 = arith.constant 0 : i32
    %dma_wait3A_24 = tpu.memref_slice %arg8[%dma_wait3A, %dma_wait3A_23] : memref<80x128xi32, #tpu.memory_space<vmem>> -> memref<1x128xi32, #tpu.memory_space<vmem>>
    %dma_wait3A_25 = tpu.memref_squeeze %dma_wait3A_24 : memref<1x128xi32, #tpu.memory_space<vmem>> -> memref<128xi32, #tpu.memory_space<vmem>>
    %dma_wait3A_26 = arith.constant 0 : i32
    %dma_wait3A_27 = arith.constant 0 : i32
    %dma_wait3A_28 = tpu.memref_slice %arg13[%dma_wait3A_26, %dma_wait3A_27] : memref<10240x16xf32, #tpu.memory_space<vmem_shared>> -> memref<10240x16xf32, #tpu.memory_space<vmem_shared>>
    tpu.wait_indirect_dma semaphore(%arg17 : memref<!tpu.dma_semaphore, #tpu.memory_space<semaphore_mem>>) src(%arg11 : memref<128x16xf32, #tpu.memory_space<vmem>>) dst(%dma_wait3A_28 : memref<10240x16xf32, #tpu.memory_space<vmem_shared>>)
    %dma_wait3A_29 = arith.constant 0 : i32
    %dma_wait3A_30 = arith.constant 0 : i32
    %dma_wait3A_31 = tpu.memref_slice %arg8[%dma_wait3A_29, %dma_wait3A_30] : memref<80x128xi32, #tpu.memory_space<vmem>> -> memref<1x128xi32, #tpu.memory_space<vmem>>
    %dma_wait3A_32 = tpu.memref_squeeze %dma_wait3A_31 : memref<1x128xi32, #tpu.memory_space<vmem>> -> memref<128xi32, #tpu.memory_space<vmem>>
    %dma_wait3A_33 = arith.constant 0 : i32
    %dma_wait3A_34 = arith.constant 0 : i32
    %dma_wait3A_35 = tpu.memref_slice %arg13[%dma_wait3A_33, %dma_wait3A_34] : memref<10240x16xf32, #tpu.memory_space<vmem_shared>> -> memref<10240x16xf32, #tpu.memory_space<vmem_shared>>
    tpu.wait_indirect_dma semaphore(%arg17 : memref<!tpu.dma_semaphore, #tpu.memory_space<semaphore_mem>>) src(%arg12 : memref<128x16xf32, #tpu.memory_space<vmem>>) dst(%dma_wait3A_35 : memref<10240x16xf32, #tpu.memory_space<vmem_shared>>)
    %barrier3A_36 = arith.constant 0 : index
    tpu.barrier barrier_id(%barrier3A_36)
    %mul3A_37 = arith.constant 640 : i32
    %mul3A_38 = arith.muli %arg1, %mul3A_37 : i32
    %mul3A_39 = arith.constant 640 : i32
    %mul3A_40 = arith.muli %arg1, %mul3A_39 : i32
    "tpu.region"() ({
      %run_scoped3A = tpu.sem_alloc : memref<!tpu.dma_semaphore, #tpu.memory_space<semaphore_mem>>
      %dma_start3A_41 = arith.constant 0 : i32
      %dma_start3A_42 = tpu.memref_slice %arg6[%arg0, %mul3A_40, %dma_start3A_41] : memref<2x10240x16xf32, #tpu.memory_space<hbm>> -> memref<1x640x16xf32, #tpu.memory_space<hbm>>
      %dma_start3A_43 = tpu.memref_squeeze %dma_start3A_42 : memref<1x640x16xf32, #tpu.memory_space<hbm>> -> memref<640x16xf32, #tpu.memory_space<hbm>>
      %dma_start3A_44 = arith.constant 0 : i32
      %dma_start3A_45 = tpu.memref_slice %arg13[%mul3A_38, %dma_start3A_44] : memref<10240x16xf32, #tpu.memory_space<vmem_shared>> -> memref<640x16xf32, #tpu.memory_space<vmem_shared>>
      tpu.enqueue_dma source(%dma_start3A_45 : memref<640x16xf32, #tpu.memory_space<vmem_shared>>) target(%dma_start3A_43 : memref<640x16xf32, #tpu.memory_space<hbm>>) target_semaphore(%run_scoped3A : memref<!tpu.dma_semaphore, #tpu.memory_space<semaphore_mem>>)
      %dma_wait3A_46 = arith.constant 0 : i32
      %dma_wait3A_47 = tpu.memref_slice %arg6[%arg0, %mul3A_40, %dma_wait3A_46] : memref<2x10240x16xf32, #tpu.memory_space<hbm>> -> memref<1x640x16xf32, #tpu.memory_space<hbm>>
      %dma_wait3A_48 = tpu.memref_squeeze %dma_wait3A_47 : memref<1x640x16xf32, #tpu.memory_space<hbm>> -> memref<640x16xf32, #tpu.memory_space<hbm>>
      %dma_wait3A_49 = arith.constant 0 : i32
      %dma_wait3A_50 = tpu.memref_slice %arg13[%mul3A_38, %dma_wait3A_49] : memref<10240x16xf32, #tpu.memory_space<vmem_shared>> -> memref<640x16xf32, #tpu.memory_space<vmem_shared>>
      tpu.wait_dma2 semaphore(%run_scoped3A : memref<!tpu.dma_semaphore, #tpu.memory_space<semaphore_mem>>) src(%dma_wait3A_50 : memref<640x16xf32, #tpu.memory_space<vmem_shared>>) dst(%dma_wait3A_48 : memref<640x16xf32, #tpu.memory_space<hbm>>)
      tpu.yield
    }) : () -> ()
    return
  }
}

#map = affine_map<(d0, d1) -> (0, 0)>
#map1 = affine_map<(d0, d1) -> (0, 0, 0)>
module attributes {stable_mosaic.version = 14 : i64} {
  func.func @_sc_scatter_h(%arg0: i32, %arg1: i32, %arg2: memref<10000x128xf32, #tpu.memory_space<hbm>>, %arg3: memref<32x80x128xi32, #tpu.memory_space<hbm>>, %arg4: memref<32x80x128xi32, #tpu.memory_space<hbm>>, %arg5: memref<10240x128xf32, #tpu.memory_space<hbm>>, %arg6: memref<2x10240x128xf32, #tpu.memory_space<hbm>>, %arg7: memref<8x128xi32, #tpu.memory_space<vmem>>, %arg8: memref<8x128xi32, #tpu.memory_space<vmem>>, %arg9: memref<8x128xi32, #tpu.memory_space<vmem>>, %arg10: memref<8x128xi32, #tpu.memory_space<vmem>>, %arg11: memref<128x128xf32, #tpu.memory_space<vmem>>, %arg12: memref<128x128xf32, #tpu.memory_space<vmem>>, %arg13: memref<10240x128xf32, #tpu.memory_space<vmem_shared>>, %arg14: memref<!tpu.dma_semaphore, #tpu.memory_space<semaphore_mem>>, %arg15: memref<!tpu.dma_semaphore, #tpu.memory_space<semaphore_mem>>, %arg16: memref<!tpu.dma_semaphore, #tpu.memory_space<semaphore_mem>>, %arg17: memref<!tpu.dma_semaphore, #tpu.memory_space<semaphore_mem>>, %arg18: memref<!tpu.dma_semaphore, #tpu.memory_space<semaphore_mem>>) attributes {dimension_semantics = [#tpu.dimension_semantics<core_parallel>, #tpu.dimension_semantics<subcore_parallel>], iteration_bounds = array<i64: 2, 16>, scalar_prefetch = 0 : i64, scratch_operands = 12 : i64, tpu.core_type = #tpu.core_type<sc_vector_subcore>, window_params = [{transform_indices = #map}, {transform_indices = #map1}, {transform_indices = #map1}, {transform_indices = #map}, {transform_indices = #map1}]} {
    %mul3A = arith.constant 16 : i32
    %mul3A_0 = arith.muli %arg0, %mul3A : i32
    %add3A = arith.addi %mul3A_0, %arg1 : i32
    "tpu.region"() ({
      %run_scoped3A = tpu.sem_alloc : memref<!tpu.dma_semaphore, #tpu.memory_space<semaphore_mem>>
      %dma_start3A_41 = arith.constant 0 : i32
      %dma_start3A_42 = arith.constant 0 : i32
      %dma_start3A_43 = tpu.memref_slice %arg3[%add3A, %dma_start3A_41, %dma_start3A_42] : memref<32x80x128xi32, #tpu.memory_space<hbm>> -> memref<1x8x128xi32, #tpu.memory_space<hbm>>
      %dma_start3A_44 = tpu.memref_squeeze %dma_start3A_43 : memref<1x8x128xi32, #tpu.memory_space<hbm>> -> memref<8x128xi32, #tpu.memory_space<hbm>>
      %dma_start3A_45 = arith.constant 0 : i32
      %dma_start3A_46 = arith.constant 0 : i32
      %dma_start3A_47 = tpu.memref_slice %arg3[%add3A, %dma_start3A_45, %dma_start3A_46] : memref<32x80x128xi32, #tpu.memory_space<hbm>> -> memref<1x8x128xi32, #tpu.memory_space<hbm>>
      %dma_start3A_48 = tpu.memref_squeeze %dma_start3A_47 : memref<1x8x128xi32, #tpu.memory_space<hbm>> -> memref<8x128xi32, #tpu.memory_space<hbm>>
      tpu.enqueue_dma source(%dma_start3A_48 : memref<8x128xi32, #tpu.memory_space<hbm>>) target(%arg7 : memref<8x128xi32, #tpu.memory_space<vmem>>) target_semaphore(%run_scoped3A : memref<!tpu.dma_semaphore, #tpu.memory_space<semaphore_mem>>)
      %dma_wait3A_49 = arith.constant 0 : i32
      %dma_wait3A_50 = arith.constant 0 : i32
      %dma_wait3A_51 = tpu.memref_slice %arg3[%add3A, %dma_wait3A_49, %dma_wait3A_50] : memref<32x80x128xi32, #tpu.memory_space<hbm>> -> memref<1x8x128xi32, #tpu.memory_space<hbm>>
      %dma_wait3A_52 = tpu.memref_squeeze %dma_wait3A_51 : memref<1x8x128xi32, #tpu.memory_space<hbm>> -> memref<8x128xi32, #tpu.memory_space<hbm>>
      %dma_wait3A_53 = arith.constant 0 : i32
      %dma_wait3A_54 = arith.constant 0 : i32
      %dma_wait3A_55 = tpu.memref_slice %arg3[%add3A, %dma_wait3A_53, %dma_wait3A_54] : memref<32x80x128xi32, #tpu.memory_space<hbm>> -> memref<1x8x128xi32, #tpu.memory_space<hbm>>
      %dma_wait3A_56 = tpu.memref_squeeze %dma_wait3A_55 : memref<1x8x128xi32, #tpu.memory_space<hbm>> -> memref<8x128xi32, #tpu.memory_space<hbm>>
      tpu.wait_dma2 semaphore(%run_scoped3A : memref<!tpu.dma_semaphore, #tpu.memory_space<semaphore_mem>>) src(%dma_wait3A_56 : memref<8x128xi32, #tpu.memory_space<hbm>>) dst(%arg7 : memref<8x128xi32, #tpu.memory_space<vmem>>)
      tpu.yield
    }) : () -> ()
    "tpu.region"() ({
      %run_scoped3A = tpu.sem_alloc : memref<!tpu.dma_semaphore, #tpu.memory_space<semaphore_mem>>
      %dma_start3A_41 = arith.constant 0 : i32
      %dma_start3A_42 = arith.constant 0 : i32
      %dma_start3A_43 = tpu.memref_slice %arg4[%add3A, %dma_start3A_41, %dma_start3A_42] : memref<32x80x128xi32, #tpu.memory_space<hbm>> -> memref<1x8x128xi32, #tpu.memory_space<hbm>>
      %dma_start3A_44 = tpu.memref_squeeze %dma_start3A_43 : memref<1x8x128xi32, #tpu.memory_space<hbm>> -> memref<8x128xi32, #tpu.memory_space<hbm>>
      %dma_start3A_45 = arith.constant 0 : i32
      %dma_start3A_46 = arith.constant 0 : i32
      %dma_start3A_47 = tpu.memref_slice %arg4[%add3A, %dma_start3A_45, %dma_start3A_46] : memref<32x80x128xi32, #tpu.memory_space<hbm>> -> memref<1x8x128xi32, #tpu.memory_space<hbm>>
      %dma_start3A_48 = tpu.memref_squeeze %dma_start3A_47 : memref<1x8x128xi32, #tpu.memory_space<hbm>> -> memref<8x128xi32, #tpu.memory_space<hbm>>
      tpu.enqueue_dma source(%dma_start3A_48 : memref<8x128xi32, #tpu.memory_space<hbm>>) target(%arg9 : memref<8x128xi32, #tpu.memory_space<vmem>>) target_semaphore(%run_scoped3A : memref<!tpu.dma_semaphore, #tpu.memory_space<semaphore_mem>>)
      %dma_wait3A_49 = arith.constant 0 : i32
      %dma_wait3A_50 = arith.constant 0 : i32
      %dma_wait3A_51 = tpu.memref_slice %arg4[%add3A, %dma_wait3A_49, %dma_wait3A_50] : memref<32x80x128xi32, #tpu.memory_space<hbm>> -> memref<1x8x128xi32, #tpu.memory_space<hbm>>
      %dma_wait3A_52 = tpu.memref_squeeze %dma_wait3A_51 : memref<1x8x128xi32, #tpu.memory_space<hbm>> -> memref<8x128xi32, #tpu.memory_space<hbm>>
      %dma_wait3A_53 = arith.constant 0 : i32
      %dma_wait3A_54 = arith.constant 0 : i32
      %dma_wait3A_55 = tpu.memref_slice %arg4[%add3A, %dma_wait3A_53, %dma_wait3A_54] : memref<32x80x128xi32, #tpu.memory_space<hbm>> -> memref<1x8x128xi32, #tpu.memory_space<hbm>>
      %dma_wait3A_56 = tpu.memref_squeeze %dma_wait3A_55 : memref<1x8x128xi32, #tpu.memory_space<hbm>> -> memref<8x128xi32, #tpu.memory_space<hbm>>
      tpu.wait_dma2 semaphore(%run_scoped3A : memref<!tpu.dma_semaphore, #tpu.memory_space<semaphore_mem>>) src(%dma_wait3A_56 : memref<8x128xi32, #tpu.memory_space<hbm>>) dst(%arg9 : memref<8x128xi32, #tpu.memory_space<vmem>>)
      tpu.yield
    }) : () -> ()
    %mul3A_1 = arith.constant 640 : i32
    %mul3A_2 = arith.muli %arg1, %mul3A_1 : i32
    %mul3A_3 = arith.constant 640 : i32
    %mul3A_4 = arith.muli %arg1, %mul3A_3 : i32
    "tpu.region"() ({
      %run_scoped3A = tpu.sem_alloc : memref<!tpu.dma_semaphore, #tpu.memory_space<semaphore_mem>>
      %dma_start3A_41 = arith.constant 0 : i32
      %dma_start3A_42 = tpu.memref_slice %arg13[%mul3A_4, %dma_start3A_41] : memref<10240x128xf32, #tpu.memory_space<vmem_shared>> -> memref<640x128xf32, #tpu.memory_space<vmem_shared>>
      %dma_start3A_43 = arith.constant 0 : i32
      %dma_start3A_44 = tpu.memref_slice %arg5[%mul3A_2, %dma_start3A_43] : memref<10240x128xf32, #tpu.memory_space<hbm>> -> memref<640x128xf32, #tpu.memory_space<hbm>>
      tpu.enqueue_dma source(%dma_start3A_44 : memref<640x128xf32, #tpu.memory_space<hbm>>) target(%dma_start3A_42 : memref<640x128xf32, #tpu.memory_space<vmem_shared>>) target_semaphore(%run_scoped3A : memref<!tpu.dma_semaphore, #tpu.memory_space<semaphore_mem>>)
      %dma_wait3A_45 = arith.constant 0 : i32
      %dma_wait3A_46 = tpu.memref_slice %arg13[%mul3A_4, %dma_wait3A_45] : memref<10240x128xf32, #tpu.memory_space<vmem_shared>> -> memref<640x128xf32, #tpu.memory_space<vmem_shared>>
      %dma_wait3A_47 = arith.constant 0 : i32
      %dma_wait3A_48 = tpu.memref_slice %arg5[%mul3A_2, %dma_wait3A_47] : memref<10240x128xf32, #tpu.memory_space<hbm>> -> memref<640x128xf32, #tpu.memory_space<hbm>>
      tpu.wait_dma2 semaphore(%run_scoped3A : memref<!tpu.dma_semaphore, #tpu.memory_space<semaphore_mem>>) src(%dma_wait3A_48 : memref<640x128xf32, #tpu.memory_space<hbm>>) dst(%dma_wait3A_46 : memref<640x128xf32, #tpu.memory_space<vmem_shared>>)
      tpu.yield
    }) : () -> ()
    %barrier3A = arith.constant 0 : index
    tpu.barrier barrier_id(%barrier3A)
    %scan3A = arith.constant 0 : i32
    %scan3A_5 = arith.constant 0 : i32
    %scan3A_6 = arith.constant 5 : i32
    %scan3A_7 = arith.addi %scan3A_5, %scan3A_6 : i32
    %scan3A_8 = arith.constant 1 : i32
    scf.for %scan3A_41 = %scan3A_5 to %scan3A_7 step %scan3A_8  : i32 {
      %gt3A = arith.constant 0 : i32
      %gt3A_42 = arith.cmpi sgt, %scan3A_41, %gt3A : i32
      %convert_element_type3A = arith.extui %gt3A_42 : i1 to i32
      %cond3A = arith.constant 0 : i32
      %cond3A_43 = arith.cmpi ne, %convert_element_type3A, %cond3A : i32
      scf.if %cond3A_43 {
        %dma_wait3A_515 = arith.constant 0 : i32
        %dma_wait3A_516 = arith.constant 0 : i32
        %dma_wait3A_517 = tpu.memref_slice %arg9[%dma_wait3A_515, %dma_wait3A_516] : memref<8x128xi32, #tpu.memory_space<vmem>> -> memref<1x128xi32, #tpu.memory_space<vmem>>
        %dma_wait3A_518 = tpu.memref_squeeze %dma_wait3A_517 : memref<1x128xi32, #tpu.memory_space<vmem>> -> memref<128xi32, #tpu.memory_space<vmem>>
        %dma_wait3A_519 = arith.constant 0 : i32
        %dma_wait3A_520 = arith.constant 0 : i32
        %dma_wait3A_521 = tpu.memref_slice %arg13[%dma_wait3A_519, %dma_wait3A_520] : memref<10240x128xf32, #tpu.memory_space<vmem_shared>> -> memref<10240x128xf32, #tpu.memory_space<vmem_shared>>
        tpu.wait_indirect_dma semaphore(%arg16 : memref<!tpu.dma_semaphore, #tpu.memory_space<semaphore_mem>>) src(%arg11 : memref<128x128xf32, #tpu.memory_space<vmem>>) dst(%dma_wait3A_521 : memref<10240x128xf32, #tpu.memory_space<vmem_shared>>)
      } else {
      }
      %gt3A_44 = arith.constant 0 : i32
      %gt3A_45 = arith.cmpi sgt, %scan3A_41, %gt3A_44 : i32
      %convert_element_type3A_46 = arith.extui %gt3A_45 : i1 to i32
      %cond3A_47 = arith.constant 0 : i32
      %cond3A_48 = arith.cmpi ne, %convert_element_type3A_46, %cond3A_47 : i32
      scf.if %cond3A_48 {
        %dma_wait3A_515 = arith.constant 0 : i32
        %dma_wait3A_516 = arith.constant 0 : i32
        %dma_wait3A_517 = tpu.memref_slice %arg3[%add3A, %dma_wait3A_515, %dma_wait3A_516] : memref<32x80x128xi32, #tpu.memory_space<hbm>> -> memref<1x8x128xi32, #tpu.memory_space<hbm>>
        %dma_wait3A_518 = tpu.memref_squeeze %dma_wait3A_517 : memref<1x8x128xi32, #tpu.memory_space<hbm>> -> memref<8x128xi32, #tpu.memory_space<hbm>>
        %dma_wait3A_519 = arith.constant 0 : i32
        %dma_wait3A_520 = arith.constant 0 : i32
        %dma_wait3A_521 = tpu.memref_slice %arg3[%add3A, %dma_wait3A_519, %dma_wait3A_520] : memref<32x80x128xi32, #tpu.memory_space<hbm>> -> memref<1x8x128xi32, #tpu.memory_space<hbm>>
        %dma_wait3A_522 = tpu.memref_squeeze %dma_wait3A_521 : memref<1x8x128xi32, #tpu.memory_space<hbm>> -> memref<8x128xi32, #tpu.memory_space<hbm>>
        tpu.wait_dma2 semaphore(%arg18 : memref<!tpu.dma_semaphore, #tpu.memory_space<semaphore_mem>>) src(%dma_wait3A_522 : memref<8x128xi32, #tpu.memory_space<hbm>>) dst(%arg7 : memref<8x128xi32, #tpu.memory_space<vmem>>)
        %dma_wait3A_523 = arith.constant 0 : i32
        %dma_wait3A_524 = arith.constant 0 : i32
        %dma_wait3A_525 = tpu.memref_slice %arg4[%add3A, %dma_wait3A_523, %dma_wait3A_524] : memref<32x80x128xi32, #tpu.memory_space<hbm>> -> memref<1x8x128xi32, #tpu.memory_space<hbm>>
        %dma_wait3A_526 = tpu.memref_squeeze %dma_wait3A_525 : memref<1x8x128xi32, #tpu.memory_space<hbm>> -> memref<8x128xi32, #tpu.memory_space<hbm>>
        %dma_wait3A_527 = arith.constant 0 : i32
        %dma_wait3A_528 = arith.constant 0 : i32
        %dma_wait3A_529 = tpu.memref_slice %arg4[%add3A, %dma_wait3A_527, %dma_wait3A_528] : memref<32x80x128xi32, #tpu.memory_space<hbm>> -> memref<1x8x128xi32, #tpu.memory_space<hbm>>
        %dma_wait3A_530 = tpu.memref_squeeze %dma_wait3A_529 : memref<1x8x128xi32, #tpu.memory_space<hbm>> -> memref<8x128xi32, #tpu.memory_space<hbm>>
        tpu.wait_dma2 semaphore(%arg18 : memref<!tpu.dma_semaphore, #tpu.memory_space<semaphore_mem>>) src(%dma_wait3A_530 : memref<8x128xi32, #tpu.memory_space<hbm>>) dst(%arg9 : memref<8x128xi32, #tpu.memory_space<vmem>>)
      } else {
      }
      %dma_start3A_49 = arith.constant 0 : i32
      %dma_start3A_50 = arith.constant 0 : i32
      %dma_start3A_51 = tpu.memref_slice %arg7[%dma_start3A_49, %dma_start3A_50] : memref<8x128xi32, #tpu.memory_space<vmem>> -> memref<1x128xi32, #tpu.memory_space<vmem>>
      %dma_start3A_52 = tpu.memref_squeeze %dma_start3A_51 : memref<1x128xi32, #tpu.memory_space<vmem>> -> memref<128xi32, #tpu.memory_space<vmem>>
      %dma_start3A_53 = arith.constant 0 : i32
      %dma_start3A_54 = arith.constant 0 : i32
      %dma_start3A_55 = tpu.memref_slice %arg2[%dma_start3A_53, %dma_start3A_54] : memref<10000x128xf32, #tpu.memory_space<hbm>> -> memref<10000x128xf32, #tpu.memory_space<hbm>>
      tpu.enqueue_indirect_dma source(%dma_start3A_55 : memref<10000x128xf32, #tpu.memory_space<hbm>>) target(%arg11 : memref<128x128xf32, #tpu.memory_space<vmem>>) offsets(%dma_start3A_52 : memref<128xi32, #tpu.memory_space<vmem>>) semaphore(%arg14 : memref<!tpu.dma_semaphore, #tpu.memory_space<semaphore_mem>>)
      %gt3A_56 = arith.constant 0 : i32
      %gt3A_57 = arith.cmpi sgt, %scan3A_41, %gt3A_56 : i32
      %convert_element_type3A_58 = arith.extui %gt3A_57 : i1 to i32
      %cond3A_59 = arith.constant 0 : i32
      %cond3A_60 = arith.cmpi ne, %convert_element_type3A_58, %cond3A_59 : i32
      scf.if %cond3A_60 {
        %dma_wait3A_515 = arith.constant 0 : i32
        %dma_wait3A_516 = arith.constant 0 : i32
        %dma_wait3A_517 = tpu.memref_slice %arg7[%dma_wait3A_515, %dma_wait3A_516] : memref<8x128xi32, #tpu.memory_space<vmem>> -> memref<1x128xi32, #tpu.memory_space<vmem>>
        %dma_wait3A_518 = tpu.memref_squeeze %dma_wait3A_517 : memref<1x128xi32, #tpu.memory_space<vmem>> -> memref<128xi32, #tpu.memory_space<vmem>>
        %dma_wait3A_519 = arith.constant 0 : i32
        %dma_wait3A_520 = arith.constant 0 : i32
        %dma_wait3A_521 = tpu.memref_slice %arg2[%dma_wait3A_519, %dma_wait3A_520] : memref<10000x128xf32, #tpu.memory_space<hbm>> -> memref<10000x128xf32, #tpu.memory_space<hbm>>
        tpu.wait_indirect_dma semaphore(%arg15 : memref<!tpu.dma_semaphore, #tpu.memory_space<semaphore_mem>>) src(%dma_wait3A_521 : memref<10000x128xf32, #tpu.memory_space<hbm>>) dst(%arg12 : memref<128x128xf32, #tpu.memory_space<vmem>>)
        %dma_start3A_522 = arith.constant 7 : i32
        %dma_start3A_523 = arith.constant 0 : i32
        %dma_start3A_524 = tpu.memref_slice %arg10[%dma_start3A_522, %dma_start3A_523] : memref<8x128xi32, #tpu.memory_space<vmem>> -> memref<1x128xi32, #tpu.memory_space<vmem>>
        %dma_start3A_525 = tpu.memref_squeeze %dma_start3A_524 : memref<1x128xi32, #tpu.memory_space<vmem>> -> memref<128xi32, #tpu.memory_space<vmem>>
        %dma_start3A_526 = arith.constant 0 : i32
        %dma_start3A_527 = arith.constant 0 : i32
        %dma_start3A_528 = tpu.memref_slice %arg13[%dma_start3A_526, %dma_start3A_527] : memref<10240x128xf32, #tpu.memory_space<vmem_shared>> -> memref<10240x128xf32, #tpu.memory_space<vmem_shared>>
        tpu.enqueue_indirect_dma source(%arg12 : memref<128x128xf32, #tpu.memory_space<vmem>>) target(%dma_start3A_528 : memref<10240x128xf32, #tpu.memory_space<vmem_shared>>) offsets(%dma_start3A_525 : memref<128xi32, #tpu.memory_space<vmem>>) semaphore(%arg17 : memref<!tpu.dma_semaphore, #tpu.memory_space<semaphore_mem>>) {add = true}
      } else {
      }
      %gt3A_61 = arith.constant 0 : i32
      %gt3A_62 = arith.cmpi sgt, %scan3A_41, %gt3A_61 : i32
      %convert_element_type3A_63 = arith.extui %gt3A_62 : i1 to i32
      %cond3A_64 = arith.constant 0 : i32
      %cond3A_65 = arith.cmpi ne, %convert_element_type3A_63, %cond3A_64 : i32
      scf.if %cond3A_65 {
        %dma_wait3A_515 = arith.constant 0 : i32
        %dma_wait3A_516 = arith.constant 0 : i32
        %dma_wait3A_517 = tpu.memref_slice %arg9[%dma_wait3A_515, %dma_wait3A_516] : memref<8x128xi32, #tpu.memory_space<vmem>> -> memref<1x128xi32, #tpu.memory_space<vmem>>
        %dma_wait3A_518 = tpu.memref_squeeze %dma_wait3A_517 : memref<1x128xi32, #tpu.memory_space<vmem>> -> memref<128xi32, #tpu.memory_space<vmem>>
        %dma_wait3A_519 = arith.constant 0 : i32
        %dma_wait3A_520 = arith.constant 0 : i32
        %dma_wait3A_521 = tpu.memref_slice %arg13[%dma_wait3A_519, %dma_wait3A_520] : memref<10240x128xf32, #tpu.memory_space<vmem_shared>> -> memref<10240x128xf32, #tpu.memory_space<vmem_shared>>
        tpu.wait_indirect_dma semaphore(%arg17 : memref<!tpu.dma_semaphore, #tpu.memory_space<semaphore_mem>>) src(%arg12 : memref<128x128xf32, #tpu.memory_space<vmem>>) dst(%dma_wait3A_521 : memref<10240x128xf32, #tpu.memory_space<vmem_shared>>)
      } else {
      }
      %dma_start3A_66 = arith.constant 1 : i32
      %dma_start3A_67 = arith.constant 0 : i32
      %dma_start3A_68 = tpu.memref_slice %arg7[%dma_start3A_66, %dma_start3A_67] : memref<8x128xi32, #tpu.memory_space<vmem>> -> memref<1x128xi32, #tpu.memory_space<vmem>>
      %dma_start3A_69 = tpu.memref_squeeze %dma_start3A_68 : memref<1x128xi32, #tpu.memory_space<vmem>> -> memref<128xi32, #tpu.memory_space<vmem>>
      %dma_start3A_70 = arith.constant 0 : i32
      %dma_start3A_71 = arith.constant 0 : i32
      %dma_start3A_72 = tpu.memref_slice %arg2[%dma_start3A_70, %dma_start3A_71] : memref<10000x128xf32, #tpu.memory_space<hbm>> -> memref<10000x128xf32, #tpu.memory_space<hbm>>
      tpu.enqueue_indirect_dma source(%dma_start3A_72 : memref<10000x128xf32, #tpu.memory_space<hbm>>) target(%arg12 : memref<128x128xf32, #tpu.memory_space<vmem>>) offsets(%dma_start3A_69 : memref<128xi32, #tpu.memory_space<vmem>>) semaphore(%arg15 : memref<!tpu.dma_semaphore, #tpu.memory_space<semaphore_mem>>)
      %dma_wait3A_73 = arith.constant 0 : i32
      %dma_wait3A_74 = arith.constant 0 : i32
      %dma_wait3A_75 = tpu.memref_slice %arg7[%dma_wait3A_73, %dma_wait3A_74] : memref<8x128xi32, #tpu.memory_space<vmem>> -> memref<1x128xi32, #tpu.memory_space<vmem>>
      %dma_wait3A_76 = tpu.memref_squeeze %dma_wait3A_75 : memref<1x128xi32, #tpu.memory_space<vmem>> -> memref<128xi32, #tpu.memory_space<vmem>>
      %dma_wait3A_77 = arith.constant 0 : i32
      %dma_wait3A_78 = arith.constant 0 : i32
      %dma_wait3A_79 = tpu.memref_slice %arg2[%dma_wait3A_77, %dma_wait3A_78] : memref<10000x128xf32, #tpu.memory_space<hbm>> -> memref<10000x128xf32, #tpu.memory_space<hbm>>
      tpu.wait_indirect_dma semaphore(%arg14 : memref<!tpu.dma_semaphore, #tpu.memory_space<semaphore_mem>>) src(%dma_wait3A_79 : memref<10000x128xf32, #tpu.memory_space<hbm>>) dst(%arg11 : memref<128x128xf32, #tpu.memory_space<vmem>>)
      %dma_start3A_80 = arith.constant 0 : i32
      %dma_start3A_81 = arith.constant 0 : i32
      %dma_start3A_82 = tpu.memref_slice %arg9[%dma_start3A_80, %dma_start3A_81] : memref<8x128xi32, #tpu.memory_space<vmem>> -> memref<1x128xi32, #tpu.memory_space<vmem>>
      %dma_start3A_83 = tpu.memref_squeeze %dma_start3A_82 : memref<1x128xi32, #tpu.memory_space<vmem>> -> memref<128xi32, #tpu.memory_space<vmem>>
      %dma_start3A_84 = arith.constant 0 : i32
      %dma_start3A_85 = arith.constant 0 : i32
      %dma_start3A_86 = tpu.memref_slice %arg13[%dma_start3A_84, %dma_start3A_85] : memref<10240x128xf32, #tpu.memory_space<vmem_shared>> -> memref<10240x128xf32, #tpu.memory_space<vmem_shared>>
      tpu.enqueue_indirect_dma source(%arg11 : memref<128x128xf32, #tpu.memory_space<vmem>>) target(%dma_start3A_86 : memref<10240x128xf32, #tpu.memory_space<vmem_shared>>) offsets(%dma_start3A_83 : memref<128xi32, #tpu.memory_space<vmem>>) semaphore(%arg16 : memref<!tpu.dma_semaphore, #tpu.memory_space<semaphore_mem>>) {add = true}
      %dma_wait3A_87 = arith.constant 0 : i32
      %dma_wait3A_88 = arith.constant 0 : i32
      %dma_wait3A_89 = tpu.memref_slice %arg9[%dma_wait3A_87, %dma_wait3A_88] : memref<8x128xi32, #tpu.memory_space<vmem>> -> memref<1x128xi32, #tpu.memory_space<vmem>>
      %dma_wait3A_90 = tpu.memref_squeeze %dma_wait3A_89 : memref<1x128xi32, #tpu.memory_space<vmem>> -> memref<128xi32, #tpu.memory_space<vmem>>
      %dma_wait3A_91 = arith.constant 0 : i32
      %dma_wait3A_92 = arith.constant 0 : i32
      %dma_wait3A_93 = tpu.memref_slice %arg13[%dma_wait3A_91, %dma_wait3A_92] : memref<10240x128xf32, #tpu.memory_space<vmem_shared>> -> memref<10240x128xf32, #tpu.memory_space<vmem_shared>>
      tpu.wait_indirect_dma semaphore(%arg16 : memref<!tpu.dma_semaphore, #tpu.memory_space<semaphore_mem>>) src(%arg11 : memref<128x128xf32, #tpu.memory_space<vmem>>) dst(%dma_wait3A_93 : memref<10240x128xf32, #tpu.memory_space<vmem_shared>>)
      %dma_start3A_94 = arith.constant 2 : i32
      %dma_start3A_95 = arith.constant 0 : i32
      %dma_start3A_96 = tpu.memref_slice %arg7[%dma_start3A_94, %dma_start3A_95] : memref<8x128xi32, #tpu.memory_space<vmem>> -> memref<1x128xi32, #tpu.memory_space<vmem>>
      %dma_start3A_97 = tpu.memref_squeeze %dma_start3A_96 : memref<1x128xi32, #tpu.memory_space<vmem>> -> memref<128xi32, #tpu.memory_space<vmem>>
      %dma_start3A_98 = arith.constant 0 : i32
      %dma_start3A_99 = arith.constant 0 : i32
      %dma_start3A_100 = tpu.memref_slice %arg2[%dma_start3A_98, %dma_start3A_99] : memref<10000x128xf32, #tpu.memory_space<hbm>> -> memref<10000x128xf32, #tpu.memory_space<hbm>>
      tpu.enqueue_indirect_dma source(%dma_start3A_100 : memref<10000x128xf32, #tpu.memory_space<hbm>>) target(%arg11 : memref<128x128xf32, #tpu.memory_space<vmem>>) offsets(%dma_start3A_97 : memref<128xi32, #tpu.memory_space<vmem>>) semaphore(%arg14 : memref<!tpu.dma_semaphore, #tpu.memory_space<semaphore_mem>>)
      %mul3A_101 = arith.constant 16 : i32
      %mul3A_102 = arith.muli %mul3A_101, %scan3A_41 : i32
      %add3A_103 = arith.constant 8 : i32
      %add3A_104 = arith.addi %mul3A_102, %add3A_103 : i32
      %multiple_of3A = tpu.assume_multiple %add3A_104, 8 : i32
      %dma_start3A_105 = arith.constant 0 : i32
      %dma_start3A_106 = tpu.memref_slice %arg3[%add3A, %multiple_of3A, %dma_start3A_105] : memref<32x80x128xi32, #tpu.memory_space<hbm>> -> memref<1x8x128xi32, #tpu.memory_space<hbm>>
      %dma_start3A_107 = tpu.memref_squeeze %dma_start3A_106 : memref<1x8x128xi32, #tpu.memory_space<hbm>> -> memref<8x128xi32, #tpu.memory_space<hbm>>
      %dma_start3A_108 = arith.constant 0 : i32
      %dma_start3A_109 = tpu.memref_slice %arg3[%add3A, %multiple_of3A, %dma_start3A_108] : memref<32x80x128xi32, #tpu.memory_space<hbm>> -> memref<1x8x128xi32, #tpu.memory_space<hbm>>
      %dma_start3A_110 = tpu.memref_squeeze %dma_start3A_109 : memref<1x8x128xi32, #tpu.memory_space<hbm>> -> memref<8x128xi32, #tpu.memory_space<hbm>>
      tpu.enqueue_dma source(%dma_start3A_110 : memref<8x128xi32, #tpu.memory_space<hbm>>) target(%arg8 : memref<8x128xi32, #tpu.memory_space<vmem>>) target_semaphore(%arg18 : memref<!tpu.dma_semaphore, #tpu.memory_space<semaphore_mem>>)
      %dma_start3A_111 = arith.constant 0 : i32
      %dma_start3A_112 = tpu.memref_slice %arg4[%add3A, %multiple_of3A, %dma_start3A_111] : memref<32x80x128xi32, #tpu.memory_space<hbm>> -> memref<1x8x128xi32, #tpu.memory_space<hbm>>
      %dma_start3A_113 = tpu.memref_squeeze %dma_start3A_112 : memref<1x8x128xi32, #tpu.memory_space<hbm>> -> memref<8x128xi32, #tpu.memory_space<hbm>>
      %dma_start3A_114 = arith.constant 0 : i32
      %dma_start3A_115 = tpu.memref_slice %arg4[%add3A, %multiple_of3A, %dma_start3A_114] : memref<32x80x128xi32, #tpu.memory_space<hbm>> -> memref<1x8x128xi32, #tpu.memory_space<hbm>>
      %dma_start3A_116 = tpu.memref_squeeze %dma_start3A_115 : memref<1x8x128xi32, #tpu.memory_space<hbm>> -> memref<8x128xi32, #tpu.memory_space<hbm>>
      tpu.enqueue_dma source(%dma_start3A_116 : memref<8x128xi32, #tpu.memory_space<hbm>>) target(%arg10 : memref<8x128xi32, #tpu.memory_space<vmem>>) target_semaphore(%arg18 : memref<!tpu.dma_semaphore, #tpu.memory_space<semaphore_mem>>)
      %dma_wait3A_117 = arith.constant 0 : i32
      %dma_wait3A_118 = arith.constant 0 : i32
      %dma_wait3A_119 = tpu.memref_slice %arg7[%dma_wait3A_117, %dma_wait3A_118] : memref<8x128xi32, #tpu.memory_space<vmem>> -> memref<1x128xi32, #tpu.memory_space<vmem>>
      %dma_wait3A_120 = tpu.memref_squeeze %dma_wait3A_119 : memref<1x128xi32, #tpu.memory_space<vmem>> -> memref<128xi32, #tpu.memory_space<vmem>>
      %dma_wait3A_121 = arith.constant 0 : i32
      %dma_wait3A_122 = arith.constant 0 : i32
      %dma_wait3A_123 = tpu.memref_slice %arg2[%dma_wait3A_121, %dma_wait3A_122] : memref<10000x128xf32, #tpu.memory_space<hbm>> -> memref<10000x128xf32, #tpu.memory_space<hbm>>
      tpu.wait_indirect_dma semaphore(%arg15 : memref<!tpu.dma_semaphore, #tpu.memory_space<semaphore_mem>>) src(%dma_wait3A_123 : memref<10000x128xf32, #tpu.memory_space<hbm>>) dst(%arg12 : memref<128x128xf32, #tpu.memory_space<vmem>>)
      %dma_start3A_124 = arith.constant 1 : i32
      %dma_start3A_125 = arith.constant 0 : i32
      %dma_start3A_126 = tpu.memref_slice %arg9[%dma_start3A_124, %dma_start3A_125] : memref<8x128xi32, #tpu.memory_space<vmem>> -> memref<1x128xi32, #tpu.memory_space<vmem>>
      %dma_start3A_127 = tpu.memref_squeeze %dma_start3A_126 : memref<1x128xi32, #tpu.memory_space<vmem>> -> memref<128xi32, #tpu.memory_space<vmem>>
      %dma_start3A_128 = arith.constant 0 : i32
      %dma_start3A_129 = arith.constant 0 : i32
      %dma_start3A_130 = tpu.memref_slice %arg13[%dma_start3A_128, %dma_start3A_129] : memref<10240x128xf32, #tpu.memory_space<vmem_shared>> -> memref<10240x128xf32, #tpu.memory_space<vmem_shared>>
      tpu.enqueue_indirect_dma source(%arg12 : memref<128x128xf32, #tpu.memory_space<vmem>>) target(%dma_start3A_130 : memref<10240x128xf32, #tpu.memory_space<vmem_shared>>) offsets(%dma_start3A_127 : memref<128xi32, #tpu.memory_space<vmem>>) semaphore(%arg17 : memref<!tpu.dma_semaphore, #tpu.memory_space<semaphore_mem>>) {add = true}
      %dma_wait3A_131 = arith.constant 0 : i32
      %dma_wait3A_132 = arith.constant 0 : i32
      %dma_wait3A_133 = tpu.memref_slice %arg9[%dma_wait3A_131, %dma_wait3A_132] : memref<8x128xi32, #tpu.memory_space<vmem>> -> memref<1x128xi32, #tpu.memory_space<vmem>>
      %dma_wait3A_134 = tpu.memref_squeeze %dma_wait3A_133 : memref<1x128xi32, #tpu.memory_space<vmem>> -> memref<128xi32, #tpu.memory_space<vmem>>
      %dma_wait3A_135 = arith.constant 0 : i32
      %dma_wait3A_136 = arith.constant 0 : i32
      %dma_wait3A_137 = tpu.memref_slice %arg13[%dma_wait3A_135, %dma_wait3A_136] : memref<10240x128xf32, #tpu.memory_space<vmem_shared>> -> memref<10240x128xf32, #tpu.memory_space<vmem_shared>>
      tpu.wait_indirect_dma semaphore(%arg17 : memref<!tpu.dma_semaphore, #tpu.memory_space<semaphore_mem>>) src(%arg12 : memref<128x128xf32, #tpu.memory_space<vmem>>) dst(%dma_wait3A_137 : memref<10240x128xf32, #tpu.memory_space<vmem_shared>>)
      %dma_start3A_138 = arith.constant 3 : i32
      %dma_start3A_139 = arith.constant 0 : i32
      %dma_start3A_140 = tpu.memref_slice %arg7[%dma_start3A_138, %dma_start3A_139] : memref<8x128xi32, #tpu.memory_space<vmem>> -> memref<1x128xi32, #tpu.memory_space<vmem>>
      %dma_start3A_141 = tpu.memref_squeeze %dma_start3A_140 : memref<1x128xi32, #tpu.memory_space<vmem>> -> memref<128xi32, #tpu.memory_space<vmem>>
      %dma_start3A_142 = arith.constant 0 : i32
      %dma_start3A_143 = arith.constant 0 : i32
      %dma_start3A_144 = tpu.memref_slice %arg2[%dma_start3A_142, %dma_start3A_143] : memref<10000x128xf32, #tpu.memory_space<hbm>> -> memref<10000x128xf32, #tpu.memory_space<hbm>>
      tpu.enqueue_indirect_dma source(%dma_start3A_144 : memref<10000x128xf32, #tpu.memory_space<hbm>>) target(%arg12 : memref<128x128xf32, #tpu.memory_space<vmem>>) offsets(%dma_start3A_141 : memref<128xi32, #tpu.memory_space<vmem>>) semaphore(%arg15 : memref<!tpu.dma_semaphore, #tpu.memory_space<semaphore_mem>>)
      %dma_wait3A_145 = arith.constant 0 : i32
      %dma_wait3A_146 = arith.constant 0 : i32
      %dma_wait3A_147 = tpu.memref_slice %arg7[%dma_wait3A_145, %dma_wait3A_146] : memref<8x128xi32, #tpu.memory_space<vmem>> -> memref<1x128xi32, #tpu.memory_space<vmem>>
      %dma_wait3A_148 = tpu.memref_squeeze %dma_wait3A_147 : memref<1x128xi32, #tpu.memory_space<vmem>> -> memref<128xi32, #tpu.memory_space<vmem>>
      %dma_wait3A_149 = arith.constant 0 : i32
      %dma_wait3A_150 = arith.constant 0 : i32
      %dma_wait3A_151 = tpu.memref_slice %arg2[%dma_wait3A_149, %dma_wait3A_150] : memref<10000x128xf32, #tpu.memory_space<hbm>> -> memref<10000x128xf32, #tpu.memory_space<hbm>>
      tpu.wait_indirect_dma semaphore(%arg14 : memref<!tpu.dma_semaphore, #tpu.memory_space<semaphore_mem>>) src(%dma_wait3A_151 : memref<10000x128xf32, #tpu.memory_space<hbm>>) dst(%arg11 : memref<128x128xf32, #tpu.memory_space<vmem>>)
      %dma_start3A_152 = arith.constant 2 : i32
      %dma_start3A_153 = arith.constant 0 : i32
      %dma_start3A_154 = tpu.memref_slice %arg9[%dma_start3A_152, %dma_start3A_153] : memref<8x128xi32, #tpu.memory_space<vmem>> -> memref<1x128xi32, #tpu.memory_space<vmem>>
      %dma_start3A_155 = tpu.memref_squeeze %dma_start3A_154 : memref<1x128xi32, #tpu.memory_space<vmem>> -> memref<128xi32, #tpu.memory_space<vmem>>
      %dma_start3A_156 = arith.constant 0 : i32
      %dma_start3A_157 = arith.constant 0 : i32
      %dma_start3A_158 = tpu.memref_slice %arg13[%dma_start3A_156, %dma_start3A_157] : memref<10240x128xf32, #tpu.memory_space<vmem_shared>> -> memref<10240x128xf32, #tpu.memory_space<vmem_shared>>
      tpu.enqueue_indirect_dma source(%arg11 : memref<128x128xf32, #tpu.memory_space<vmem>>) target(%dma_start3A_158 : memref<10240x128xf32, #tpu.memory_space<vmem_shared>>) offsets(%dma_start3A_155 : memref<128xi32, #tpu.memory_space<vmem>>) semaphore(%arg16 : memref<!tpu.dma_semaphore, #tpu.memory_space<semaphore_mem>>) {add = true}
      %dma_wait3A_159 = arith.constant 0 : i32
      %dma_wait3A_160 = arith.constant 0 : i32
      %dma_wait3A_161 = tpu.memref_slice %arg9[%dma_wait3A_159, %dma_wait3A_160] : memref<8x128xi32, #tpu.memory_space<vmem>> -> memref<1x128xi32, #tpu.memory_space<vmem>>
      %dma_wait3A_162 = tpu.memref_squeeze %dma_wait3A_161 : memref<1x128xi32, #tpu.memory_space<vmem>> -> memref<128xi32, #tpu.memory_space<vmem>>
      %dma_wait3A_163 = arith.constant 0 : i32
      %dma_wait3A_164 = arith.constant 0 : i32
      %dma_wait3A_165 = tpu.memref_slice %arg13[%dma_wait3A_163, %dma_wait3A_164] : memref<10240x128xf32, #tpu.memory_space<vmem_shared>> -> memref<10240x128xf32, #tpu.memory_space<vmem_shared>>
      tpu.wait_indirect_dma semaphore(%arg16 : memref<!tpu.dma_semaphore, #tpu.memory_space<semaphore_mem>>) src(%arg11 : memref<128x128xf32, #tpu.memory_space<vmem>>) dst(%dma_wait3A_165 : memref<10240x128xf32, #tpu.memory_space<vmem_shared>>)
      %dma_start3A_166 = arith.constant 4 : i32
      %dma_start3A_167 = arith.constant 0 : i32
      %dma_start3A_168 = tpu.memref_slice %arg7[%dma_start3A_166, %dma_start3A_167] : memref<8x128xi32, #tpu.memory_space<vmem>> -> memref<1x128xi32, #tpu.memory_space<vmem>>
      %dma_start3A_169 = tpu.memref_squeeze %dma_start3A_168 : memref<1x128xi32, #tpu.memory_space<vmem>> -> memref<128xi32, #tpu.memory_space<vmem>>
      %dma_start3A_170 = arith.constant 0 : i32
      %dma_start3A_171 = arith.constant 0 : i32
      %dma_start3A_172 = tpu.memref_slice %arg2[%dma_start3A_170, %dma_start3A_171] : memref<10000x128xf32, #tpu.memory_space<hbm>> -> memref<10000x128xf32, #tpu.memory_space<hbm>>
      tpu.enqueue_indirect_dma source(%dma_start3A_172 : memref<10000x128xf32, #tpu.memory_space<hbm>>) target(%arg11 : memref<128x128xf32, #tpu.memory_space<vmem>>) offsets(%dma_start3A_169 : memref<128xi32, #tpu.memory_space<vmem>>) semaphore(%arg14 : memref<!tpu.dma_semaphore, #tpu.memory_space<semaphore_mem>>)
      %dma_wait3A_173 = arith.constant 0 : i32
      %dma_wait3A_174 = arith.constant 0 : i32
      %dma_wait3A_175 = tpu.memref_slice %arg7[%dma_wait3A_173, %dma_wait3A_174] : memref<8x128xi32, #tpu.memory_space<vmem>> -> memref<1x128xi32, #tpu.memory_space<vmem>>
      %dma_wait3A_176 = tpu.memref_squeeze %dma_wait3A_175 : memref<1x128xi32, #tpu.memory_space<vmem>> -> memref<128xi32, #tpu.memory_space<vmem>>
      %dma_wait3A_177 = arith.constant 0 : i32
      %dma_wait3A_178 = arith.constant 0 : i32
      %dma_wait3A_179 = tpu.memref_slice %arg2[%dma_wait3A_177, %dma_wait3A_178] : memref<10000x128xf32, #tpu.memory_space<hbm>> -> memref<10000x128xf32, #tpu.memory_space<hbm>>
      tpu.wait_indirect_dma semaphore(%arg15 : memref<!tpu.dma_semaphore, #tpu.memory_space<semaphore_mem>>) src(%dma_wait3A_179 : memref<10000x128xf32, #tpu.memory_space<hbm>>) dst(%arg12 : memref<128x128xf32, #tpu.memory_space<vmem>>)
      %dma_start3A_180 = arith.constant 3 : i32
      %dma_start3A_181 = arith.constant 0 : i32
      %dma_start3A_182 = tpu.memref_slice %arg9[%dma_start3A_180, %dma_start3A_181] : memref<8x128xi32, #tpu.memory_space<vmem>> -> memref<1x128xi32, #tpu.memory_space<vmem>>
      %dma_start3A_183 = tpu.memref_squeeze %dma_start3A_182 : memref<1x128xi32, #tpu.memory_space<vmem>> -> memref<128xi32, #tpu.memory_space<vmem>>
      %dma_start3A_184 = arith.constant 0 : i32
      %dma_start3A_185 = arith.constant 0 : i32
      %dma_start3A_186 = tpu.memref_slice %arg13[%dma_start3A_184, %dma_start3A_185] : memref<10240x128xf32, #tpu.memory_space<vmem_shared>> -> memref<10240x128xf32, #tpu.memory_space<vmem_shared>>
      tpu.enqueue_indirect_dma source(%arg12 : memref<128x128xf32, #tpu.memory_space<vmem>>) target(%dma_start3A_186 : memref<10240x128xf32, #tpu.memory_space<vmem_shared>>) offsets(%dma_start3A_183 : memref<128xi32, #tpu.memory_space<vmem>>) semaphore(%arg17 : memref<!tpu.dma_semaphore, #tpu.memory_space<semaphore_mem>>) {add = true}
      %dma_wait3A_187 = arith.constant 0 : i32
      %dma_wait3A_188 = arith.constant 0 : i32
      %dma_wait3A_189 = tpu.memref_slice %arg9[%dma_wait3A_187, %dma_wait3A_188] : memref<8x128xi32, #tpu.memory_space<vmem>> -> memref<1x128xi32, #tpu.memory_space<vmem>>
      %dma_wait3A_190 = tpu.memref_squeeze %dma_wait3A_189 : memref<1x128xi32, #tpu.memory_space<vmem>> -> memref<128xi32, #tpu.memory_space<vmem>>
      %dma_wait3A_191 = arith.constant 0 : i32
      %dma_wait3A_192 = arith.constant 0 : i32
      %dma_wait3A_193 = tpu.memref_slice %arg13[%dma_wait3A_191, %dma_wait3A_192] : memref<10240x128xf32, #tpu.memory_space<vmem_shared>> -> memref<10240x128xf32, #tpu.memory_space<vmem_shared>>
      tpu.wait_indirect_dma semaphore(%arg17 : memref<!tpu.dma_semaphore, #tpu.memory_space<semaphore_mem>>) src(%arg12 : memref<128x128xf32, #tpu.memory_space<vmem>>) dst(%dma_wait3A_193 : memref<10240x128xf32, #tpu.memory_space<vmem_shared>>)
      %dma_start3A_194 = arith.constant 5 : i32
      %dma_start3A_195 = arith.constant 0 : i32
      %dma_start3A_196 = tpu.memref_slice %arg7[%dma_start3A_194, %dma_start3A_195] : memref<8x128xi32, #tpu.memory_space<vmem>> -> memref<1x128xi32, #tpu.memory_space<vmem>>
      %dma_start3A_197 = tpu.memref_squeeze %dma_start3A_196 : memref<1x128xi32, #tpu.memory_space<vmem>> -> memref<128xi32, #tpu.memory_space<vmem>>
      %dma_start3A_198 = arith.constant 0 : i32
      %dma_start3A_199 = arith.constant 0 : i32
      %dma_start3A_200 = tpu.memref_slice %arg2[%dma_start3A_198, %dma_start3A_199] : memref<10000x128xf32, #tpu.memory_space<hbm>> -> memref<10000x128xf32, #tpu.memory_space<hbm>>
      tpu.enqueue_indirect_dma source(%dma_start3A_200 : memref<10000x128xf32, #tpu.memory_space<hbm>>) target(%arg12 : memref<128x128xf32, #tpu.memory_space<vmem>>) offsets(%dma_start3A_197 : memref<128xi32, #tpu.memory_space<vmem>>) semaphore(%arg15 : memref<!tpu.dma_semaphore, #tpu.memory_space<semaphore_mem>>)
      %dma_wait3A_201 = arith.constant 0 : i32
      %dma_wait3A_202 = arith.constant 0 : i32
      %dma_wait3A_203 = tpu.memref_slice %arg7[%dma_wait3A_201, %dma_wait3A_202] : memref<8x128xi32, #tpu.memory_space<vmem>> -> memref<1x128xi32, #tpu.memory_space<vmem>>
      %dma_wait3A_204 = tpu.memref_squeeze %dma_wait3A_203 : memref<1x128xi32, #tpu.memory_space<vmem>> -> memref<128xi32, #tpu.memory_space<vmem>>
      %dma_wait3A_205 = arith.constant 0 : i32
      %dma_wait3A_206 = arith.constant 0 : i32
      %dma_wait3A_207 = tpu.memref_slice %arg2[%dma_wait3A_205, %dma_wait3A_206] : memref<10000x128xf32, #tpu.memory_space<hbm>> -> memref<10000x128xf32, #tpu.memory_space<hbm>>
      tpu.wait_indirect_dma semaphore(%arg14 : memref<!tpu.dma_semaphore, #tpu.memory_space<semaphore_mem>>) src(%dma_wait3A_207 : memref<10000x128xf32, #tpu.memory_space<hbm>>) dst(%arg11 : memref<128x128xf32, #tpu.memory_space<vmem>>)
      %dma_start3A_208 = arith.constant 4 : i32
      %dma_start3A_209 = arith.constant 0 : i32
      %dma_start3A_210 = tpu.memref_slice %arg9[%dma_start3A_208, %dma_start3A_209] : memref<8x128xi32, #tpu.memory_space<vmem>> -> memref<1x128xi32, #tpu.memory_space<vmem>>
      %dma_start3A_211 = tpu.memref_squeeze %dma_start3A_210 : memref<1x128xi32, #tpu.memory_space<vmem>> -> memref<128xi32, #tpu.memory_space<vmem>>
      %dma_start3A_212 = arith.constant 0 : i32
      %dma_start3A_213 = arith.constant 0 : i32
      %dma_start3A_214 = tpu.memref_slice %arg13[%dma_start3A_212, %dma_start3A_213] : memref<10240x128xf32, #tpu.memory_space<vmem_shared>> -> memref<10240x128xf32, #tpu.memory_space<vmem_shared>>
      tpu.enqueue_indirect_dma source(%arg11 : memref<128x128xf32, #tpu.memory_space<vmem>>) target(%dma_start3A_214 : memref<10240x128xf32, #tpu.memory_space<vmem_shared>>) offsets(%dma_start3A_211 : memref<128xi32, #tpu.memory_space<vmem>>) semaphore(%arg16 : memref<!tpu.dma_semaphore, #tpu.memory_space<semaphore_mem>>) {add = true}
      %dma_wait3A_215 = arith.constant 0 : i32
      %dma_wait3A_216 = arith.constant 0 : i32
      %dma_wait3A_217 = tpu.memref_slice %arg9[%dma_wait3A_215, %dma_wait3A_216] : memref<8x128xi32, #tpu.memory_space<vmem>> -> memref<1x128xi32, #tpu.memory_space<vmem>>
      %dma_wait3A_218 = tpu.memref_squeeze %dma_wait3A_217 : memref<1x128xi32, #tpu.memory_space<vmem>> -> memref<128xi32, #tpu.memory_space<vmem>>
      %dma_wait3A_219 = arith.constant 0 : i32
      %dma_wait3A_220 = arith.constant 0 : i32
      %dma_wait3A_221 = tpu.memref_slice %arg13[%dma_wait3A_219, %dma_wait3A_220] : memref<10240x128xf32, #tpu.memory_space<vmem_shared>> -> memref<10240x128xf32, #tpu.memory_space<vmem_shared>>
      tpu.wait_indirect_dma semaphore(%arg16 : memref<!tpu.dma_semaphore, #tpu.memory_space<semaphore_mem>>) src(%arg11 : memref<128x128xf32, #tpu.memory_space<vmem>>) dst(%dma_wait3A_221 : memref<10240x128xf32, #tpu.memory_space<vmem_shared>>)
      %dma_start3A_222 = arith.constant 6 : i32
      %dma_start3A_223 = arith.constant 0 : i32
      %dma_start3A_224 = tpu.memref_slice %arg7[%dma_start3A_222, %dma_start3A_223] : memref<8x128xi32, #tpu.memory_space<vmem>> -> memref<1x128xi32, #tpu.memory_space<vmem>>
      %dma_start3A_225 = tpu.memref_squeeze %dma_start3A_224 : memref<1x128xi32, #tpu.memory_space<vmem>> -> memref<128xi32, #tpu.memory_space<vmem>>
      %dma_start3A_226 = arith.constant 0 : i32
      %dma_start3A_227 = arith.constant 0 : i32
      %dma_start3A_228 = tpu.memref_slice %arg2[%dma_start3A_226, %dma_start3A_227] : memref<10000x128xf32, #tpu.memory_space<hbm>> -> memref<10000x128xf32, #tpu.memory_space<hbm>>
      tpu.enqueue_indirect_dma source(%dma_start3A_228 : memref<10000x128xf32, #tpu.memory_space<hbm>>) target(%arg11 : memref<128x128xf32, #tpu.memory_space<vmem>>) offsets(%dma_start3A_225 : memref<128xi32, #tpu.memory_space<vmem>>) semaphore(%arg14 : memref<!tpu.dma_semaphore, #tpu.memory_space<semaphore_mem>>)
      %dma_wait3A_229 = arith.constant 0 : i32
      %dma_wait3A_230 = arith.constant 0 : i32
      %dma_wait3A_231 = tpu.memref_slice %arg7[%dma_wait3A_229, %dma_wait3A_230] : memref<8x128xi32, #tpu.memory_space<vmem>> -> memref<1x128xi32, #tpu.memory_space<vmem>>
      %dma_wait3A_232 = tpu.memref_squeeze %dma_wait3A_231 : memref<1x128xi32, #tpu.memory_space<vmem>> -> memref<128xi32, #tpu.memory_space<vmem>>
      %dma_wait3A_233 = arith.constant 0 : i32
      %dma_wait3A_234 = arith.constant 0 : i32
      %dma_wait3A_235 = tpu.memref_slice %arg2[%dma_wait3A_233, %dma_wait3A_234] : memref<10000x128xf32, #tpu.memory_space<hbm>> -> memref<10000x128xf32, #tpu.memory_space<hbm>>
      tpu.wait_indirect_dma semaphore(%arg15 : memref<!tpu.dma_semaphore, #tpu.memory_space<semaphore_mem>>) src(%dma_wait3A_235 : memref<10000x128xf32, #tpu.memory_space<hbm>>) dst(%arg12 : memref<128x128xf32, #tpu.memory_space<vmem>>)
      %dma_start3A_236 = arith.constant 5 : i32
      %dma_start3A_237 = arith.constant 0 : i32
      %dma_start3A_238 = tpu.memref_slice %arg9[%dma_start3A_236, %dma_start3A_237] : memref<8x128xi32, #tpu.memory_space<vmem>> -> memref<1x128xi32, #tpu.memory_space<vmem>>
      %dma_start3A_239 = tpu.memref_squeeze %dma_start3A_238 : memref<1x128xi32, #tpu.memory_space<vmem>> -> memref<128xi32, #tpu.memory_space<vmem>>
      %dma_start3A_240 = arith.constant 0 : i32
      %dma_start3A_241 = arith.constant 0 : i32
      %dma_start3A_242 = tpu.memref_slice %arg13[%dma_start3A_240, %dma_start3A_241] : memref<10240x128xf32, #tpu.memory_space<vmem_shared>> -> memref<10240x128xf32, #tpu.memory_space<vmem_shared>>
      tpu.enqueue_indirect_dma source(%arg12 : memref<128x128xf32, #tpu.memory_space<vmem>>) target(%dma_start3A_242 : memref<10240x128xf32, #tpu.memory_space<vmem_shared>>) offsets(%dma_start3A_239 : memref<128xi32, #tpu.memory_space<vmem>>) semaphore(%arg17 : memref<!tpu.dma_semaphore, #tpu.memory_space<semaphore_mem>>) {add = true}
      %dma_wait3A_243 = arith.constant 0 : i32
      %dma_wait3A_244 = arith.constant 0 : i32
      %dma_wait3A_245 = tpu.memref_slice %arg9[%dma_wait3A_243, %dma_wait3A_244] : memref<8x128xi32, #tpu.memory_space<vmem>> -> memref<1x128xi32, #tpu.memory_space<vmem>>
      %dma_wait3A_246 = tpu.memref_squeeze %dma_wait3A_245 : memref<1x128xi32, #tpu.memory_space<vmem>> -> memref<128xi32, #tpu.memory_space<vmem>>
      %dma_wait3A_247 = arith.constant 0 : i32
      %dma_wait3A_248 = arith.constant 0 : i32
      %dma_wait3A_249 = tpu.memref_slice %arg13[%dma_wait3A_247, %dma_wait3A_248] : memref<10240x128xf32, #tpu.memory_space<vmem_shared>> -> memref<10240x128xf32, #tpu.memory_space<vmem_shared>>
      tpu.wait_indirect_dma semaphore(%arg17 : memref<!tpu.dma_semaphore, #tpu.memory_space<semaphore_mem>>) src(%arg12 : memref<128x128xf32, #tpu.memory_space<vmem>>) dst(%dma_wait3A_249 : memref<10240x128xf32, #tpu.memory_space<vmem_shared>>)
      %dma_start3A_250 = arith.constant 7 : i32
      %dma_start3A_251 = arith.constant 0 : i32
      %dma_start3A_252 = tpu.memref_slice %arg7[%dma_start3A_250, %dma_start3A_251] : memref<8x128xi32, #tpu.memory_space<vmem>> -> memref<1x128xi32, #tpu.memory_space<vmem>>
      %dma_start3A_253 = tpu.memref_squeeze %dma_start3A_252 : memref<1x128xi32, #tpu.memory_space<vmem>> -> memref<128xi32, #tpu.memory_space<vmem>>
      %dma_start3A_254 = arith.constant 0 : i32
      %dma_start3A_255 = arith.constant 0 : i32
      %dma_start3A_256 = tpu.memref_slice %arg2[%dma_start3A_254, %dma_start3A_255] : memref<10000x128xf32, #tpu.memory_space<hbm>> -> memref<10000x128xf32, #tpu.memory_space<hbm>>
      tpu.enqueue_indirect_dma source(%dma_start3A_256 : memref<10000x128xf32, #tpu.memory_space<hbm>>) target(%arg12 : memref<128x128xf32, #tpu.memory_space<vmem>>) offsets(%dma_start3A_253 : memref<128xi32, #tpu.memory_space<vmem>>) semaphore(%arg15 : memref<!tpu.dma_semaphore, #tpu.memory_space<semaphore_mem>>)
      %dma_wait3A_257 = arith.constant 0 : i32
      %dma_wait3A_258 = arith.constant 0 : i32
      %dma_wait3A_259 = tpu.memref_slice %arg7[%dma_wait3A_257, %dma_wait3A_258] : memref<8x128xi32, #tpu.memory_space<vmem>> -> memref<1x128xi32, #tpu.memory_space<vmem>>
      %dma_wait3A_260 = tpu.memref_squeeze %dma_wait3A_259 : memref<1x128xi32, #tpu.memory_space<vmem>> -> memref<128xi32, #tpu.memory_space<vmem>>
      %dma_wait3A_261 = arith.constant 0 : i32
      %dma_wait3A_262 = arith.constant 0 : i32
      %dma_wait3A_263 = tpu.memref_slice %arg2[%dma_wait3A_261, %dma_wait3A_262] : memref<10000x128xf32, #tpu.memory_space<hbm>> -> memref<10000x128xf32, #tpu.memory_space<hbm>>
      tpu.wait_indirect_dma semaphore(%arg14 : memref<!tpu.dma_semaphore, #tpu.memory_space<semaphore_mem>>) src(%dma_wait3A_263 : memref<10000x128xf32, #tpu.memory_space<hbm>>) dst(%arg11 : memref<128x128xf32, #tpu.memory_space<vmem>>)
      %dma_start3A_264 = arith.constant 6 : i32
      %dma_start3A_265 = arith.constant 0 : i32
      %dma_start3A_266 = tpu.memref_slice %arg9[%dma_start3A_264, %dma_start3A_265] : memref<8x128xi32, #tpu.memory_space<vmem>> -> memref<1x128xi32, #tpu.memory_space<vmem>>
      %dma_start3A_267 = tpu.memref_squeeze %dma_start3A_266 : memref<1x128xi32, #tpu.memory_space<vmem>> -> memref<128xi32, #tpu.memory_space<vmem>>
      %dma_start3A_268 = arith.constant 0 : i32
      %dma_start3A_269 = arith.constant 0 : i32
      %dma_start3A_270 = tpu.memref_slice %arg13[%dma_start3A_268, %dma_start3A_269] : memref<10240x128xf32, #tpu.memory_space<vmem_shared>> -> memref<10240x128xf32, #tpu.memory_space<vmem_shared>>
      tpu.enqueue_indirect_dma source(%arg11 : memref<128x128xf32, #tpu.memory_space<vmem>>) target(%dma_start3A_270 : memref<10240x128xf32, #tpu.memory_space<vmem_shared>>) offsets(%dma_start3A_267 : memref<128xi32, #tpu.memory_space<vmem>>) semaphore(%arg16 : memref<!tpu.dma_semaphore, #tpu.memory_space<semaphore_mem>>) {add = true}
      %dma_wait3A_271 = arith.constant 0 : i32
      %dma_wait3A_272 = arith.constant 0 : i32
      %dma_wait3A_273 = tpu.memref_slice %arg9[%dma_wait3A_271, %dma_wait3A_272] : memref<8x128xi32, #tpu.memory_space<vmem>> -> memref<1x128xi32, #tpu.memory_space<vmem>>
      %dma_wait3A_274 = tpu.memref_squeeze %dma_wait3A_273 : memref<1x128xi32, #tpu.memory_space<vmem>> -> memref<128xi32, #tpu.memory_space<vmem>>
      %dma_wait3A_275 = arith.constant 0 : i32
      %dma_wait3A_276 = arith.constant 0 : i32
      %dma_wait3A_277 = tpu.memref_slice %arg13[%dma_wait3A_275, %dma_wait3A_276] : memref<10240x128xf32, #tpu.memory_space<vmem_shared>> -> memref<10240x128xf32, #tpu.memory_space<vmem_shared>>
      tpu.wait_indirect_dma semaphore(%arg16 : memref<!tpu.dma_semaphore, #tpu.memory_space<semaphore_mem>>) src(%arg11 : memref<128x128xf32, #tpu.memory_space<vmem>>) dst(%dma_wait3A_277 : memref<10240x128xf32, #tpu.memory_space<vmem_shared>>)
      %dma_wait3A_278 = arith.constant 0 : i32
      %dma_wait3A_279 = arith.constant 0 : i32
      %dma_wait3A_280 = tpu.memref_slice %arg3[%add3A, %dma_wait3A_278, %dma_wait3A_279] : memref<32x80x128xi32, #tpu.memory_space<hbm>> -> memref<1x8x128xi32, #tpu.memory_space<hbm>>
      %dma_wait3A_281 = tpu.memref_squeeze %dma_wait3A_280 : memref<1x8x128xi32, #tpu.memory_space<hbm>> -> memref<8x128xi32, #tpu.memory_space<hbm>>
      %dma_wait3A_282 = arith.constant 0 : i32
      %dma_wait3A_283 = arith.constant 0 : i32
      %dma_wait3A_284 = tpu.memref_slice %arg3[%add3A, %dma_wait3A_282, %dma_wait3A_283] : memref<32x80x128xi32, #tpu.memory_space<hbm>> -> memref<1x8x128xi32, #tpu.memory_space<hbm>>
      %dma_wait3A_285 = tpu.memref_squeeze %dma_wait3A_284 : memref<1x8x128xi32, #tpu.memory_space<hbm>> -> memref<8x128xi32, #tpu.memory_space<hbm>>
      tpu.wait_dma2 semaphore(%arg18 : memref<!tpu.dma_semaphore, #tpu.memory_space<semaphore_mem>>) src(%dma_wait3A_285 : memref<8x128xi32, #tpu.memory_space<hbm>>) dst(%arg7 : memref<8x128xi32, #tpu.memory_space<vmem>>)
      %dma_wait3A_286 = arith.constant 0 : i32
      %dma_wait3A_287 = arith.constant 0 : i32
      %dma_wait3A_288 = tpu.memref_slice %arg4[%add3A, %dma_wait3A_286, %dma_wait3A_287] : memref<32x80x128xi32, #tpu.memory_space<hbm>> -> memref<1x8x128xi32, #tpu.memory_space<hbm>>
      %dma_wait3A_289 = tpu.memref_squeeze %dma_wait3A_288 : memref<1x8x128xi32, #tpu.memory_space<hbm>> -> memref<8x128xi32, #tpu.memory_space<hbm>>
      %dma_wait3A_290 = arith.constant 0 : i32
      %dma_wait3A_291 = arith.constant 0 : i32
      %dma_wait3A_292 = tpu.memref_slice %arg4[%add3A, %dma_wait3A_290, %dma_wait3A_291] : memref<32x80x128xi32, #tpu.memory_space<hbm>> -> memref<1x8x128xi32, #tpu.memory_space<hbm>>
      %dma_wait3A_293 = tpu.memref_squeeze %dma_wait3A_292 : memref<1x8x128xi32, #tpu.memory_space<hbm>> -> memref<8x128xi32, #tpu.memory_space<hbm>>
      tpu.wait_dma2 semaphore(%arg18 : memref<!tpu.dma_semaphore, #tpu.memory_space<semaphore_mem>>) src(%dma_wait3A_293 : memref<8x128xi32, #tpu.memory_space<hbm>>) dst(%arg9 : memref<8x128xi32, #tpu.memory_space<vmem>>)
      %dma_start3A_294 = arith.constant 0 : i32
      %dma_start3A_295 = arith.constant 0 : i32
      %dma_start3A_296 = tpu.memref_slice %arg8[%dma_start3A_294, %dma_start3A_295] : memref<8x128xi32, #tpu.memory_space<vmem>> -> memref<1x128xi32, #tpu.memory_space<vmem>>
      %dma_start3A_297 = tpu.memref_squeeze %dma_start3A_296 : memref<1x128xi32, #tpu.memory_space<vmem>> -> memref<128xi32, #tpu.memory_space<vmem>>
      %dma_start3A_298 = arith.constant 0 : i32
      %dma_start3A_299 = arith.constant 0 : i32
      %dma_start3A_300 = tpu.memref_slice %arg2[%dma_start3A_298, %dma_start3A_299] : memref<10000x128xf32, #tpu.memory_space<hbm>> -> memref<10000x128xf32, #tpu.memory_space<hbm>>
      tpu.enqueue_indirect_dma source(%dma_start3A_300 : memref<10000x128xf32, #tpu.memory_space<hbm>>) target(%arg11 : memref<128x128xf32, #tpu.memory_space<vmem>>) offsets(%dma_start3A_297 : memref<128xi32, #tpu.memory_space<vmem>>) semaphore(%arg14 : memref<!tpu.dma_semaphore, #tpu.memory_space<semaphore_mem>>)
      %dma_wait3A_301 = arith.constant 0 : i32
      %dma_wait3A_302 = arith.constant 0 : i32
      %dma_wait3A_303 = tpu.memref_slice %arg7[%dma_wait3A_301, %dma_wait3A_302] : memref<8x128xi32, #tpu.memory_space<vmem>> -> memref<1x128xi32, #tpu.memory_space<vmem>>
      %dma_wait3A_304 = tpu.memref_squeeze %dma_wait3A_303 : memref<1x128xi32, #tpu.memory_space<vmem>> -> memref<128xi32, #tpu.memory_space<vmem>>
      %dma_wait3A_305 = arith.constant 0 : i32
      %dma_wait3A_306 = arith.constant 0 : i32
      %dma_wait3A_307 = tpu.memref_slice %arg2[%dma_wait3A_305, %dma_wait3A_306] : memref<10000x128xf32, #tpu.memory_space<hbm>> -> memref<10000x128xf32, #tpu.memory_space<hbm>>
      tpu.wait_indirect_dma semaphore(%arg15 : memref<!tpu.dma_semaphore, #tpu.memory_space<semaphore_mem>>) src(%dma_wait3A_307 : memref<10000x128xf32, #tpu.memory_space<hbm>>) dst(%arg12 : memref<128x128xf32, #tpu.memory_space<vmem>>)
      %dma_start3A_308 = arith.constant 7 : i32
      %dma_start3A_309 = arith.constant 0 : i32
      %dma_start3A_310 = tpu.memref_slice %arg9[%dma_start3A_308, %dma_start3A_309] : memref<8x128xi32, #tpu.memory_space<vmem>> -> memref<1x128xi32, #tpu.memory_space<vmem>>
      %dma_start3A_311 = tpu.memref_squeeze %dma_start3A_310 : memref<1x128xi32, #tpu.memory_space<vmem>> -> memref<128xi32, #tpu.memory_space<vmem>>
      %dma_start3A_312 = arith.constant 0 : i32
      %dma_start3A_313 = arith.constant 0 : i32
      %dma_start3A_314 = tpu.memref_slice %arg13[%dma_start3A_312, %dma_start3A_313] : memref<10240x128xf32, #tpu.memory_space<vmem_shared>> -> memref<10240x128xf32, #tpu.memory_space<vmem_shared>>
      tpu.enqueue_indirect_dma source(%arg12 : memref<128x128xf32, #tpu.memory_space<vmem>>) target(%dma_start3A_314 : memref<10240x128xf32, #tpu.memory_space<vmem_shared>>) offsets(%dma_start3A_311 : memref<128xi32, #tpu.memory_space<vmem>>) semaphore(%arg17 : memref<!tpu.dma_semaphore, #tpu.memory_space<semaphore_mem>>) {add = true}
      %dma_wait3A_315 = arith.constant 0 : i32
      %dma_wait3A_316 = arith.constant 0 : i32
      %dma_wait3A_317 = tpu.memref_slice %arg9[%dma_wait3A_315, %dma_wait3A_316] : memref<8x128xi32, #tpu.memory_space<vmem>> -> memref<1x128xi32, #tpu.memory_space<vmem>>
      %dma_wait3A_318 = tpu.memref_squeeze %dma_wait3A_317 : memref<1x128xi32, #tpu.memory_space<vmem>> -> memref<128xi32, #tpu.memory_space<vmem>>
      %dma_wait3A_319 = arith.constant 0 : i32
      %dma_wait3A_320 = arith.constant 0 : i32
      %dma_wait3A_321 = tpu.memref_slice %arg13[%dma_wait3A_319, %dma_wait3A_320] : memref<10240x128xf32, #tpu.memory_space<vmem_shared>> -> memref<10240x128xf32, #tpu.memory_space<vmem_shared>>
      tpu.wait_indirect_dma semaphore(%arg17 : memref<!tpu.dma_semaphore, #tpu.memory_space<semaphore_mem>>) src(%arg12 : memref<128x128xf32, #tpu.memory_space<vmem>>) dst(%dma_wait3A_321 : memref<10240x128xf32, #tpu.memory_space<vmem_shared>>)
      %dma_start3A_322 = arith.constant 1 : i32
      %dma_start3A_323 = arith.constant 0 : i32
      %dma_start3A_324 = tpu.memref_slice %arg8[%dma_start3A_322, %dma_start3A_323] : memref<8x128xi32, #tpu.memory_space<vmem>> -> memref<1x128xi32, #tpu.memory_space<vmem>>
      %dma_start3A_325 = tpu.memref_squeeze %dma_start3A_324 : memref<1x128xi32, #tpu.memory_space<vmem>> -> memref<128xi32, #tpu.memory_space<vmem>>
      %dma_start3A_326 = arith.constant 0 : i32
      %dma_start3A_327 = arith.constant 0 : i32
      %dma_start3A_328 = tpu.memref_slice %arg2[%dma_start3A_326, %dma_start3A_327] : memref<10000x128xf32, #tpu.memory_space<hbm>> -> memref<10000x128xf32, #tpu.memory_space<hbm>>
      tpu.enqueue_indirect_dma source(%dma_start3A_328 : memref<10000x128xf32, #tpu.memory_space<hbm>>) target(%arg12 : memref<128x128xf32, #tpu.memory_space<vmem>>) offsets(%dma_start3A_325 : memref<128xi32, #tpu.memory_space<vmem>>) semaphore(%arg15 : memref<!tpu.dma_semaphore, #tpu.memory_space<semaphore_mem>>)
      %dma_wait3A_329 = arith.constant 0 : i32
      %dma_wait3A_330 = arith.constant 0 : i32
      %dma_wait3A_331 = tpu.memref_slice %arg7[%dma_wait3A_329, %dma_wait3A_330] : memref<8x128xi32, #tpu.memory_space<vmem>> -> memref<1x128xi32, #tpu.memory_space<vmem>>
      %dma_wait3A_332 = tpu.memref_squeeze %dma_wait3A_331 : memref<1x128xi32, #tpu.memory_space<vmem>> -> memref<128xi32, #tpu.memory_space<vmem>>
      %dma_wait3A_333 = arith.constant 0 : i32
      %dma_wait3A_334 = arith.constant 0 : i32
      %dma_wait3A_335 = tpu.memref_slice %arg2[%dma_wait3A_333, %dma_wait3A_334] : memref<10000x128xf32, #tpu.memory_space<hbm>> -> memref<10000x128xf32, #tpu.memory_space<hbm>>
      tpu.wait_indirect_dma semaphore(%arg14 : memref<!tpu.dma_semaphore, #tpu.memory_space<semaphore_mem>>) src(%dma_wait3A_335 : memref<10000x128xf32, #tpu.memory_space<hbm>>) dst(%arg11 : memref<128x128xf32, #tpu.memory_space<vmem>>)
      %dma_start3A_336 = arith.constant 0 : i32
      %dma_start3A_337 = arith.constant 0 : i32
      %dma_start3A_338 = tpu.memref_slice %arg10[%dma_start3A_336, %dma_start3A_337] : memref<8x128xi32, #tpu.memory_space<vmem>> -> memref<1x128xi32, #tpu.memory_space<vmem>>
      %dma_start3A_339 = tpu.memref_squeeze %dma_start3A_338 : memref<1x128xi32, #tpu.memory_space<vmem>> -> memref<128xi32, #tpu.memory_space<vmem>>
      %dma_start3A_340 = arith.constant 0 : i32
      %dma_start3A_341 = arith.constant 0 : i32
      %dma_start3A_342 = tpu.memref_slice %arg13[%dma_start3A_340, %dma_start3A_341] : memref<10240x128xf32, #tpu.memory_space<vmem_shared>> -> memref<10240x128xf32, #tpu.memory_space<vmem_shared>>
      tpu.enqueue_indirect_dma source(%arg11 : memref<128x128xf32, #tpu.memory_space<vmem>>) target(%dma_start3A_342 : memref<10240x128xf32, #tpu.memory_space<vmem_shared>>) offsets(%dma_start3A_339 : memref<128xi32, #tpu.memory_space<vmem>>) semaphore(%arg16 : memref<!tpu.dma_semaphore, #tpu.memory_space<semaphore_mem>>) {add = true}
      %dma_wait3A_343 = arith.constant 0 : i32
      %dma_wait3A_344 = arith.constant 0 : i32
      %dma_wait3A_345 = tpu.memref_slice %arg9[%dma_wait3A_343, %dma_wait3A_344] : memref<8x128xi32, #tpu.memory_space<vmem>> -> memref<1x128xi32, #tpu.memory_space<vmem>>
      %dma_wait3A_346 = tpu.memref_squeeze %dma_wait3A_345 : memref<1x128xi32, #tpu.memory_space<vmem>> -> memref<128xi32, #tpu.memory_space<vmem>>
      %dma_wait3A_347 = arith.constant 0 : i32
      %dma_wait3A_348 = arith.constant 0 : i32
      %dma_wait3A_349 = tpu.memref_slice %arg13[%dma_wait3A_347, %dma_wait3A_348] : memref<10240x128xf32, #tpu.memory_space<vmem_shared>> -> memref<10240x128xf32, #tpu.memory_space<vmem_shared>>
      tpu.wait_indirect_dma semaphore(%arg16 : memref<!tpu.dma_semaphore, #tpu.memory_space<semaphore_mem>>) src(%arg11 : memref<128x128xf32, #tpu.memory_space<vmem>>) dst(%dma_wait3A_349 : memref<10240x128xf32, #tpu.memory_space<vmem_shared>>)
      %dma_start3A_350 = arith.constant 2 : i32
      %dma_start3A_351 = arith.constant 0 : i32
      %dma_start3A_352 = tpu.memref_slice %arg8[%dma_start3A_350, %dma_start3A_351] : memref<8x128xi32, #tpu.memory_space<vmem>> -> memref<1x128xi32, #tpu.memory_space<vmem>>
      %dma_start3A_353 = tpu.memref_squeeze %dma_start3A_352 : memref<1x128xi32, #tpu.memory_space<vmem>> -> memref<128xi32, #tpu.memory_space<vmem>>
      %dma_start3A_354 = arith.constant 0 : i32
      %dma_start3A_355 = arith.constant 0 : i32
      %dma_start3A_356 = tpu.memref_slice %arg2[%dma_start3A_354, %dma_start3A_355] : memref<10000x128xf32, #tpu.memory_space<hbm>> -> memref<10000x128xf32, #tpu.memory_space<hbm>>
      tpu.enqueue_indirect_dma source(%dma_start3A_356 : memref<10000x128xf32, #tpu.memory_space<hbm>>) target(%arg11 : memref<128x128xf32, #tpu.memory_space<vmem>>) offsets(%dma_start3A_353 : memref<128xi32, #tpu.memory_space<vmem>>) semaphore(%arg14 : memref<!tpu.dma_semaphore, #tpu.memory_space<semaphore_mem>>)
      %lt3A = arith.constant 4 : i32
      %lt3A_357 = arith.cmpi slt, %scan3A_41, %lt3A : i32
      %convert_element_type3A_358 = arith.extui %lt3A_357 : i1 to i32
      %cond3A_359 = arith.constant 0 : i32
      %cond3A_360 = arith.cmpi ne, %convert_element_type3A_358, %cond3A_359 : i32
      scf.if %cond3A_360 {
        %mul3A_515 = arith.constant 16 : i32
        %mul3A_516 = arith.muli %mul3A_515, %scan3A_41 : i32
        %add3A_517 = arith.constant 16 : i32
        %add3A_518 = arith.addi %mul3A_516, %add3A_517 : i32
        %multiple_of3A_519 = tpu.assume_multiple %add3A_518, 8 : i32
        %dma_start3A_520 = arith.constant 0 : i32
        %dma_start3A_521 = tpu.memref_slice %arg3[%add3A, %multiple_of3A_519, %dma_start3A_520] : memref<32x80x128xi32, #tpu.memory_space<hbm>> -> memref<1x8x128xi32, #tpu.memory_space<hbm>>
        %dma_start3A_522 = tpu.memref_squeeze %dma_start3A_521 : memref<1x8x128xi32, #tpu.memory_space<hbm>> -> memref<8x128xi32, #tpu.memory_space<hbm>>
        %dma_start3A_523 = arith.constant 0 : i32
        %dma_start3A_524 = tpu.memref_slice %arg3[%add3A, %multiple_of3A_519, %dma_start3A_523] : memref<32x80x128xi32, #tpu.memory_space<hbm>> -> memref<1x8x128xi32, #tpu.memory_space<hbm>>
        %dma_start3A_525 = tpu.memref_squeeze %dma_start3A_524 : memref<1x8x128xi32, #tpu.memory_space<hbm>> -> memref<8x128xi32, #tpu.memory_space<hbm>>
        tpu.enqueue_dma source(%dma_start3A_525 : memref<8x128xi32, #tpu.memory_space<hbm>>) target(%arg7 : memref<8x128xi32, #tpu.memory_space<vmem>>) target_semaphore(%arg18 : memref<!tpu.dma_semaphore, #tpu.memory_space<semaphore_mem>>)
        %dma_start3A_526 = arith.constant 0 : i32
        %dma_start3A_527 = tpu.memref_slice %arg4[%add3A, %multiple_of3A_519, %dma_start3A_526] : memref<32x80x128xi32, #tpu.memory_space<hbm>> -> memref<1x8x128xi32, #tpu.memory_space<hbm>>
        %dma_start3A_528 = tpu.memref_squeeze %dma_start3A_527 : memref<1x8x128xi32, #tpu.memory_space<hbm>> -> memref<8x128xi32, #tpu.memory_space<hbm>>
        %dma_start3A_529 = arith.constant 0 : i32
        %dma_start3A_530 = tpu.memref_slice %arg4[%add3A, %multiple_of3A_519, %dma_start3A_529] : memref<32x80x128xi32, #tpu.memory_space<hbm>> -> memref<1x8x128xi32, #tpu.memory_space<hbm>>
        %dma_start3A_531 = tpu.memref_squeeze %dma_start3A_530 : memref<1x8x128xi32, #tpu.memory_space<hbm>> -> memref<8x128xi32, #tpu.memory_space<hbm>>
        tpu.enqueue_dma source(%dma_start3A_531 : memref<8x128xi32, #tpu.memory_space<hbm>>) target(%arg9 : memref<8x128xi32, #tpu.memory_space<vmem>>) target_semaphore(%arg18 : memref<!tpu.dma_semaphore, #tpu.memory_space<semaphore_mem>>)
      } else {
      }
      %dma_wait3A_361 = arith.constant 0 : i32
      %dma_wait3A_362 = arith.constant 0 : i32
      %dma_wait3A_363 = tpu.memref_slice %arg7[%dma_wait3A_361, %dma_wait3A_362] : memref<8x128xi32, #tpu.memory_space<vmem>> -> memref<1x128xi32, #tpu.memory_space<vmem>>
      %dma_wait3A_364 = tpu.memref_squeeze %dma_wait3A_363 : memref<1x128xi32, #tpu.memory_space<vmem>> -> memref<128xi32, #tpu.memory_space<vmem>>
      %dma_wait3A_365 = arith.constant 0 : i32
      %dma_wait3A_366 = arith.constant 0 : i32
      %dma_wait3A_367 = tpu.memref_slice %arg2[%dma_wait3A_365, %dma_wait3A_366] : memref<10000x128xf32, #tpu.memory_space<hbm>> -> memref<10000x128xf32, #tpu.memory_space<hbm>>
      tpu.wait_indirect_dma semaphore(%arg15 : memref<!tpu.dma_semaphore, #tpu.memory_space<semaphore_mem>>) src(%dma_wait3A_367 : memref<10000x128xf32, #tpu.memory_space<hbm>>) dst(%arg12 : memref<128x128xf32, #tpu.memory_space<vmem>>)
      %dma_start3A_368 = arith.constant 1 : i32
      %dma_start3A_369 = arith.constant 0 : i32
      %dma_start3A_370 = tpu.memref_slice %arg10[%dma_start3A_368, %dma_start3A_369] : memref<8x128xi32, #tpu.memory_space<vmem>> -> memref<1x128xi32, #tpu.memory_space<vmem>>
      %dma_start3A_371 = tpu.memref_squeeze %dma_start3A_370 : memref<1x128xi32, #tpu.memory_space<vmem>> -> memref<128xi32, #tpu.memory_space<vmem>>
      %dma_start3A_372 = arith.constant 0 : i32
      %dma_start3A_373 = arith.constant 0 : i32
      %dma_start3A_374 = tpu.memref_slice %arg13[%dma_start3A_372, %dma_start3A_373] : memref<10240x128xf32, #tpu.memory_space<vmem_shared>> -> memref<10240x128xf32, #tpu.memory_space<vmem_shared>>
      tpu.enqueue_indirect_dma source(%arg12 : memref<128x128xf32, #tpu.memory_space<vmem>>) target(%dma_start3A_374 : memref<10240x128xf32, #tpu.memory_space<vmem_shared>>) offsets(%dma_start3A_371 : memref<128xi32, #tpu.memory_space<vmem>>) semaphore(%arg17 : memref<!tpu.dma_semaphore, #tpu.memory_space<semaphore_mem>>) {add = true}
      %dma_wait3A_375 = arith.constant 0 : i32
      %dma_wait3A_376 = arith.constant 0 : i32
      %dma_wait3A_377 = tpu.memref_slice %arg9[%dma_wait3A_375, %dma_wait3A_376] : memref<8x128xi32, #tpu.memory_space<vmem>> -> memref<1x128xi32, #tpu.memory_space<vmem>>
      %dma_wait3A_378 = tpu.memref_squeeze %dma_wait3A_377 : memref<1x128xi32, #tpu.memory_space<vmem>> -> memref<128xi32, #tpu.memory_space<vmem>>
      %dma_wait3A_379 = arith.constant 0 : i32
      %dma_wait3A_380 = arith.constant 0 : i32
      %dma_wait3A_381 = tpu.memref_slice %arg13[%dma_wait3A_379, %dma_wait3A_380] : memref<10240x128xf32, #tpu.memory_space<vmem_shared>> -> memref<10240x128xf32, #tpu.memory_space<vmem_shared>>
      tpu.wait_indirect_dma semaphore(%arg17 : memref<!tpu.dma_semaphore, #tpu.memory_space<semaphore_mem>>) src(%arg12 : memref<128x128xf32, #tpu.memory_space<vmem>>) dst(%dma_wait3A_381 : memref<10240x128xf32, #tpu.memory_space<vmem_shared>>)
      %dma_start3A_382 = arith.constant 3 : i32
      %dma_start3A_383 = arith.constant 0 : i32
      %dma_start3A_384 = tpu.memref_slice %arg8[%dma_start3A_382, %dma_start3A_383] : memref<8x128xi32, #tpu.memory_space<vmem>> -> memref<1x128xi32, #tpu.memory_space<vmem>>
      %dma_start3A_385 = tpu.memref_squeeze %dma_start3A_384 : memref<1x128xi32, #tpu.memory_space<vmem>> -> memref<128xi32, #tpu.memory_space<vmem>>
      %dma_start3A_386 = arith.constant 0 : i32
      %dma_start3A_387 = arith.constant 0 : i32
      %dma_start3A_388 = tpu.memref_slice %arg2[%dma_start3A_386, %dma_start3A_387] : memref<10000x128xf32, #tpu.memory_space<hbm>> -> memref<10000x128xf32, #tpu.memory_space<hbm>>
      tpu.enqueue_indirect_dma source(%dma_start3A_388 : memref<10000x128xf32, #tpu.memory_space<hbm>>) target(%arg12 : memref<128x128xf32, #tpu.memory_space<vmem>>) offsets(%dma_start3A_385 : memref<128xi32, #tpu.memory_space<vmem>>) semaphore(%arg15 : memref<!tpu.dma_semaphore, #tpu.memory_space<semaphore_mem>>)
      %dma_wait3A_389 = arith.constant 0 : i32
      %dma_wait3A_390 = arith.constant 0 : i32
      %dma_wait3A_391 = tpu.memref_slice %arg7[%dma_wait3A_389, %dma_wait3A_390] : memref<8x128xi32, #tpu.memory_space<vmem>> -> memref<1x128xi32, #tpu.memory_space<vmem>>
      %dma_wait3A_392 = tpu.memref_squeeze %dma_wait3A_391 : memref<1x128xi32, #tpu.memory_space<vmem>> -> memref<128xi32, #tpu.memory_space<vmem>>
      %dma_wait3A_393 = arith.constant 0 : i32
      %dma_wait3A_394 = arith.constant 0 : i32
      %dma_wait3A_395 = tpu.memref_slice %arg2[%dma_wait3A_393, %dma_wait3A_394] : memref<10000x128xf32, #tpu.memory_space<hbm>> -> memref<10000x128xf32, #tpu.memory_space<hbm>>
      tpu.wait_indirect_dma semaphore(%arg14 : memref<!tpu.dma_semaphore, #tpu.memory_space<semaphore_mem>>) src(%dma_wait3A_395 : memref<10000x128xf32, #tpu.memory_space<hbm>>) dst(%arg11 : memref<128x128xf32, #tpu.memory_space<vmem>>)
      %dma_start3A_396 = arith.constant 2 : i32
      %dma_start3A_397 = arith.constant 0 : i32
      %dma_start3A_398 = tpu.memref_slice %arg10[%dma_start3A_396, %dma_start3A_397] : memref<8x128xi32, #tpu.memory_space<vmem>> -> memref<1x128xi32, #tpu.memory_space<vmem>>
      %dma_start3A_399 = tpu.memref_squeeze %dma_start3A_398 : memref<1x128xi32, #tpu.memory_space<vmem>> -> memref<128xi32, #tpu.memory_space<vmem>>
      %dma_start3A_400 = arith.constant 0 : i32
      %dma_start3A_401 = arith.constant 0 : i32
      %dma_start3A_402 = tpu.memref_slice %arg13[%dma_start3A_400, %dma_start3A_401] : memref<10240x128xf32, #tpu.memory_space<vmem_shared>> -> memref<10240x128xf32, #tpu.memory_space<vmem_shared>>
      tpu.enqueue_indirect_dma source(%arg11 : memref<128x128xf32, #tpu.memory_space<vmem>>) target(%dma_start3A_402 : memref<10240x128xf32, #tpu.memory_space<vmem_shared>>) offsets(%dma_start3A_399 : memref<128xi32, #tpu.memory_space<vmem>>) semaphore(%arg16 : memref<!tpu.dma_semaphore, #tpu.memory_space<semaphore_mem>>) {add = true}
      %dma_wait3A_403 = arith.constant 0 : i32
      %dma_wait3A_404 = arith.constant 0 : i32
      %dma_wait3A_405 = tpu.memref_slice %arg9[%dma_wait3A_403, %dma_wait3A_404] : memref<8x128xi32, #tpu.memory_space<vmem>> -> memref<1x128xi32, #tpu.memory_space<vmem>>
      %dma_wait3A_406 = tpu.memref_squeeze %dma_wait3A_405 : memref<1x128xi32, #tpu.memory_space<vmem>> -> memref<128xi32, #tpu.memory_space<vmem>>
      %dma_wait3A_407 = arith.constant 0 : i32
      %dma_wait3A_408 = arith.constant 0 : i32
      %dma_wait3A_409 = tpu.memref_slice %arg13[%dma_wait3A_407, %dma_wait3A_408] : memref<10240x128xf32, #tpu.memory_space<vmem_shared>> -> memref<10240x128xf32, #tpu.memory_space<vmem_shared>>
      tpu.wait_indirect_dma semaphore(%arg16 : memref<!tpu.dma_semaphore, #tpu.memory_space<semaphore_mem>>) src(%arg11 : memref<128x128xf32, #tpu.memory_space<vmem>>) dst(%dma_wait3A_409 : memref<10240x128xf32, #tpu.memory_space<vmem_shared>>)
      %dma_start3A_410 = arith.constant 4 : i32
      %dma_start3A_411 = arith.constant 0 : i32
      %dma_start3A_412 = tpu.memref_slice %arg8[%dma_start3A_410, %dma_start3A_411] : memref<8x128xi32, #tpu.memory_space<vmem>> -> memref<1x128xi32, #tpu.memory_space<vmem>>
      %dma_start3A_413 = tpu.memref_squeeze %dma_start3A_412 : memref<1x128xi32, #tpu.memory_space<vmem>> -> memref<128xi32, #tpu.memory_space<vmem>>
      %dma_start3A_414 = arith.constant 0 : i32
      %dma_start3A_415 = arith.constant 0 : i32
      %dma_start3A_416 = tpu.memref_slice %arg2[%dma_start3A_414, %dma_start3A_415] : memref<10000x128xf32, #tpu.memory_space<hbm>> -> memref<10000x128xf32, #tpu.memory_space<hbm>>
      tpu.enqueue_indirect_dma source(%dma_start3A_416 : memref<10000x128xf32, #tpu.memory_space<hbm>>) target(%arg11 : memref<128x128xf32, #tpu.memory_space<vmem>>) offsets(%dma_start3A_413 : memref<128xi32, #tpu.memory_space<vmem>>) semaphore(%arg14 : memref<!tpu.dma_semaphore, #tpu.memory_space<semaphore_mem>>)
      %dma_wait3A_417 = arith.constant 0 : i32
      %dma_wait3A_418 = arith.constant 0 : i32
      %dma_wait3A_419 = tpu.memref_slice %arg7[%dma_wait3A_417, %dma_wait3A_418] : memref<8x128xi32, #tpu.memory_space<vmem>> -> memref<1x128xi32, #tpu.memory_space<vmem>>
      %dma_wait3A_420 = tpu.memref_squeeze %dma_wait3A_419 : memref<1x128xi32, #tpu.memory_space<vmem>> -> memref<128xi32, #tpu.memory_space<vmem>>
      %dma_wait3A_421 = arith.constant 0 : i32
      %dma_wait3A_422 = arith.constant 0 : i32
      %dma_wait3A_423 = tpu.memref_slice %arg2[%dma_wait3A_421, %dma_wait3A_422] : memref<10000x128xf32, #tpu.memory_space<hbm>> -> memref<10000x128xf32, #tpu.memory_space<hbm>>
      tpu.wait_indirect_dma semaphore(%arg15 : memref<!tpu.dma_semaphore, #tpu.memory_space<semaphore_mem>>) src(%dma_wait3A_423 : memref<10000x128xf32, #tpu.memory_space<hbm>>) dst(%arg12 : memref<128x128xf32, #tpu.memory_space<vmem>>)
      %dma_start3A_424 = arith.constant 3 : i32
      %dma_start3A_425 = arith.constant 0 : i32
      %dma_start3A_426 = tpu.memref_slice %arg10[%dma_start3A_424, %dma_start3A_425] : memref<8x128xi32, #tpu.memory_space<vmem>> -> memref<1x128xi32, #tpu.memory_space<vmem>>
      %dma_start3A_427 = tpu.memref_squeeze %dma_start3A_426 : memref<1x128xi32, #tpu.memory_space<vmem>> -> memref<128xi32, #tpu.memory_space<vmem>>
      %dma_start3A_428 = arith.constant 0 : i32
      %dma_start3A_429 = arith.constant 0 : i32
      %dma_start3A_430 = tpu.memref_slice %arg13[%dma_start3A_428, %dma_start3A_429] : memref<10240x128xf32, #tpu.memory_space<vmem_shared>> -> memref<10240x128xf32, #tpu.memory_space<vmem_shared>>
      tpu.enqueue_indirect_dma source(%arg12 : memref<128x128xf32, #tpu.memory_space<vmem>>) target(%dma_start3A_430 : memref<10240x128xf32, #tpu.memory_space<vmem_shared>>) offsets(%dma_start3A_427 : memref<128xi32, #tpu.memory_space<vmem>>) semaphore(%arg17 : memref<!tpu.dma_semaphore, #tpu.memory_space<semaphore_mem>>) {add = true}
      %dma_wait3A_431 = arith.constant 0 : i32
      %dma_wait3A_432 = arith.constant 0 : i32
      %dma_wait3A_433 = tpu.memref_slice %arg9[%dma_wait3A_431, %dma_wait3A_432] : memref<8x128xi32, #tpu.memory_space<vmem>> -> memref<1x128xi32, #tpu.memory_space<vmem>>
      %dma_wait3A_434 = tpu.memref_squeeze %dma_wait3A_433 : memref<1x128xi32, #tpu.memory_space<vmem>> -> memref<128xi32, #tpu.memory_space<vmem>>
      %dma_wait3A_435 = arith.constant 0 : i32
      %dma_wait3A_436 = arith.constant 0 : i32
      %dma_wait3A_437 = tpu.memref_slice %arg13[%dma_wait3A_435, %dma_wait3A_436] : memref<10240x128xf32, #tpu.memory_space<vmem_shared>> -> memref<10240x128xf32, #tpu.memory_space<vmem_shared>>
      tpu.wait_indirect_dma semaphore(%arg17 : memref<!tpu.dma_semaphore, #tpu.memory_space<semaphore_mem>>) src(%arg12 : memref<128x128xf32, #tpu.memory_space<vmem>>) dst(%dma_wait3A_437 : memref<10240x128xf32, #tpu.memory_space<vmem_shared>>)
      %dma_start3A_438 = arith.constant 5 : i32
      %dma_start3A_439 = arith.constant 0 : i32
      %dma_start3A_440 = tpu.memref_slice %arg8[%dma_start3A_438, %dma_start3A_439] : memref<8x128xi32, #tpu.memory_space<vmem>> -> memref<1x128xi32, #tpu.memory_space<vmem>>
      %dma_start3A_441 = tpu.memref_squeeze %dma_start3A_440 : memref<1x128xi32, #tpu.memory_space<vmem>> -> memref<128xi32, #tpu.memory_space<vmem>>
      %dma_start3A_442 = arith.constant 0 : i32
      %dma_start3A_443 = arith.constant 0 : i32
      %dma_start3A_444 = tpu.memref_slice %arg2[%dma_start3A_442, %dma_start3A_443] : memref<10000x128xf32, #tpu.memory_space<hbm>> -> memref<10000x128xf32, #tpu.memory_space<hbm>>
      tpu.enqueue_indirect_dma source(%dma_start3A_444 : memref<10000x128xf32, #tpu.memory_space<hbm>>) target(%arg12 : memref<128x128xf32, #tpu.memory_space<vmem>>) offsets(%dma_start3A_441 : memref<128xi32, #tpu.memory_space<vmem>>) semaphore(%arg15 : memref<!tpu.dma_semaphore, #tpu.memory_space<semaphore_mem>>)
      %dma_wait3A_445 = arith.constant 0 : i32
      %dma_wait3A_446 = arith.constant 0 : i32
      %dma_wait3A_447 = tpu.memref_slice %arg7[%dma_wait3A_445, %dma_wait3A_446] : memref<8x128xi32, #tpu.memory_space<vmem>> -> memref<1x128xi32, #tpu.memory_space<vmem>>
      %dma_wait3A_448 = tpu.memref_squeeze %dma_wait3A_447 : memref<1x128xi32, #tpu.memory_space<vmem>> -> memref<128xi32, #tpu.memory_space<vmem>>
      %dma_wait3A_449 = arith.constant 0 : i32
      %dma_wait3A_450 = arith.constant 0 : i32
      %dma_wait3A_451 = tpu.memref_slice %arg2[%dma_wait3A_449, %dma_wait3A_450] : memref<10000x128xf32, #tpu.memory_space<hbm>> -> memref<10000x128xf32, #tpu.memory_space<hbm>>
      tpu.wait_indirect_dma semaphore(%arg14 : memref<!tpu.dma_semaphore, #tpu.memory_space<semaphore_mem>>) src(%dma_wait3A_451 : memref<10000x128xf32, #tpu.memory_space<hbm>>) dst(%arg11 : memref<128x128xf32, #tpu.memory_space<vmem>>)
      %dma_start3A_452 = arith.constant 4 : i32
      %dma_start3A_453 = arith.constant 0 : i32
      %dma_start3A_454 = tpu.memref_slice %arg10[%dma_start3A_452, %dma_start3A_453] : memref<8x128xi32, #tpu.memory_space<vmem>> -> memref<1x128xi32, #tpu.memory_space<vmem>>
      %dma_start3A_455 = tpu.memref_squeeze %dma_start3A_454 : memref<1x128xi32, #tpu.memory_space<vmem>> -> memref<128xi32, #tpu.memory_space<vmem>>
      %dma_start3A_456 = arith.constant 0 : i32
      %dma_start3A_457 = arith.constant 0 : i32
      %dma_start3A_458 = tpu.memref_slice %arg13[%dma_start3A_456, %dma_start3A_457] : memref<10240x128xf32, #tpu.memory_space<vmem_shared>> -> memref<10240x128xf32, #tpu.memory_space<vmem_shared>>
      tpu.enqueue_indirect_dma source(%arg11 : memref<128x128xf32, #tpu.memory_space<vmem>>) target(%dma_start3A_458 : memref<10240x128xf32, #tpu.memory_space<vmem_shared>>) offsets(%dma_start3A_455 : memref<128xi32, #tpu.memory_space<vmem>>) semaphore(%arg16 : memref<!tpu.dma_semaphore, #tpu.memory_space<semaphore_mem>>) {add = true}
      %dma_wait3A_459 = arith.constant 0 : i32
      %dma_wait3A_460 = arith.constant 0 : i32
      %dma_wait3A_461 = tpu.memref_slice %arg9[%dma_wait3A_459, %dma_wait3A_460] : memref<8x128xi32, #tpu.memory_space<vmem>> -> memref<1x128xi32, #tpu.memory_space<vmem>>
      %dma_wait3A_462 = tpu.memref_squeeze %dma_wait3A_461 : memref<1x128xi32, #tpu.memory_space<vmem>> -> memref<128xi32, #tpu.memory_space<vmem>>
      %dma_wait3A_463 = arith.constant 0 : i32
      %dma_wait3A_464 = arith.constant 0 : i32
      %dma_wait3A_465 = tpu.memref_slice %arg13[%dma_wait3A_463, %dma_wait3A_464] : memref<10240x128xf32, #tpu.memory_space<vmem_shared>> -> memref<10240x128xf32, #tpu.memory_space<vmem_shared>>
      tpu.wait_indirect_dma semaphore(%arg16 : memref<!tpu.dma_semaphore, #tpu.memory_space<semaphore_mem>>) src(%arg11 : memref<128x128xf32, #tpu.memory_space<vmem>>) dst(%dma_wait3A_465 : memref<10240x128xf32, #tpu.memory_space<vmem_shared>>)
      %dma_start3A_466 = arith.constant 6 : i32
      %dma_start3A_467 = arith.constant 0 : i32
      %dma_start3A_468 = tpu.memref_slice %arg8[%dma_start3A_466, %dma_start3A_467] : memref<8x128xi32, #tpu.memory_space<vmem>> -> memref<1x128xi32, #tpu.memory_space<vmem>>
      %dma_start3A_469 = tpu.memref_squeeze %dma_start3A_468 : memref<1x128xi32, #tpu.memory_space<vmem>> -> memref<128xi32, #tpu.memory_space<vmem>>
      %dma_start3A_470 = arith.constant 0 : i32
      %dma_start3A_471 = arith.constant 0 : i32
      %dma_start3A_472 = tpu.memref_slice %arg2[%dma_start3A_470, %dma_start3A_471] : memref<10000x128xf32, #tpu.memory_space<hbm>> -> memref<10000x128xf32, #tpu.memory_space<hbm>>
      tpu.enqueue_indirect_dma source(%dma_start3A_472 : memref<10000x128xf32, #tpu.memory_space<hbm>>) target(%arg11 : memref<128x128xf32, #tpu.memory_space<vmem>>) offsets(%dma_start3A_469 : memref<128xi32, #tpu.memory_space<vmem>>) semaphore(%arg14 : memref<!tpu.dma_semaphore, #tpu.memory_space<semaphore_mem>>)
      %dma_wait3A_473 = arith.constant 0 : i32
      %dma_wait3A_474 = arith.constant 0 : i32
      %dma_wait3A_475 = tpu.memref_slice %arg7[%dma_wait3A_473, %dma_wait3A_474] : memref<8x128xi32, #tpu.memory_space<vmem>> -> memref<1x128xi32, #tpu.memory_space<vmem>>
      %dma_wait3A_476 = tpu.memref_squeeze %dma_wait3A_475 : memref<1x128xi32, #tpu.memory_space<vmem>> -> memref<128xi32, #tpu.memory_space<vmem>>
      %dma_wait3A_477 = arith.constant 0 : i32
      %dma_wait3A_478 = arith.constant 0 : i32
      %dma_wait3A_479 = tpu.memref_slice %arg2[%dma_wait3A_477, %dma_wait3A_478] : memref<10000x128xf32, #tpu.memory_space<hbm>> -> memref<10000x128xf32, #tpu.memory_space<hbm>>
      tpu.wait_indirect_dma semaphore(%arg15 : memref<!tpu.dma_semaphore, #tpu.memory_space<semaphore_mem>>) src(%dma_wait3A_479 : memref<10000x128xf32, #tpu.memory_space<hbm>>) dst(%arg12 : memref<128x128xf32, #tpu.memory_space<vmem>>)
      %dma_start3A_480 = arith.constant 5 : i32
      %dma_start3A_481 = arith.constant 0 : i32
      %dma_start3A_482 = tpu.memref_slice %arg10[%dma_start3A_480, %dma_start3A_481] : memref<8x128xi32, #tpu.memory_space<vmem>> -> memref<1x128xi32, #tpu.memory_space<vmem>>
      %dma_start3A_483 = tpu.memref_squeeze %dma_start3A_482 : memref<1x128xi32, #tpu.memory_space<vmem>> -> memref<128xi32, #tpu.memory_space<vmem>>
      %dma_start3A_484 = arith.constant 0 : i32
      %dma_start3A_485 = arith.constant 0 : i32
      %dma_start3A_486 = tpu.memref_slice %arg13[%dma_start3A_484, %dma_start3A_485] : memref<10240x128xf32, #tpu.memory_space<vmem_shared>> -> memref<10240x128xf32, #tpu.memory_space<vmem_shared>>
      tpu.enqueue_indirect_dma source(%arg12 : memref<128x128xf32, #tpu.memory_space<vmem>>) target(%dma_start3A_486 : memref<10240x128xf32, #tpu.memory_space<vmem_shared>>) offsets(%dma_start3A_483 : memref<128xi32, #tpu.memory_space<vmem>>) semaphore(%arg17 : memref<!tpu.dma_semaphore, #tpu.memory_space<semaphore_mem>>) {add = true}
      %dma_wait3A_487 = arith.constant 0 : i32
      %dma_wait3A_488 = arith.constant 0 : i32
      %dma_wait3A_489 = tpu.memref_slice %arg9[%dma_wait3A_487, %dma_wait3A_488] : memref<8x128xi32, #tpu.memory_space<vmem>> -> memref<1x128xi32, #tpu.memory_space<vmem>>
      %dma_wait3A_490 = tpu.memref_squeeze %dma_wait3A_489 : memref<1x128xi32, #tpu.memory_space<vmem>> -> memref<128xi32, #tpu.memory_space<vmem>>
      %dma_wait3A_491 = arith.constant 0 : i32
      %dma_wait3A_492 = arith.constant 0 : i32
      %dma_wait3A_493 = tpu.memref_slice %arg13[%dma_wait3A_491, %dma_wait3A_492] : memref<10240x128xf32, #tpu.memory_space<vmem_shared>> -> memref<10240x128xf32, #tpu.memory_space<vmem_shared>>
      tpu.wait_indirect_dma semaphore(%arg17 : memref<!tpu.dma_semaphore, #tpu.memory_space<semaphore_mem>>) src(%arg12 : memref<128x128xf32, #tpu.memory_space<vmem>>) dst(%dma_wait3A_493 : memref<10240x128xf32, #tpu.memory_space<vmem_shared>>)
      %dma_start3A_494 = arith.constant 7 : i32
      %dma_start3A_495 = arith.constant 0 : i32
      %dma_start3A_496 = tpu.memref_slice %arg8[%dma_start3A_494, %dma_start3A_495] : memref<8x128xi32, #tpu.memory_space<vmem>> -> memref<1x128xi32, #tpu.memory_space<vmem>>
      %dma_start3A_497 = tpu.memref_squeeze %dma_start3A_496 : memref<1x128xi32, #tpu.memory_space<vmem>> -> memref<128xi32, #tpu.memory_space<vmem>>
      %dma_start3A_498 = arith.constant 0 : i32
      %dma_start3A_499 = arith.constant 0 : i32
      %dma_start3A_500 = tpu.memref_slice %arg2[%dma_start3A_498, %dma_start3A_499] : memref<10000x128xf32, #tpu.memory_space<hbm>> -> memref<10000x128xf32, #tpu.memory_space<hbm>>
      tpu.enqueue_indirect_dma source(%dma_start3A_500 : memref<10000x128xf32, #tpu.memory_space<hbm>>) target(%arg12 : memref<128x128xf32, #tpu.memory_space<vmem>>) offsets(%dma_start3A_497 : memref<128xi32, #tpu.memory_space<vmem>>) semaphore(%arg15 : memref<!tpu.dma_semaphore, #tpu.memory_space<semaphore_mem>>)
      %dma_wait3A_501 = arith.constant 0 : i32
      %dma_wait3A_502 = arith.constant 0 : i32
      %dma_wait3A_503 = tpu.memref_slice %arg7[%dma_wait3A_501, %dma_wait3A_502] : memref<8x128xi32, #tpu.memory_space<vmem>> -> memref<1x128xi32, #tpu.memory_space<vmem>>
      %dma_wait3A_504 = tpu.memref_squeeze %dma_wait3A_503 : memref<1x128xi32, #tpu.memory_space<vmem>> -> memref<128xi32, #tpu.memory_space<vmem>>
      %dma_wait3A_505 = arith.constant 0 : i32
      %dma_wait3A_506 = arith.constant 0 : i32
      %dma_wait3A_507 = tpu.memref_slice %arg2[%dma_wait3A_505, %dma_wait3A_506] : memref<10000x128xf32, #tpu.memory_space<hbm>> -> memref<10000x128xf32, #tpu.memory_space<hbm>>
      tpu.wait_indirect_dma semaphore(%arg14 : memref<!tpu.dma_semaphore, #tpu.memory_space<semaphore_mem>>) src(%dma_wait3A_507 : memref<10000x128xf32, #tpu.memory_space<hbm>>) dst(%arg11 : memref<128x128xf32, #tpu.memory_space<vmem>>)
      %dma_start3A_508 = arith.constant 6 : i32
      %dma_start3A_509 = arith.constant 0 : i32
      %dma_start3A_510 = tpu.memref_slice %arg10[%dma_start3A_508, %dma_start3A_509] : memref<8x128xi32, #tpu.memory_space<vmem>> -> memref<1x128xi32, #tpu.memory_space<vmem>>
      %dma_start3A_511 = tpu.memref_squeeze %dma_start3A_510 : memref<1x128xi32, #tpu.memory_space<vmem>> -> memref<128xi32, #tpu.memory_space<vmem>>
      %dma_start3A_512 = arith.constant 0 : i32
      %dma_start3A_513 = arith.constant 0 : i32
      %dma_start3A_514 = tpu.memref_slice %arg13[%dma_start3A_512, %dma_start3A_513] : memref<10240x128xf32, #tpu.memory_space<vmem_shared>> -> memref<10240x128xf32, #tpu.memory_space<vmem_shared>>
      tpu.enqueue_indirect_dma source(%arg11 : memref<128x128xf32, #tpu.memory_space<vmem>>) target(%dma_start3A_514 : memref<10240x128xf32, #tpu.memory_space<vmem_shared>>) offsets(%dma_start3A_511 : memref<128xi32, #tpu.memory_space<vmem>>) semaphore(%arg16 : memref<!tpu.dma_semaphore, #tpu.memory_space<semaphore_mem>>) {add = true}
    }
    %scan3A_9 = arith.constant 5 : i32
    %dma_wait3A = arith.constant 0 : i32
    %dma_wait3A_10 = arith.constant 0 : i32
    %dma_wait3A_11 = tpu.memref_slice %arg7[%dma_wait3A, %dma_wait3A_10] : memref<8x128xi32, #tpu.memory_space<vmem>> -> memref<1x128xi32, #tpu.memory_space<vmem>>
    %dma_wait3A_12 = tpu.memref_squeeze %dma_wait3A_11 : memref<1x128xi32, #tpu.memory_space<vmem>> -> memref<128xi32, #tpu.memory_space<vmem>>
    %dma_wait3A_13 = arith.constant 0 : i32
    %dma_wait3A_14 = arith.constant 0 : i32
    %dma_wait3A_15 = tpu.memref_slice %arg2[%dma_wait3A_13, %dma_wait3A_14] : memref<10000x128xf32, #tpu.memory_space<hbm>> -> memref<10000x128xf32, #tpu.memory_space<hbm>>
    tpu.wait_indirect_dma semaphore(%arg15 : memref<!tpu.dma_semaphore, #tpu.memory_space<semaphore_mem>>) src(%dma_wait3A_15 : memref<10000x128xf32, #tpu.memory_space<hbm>>) dst(%arg12 : memref<128x128xf32, #tpu.memory_space<vmem>>)
    %dma_start3A = arith.constant 7 : i32
    %dma_start3A_16 = arith.constant 0 : i32
    %dma_start3A_17 = tpu.memref_slice %arg10[%dma_start3A, %dma_start3A_16] : memref<8x128xi32, #tpu.memory_space<vmem>> -> memref<1x128xi32, #tpu.memory_space<vmem>>
    %dma_start3A_18 = tpu.memref_squeeze %dma_start3A_17 : memref<1x128xi32, #tpu.memory_space<vmem>> -> memref<128xi32, #tpu.memory_space<vmem>>
    %dma_start3A_19 = arith.constant 0 : i32
    %dma_start3A_20 = arith.constant 0 : i32
    %dma_start3A_21 = tpu.memref_slice %arg13[%dma_start3A_19, %dma_start3A_20] : memref<10240x128xf32, #tpu.memory_space<vmem_shared>> -> memref<10240x128xf32, #tpu.memory_space<vmem_shared>>
    tpu.enqueue_indirect_dma source(%arg12 : memref<128x128xf32, #tpu.memory_space<vmem>>) target(%dma_start3A_21 : memref<10240x128xf32, #tpu.memory_space<vmem_shared>>) offsets(%dma_start3A_18 : memref<128xi32, #tpu.memory_space<vmem>>) semaphore(%arg17 : memref<!tpu.dma_semaphore, #tpu.memory_space<semaphore_mem>>) {add = true}
    %dma_wait3A_22 = arith.constant 0 : i32
    %dma_wait3A_23 = arith.constant 0 : i32
    %dma_wait3A_24 = tpu.memref_slice %arg9[%dma_wait3A_22, %dma_wait3A_23] : memref<8x128xi32, #tpu.memory_space<vmem>> -> memref<1x128xi32, #tpu.memory_space<vmem>>
    %dma_wait3A_25 = tpu.memref_squeeze %dma_wait3A_24 : memref<1x128xi32, #tpu.memory_space<vmem>> -> memref<128xi32, #tpu.memory_space<vmem>>
    %dma_wait3A_26 = arith.constant 0 : i32
    %dma_wait3A_27 = arith.constant 0 : i32
    %dma_wait3A_28 = tpu.memref_slice %arg13[%dma_wait3A_26, %dma_wait3A_27] : memref<10240x128xf32, #tpu.memory_space<vmem_shared>> -> memref<10240x128xf32, #tpu.memory_space<vmem_shared>>
    tpu.wait_indirect_dma semaphore(%arg16 : memref<!tpu.dma_semaphore, #tpu.memory_space<semaphore_mem>>) src(%arg11 : memref<128x128xf32, #tpu.memory_space<vmem>>) dst(%dma_wait3A_28 : memref<10240x128xf32, #tpu.memory_space<vmem_shared>>)
    %dma_wait3A_29 = arith.constant 0 : i32
    %dma_wait3A_30 = arith.constant 0 : i32
    %dma_wait3A_31 = tpu.memref_slice %arg9[%dma_wait3A_29, %dma_wait3A_30] : memref<8x128xi32, #tpu.memory_space<vmem>> -> memref<1x128xi32, #tpu.memory_space<vmem>>
    %dma_wait3A_32 = tpu.memref_squeeze %dma_wait3A_31 : memref<1x128xi32, #tpu.memory_space<vmem>> -> memref<128xi32, #tpu.memory_space<vmem>>
    %dma_wait3A_33 = arith.constant 0 : i32
    %dma_wait3A_34 = arith.constant 0 : i32
    %dma_wait3A_35 = tpu.memref_slice %arg13[%dma_wait3A_33, %dma_wait3A_34] : memref<10240x128xf32, #tpu.memory_space<vmem_shared>> -> memref<10240x128xf32, #tpu.memory_space<vmem_shared>>
    tpu.wait_indirect_dma semaphore(%arg17 : memref<!tpu.dma_semaphore, #tpu.memory_space<semaphore_mem>>) src(%arg12 : memref<128x128xf32, #tpu.memory_space<vmem>>) dst(%dma_wait3A_35 : memref<10240x128xf32, #tpu.memory_space<vmem_shared>>)
    %barrier3A_36 = arith.constant 0 : index
    tpu.barrier barrier_id(%barrier3A_36)
    %mul3A_37 = arith.constant 640 : i32
    %mul3A_38 = arith.muli %arg1, %mul3A_37 : i32
    %mul3A_39 = arith.constant 640 : i32
    %mul3A_40 = arith.muli %arg1, %mul3A_39 : i32
    "tpu.region"() ({
      %run_scoped3A = tpu.sem_alloc : memref<!tpu.dma_semaphore, #tpu.memory_space<semaphore_mem>>
      %dma_start3A_41 = arith.constant 0 : i32
      %dma_start3A_42 = tpu.memref_slice %arg6[%arg0, %mul3A_40, %dma_start3A_41] : memref<2x10240x128xf32, #tpu.memory_space<hbm>> -> memref<1x640x128xf32, #tpu.memory_space<hbm>>
      %dma_start3A_43 = tpu.memref_squeeze %dma_start3A_42 : memref<1x640x128xf32, #tpu.memory_space<hbm>> -> memref<640x128xf32, #tpu.memory_space<hbm>>
      %dma_start3A_44 = arith.constant 0 : i32
      %dma_start3A_45 = tpu.memref_slice %arg13[%mul3A_38, %dma_start3A_44] : memref<10240x128xf32, #tpu.memory_space<vmem_shared>> -> memref<640x128xf32, #tpu.memory_space<vmem_shared>>
      tpu.enqueue_dma source(%dma_start3A_45 : memref<640x128xf32, #tpu.memory_space<vmem_shared>>) target(%dma_start3A_43 : memref<640x128xf32, #tpu.memory_space<hbm>>) target_semaphore(%run_scoped3A : memref<!tpu.dma_semaphore, #tpu.memory_space<semaphore_mem>>)
      %dma_wait3A_46 = arith.constant 0 : i32
      %dma_wait3A_47 = tpu.memref_slice %arg6[%arg0, %mul3A_40, %dma_wait3A_46] : memref<2x10240x128xf32, #tpu.memory_space<hbm>> -> memref<1x640x128xf32, #tpu.memory_space<hbm>>
      %dma_wait3A_48 = tpu.memref_squeeze %dma_wait3A_47 : memref<1x640x128xf32, #tpu.memory_space<hbm>> -> memref<640x128xf32, #tpu.memory_space<hbm>>
      %dma_wait3A_49 = arith.constant 0 : i32
      %dma_wait3A_50 = tpu.memref_slice %arg13[%mul3A_38, %dma_wait3A_49] : memref<10240x128xf32, #tpu.memory_space<vmem_shared>> -> memref<640x128xf32, #tpu.memory_space<vmem_shared>>
      tpu.wait_dma2 semaphore(%run_scoped3A : memref<!tpu.dma_semaphore, #tpu.memory_space<semaphore_mem>>) src(%dma_wait3A_50 : memref<640x128xf32, #tpu.memory_space<vmem_shared>>) dst(%dma_wait3A_48 : memref<640x128xf32, #tpu.memory_space<hbm>>)
      tpu.yield
    }) : () -> ()
    return
  }
}

module attributes {stable_mosaic.version = 14 : i64} {
  func.func @_tc_first_body(%arg0: i32, %arg1: memref<2x2000x16xf32, #tpu.memory_space<vmem>>, %arg2: memref<2000x128xf32, #tpu.memory_space<vmem>>, %arg3: memref<128x128xf32, #tpu.memory_space<vmem>>, %arg4: memref<2000x128xf32, #tpu.memory_space<vmem>>, %arg5: memref<2000x1xf32, #tpu.memory_space<vmem>>) attributes {dimension_semantics = [#tpu.dimension_semantics<arbitrary>], iteration_bounds = array<i64: 5>, scalar_prefetch = 0 : i64, scratch_operands = 0 : i64, tpu.core_type = #tpu.core_type<tc>, window_params = [{transform_indices = @transform_0, window_bounds = array<i64: 2, 2000, 16>}, {transform_indices = @transform_1, window_bounds = array<i64: 2000, 128>}, {pipeline_mode = #tpu.pipeline_mode<synchronous>, transform_indices = @transform_2, window_bounds = array<i64: 128, 128>}, {transform_indices = @transform_3, window_bounds = array<i64: 2000, 128>}, {transform_indices = @transform_4, window_bounds = array<i64: 2000, 1>}]} {
    %get3A = arith.constant 0 : index
    %get3A_0 = arith.constant 0 : index
    %get3A_1 = arith.constant 0 : index
    %get3A_2 = vector.load %arg1[%get3A, %get3A_0, %get3A_1] : memref<2x2000x16xf32, #tpu.memory_space<vmem>>, vector<1x2000x1xf32>
    %get3A_3 = vector.shape_cast %get3A_2 : vector<1x2000x1xf32> to vector<2000x1xf32>
    %get3A_4 = arith.constant 1 : index
    %get3A_5 = arith.constant 0 : index
    %get3A_6 = arith.constant 0 : index
    %get3A_7 = vector.load %arg1[%get3A_4, %get3A_5, %get3A_6] : memref<2x2000x16xf32, #tpu.memory_space<vmem>>, vector<1x2000x1xf32>
    %get3A_8 = vector.shape_cast %get3A_7 : vector<1x2000x1xf32> to vector<2000x1xf32>
    %add3A = arith.addf %get3A_3, %get3A_8 : vector<2000x1xf32>
    %add3A_9 = arith.constant 1.000000e+00 : f32
    %add3A_10 = vector.broadcast %add3A_9 : f32 to vector<2000x1xf32>
    %add3A_11 = arith.addf %add3A, %add3A_10 : vector<2000x1xf32>
    %max3A = arith.constant 1.000000e+00 : f32
    %max3A_12 = vector.broadcast %max3A : f32 to vector<2000x1xf32>
    %max3A_13 = arith.maximumf %add3A_11, %max3A_12 : vector<2000x1xf32>
    %rsqrt3A = math.rsqrt %max3A_13 : vector<2000x1xf32>
    %get3A_14 = arith.constant 0 : index
    %get3A_15 = arith.constant 0 : index
    %get3A_16 = vector.load %arg2[%get3A_14, %get3A_15] : memref<2000x128xf32, #tpu.memory_space<vmem>>, vector<2000x128xf32>
    %get3A_17 = arith.constant 0 : index
    %get3A_18 = arith.constant 0 : index
    %get3A_19 = vector.load %arg3[%get3A_17, %get3A_18] : memref<128x128xf32, #tpu.memory_space<vmem>>, vector<128x128xf32>
    %dot_general3A = arith.constant dense<0.000000e+00> : vector<2000x128xf32>
    %dot_general3A_20 = tpu.matmul %get3A_16, %get3A_19, %dot_general3A {dimension_numbers = #tpu.dot_dimension_numbers<[1], [0], [0], [1], [0, 0, 1, 1], [], []>, transpose_lhs_hint = false} : vector<2000x128xf32>, vector<128x128xf32>, vector<2000x128xf32> -> vector<2000x128xf32>
    %mul3A = vector.broadcast %rsqrt3A : vector<2000x1xf32> to vector<2000x128xf32>
    %mul3A_21 = arith.mulf %dot_general3A_20, %mul3A : vector<2000x128xf32>
    %swap3A = arith.constant 0 : index
    %swap3A_22 = arith.constant 0 : index
    %swap3A_23 = vector.load %arg4[%swap3A, %swap3A_22] : memref<2000x128xf32, #tpu.memory_space<vmem>>, vector<2000x128xf32>
    tpu.vector_store %arg4[%swap3A, %swap3A_22], %mul3A_21 {strides = array<i32>} : memref<2000x128xf32, #tpu.memory_space<vmem>>, vector<2000x128xf32>,
    %swap3A_24 = arith.constant 0 : index
    %swap3A_25 = arith.constant 0 : index
    %swap3A_26 = vector.load %arg5[%swap3A_24, %swap3A_25] : memref<2000x1xf32, #tpu.memory_space<vmem>>, vector<2000x1xf32>
    tpu.vector_store %arg5[%swap3A_24, %swap3A_25], %rsqrt3A {strides = array<i32>} : memref<2000x1xf32, #tpu.memory_space<vmem>>, vector<2000x1xf32>,
    return
  }
  func.func @transform_0(%arg0: i32) -> (i32, i32, i32) {
    %c0_i32 = arith.constant 0 : i32
    %c0_i32_0 = arith.constant 0 : i32
    %c0_i32_1 = arith.constant 0 : i32
    return %c0_i32, %arg0, %c0_i32_0 : i32, i32, i32
  }
  func.func @transform_1(%arg0: i32) -> (i32, i32) {
    %c0_i32 = arith.constant 0 : i32
    %c0_i32_0 = arith.constant 0 : i32
    return %arg0, %c0_i32 : i32, i32
  }
  func.func @transform_2(%arg0: i32) -> (i32, i32) {
    %c0_i32 = arith.constant 0 : i32
    %c0_i32_0 = arith.constant 0 : i32
    %c0_i32_1 = arith.constant 0 : i32
    return %c0_i32, %c0_i32_0 : i32, i32
  }
  func.func @transform_3(%arg0: i32) -> (i32, i32) {
    %c0_i32 = arith.constant 0 : i32
    %c0_i32_0 = arith.constant 0 : i32
    return %arg0, %c0_i32 : i32, i32
  }
  func.func @transform_4(%arg0: i32) -> (i32, i32) {
    %c0_i32 = arith.constant 0 : i32
    %c0_i32_0 = arith.constant 0 : i32
    return %arg0, %c0_i32 : i32, i32
  }
}

module attributes {stable_mosaic.version = 14 : i64} {
  func.func @_tc_mid_body(%arg0: i32, %arg1: memref<2x2000x128xf32, #tpu.memory_space<vmem>>, %arg2: memref<2000x128xf32, #tpu.memory_space<vmem>>, %arg3: memref<2000x1xf32, #tpu.memory_space<vmem>>, %arg4: memref<1x128xf32, #tpu.memory_space<vmem>>, %arg5: memref<128x128xf32, #tpu.memory_space<vmem>>, %arg6: memref<2000x128xf32, #tpu.memory_space<vmem>>) attributes {dimension_semantics = [#tpu.dimension_semantics<arbitrary>], iteration_bounds = array<i64: 5>, scalar_prefetch = 0 : i64, scratch_operands = 0 : i64, tpu.core_type = #tpu.core_type<tc>, window_params = [{transform_indices = @transform_0, window_bounds = array<i64: 2, 2000, 128>}, {transform_indices = @transform_1, window_bounds = array<i64: 2000, 128>}, {transform_indices = @transform_2, window_bounds = array<i64: 2000, 1>}, {pipeline_mode = #tpu.pipeline_mode<synchronous>, transform_indices = @transform_3, window_bounds = array<i64: 1, 128>}, {pipeline_mode = #tpu.pipeline_mode<synchronous>, transform_indices = @transform_4, window_bounds = array<i64: 128, 128>}, {transform_indices = @transform_5, window_bounds = array<i64: 2000, 128>}]} {
    %get3A = arith.constant 0 : index
    %get3A_0 = arith.constant 0 : index
    %get3A_1 = arith.constant 0 : index
    %get3A_2 = vector.load %arg1[%get3A, %get3A_0, %get3A_1] : memref<2x2000x128xf32, #tpu.memory_space<vmem>>, vector<1x2000x128xf32>
    %get3A_3 = vector.shape_cast %get3A_2 : vector<1x2000x128xf32> to vector<2000x128xf32>
    %get3A_4 = arith.constant 1 : index
    %get3A_5 = arith.constant 0 : index
    %get3A_6 = arith.constant 0 : index
    %get3A_7 = vector.load %arg1[%get3A_4, %get3A_5, %get3A_6] : memref<2x2000x128xf32, #tpu.memory_space<vmem>>, vector<1x2000x128xf32>
    %get3A_8 = vector.shape_cast %get3A_7 : vector<1x2000x128xf32> to vector<2000x128xf32>
    %add3A = arith.addf %get3A_3, %get3A_8 : vector<2000x128xf32>
    %get3A_9 = arith.constant 0 : index
    %get3A_10 = arith.constant 0 : index
    %get3A_11 = vector.load %arg2[%get3A_9, %get3A_10] : memref<2000x128xf32, #tpu.memory_space<vmem>>, vector<2000x128xf32>
    %add3A_12 = arith.addf %add3A, %get3A_11 : vector<2000x128xf32>
    %get3A_13 = arith.constant 0 : index
    %get3A_14 = arith.constant 0 : index
    %get3A_15 = vector.load %arg3[%get3A_13, %get3A_14] : memref<2000x1xf32, #tpu.memory_space<vmem>>, vector<2000x1xf32>
    %mul3A = vector.broadcast %get3A_15 : vector<2000x1xf32> to vector<2000x128xf32>
    %mul3A_16 = arith.mulf %mul3A, %add3A_12 : vector<2000x128xf32>
    %get3A_17 = arith.constant 0 : index
    %get3A_18 = arith.constant 0 : index
    %get3A_19 = vector.load %arg4[%get3A_17, %get3A_18] : memref<1x128xf32, #tpu.memory_space<vmem>>, vector<1x128xf32>
    %add3A_20 = vector.broadcast %get3A_19 : vector<1x128xf32> to vector<2000x128xf32>
    %add3A_21 = arith.addf %mul3A_16, %add3A_20 : vector<2000x128xf32>
    %max3A = arith.constant 0.000000e+00 : f32
    %max3A_22 = vector.broadcast %max3A : f32 to vector<2000x128xf32>
    %max3A_23 = arith.maximumf %add3A_21, %max3A_22 : vector<2000x128xf32>
    %get3A_24 = arith.constant 0 : index
    %get3A_25 = arith.constant 0 : index
    %get3A_26 = vector.load %arg5[%get3A_24, %get3A_25] : memref<128x128xf32, #tpu.memory_space<vmem>>, vector<128x128xf32>
    %dot_general3A = arith.constant dense<0.000000e+00> : vector<2000x128xf32>
    %dot_general3A_27 = tpu.matmul %max3A_23, %get3A_26, %dot_general3A {dimension_numbers = #tpu.dot_dimension_numbers<[1], [0], [0], [1], [0, 0, 1, 1], [], []>, transpose_lhs_hint = false} : vector<2000x128xf32>, vector<128x128xf32>, vector<2000x128xf32> -> vector<2000x128xf32>
    %get3A_28 = arith.constant 0 : index
    %get3A_29 = arith.constant 0 : index
    %get3A_30 = vector.load %arg3[%get3A_28, %get3A_29] : memref<2000x1xf32, #tpu.memory_space<vmem>>, vector<2000x1xf32>
    %mul3A_31 = vector.broadcast %get3A_30 : vector<2000x1xf32> to vector<2000x128xf32>
    %mul3A_32 = arith.mulf %dot_general3A_27, %mul3A_31 : vector<2000x128xf32>
    %swap3A = arith.constant 0 : index
    %swap3A_33 = arith.constant 0 : index
    %swap3A_34 = vector.load %arg6[%swap3A, %swap3A_33] : memref<2000x128xf32, #tpu.memory_space<vmem>>, vector<2000x128xf32>
    tpu.vector_store %arg6[%swap3A, %swap3A_33], %mul3A_32 {strides = array<i32>} : memref<2000x128xf32, #tpu.memory_space<vmem>>, vector<2000x128xf32>,
    return
  }
  func.func @transform_0(%arg0: i32) -> (i32, i32, i32) {
    %c0_i32 = arith.constant 0 : i32
    %c0_i32_0 = arith.constant 0 : i32
    %c0_i32_1 = arith.constant 0 : i32
    return %c0_i32, %arg0, %c0_i32_0 : i32, i32, i32
  }
  func.func @transform_1(%arg0: i32) -> (i32, i32) {
    %c0_i32 = arith.constant 0 : i32
    %c0_i32_0 = arith.constant 0 : i32
    return %arg0, %c0_i32 : i32, i32
  }
  func.func @transform_2(%arg0: i32) -> (i32, i32) {
    %c0_i32 = arith.constant 0 : i32
    %c0_i32_0 = arith.constant 0 : i32
    return %arg0, %c0_i32 : i32, i32
  }
  func.func @transform_3(%arg0: i32) -> (i32, i32) {
    %c0_i32 = arith.constant 0 : i32
    %c0_i32_0 = arith.constant 0 : i32
    %c0_i32_1 = arith.constant 0 : i32
    return %c0_i32, %c0_i32_0 : i32, i32
  }
  func.func @transform_4(%arg0: i32) -> (i32, i32) {
    %c0_i32 = arith.constant 0 : i32
    %c0_i32_0 = arith.constant 0 : i32
    %c0_i32_1 = arith.constant 0 : i32
    return %c0_i32, %c0_i32_0 : i32, i32
  }
  func.func @transform_5(%arg0: i32) -> (i32, i32) {
    %c0_i32 = arith.constant 0 : i32
    %c0_i32_0 = arith.constant 0 : i32
    return %arg0, %c0_i32 : i32, i32
  }
}

module attributes {stable_mosaic.version = 14 : i64} {
  func.func @_tc_mid_body(%arg0: i32, %arg1: memref<2x2000x128xf32, #tpu.memory_space<vmem>>, %arg2: memref<2000x128xf32, #tpu.memory_space<vmem>>, %arg3: memref<2000x1xf32, #tpu.memory_space<vmem>>, %arg4: memref<1x128xf32, #tpu.memory_space<vmem>>, %arg5: memref<128x16xf32, #tpu.memory_space<vmem>>, %arg6: memref<2000x16xf32, #tpu.memory_space<vmem>>) attributes {dimension_semantics = [#tpu.dimension_semantics<arbitrary>], iteration_bounds = array<i64: 5>, scalar_prefetch = 0 : i64, scratch_operands = 0 : i64, tpu.core_type = #tpu.core_type<tc>, window_params = [{transform_indices = @transform_0, window_bounds = array<i64: 2, 2000, 128>}, {transform_indices = @transform_1, window_bounds = array<i64: 2000, 128>}, {transform_indices = @transform_2, window_bounds = array<i64: 2000, 1>}, {pipeline_mode = #tpu.pipeline_mode<synchronous>, transform_indices = @transform_3, window_bounds = array<i64: 1, 128>}, {pipeline_mode = #tpu.pipeline_mode<synchronous>, transform_indices = @transform_4, window_bounds = array<i64: 128, 16>}, {transform_indices = @transform_5, window_bounds = array<i64: 2000, 16>}]} {
    %get3A = arith.constant 0 : index
    %get3A_0 = arith.constant 0 : index
    %get3A_1 = arith.constant 0 : index
    %get3A_2 = vector.load %arg1[%get3A, %get3A_0, %get3A_1] : memref<2x2000x128xf32, #tpu.memory_space<vmem>>, vector<1x2000x128xf32>
    %get3A_3 = vector.shape_cast %get3A_2 : vector<1x2000x128xf32> to vector<2000x128xf32>
    %get3A_4 = arith.constant 1 : index
    %get3A_5 = arith.constant 0 : index
    %get3A_6 = arith.constant 0 : index
    %get3A_7 = vector.load %arg1[%get3A_4, %get3A_5, %get3A_6] : memref<2x2000x128xf32, #tpu.memory_space<vmem>>, vector<1x2000x128xf32>
    %get3A_8 = vector.shape_cast %get3A_7 : vector<1x2000x128xf32> to vector<2000x128xf32>
    %add3A = arith.addf %get3A_3, %get3A_8 : vector<2000x128xf32>
    %get3A_9 = arith.constant 0 : index
    %get3A_10 = arith.constant 0 : index
    %get3A_11 = vector.load %arg2[%get3A_9, %get3A_10] : memref<2000x128xf32, #tpu.memory_space<vmem>>, vector<2000x128xf32>
    %add3A_12 = arith.addf %add3A, %get3A_11 : vector<2000x128xf32>
    %get3A_13 = arith.constant 0 : index
    %get3A_14 = arith.constant 0 : index
    %get3A_15 = vector.load %arg3[%get3A_13, %get3A_14] : memref<2000x1xf32, #tpu.memory_space<vmem>>, vector<2000x1xf32>
    %mul3A = vector.broadcast %get3A_15 : vector<2000x1xf32> to vector<2000x128xf32>
    %mul3A_16 = arith.mulf %mul3A, %add3A_12 : vector<2000x128xf32>
    %get3A_17 = arith.constant 0 : index
    %get3A_18 = arith.constant 0 : index
    %get3A_19 = vector.load %arg4[%get3A_17, %get3A_18] : memref<1x128xf32, #tpu.memory_space<vmem>>, vector<1x128xf32>
    %add3A_20 = vector.broadcast %get3A_19 : vector<1x128xf32> to vector<2000x128xf32>
    %add3A_21 = arith.addf %mul3A_16, %add3A_20 : vector<2000x128xf32>
    %get3A_22 = arith.constant 0 : index
    %get3A_23 = arith.constant 0 : index
    %get3A_24 = vector.load %arg5[%get3A_22, %get3A_23] : memref<128x16xf32, #tpu.memory_space<vmem>>, vector<128x16xf32>
    %dot_general3A = arith.constant dense<0.000000e+00> : vector<2000x16xf32>
    %dot_general3A_25 = tpu.matmul %add3A_21, %get3A_24, %dot_general3A {dimension_numbers = #tpu.dot_dimension_numbers<[1], [0], [0], [1], [0, 0, 1, 1], [], []>, transpose_lhs_hint = false} : vector<2000x128xf32>, vector<128x16xf32>, vector<2000x16xf32> -> vector<2000x16xf32>
    %get3A_26 = arith.constant 0 : index
    %get3A_27 = arith.constant 0 : index
    %get3A_28 = vector.load %arg3[%get3A_26, %get3A_27] : memref<2000x1xf32, #tpu.memory_space<vmem>>, vector<2000x1xf32>
    %mul3A_29 = vector.broadcast %get3A_28 : vector<2000x1xf32> to vector<2000x16xf32>
    %mul3A_30 = arith.mulf %dot_general3A_25, %mul3A_29 : vector<2000x16xf32>
    %swap3A = arith.constant 0 : index
    %swap3A_31 = arith.constant 0 : index
    %swap3A_32 = vector.load %arg6[%swap3A, %swap3A_31] : memref<2000x16xf32, #tpu.memory_space<vmem>>, vector<2000x16xf32>
    tpu.vector_store %arg6[%swap3A, %swap3A_31], %mul3A_30 {strides = array<i32>} : memref<2000x16xf32, #tpu.memory_space<vmem>>, vector<2000x16xf32>,
    return
  }
  func.func @transform_0(%arg0: i32) -> (i32, i32, i32) {
    %c0_i32 = arith.constant 0 : i32
    %c0_i32_0 = arith.constant 0 : i32
    %c0_i32_1 = arith.constant 0 : i32
    return %c0_i32, %arg0, %c0_i32_0 : i32, i32, i32
  }
  func.func @transform_1(%arg0: i32) -> (i32, i32) {
    %c0_i32 = arith.constant 0 : i32
    %c0_i32_0 = arith.constant 0 : i32
    return %arg0, %c0_i32 : i32, i32
  }
  func.func @transform_2(%arg0: i32) -> (i32, i32) {
    %c0_i32 = arith.constant 0 : i32
    %c0_i32_0 = arith.constant 0 : i32
    return %arg0, %c0_i32 : i32, i32
  }
  func.func @transform_3(%arg0: i32) -> (i32, i32) {
    %c0_i32 = arith.constant 0 : i32
    %c0_i32_0 = arith.constant 0 : i32
    %c0_i32_1 = arith.constant 0 : i32
    return %c0_i32, %c0_i32_0 : i32, i32
  }
  func.func @transform_4(%arg0: i32) -> (i32, i32) {
    %c0_i32 = arith.constant 0 : i32
    %c0_i32_0 = arith.constant 0 : i32
    %c0_i32_1 = arith.constant 0 : i32
    return %c0_i32, %c0_i32_0 : i32, i32
  }
  func.func @transform_5(%arg0: i32) -> (i32, i32) {
    %c0_i32 = arith.constant 0 : i32
    %c0_i32_0 = arith.constant 0 : i32
    return %arg0, %c0_i32 : i32, i32
  }
}

module attributes {stable_mosaic.version = 14 : i64} {
  func.func @_tc_final_body(%arg0: i32, %arg1: memref<2x2000x16xf32, #tpu.memory_space<vmem>>, %arg2: memref<2000x16xf32, #tpu.memory_space<vmem>>, %arg3: memref<2000x1xf32, #tpu.memory_space<vmem>>, %arg4: memref<1x16xf32, #tpu.memory_space<vmem>>, %arg5: memref<2000x16xf32, #tpu.memory_space<vmem>>) attributes {dimension_semantics = [#tpu.dimension_semantics<arbitrary>], iteration_bounds = array<i64: 5>, scalar_prefetch = 0 : i64, scratch_operands = 0 : i64, tpu.core_type = #tpu.core_type<tc>, window_params = [{transform_indices = @transform_0, window_bounds = array<i64: 2, 2000, 16>}, {transform_indices = @transform_1, window_bounds = array<i64: 2000, 16>}, {transform_indices = @transform_2, window_bounds = array<i64: 2000, 1>}, {pipeline_mode = #tpu.pipeline_mode<synchronous>, transform_indices = @transform_3, window_bounds = array<i64: 1, 16>}, {transform_indices = @transform_4, window_bounds = array<i64: 2000, 16>}]} {
    %get3A = arith.constant 0 : index
    %get3A_0 = arith.constant 0 : index
    %get3A_1 = vector.load %arg3[%get3A, %get3A_0] : memref<2000x1xf32, #tpu.memory_space<vmem>>, vector<2000x1xf32>
    %get3A_2 = arith.constant 0 : index
    %get3A_3 = arith.constant 0 : index
    %get3A_4 = arith.constant 0 : index
    %get3A_5 = vector.load %arg1[%get3A_2, %get3A_3, %get3A_4] : memref<2x2000x16xf32, #tpu.memory_space<vmem>>, vector<1x2000x16xf32>
    %get3A_6 = vector.shape_cast %get3A_5 : vector<1x2000x16xf32> to vector<2000x16xf32>
    %get3A_7 = arith.constant 1 : index
    %get3A_8 = arith.constant 0 : index
    %get3A_9 = arith.constant 0 : index
    %get3A_10 = vector.load %arg1[%get3A_7, %get3A_8, %get3A_9] : memref<2x2000x16xf32, #tpu.memory_space<vmem>>, vector<1x2000x16xf32>
    %get3A_11 = vector.shape_cast %get3A_10 : vector<1x2000x16xf32> to vector<2000x16xf32>
    %add3A = arith.addf %get3A_6, %get3A_11 : vector<2000x16xf32>
    %get3A_12 = arith.constant 0 : index
    %get3A_13 = arith.constant 0 : index
    %get3A_14 = vector.load %arg2[%get3A_12, %get3A_13] : memref<2000x16xf32, #tpu.memory_space<vmem>>, vector<2000x16xf32>
    %add3A_15 = arith.addf %add3A, %get3A_14 : vector<2000x16xf32>
    %mul3A = vector.broadcast %get3A_1 : vector<2000x1xf32> to vector<2000x16xf32>
    %mul3A_16 = arith.mulf %mul3A, %add3A_15 : vector<2000x16xf32>
    %get3A_17 = arith.constant 0 : index
    %get3A_18 = arith.constant 0 : index
    %get3A_19 = vector.load %arg4[%get3A_17, %get3A_18] : memref<1x16xf32, #tpu.memory_space<vmem>>, vector<1x16xf32>
    %add3A_20 = vector.broadcast %get3A_19 : vector<1x16xf32> to vector<2000x16xf32>
    %add3A_21 = arith.addf %mul3A_16, %add3A_20 : vector<2000x16xf32>
    %reduce_max3A = arith.constant dense<0xFF800000> : vector<2000xf32>
    %reduce_max3A_22 = vector.multi_reduction <maximumf>, %add3A_21, %reduce_max3A [1] : vector<2000x16xf32> to vector<2000xf32>
    %broadcast_in_dim3A = vector.shape_cast %reduce_max3A_22 : vector<2000xf32> to vector<2000x1xf32>
    %sub3A = vector.broadcast %broadcast_in_dim3A : vector<2000x1xf32> to vector<2000x16xf32>
    %sub3A_23 = arith.subf %add3A_21, %sub3A : vector<2000x16xf32>
    %exp3A = math.exp %sub3A_23 : vector<2000x16xf32>
    %reduce_sum3A = arith.constant dense<0.000000e+00> : vector<2000xf32>
    %reduce_sum3A_24 = vector.multi_reduction <add>, %exp3A, %reduce_sum3A [1] : vector<2000x16xf32> to vector<2000xf32>
    %broadcast_in_dim3A_25 = vector.shape_cast %reduce_sum3A_24 : vector<2000xf32> to vector<2000x1xf32>
    %log3A = math.log %broadcast_in_dim3A_25 : vector<2000x1xf32>
    %add3A_26 = arith.addf %log3A, %broadcast_in_dim3A : vector<2000x1xf32>
    %sub3A_27 = vector.broadcast %add3A_26 : vector<2000x1xf32> to vector<2000x16xf32>
    %sub3A_28 = arith.subf %add3A_21, %sub3A_27 : vector<2000x16xf32>
    %swap3A = arith.constant 0 : index
    %swap3A_29 = arith.constant 0 : index
    %swap3A_30 = vector.load %arg5[%swap3A, %swap3A_29] : memref<2000x16xf32, #tpu.memory_space<vmem>>, vector<2000x16xf32>
    tpu.vector_store %arg5[%swap3A, %swap3A_29], %sub3A_28 {strides = array<i32>} : memref<2000x16xf32, #tpu.memory_space<vmem>>, vector<2000x16xf32>,
    return
  }
  func.func @transform_0(%arg0: i32) -> (i32, i32, i32) {
    %c0_i32 = arith.constant 0 : i32
    %c0_i32_0 = arith.constant 0 : i32
    %c0_i32_1 = arith.constant 0 : i32
    return %c0_i32, %arg0, %c0_i32_0 : i32, i32, i32
  }
  func.func @transform_1(%arg0: i32) -> (i32, i32) {
    %c0_i32 = arith.constant 0 : i32
    %c0_i32_0 = arith.constant 0 : i32
    return %arg0, %c0_i32 : i32, i32
  }
  func.func @transform_2(%arg0: i32) -> (i32, i32) {
    %c0_i32 = arith.constant 0 : i32
    %c0_i32_0 = arith.constant 0 : i32
    return %arg0, %c0_i32 : i32, i32
  }
  func.func @transform_3(%arg0: i32) -> (i32, i32) {
    %c0_i32 = arith.constant 0 : i32
    %c0_i32_0 = arith.constant 0 : i32
    %c0_i32_1 = arith.constant 0 : i32
    return %c0_i32, %c0_i32_0 : i32, i32
  }
  func.func @transform_4(%arg0: i32) -> (i32, i32) {
    %c0_i32 = arith.constant 0 : i32
    %c0_i32_0 = arith.constant 0 : i32
    return %arg0, %c0_i32 : i32, i32
  }
}

</mosaic_0001>

<sc_bundles>
// kernel: kernel.10.cloned.1.call-start
scs
__scs_entry_jumppad:
0x0: {  	(pc) =	sbr.rel $0x88, $3  }
0x1: {  	(tag) =	ssettag $0x0;
	lr =	simm.s32 $0x1  }
0x2: {  	[smem:$0x3F99] =	sst lr;
	_ =	strace $0xD0000000  }
0x3: {  	_ = 	snop  }
0x4: {  	_ = 	snop  }
0x5: {  	_ = 	snop  }
0x6: {  	_ = 	snop  }
0x7: {  	_ = 	snop  }
__scs_overlays_trampoline_lowered:
0x8: {  	[smem:$0x3FA8] =	sst s0  }
0x9: {  	[smem:$0x3FA9] =	sst s1  }
0xa: {  	[smem:$0x3FAA] =	sst s2  }
0xb: {  	[smem:$0x3FAB] =	sst s3  }
0xc: {  	[smem:$0x3FAC] =	sst s4  }
0xd: {  	[smem:$0x3FAD] =	sst s5  }
0xe: {  	[smem:$0x3FAE] =	sst s6  }
0xf: {  	[smem:$0x3FAF] =	sst s7  }
0x10: {  	[smem:$0x3FB0] =	sst s8  }
0x11: {  	[smem:$0x3FB1] =	sst s9;
	s0 =	simm.s32 @!p0 $0x0  }
0x12: {  	s1 =	sld [smem:$0x3F97];
	s0 =	simm.s32 @p0 $0x1  }
0x13: {  	[smem:$0x3FB2] =	sst s0;
	s0 =	simm.s32 @!p1 $0x0  }
0x14: {  	s2 =	sld [smem:$0x3F96];
	s0 =	simm.s32 @p1 $0x1  }
0x15: {  	[smem:$0x3FB3] =	sst s0;
	s0 =	simm.s32 @!p2 $0x0  }
0x16: {  	s3 =	sld [smem:$0x3FDB];
	s0 =	simm.s32 @p2 $0x1  }
0x17: {  	s4 =	simm.s32 $0x1BF5;
	[smem:$0x3FB5] =	sst s0  }
0x18: {  	s0 =	sld [smem:$0x3F98];
	_ =	swait.ge [sflag:s4], $0x0  }
0x19: {  	s7 =	sld [smem:$0x3F99]  }
0x1a: {  	s8 =	sadd.s32 $0xFFFFE003, lr  }
0x1b: {  	s9 =	sadd.s32 $0xFFFFFEF7, lr;
	s5 =	simm.s32 $0xFFFFFFFF;
	p2 =	slt.u32 s8, $0xFFFFF086  }
0x1c: {  	p1 =	slt.u32 s9, $0xF7A;
	s5 =	simm.s32 @!p2 $0x0  }
0x1d: {  	s5 =	simm.s32 @p1 $0x1;
	p0 =	seq.s32 s7, s2  }
0x1e: {  	s7 =	smul.u32 @!p0 $0xF7A, s2;
	p2 =	seq.s32 @!p0 s5, $0x0  }
0x1f: {  	s9 =	smul.u32 $0xF7A, s1;
	s8 =	simm.s32 @!p0 $0x1BF5;
	p2 =	por !p2, p0  }
0x20: {  	[sflag:s8] =	ssyncset.s32 @!p0 $0xFFFFF086;
	s6 =	sadd.s32 @!p0 s3, s7;
	s7 =	simm.s32 @!p0 $0x108  }
0x21: {  	s3 =	sadd.s32 s3, s9;
	s6 =	sadd.s32 @!p0 $0x88, s6;
	s7 =	simm.s32 @p2 $0x1082  }
0x22: {  	[simem:s7], [sflag:s8] =	dma.local @!p0 [hbm:s6], $0xF7A  }
0x23: {  	s9 =	sor.u32 $0xD0000000, s2;
	s6 =	simm.s32 $0x108;
	_ =	swait.ge @!p0 [sflag:s8], $0x0  }
0x24: {  	s3 =	sadd.s32 $0x88, s3;
	s6 =	simm.s32 @!p1 $0x1082;
	[sflag:s4] =	ssyncset.s32 $0xFFFFF086  }
0x25: {  	[simem:s6], [sflag:s4] =	dma.local [hbm:s3], $0xF7A  }
0x26: {  	[smem:$0x3F99] =	sst s1;
	(tag) =	ssettag s2;
	_ =	strace s9  }
0x27: {  	s1 =	sld [smem:$0x3FA9]  }
0x28: {  	s2 =	sld [smem:$0x3FAA]  }
0x29: {  	s4 =	sld [smem:$0x3FAC]  }
0x2a: {  	p0 =	seq.s32 s5, $0x0;
	s5 =	sld [smem:$0x3FAD]  }
0x2b: {  	s6 =	sld [smem:$0x3FAE]  }
0x2c: {  	s7 =	sld [smem:$0x3FAF]  }
0x2d: {  	s3 =	simm.s32 $0x108;
	s8 =	sld [smem:$0x3FB0]  }
0x2e: {  	s3 =	simm.s32 @!p0 $0x1082;
	s9 =	sld [smem:$0x3FB1]  }
0x2f: {  	lr =	sadd.s32 s0, s3;
	s0 =	sld [smem:$0x3FA8]  }
0x30: {  	s3 =	sld [smem:$0x3FAB]  }
0x31: {  	[smem:$0x3FB4] =	sst s10  }
0x32: {  	s10 =	sld [smem:$0x3FB2];
	_ =	sdelay $0x3  }
0x33: {  	p0 =	seq.s32 s10, $0x1;
	s10 =	sld [smem:$0x3FB4];
	_ =	sdelay $0x3  }
0x34: {  	[smem:$0x3FB4] =	sst s10  }
0x35: {  	s10 =	sld [smem:$0x3FB3];
	_ =	sdelay $0x3  }
0x36: {  	p1 =	seq.s32 s10, $0x1;
	s10 =	sld [smem:$0x3FB4];
	_ =	sdelay $0x3  }
0x37: {  	[smem:$0x3FB4] =	sst s10  }
0x38: {  	s10 =	sld [smem:$0x3FB5]  }
0x39: {  	_ = 	snop;
	(pc) =	sbr.ind lr, $3  }
0x3a: {  	_ = 	snop  }
0x3b: {  	_ = 	snop  }
0x3c: {  	p2 =	seq.s32 s10, $0x1;
	s10 =	sld [smem:$0x3FB4]  }
0x3d: {  	_ =	shalt  }
0x3e: {  	_ =	shalt  }
0x3f: {  	_ =	shalt  }
0x40: {  	_ =	shalt  }
0x41: {  	_ =	shalt  }
0x42: {  	_ =	shalt  }
0x43: {  	_ =	shalt  }
0x44: {  	_ =	shalt  }
0x45: {  	_ =	shalt  }
0x46: {  	_ =	shalt  }
0x47: {  	_ =	shalt  }
0x48: {  	_ =	shalt  }
0x49: {  	_ =	shalt  }
0x4a: {  	_ =	shalt  }
0x4b: {  	_ =	shalt  }
0x4c: {  	_ =	shalt  }
0x4d: {  	_ =	shalt  }
0x4e: {  	_ =	shalt  }
0x4f: {  	_ =	shalt  }
0x50: {  	_ =	shalt  }
0x51: {  	_ =	shalt  }
0x52: {  	_ =	shalt  }
0x53: {  	_ =	shalt  }
0x54: {  	_ =	shalt  }
0x55: {  	_ =	shalt  }
0x56: {  	_ =	shalt  }
0x57: {  	_ =	shalt  }
0x58: {  	_ =	shalt  }
0x59: {  	_ =	shalt  }
0x5a: {  	_ =	shalt  }
0x5b: {  	_ =	shalt  }
0x5c: {  	_ =	shalt  }
0x5d: {  	_ =	shalt  }
0x5e: {  	_ =	shalt  }
0x5f: {  	_ =	shalt  }
0x60: {  	_ =	shalt  }
0x61: {  	_ =	shalt  }
0x62: {  	_ =	shalt  }
0x63: {  	_ =	shalt  }
0x64: {  	_ =	shalt  }
0x65: {  	_ =	shalt  }
0x66: {  	_ =	shalt  }
0x67: {  	_ =	shalt  }
0x68: {  	_ =	shalt  }
0x69: {  	_ =	shalt  }
0x6a: {  	_ =	shalt  }
0x6b: {  	_ =	shalt  }
0x6c: {  	_ =	shalt  }
0x6d: {  	_ =	shalt  }
0x6e: {  	_ =	shalt  }
0x6f: {  	_ =	shalt  }
0x70: {  	_ =	shalt  }
0x71: {  	_ =	shalt  }
0x72: {  	_ =	shalt  }
0x73: {  	_ =	shalt  }
0x74: {  	_ =	shalt  }
0x75: {  	_ =	shalt  }
0x76: {  	_ =	shalt  }
0x77: {  	_ =	shalt  }
0x78: {  	_ =	shalt  }
0x79: {  	_ =	shalt  }
0x7a: {  	_ =	shalt  }
0x7b: {  	_ =	shalt  }
0x7c: {  	_ =	shalt  }
0x7d: {  	_ =	shalt  }
0x7e: {  	_ =	shalt  }
0x7f: {  	_ =	shalt  }
0x80: {  	_ =	shalt  }
0x81: {  	_ =	shalt  }
0x82: {  	_ =	shalt  }
0x83: {  	_ =	shalt  }
0x84: {  	_ =	shalt  }
0x85: {  	_ =	shalt  }
0x86: {  	_ =	shalt  }
0x87: {  	_ =	shalt  }
.Lfunc_end0:
.L_simem_size_0:
called_computation_lowered:
.L_overlay_start_0:
0x88: {  	s2 =	sld [smem:$0x3FD9]  }
0x89: {  	s3 =	sld [smem:$0x3FFE];
	_ =	sdelay $0x1  }
0x8a: {  	s1 =	srdreg.scid  }
0x8b: {  	s0 =	sand.u32 $0x1, s1  }
0x8c: {  	s17 =	sshll.u32 s0, $0xA;
	s2 =	sadd.s32 s3, s2  }
0x8d: {  	s2 =	sadd.s32 s2, s17  }
0x8e: {  	[smem:$0x3FC0] =	sst s2  }
0x8f: {  	_ = 	snop  }
0x90: {  	s2 =	sld [smem:$0x3FD0];
	(tm) =	ssettm $0x1  }
0x91: {  	s18 =	sld [smem:$0x3FFB];
	_ =	sdelay $0x3  }
0x92: {  	_ =	strace s18  }
0x93: {  	s3 =	sld [smem:$0x3FFC];
	_ =	sdelay $0x3  }
0x94: {  	_ =	strace s3  }
0x95: {  	s3 =	sld [smem:$0x3FFD];
	_ =	sdelay $0x3  }
0x96: {  	_ =	strace s3  }
0x97: {  	_ =	strace $0x8FFFFFFF  }
0x98: {  	s19 =	sld [smem:$0x3FDB];
	_ =	sdelay $0x1  }
0x99: {  	s4 =	simm.s32 $_scs_section_size  }
0x9a: {  	s5 =	simm.s32 $_size__tile_overlayer_lowered;
	s6 =	simm.s32 $_tile_overlayer_lowered  }
0x9b: {  	s22 =	simm.s32 $0x1BFF;
	s21 =	sshll.u32 s6, $0x1;
	s3 =	sadd.s32 s4, s19  }
0x9c: {  	s7 =	simm.s32 $0x0;
	s20 =	sshll.u32 s5, $0x1;
	s5 =	sadd.s32 s21, s3  }
0x9d: {  	[timem:s7], [sflag:s22] =	dma.local [hbm:s5], s20  }
0x9e: {  	_ =	swait.ge [sflag:s22], s20  }
0x9f: {  	s4 =	ssub.s32 $0x0, s20;
	[sflag:s22] =	ssyncset.done $0x0  }
0xa0: {  	[sflag:s22] =	ssyncadd.s32 s4;
	_ =	sdelay $0x1  }
0xa1: {  	s23 =	simm.s32 $0x1B8B  }
0xa2: {  	_ =	swait.ge [sflag:s23], $0x1  }
0xa3: {  	[sflag:s23] =	ssyncset.done $0x0  }
0xa4: {  	s25 =	simm.s32 $0x1B8E;
	s24 =	sld [smem:$0x3FFE];
	[sflag:s23] =	ssyncadd.s32 $0xFFFFFFFF  }
0xa5: {  	s26 =	simm.s32 $execute0_lowered;
	[smem:$0x3FD2] =	sst s25  }
0xa6: {  	s5 =	sshll.u32 s26, $0x1;
	_ =	strace $0x80000046;
	[dreg:$0x1] =	wrdreg $0xFFFFFFFF  }
0xa7: {  	s28 =	simm.s32 $_size_execute0_lowered;
	s3 =	sadd.s32 s3, s5;
	[dreg:$0x0] =	wrdreg $0x0  }
0xa8: {  	s5 =	sshll.u32 s28, $0x1;
	[dreg:$0x2] =	wrdreg s3  }
0xa9: {  	[dreg:$0x3] =	wrdreg s5  }
0xaa: {  	[dreg:$0x4] =	wrdreg $0xC0  }
0xab: {  	_ =	task [dreg:s7], $0x5FFFF  }
0xac: {  	[dreg:$0x1] =	wrdreg $0xFFFFFFFF  }
0xad: {  	[dreg:$0x0] =	wrdreg $0x60  }
0xae: {  	[dreg:$0x2] =	wrdreg s24  }
0xaf: {  	[dreg:$0x3] =	wrdreg s2  }
0xb0: {  	[dreg:$0x4] =	wrdreg $0x30000  }
0xb1: {  	[dreg:$0x5] =	wrdreg $0x9  }
0xb2: {  	_ =	task.clear_ibuf [dreg:s7], $0x6FFFF;
	_ =	strace $0x90000046  }
0xb3: {  	s29 =	simm.s32 $0x9;
	_ =	strace $0x80000048  }
0xb4: {  	_ =	swait.ge [sflag:s29], $0x1  }
0xb5: {  	[sflag:s29] =	ssyncadd.s32 $0xFFFFFFFF  }
0xb6: {  	_ =	strace $0x90000048  }
0xb7: {  	_ =	sfence  }
0xb8: {  	s30 =	sld [smem:$0x0];
	_ =	sdelay $0x2  }
0xb9: {  	s31 =	sshll.u32 s1, $0xD;
	s1 =	sshrl.u32 s1, $0x2  }
0xba: {  	s3 =	sand.u32 $0x4000, s31;
	s1 =	sadd.s32 s1, s30  }
0xbb: {  	s0 =	sor.u32 s3, s0;
	s1 =	sshll.u32 s1, $0x11  }
0xbc: {  	s0 =	sor.u32 s1, s0  }
0xbd: {  	s0 =	sadd.s32 $0x8F2B, s0  }
0xbe: {  	[sflag:s0] =	ssyncadd.remote.s32 $0x1  }
0xbf: {  	_ =	sfence.sel $0xFFFF  }
0xc0: {  	[dreg:$0x0] =	wrdreg $0xFFFFFFFF;
	(pc) =	sbr.abs _section_cstart, $3  }
0xc1: {  	[dreg:$0x1] =	wrdreg $0xFFFFFFFF  }
0xc2: {  	_ =	task.clear_ibuf [dreg:s7], $0x2FFFF;
	_ =	strace $0x9FFFFFFF  }
0xc3: {  	(tm) =	ssettm $0x7FFFFFFF  }
tec
execute0_lowered:
.L_overlay_start_1:
0x0: {  	(tag) =	ssettag $0x1  }
0x1: {  	s6 =	rddreg [dreg:$0x0]  }
0x2: {  	s2 =	rddreg [dreg:$0x1]  }
0x3: {  	s0 =	srdreg.scid;
	s3 =	rddreg [dreg:$0x2]  }
0x4: {  	s4 =	simm.s32 $0x0;
	s13 =	simm.s32 $0x80;
	s14 =	simm.s32 $0x1  }
0x5: {  	s15 =	simm.s32 $0x0;
	s5 =	sand.u32 $0x1, s0;
	s0 =	stileid.u32  }
0x6: {  	[smem:$0x7FF] =	sst s4;
	s1 =	sshll.u32 s5, $0x4;
	s8 =	smul.u32 $0x2800, s0  }
0x7: {  	s9 =	smul.u32 $0x28000, s5;
	s5 =	ssub.s32 $0x2, s5;
	s1 =	sor.u32 s0, s1  }
0x8: {  	s31 =	sshll.u32 s0, $0x6;
	s11 =	sshrl.u32 s5, $0x1;
	s7 =	smul.u32 $0x500, s1  }
0x9: {  	s1 =	rddreg [dreg:$0x3];
	_ =	strace $0x80000047;
	s10 =	sshrl.u32 s8, $0x3  }
0xa: {  	s9 =	sadd.s32 s8, s9;
	s11 =	ssub.s32 s5, s11;
	s12 =	sadd.s32 s8, s3  }
0xb: {  	s10 =	sadd.s32 s10, s6;
	s9 =	sshrl.u32 s9, $0x3;
	s8 =	smax.u32 s11, $0x1  }
0xc: {  	s11 =	sor.u32 $0x1C02, s31;
	s12 =	sshrl.u32 s12, $0x3;
	s7 =	sadd.s32 s7, s6  }
0xd: {  	s9 =	sadd.s32 s9, s6;
	s6 =	sadd.s32 $0xC400, s10;
	s10 =	simm.s32 $0x2800  }
0xe: {  	s5 =	sadd.s32 $0x2400, s7;
	s7 =	sadd.s32 $0x11400, s9;
	s9 =	simm.s32 $0x2  }
.LBB2_1:
0xf: {  	[tilespmem:s4], [sflag:$0x2] =	stream.linear.gather [hbm4b:s5+s4], $0x2800, $0x38;
	[tilespmem:$0x5800] =	vst v63  }
0x10: {  	_ =	swait.ge [sflag:s9], $0x2800  }
0x11: {  	[sflag:s9] =	ssyncset.done $0x0  }
0x12: {  	[sflag:s9] =	ssyncadd.s32 $0xFFFFD800  }
0x13: {  	[tilespmem:s10], [sflag:$0x2] =	stream.linear.gather [hbm4b:s2+s4], $0x800, $0x38;
	[tilespmem:$0x5800] =	vst v63  }
0x14: {  	_ =	swait.ge [sflag:s9], $0x800  }
0x15: {  	[sflag:s9] =	ssyncset.done $0x0  }
0x16: {  	[sflag:s9] =	ssyncadd.s32 $0xFFFFF800  }
0x17: {  	[spmem:s12], [sflag:s11] =	dma.local [hbm:s6], $0x500  }
0x18: {  	_ =	swait.ge [sflag:s9], $0x500  }
0x19: {  	[sflag:s9] =	ssyncset.done $0x0  }
0x1a: {  	[sflag:s9] =	ssyncadd.s32 $0xFFFFFB00  }
0x1b: {  	[bflag:$0x0] =	sbarrier.arrive $0xFFFF  }
0x1c: {  	[spmem:s3] =	stream.indirect.scatter.add.f32 [tilespmem:s10], [sflag:$0x1], $0x10, s4, s13, $0xb8;
	[tilespmem:$0x5800] =	vst v63  }
0x1d: {  	_ = 	snop  }
0x1e: {  	[spmem:s3] =	stream.indirect.scatter.add.f32 [tilespmem:s10], [sflag:$0x1], $0x10, s13, s13, $0xb8;
	[tilespmem:$0x5800] =	vst v63  }
0x1f: {  	s16 =	simm.s32 $0x100  }
0x20: {  	[spmem:s3] =	stream.indirect.scatter.add.f32 [tilespmem:s10], [sflag:$0x1], $0x10, s16, s13, $0xb8;
	[tilespmem:$0x5800] =	vst v63  }
0x21: {  	s31 =	simm.s32 $0x180  }
0x22: {  	[spmem:s3] =	stream.indirect.scatter.add.f32 [tilespmem:s10], [sflag:$0x1], $0x10, s31, s13, $0xb8;
	[tilespmem:$0x5800] =	vst v63  }
0x23: {  	_ =	swait.ge [sflag:s14], $0x800  }
0x24: {  	[sflag:s14] =	ssyncset.done $0x0  }
0x25: {  	[sflag:s14] =	ssyncadd.s32 $0xFFFFF800  }
0x26: {  	_ =	swait.ge [sflag:s14], $0x800  }
0x27: {  	s17 =	simm.s32 $0xFFFF6C00;
	s16 =	simm.s32 $0xFFFFDA00;
	[sflag:s14] =	ssyncset.done $0x0  }
.LBB2_2:
0x28: {  	s18 =	sadd.s32 $0x2800, s16  }
0x29: {  	[sflag:s14] =	ssyncadd.s32 $0xFFFFF800;
	s19 =	smov.u32 s17;
	s20 =	sadd.s32 $0x400, s17  }
0x2a: {  	[spmem:s3] =	stream.indirect.scatter.add.f32 [tilespmem:s10], [sflag:$0x1], $0x10, s18, s13, $0xb8;
	[tilespmem:$0x5800] =	vst v63  }
0x2b: {  	p0 =	sne.s32 s17, $0xFFFFFC00;
	s16 =	sadd.s32 $0x2880, s16  }
0x2c: {  	[spmem:s3] =	stream.indirect.scatter.add.f32 [tilespmem:s10], [sflag:$0x1], $0x10, s16, s13, $0xb8;
	[tilespmem:$0x5800] =	vst v63  }
.Ltmp0:
0x2d: {  	_ =	swait.ge [sflag:s14], $0x800;
	(pc) =	sbr.rel @p0 .LBB2_2-.Ltmp0, $4  }
0x2e: {  	[sflag:s14] =	ssyncset.done $0x0  }
0x2f: {  	[sflag:s14] =	ssyncadd.s32 $0xFFFFF800  }
0x30: {  	_ =	swait.ge [sflag:s14], $0x800  }
0x31: {  	s17 =	smov.u32 s20;
	s16 =	sshra.s32 s19, $0x2;
	[sflag:s14] =	ssyncset.done $0x0  }
0x32: {  	s17 =	sadd.s32 $0x2800, s16;
	[sflag:s14] =	ssyncadd.s32 $0xFFFFF800  }
0x33: {  	[spmem:s3] =	stream.indirect.scatter.add.f32 [tilespmem:s10], [sflag:$0x1], $0x10, s17, s13, $0xb8;
	[tilespmem:$0x5800] =	vst v63  }
0x34: {  	s31 =	sadd.s32 $0x2880, s16  }
0x35: {  	[spmem:s3] =	stream.indirect.scatter.add.f32 [tilespmem:s10], [sflag:$0x1], $0x10, s31, s13, $0xb8;
	[tilespmem:$0x5800] =	vst v63  }
0x36: {  	_ =	swait.ge [sflag:s14], $0x800  }
0x37: {  	[sflag:s14] =	ssyncset.done $0x0  }
0x38: {  	[sflag:s14] =	ssyncadd.s32 $0xFFFFF800  }
0x39: {  	_ =	swait.ge [sflag:s14], $0x800  }
0x3a: {  	[sflag:s14] =	ssyncset.done $0x0  }
0x3b: {  	[sflag:s14] =	ssyncadd.s32 $0xFFFFF800  }
0x3c: {  	_ =	swait.ge [sflag:s14], $0x800  }
0x3d: {  	[sflag:s14] =	ssyncset.done $0x0  }
0x3e: {  	[sflag:s14] =	ssyncadd.s32 $0xFFFFF800  }
0x3f: {  	_ =	swait.ge [sflag:s14], $0x800  }
0x40: {  	s15 =	sadd.s32 $0x1, s15;
	[sflag:s14] =	ssyncset.done $0x0  }
0x41: {  	p0 =	sne.s32 s15, s8;
	[sflag:s14] =	ssyncadd.s32 $0xFFFFF800  }
.Ltmp1:
0x42: {  	[bflag:$0x0] =	sbarrier.arrive $0xFFFF;
	(pc) =	sbr.rel @p0 .LBB2_1-.Ltmp1, $4  }
0x43: {  	[hbm:s7], [sflag:s11] =	dma.local [spmem:s12], $0x500  }
0x44: {  	_ =	swait.ge [sflag:s9], $0x500  }
0x45: {  	[sflag:s9] =	ssyncset.done $0x0  }
0x46: {  	[sflag:s9] =	ssyncadd.s32 $0xFFFFFB00  }
0x47: {  	_ =	sfence.sel $0x180000  }
0x48: {  	[bflag:$0x0] =	sbarrier.arrive $0xFFFF  }
0x49: {  	p0 =	sne.s32 s0, $0x0;
	_ =	strace $0x90000047  }
0x4a: {  	s0 =	sadd.s32 @!p0 $0x100000, s1;
	[bflag:$0x2] =	sbarrier.arrive $0xFFFF  }
0x4b: {  	[sflag:s0] =	ssyncadd.tile.s32 @!p0 $0x1;
	_ =	shalt  }
.Lfunc_end2:
_tile_overlayer_lowered:
.L_overlay_start_2:
0x4c: {  	(tag) =	ssettag $0x2  }
0x4d: {  	s0 =	rddreg [dreg:$0x0];
	s2 =	stileid.u32  }
0x4e: {  	s1 =	rddreg [dreg:$0x1];
	p0 =	sne.s32 s2, $0x0  }
0x4f: {  	s3 =	rddreg [dreg:$0x2];
	[bflag:$0x3] =	sbarrier.arrive $0xFFFF;
	s2 =	simm.s32 @!p0 $0x1C02  }
0x50: {  	[timem:s3], [sflag:s2] =	dma.local @!p0 [hbm:s0], s1  }
0x51: {  	s0 =	simm.s32 @!p0 $0x2  }
0x52: {  	_ =	swait.ge @!p0 [sflag:s0], s1  }
0x53: {  	s1 =	ssub.s32 @!p0 $0x0, s1;
	[sflag:s0] =	ssyncset.done @!p0 $0x0  }
0x54: {  	[sflag:s0] =	ssyncadd.s32 @!p0 s1  }
0x55: {  	[bflag:$0x3] =	sbarrier.arrive $0xFFFF  }
0x56: {  	_ =	shalt  }

// kernel: kernel.13.cloned.1.call-start
scs
__scs_entry_jumppad:
0x0: {  	(pc) =	sbr.rel $0x88, $3  }
0x1: {  	(tag) =	ssettag $0x0;
	lr =	simm.s32 $0x1  }
0x2: {  	[smem:$0x3F99] =	sst lr;
	_ =	strace $0xD0000000  }
0x3: {  	_ = 	snop  }
0x4: {  	_ = 	snop  }
0x5: {  	_ = 	snop  }
0x6: {  	_ = 	snop  }
0x7: {  	_ = 	snop  }
__scs_overlays_trampoline_lowered:
0x8: {  	[smem:$0x3FA8] =	sst s0  }
0x9: {  	[smem:$0x3FA9] =	sst s1  }
0xa: {  	[smem:$0x3FAA] =	sst s2  }
0xb: {  	[smem:$0x3FAB] =	sst s3  }
0xc: {  	[smem:$0x3FAC] =	sst s4  }
0xd: {  	[smem:$0x3FAD] =	sst s5  }
0xe: {  	[smem:$0x3FAE] =	sst s6  }
0xf: {  	[smem:$0x3FAF] =	sst s7  }
0x10: {  	[smem:$0x3FB0] =	sst s8  }
0x11: {  	[smem:$0x3FB1] =	sst s9;
	s0 =	simm.s32 @!p0 $0x0  }
0x12: {  	s1 =	sld [smem:$0x3F97];
	s0 =	simm.s32 @p0 $0x1  }
0x13: {  	[smem:$0x3FB2] =	sst s0;
	s0 =	simm.s32 @!p1 $0x0  }
0x14: {  	s2 =	sld [smem:$0x3F96];
	s0 =	simm.s32 @p1 $0x1  }
0x15: {  	[smem:$0x3FB3] =	sst s0;
	s0 =	simm.s32 @!p2 $0x0  }
0x16: {  	s3 =	sld [smem:$0x3FDB];
	s0 =	simm.s32 @p2 $0x1  }
0x17: {  	s4 =	simm.s32 $0x1BF5;
	[smem:$0x3FB5] =	sst s0  }
0x18: {  	s0 =	sld [smem:$0x3F98];
	_ =	swait.ge [sflag:s4], $0x0  }
0x19: {  	s7 =	sld [smem:$0x3F99]  }
0x1a: {  	s8 =	sadd.s32 $0xFFFFE003, lr  }
0x1b: {  	s9 =	sadd.s32 $0xFFFFFEF7, lr;
	s5 =	simm.s32 $0xFFFFFFFF;
	p2 =	slt.u32 s8, $0xFFFFF086  }
0x1c: {  	p1 =	slt.u32 s9, $0xF7A;
	s5 =	simm.s32 @!p2 $0x0  }
0x1d: {  	s5 =	simm.s32 @p1 $0x1;
	p0 =	seq.s32 s7, s2  }
0x1e: {  	s7 =	smul.u32 @!p0 $0xF7A, s2;
	p2 =	seq.s32 @!p0 s5, $0x0  }
0x1f: {  	s9 =	smul.u32 $0xF7A, s1;
	s8 =	simm.s32 @!p0 $0x1BF5;
	p2 =	por !p2, p0  }
0x20: {  	[sflag:s8] =	ssyncset.s32 @!p0 $0xFFFFF086;
	s6 =	sadd.s32 @!p0 s3, s7;
	s7 =	simm.s32 @!p0 $0x108  }
0x21: {  	s3 =	sadd.s32 s3, s9;
	s6 =	sadd.s32 @!p0 $0x88, s6;
	s7 =	simm.s32 @p2 $0x1082  }
0x22: {  	[simem:s7], [sflag:s8] =	dma.local @!p0 [hbm:s6], $0xF7A  }
0x23: {  	s9 =	sor.u32 $0xD0000000, s2;
	s6 =	simm.s32 $0x108;
	_ =	swait.ge @!p0 [sflag:s8], $0x0  }
0x24: {  	s3 =	sadd.s32 $0x88, s3;
	s6 =	simm.s32 @!p1 $0x1082;
	[sflag:s4] =	ssyncset.s32 $0xFFFFF086  }
0x25: {  	[simem:s6], [sflag:s4] =	dma.local [hbm:s3], $0xF7A  }
0x26: {  	[smem:$0x3F99] =	sst s1;
	(tag) =	ssettag s2;
	_ =	strace s9  }
0x27: {  	s1 =	sld [smem:$0x3FA9]  }
0x28: {  	s2 =	sld [smem:$0x3FAA]  }
0x29: {  	s4 =	sld [smem:$0x3FAC]  }
0x2a: {  	p0 =	seq.s32 s5, $0x0;
	s5 =	sld [smem:$0x3FAD]  }
0x2b: {  	s6 =	sld [smem:$0x3FAE]  }
0x2c: {  	s7 =	sld [smem:$0x3FAF]  }
0x2d: {  	s3 =	simm.s32 $0x108;
	s8 =	sld [smem:$0x3FB0]  }
0x2e: {  	s3 =	simm.s32 @!p0 $0x1082;
	s9 =	sld [smem:$0x3FB1]  }
0x2f: {  	lr =	sadd.s32 s0, s3;
	s0 =	sld [smem:$0x3FA8]  }
0x30: {  	s3 =	sld [smem:$0x3FAB]  }
0x31: {  	[smem:$0x3FB4] =	sst s10  }
0x32: {  	s10 =	sld [smem:$0x3FB2];
	_ =	sdelay $0x3  }
0x33: {  	p0 =	seq.s32 s10, $0x1;
	s10 =	sld [smem:$0x3FB4];
	_ =	sdelay $0x3  }
0x34: {  	[smem:$0x3FB4] =	sst s10  }
0x35: {  	s10 =	sld [smem:$0x3FB3];
	_ =	sdelay $0x3  }
0x36: {  	p1 =	seq.s32 s10, $0x1;
	s10 =	sld [smem:$0x3FB4];
	_ =	sdelay $0x3  }
0x37: {  	[smem:$0x3FB4] =	sst s10  }
0x38: {  	s10 =	sld [smem:$0x3FB5]  }
0x39: {  	_ = 	snop;
	(pc) =	sbr.ind lr, $3  }
0x3a: {  	_ = 	snop  }
0x3b: {  	_ = 	snop  }
0x3c: {  	p2 =	seq.s32 s10, $0x1;
	s10 =	sld [smem:$0x3FB4]  }
0x3d: {  	_ =	shalt  }
0x3e: {  	_ =	shalt  }
0x3f: {  	_ =	shalt  }
0x40: {  	_ =	shalt  }
0x41: {  	_ =	shalt  }
0x42: {  	_ =	shalt  }
0x43: {  	_ =	shalt  }
0x44: {  	_ =	shalt  }
0x45: {  	_ =	shalt  }
0x46: {  	_ =	shalt  }
0x47: {  	_ =	shalt  }
0x48: {  	_ =	shalt  }
0x49: {  	_ =	shalt  }
0x4a: {  	_ =	shalt  }
0x4b: {  	_ =	shalt  }
0x4c: {  	_ =	shalt  }
0x4d: {  	_ =	shalt  }
0x4e: {  	_ =	shalt  }
0x4f: {  	_ =	shalt  }
0x50: {  	_ =	shalt  }
0x51: {  	_ =	shalt  }
0x52: {  	_ =	shalt  }
0x53: {  	_ =	shalt  }
0x54: {  	_ =	shalt  }
0x55: {  	_ =	shalt  }
0x56: {  	_ =	shalt  }
0x57: {  	_ =	shalt  }
0x58: {  	_ =	shalt  }
0x59: {  	_ =	shalt  }
0x5a: {  	_ =	shalt  }
0x5b: {  	_ =	shalt  }
0x5c: {  	_ =	shalt  }
0x5d: {  	_ =	shalt  }
0x5e: {  	_ =	shalt  }
0x5f: {  	_ =	shalt  }
0x60: {  	_ =	shalt  }
0x61: {  	_ =	shalt  }
0x62: {  	_ =	shalt  }
0x63: {  	_ =	shalt  }
0x64: {  	_ =	shalt  }
0x65: {  	_ =	shalt  }
0x66: {  	_ =	shalt  }
0x67: {  	_ =	shalt  }
0x68: {  	_ =	shalt  }
0x69: {  	_ =	shalt  }
0x6a: {  	_ =	shalt  }
0x6b: {  	_ =	shalt  }
0x6c: {  	_ =	shalt  }
0x6d: {  	_ =	shalt  }
0x6e: {  	_ =	shalt  }
0x6f: {  	_ =	shalt  }
0x70: {  	_ =	shalt  }
0x71: {  	_ =	shalt  }
0x72: {  	_ =	shalt  }
0x73: {  	_ =	shalt  }
0x74: {  	_ =	shalt  }
0x75: {  	_ =	shalt  }
0x76: {  	_ =	shalt  }
0x77: {  	_ =	shalt  }
0x78: {  	_ =	shalt  }
0x79: {  	_ =	shalt  }
0x7a: {  	_ =	shalt  }
0x7b: {  	_ =	shalt  }
0x7c: {  	_ =	shalt  }
0x7d: {  	_ =	shalt  }
0x7e: {  	_ =	shalt  }
0x7f: {  	_ =	shalt  }
0x80: {  	_ =	shalt  }
0x81: {  	_ =	shalt  }
0x82: {  	_ =	shalt  }
0x83: {  	_ =	shalt  }
0x84: {  	_ =	shalt  }
0x85: {  	_ =	shalt  }
0x86: {  	_ =	shalt  }
0x87: {  	_ =	shalt  }
.Lfunc_end0:
.L_simem_size_0:
called_computation.1_lowered:
.L_overlay_start_0:
0x88: {  	s2 =	sld [smem:$0x3FD9]  }
0x89: {  	s3 =	sld [smem:$0x3FFE];
	_ =	sdelay $0x1  }
0x8a: {  	s1 =	srdreg.scid  }
0x8b: {  	s0 =	sand.u32 $0x1, s1  }
0x8c: {  	s16 =	sshll.u32 s0, $0xA;
	s2 =	sadd.s32 s3, s2  }
0x8d: {  	s2 =	sadd.s32 s2, s16  }
0x8e: {  	[smem:$0x3FC0] =	sst s2  }
0x8f: {  	_ = 	snop  }
0x90: {  	(tm) =	ssettm $0x1  }
0x91: {  	s17 =	sld [smem:$0x3FFB];
	_ =	sdelay $0x3  }
0x92: {  	_ =	strace s17  }
0x93: {  	s2 =	sld [smem:$0x3FFC];
	_ =	sdelay $0x3  }
0x94: {  	_ =	strace s2  }
0x95: {  	s2 =	sld [smem:$0x3FFD];
	_ =	sdelay $0x3  }
0x96: {  	_ =	strace s2  }
0x97: {  	_ =	strace $0x8FFFFFFF  }
0x98: {  	s18 =	sld [smem:$0x3FDB];
	_ =	sdelay $0x1  }
0x99: {  	s19 =	simm.s32 $_scs_section_size  }
0x9a: {  	s4 =	simm.s32 $_size__tile_overlayer_lowered;
	s5 =	simm.s32 $_tile_overlayer_lowered  }
0x9b: {  	s22 =	simm.s32 $0x1BFF;
	s21 =	sshll.u32 s5, $0x1;
	s2 =	sadd.s32 s19, s18  }
0x9c: {  	s6 =	simm.s32 $0x0;
	s20 =	sshll.u32 s4, $0x1;
	s4 =	sadd.s32 s21, s2  }
0x9d: {  	[timem:s6], [sflag:s22] =	dma.local [hbm:s4], s20  }
0x9e: {  	_ =	swait.ge [sflag:s22], s20  }
0x9f: {  	s3 =	ssub.s32 $0x0, s20;
	[sflag:s22] =	ssyncset.done $0x0  }
0xa0: {  	[sflag:s22] =	ssyncadd.s32 s3;
	_ =	sdelay $0x1  }
0xa1: {  	s23 =	simm.s32 $0x1B8B  }
0xa2: {  	_ =	swait.ge [sflag:s23], $0x1  }
0xa3: {  	[sflag:s23] =	ssyncset.done $0x0  }
0xa4: {  	s25 =	simm.s32 $0x1B8E;
	s24 =	sld [smem:$0x3FFE];
	[sflag:s23] =	ssyncadd.s32 $0xFFFFFFFF  }
0xa5: {  	s26 =	simm.s32 $execute0_lowered;
	[smem:$0x3FD2] =	sst s25  }
0xa6: {  	s4 =	sshll.u32 s26, $0x1;
	_ =	strace $0x80000049;
	[dreg:$0x1] =	wrdreg $0xFFFFFFFF  }
0xa7: {  	s28 =	simm.s32 $_size_execute0_lowered;
	s2 =	sadd.s32 s2, s4;
	[dreg:$0x0] =	wrdreg $0x0  }
0xa8: {  	s4 =	sshll.u32 s28, $0x1;
	[dreg:$0x2] =	wrdreg s2  }
0xa9: {  	[dreg:$0x3] =	wrdreg s4  }
0xaa: {  	[dreg:$0x4] =	wrdreg $0xC0  }
0xab: {  	_ =	task [dreg:s6], $0x5FFFF  }
0xac: {  	[dreg:$0x1] =	wrdreg $0xFFFFFFFF  }
0xad: {  	[dreg:$0x0] =	wrdreg $0x60  }
0xae: {  	[dreg:$0x2] =	wrdreg s24  }
0xaf: {  	[dreg:$0x3] =	wrdreg $0x90000  }
0xb0: {  	[dreg:$0x4] =	wrdreg $0x9  }
0xb1: {  	_ =	task.clear_ibuf [dreg:s6], $0x5FFFF;
	_ =	strace $0x90000049  }
0xb2: {  	s29 =	simm.s32 $0x9;
	_ =	strace $0x8000004B  }
0xb3: {  	_ =	swait.ge [sflag:s29], $0x1  }
0xb4: {  	[sflag:s29] =	ssyncadd.s32 $0xFFFFFFFF  }
0xb5: {  	_ =	strace $0x9000004B  }
0xb6: {  	_ =	sfence  }
0xb7: {  	s30 =	sld [smem:$0x0];
	_ =	sdelay $0x2  }
0xb8: {  	s31 =	sshll.u32 s1, $0xD;
	s1 =	sshrl.u32 s1, $0x2  }
0xb9: {  	s3 =	sand.u32 $0x4000, s31;
	s1 =	sadd.s32 s1, s30  }
0xba: {  	s0 =	sor.u32 s3, s0;
	s1 =	sshll.u32 s1, $0x11  }
0xbb: {  	s0 =	sor.u32 s1, s0  }
0xbc: {  	s0 =	sadd.s32 $0x8F2B, s0  }
0xbd: {  	[sflag:s0] =	ssyncadd.remote.s32 $0x1  }
0xbe: {  	_ =	sfence.sel $0xFFFF  }
0xbf: {  	[dreg:$0x0] =	wrdreg $0xFFFFFFFF;
	(pc) =	sbr.abs _section_cstart, $3  }
0xc0: {  	[dreg:$0x1] =	wrdreg $0xFFFFFFFF  }
0xc1: {  	_ =	task.clear_ibuf [dreg:s6], $0x2FFFF;
	_ =	strace $0x9FFFFFFF  }
0xc2: {  	(tm) =	ssettm $0x7FFFFFFF  }
0xc3: {  	_ =	shalt  }
tec
execute0_lowered:
.L_overlay_start_1:
0x0: {  	(tag) =	ssettag $0x1  }
0x1: {  	s0 =	rddreg [dreg:$0x0];
	s15 =	stileid.u32  }
0x2: {  	s1 =	srdreg.scid;
	s2 =	rddreg [dreg:$0x1];
	s3 =	simm.s32 $0x0  }
0x3: {  	s19 =	simm.s32 $0x100;
	s20 =	simm.s32 $0x880;
	s21 =	simm.s32 $0x180  }
0x4: {  	s22 =	simm.s32 $0x900;
	s23 =	simm.s32 $0x200;
	[smem:$0x7FF] =	sst s3  }
0x5: {  	s25 =	simm.s32 $0x980;
	_ =	strace $0x8000004A;
	[dreg:$0x5] =	wrdreg s19  }
0x6: {  	s28 =	simm.s32 $0xA00;
	s30 =	simm.s32 $0x300;
	[dreg:$0x6] =	wrdreg s20  }
0x7: {  	s31 =	simm.s32 $0xA80;
	s29 =	simm.s32 $0x0;
	[dreg:$0x7] =	wrdreg s21  }
0x8: {  	s7 =	smul.u32 $0x14000, s15;
	s1 =	sand.u32 $0x1, s1;
	[dreg:$0x8] =	wrdreg s22  }
0x9: {  	s9 =	smul.u32 $0x2800, s15;
	s4 =	sadd.s32 $0x2F400, s0;
	[dreg:$0x9] =	wrdreg s23  }
0xa: {  	s5 =	sadd.s32 $0x1B400, s0;
	s26 =	smul.u32 $0x50000, s15;
	[dreg:$0xa] =	wrdreg s25  }
0xb: {  	s6 =	sadd.s32 $0x25400, s0;
	s8 =	smul.u32 $0x28000, s1;
	[dreg:$0xc] =	wrdreg s28  }
0xc: {  	s10 =	smul.u32 $0x140000, s1;
	s18 =	ssub.s32 $0x2, s1;
	[dreg:$0xd] =	wrdreg s30  }
0xd: {  	s1 =	sshll.u32 s1, $0x4;
	[dreg:$0xe] =	wrdreg s31;
	s19 =	sshll.u32 s15, $0x6  }
0xe: {  	s20 =	simm.s32 $0x580;
	s21 =	simm.s32 $0xD00;
	s22 =	simm.s32 $0x600  }
0xf: {  	s23 =	simm.s32 $0xD80;
	s25 =	simm.s32 $0xE00;
	[dreg:$0x15] =	wrdreg s20  }
0x10: {  	s28 =	simm.s32 $0xE80;
	s30 =	simm.s32 $0x780;
	[dreg:$0x16] =	wrdreg s21  }
0x11: {  	s31 =	simm.s32 $0xF00;
	s13 =	sshrl.u32 s7, $0x3;
	[dreg:$0x17] =	wrdreg s22  }
0x12: {  	s11 =	sshrl.u32 s18, $0x1;
	s1 =	sor.u32 s15, s1;
	[dreg:$0x18] =	wrdreg s23  }
0x13: {  	s15 =	sor.u32 $0x1C06, s19;
	s19 =	simm.s32 $0x1;
	[dreg:$0x1a] =	wrdreg s25  }
0x14: {  	s20 =	simm.s32 $0x1000;
	s21 =	simm.s32 $0x3;
	[dreg:$0x1c] =	wrdreg s28  }
0x15: {  	s22 =	simm.s32 $0x400;
	s23 =	simm.s32 $0xC00;
	[dreg:$0x1d] =	wrdreg s30  }
0x16: {  	[dreg:$0x1e] =	wrdreg s31;
	s25 =	simm.s32 $0x4;
	s12 =	sadd.s32 s9, s8  }
0x17: {  	s7 =	sadd.s32 s7, s10;
	s14 =	sadd.s32 s13, s0;
	s1 =	smul.u32 $0x2800, s1  }
0x18: {  	s11 =	ssub.s32 s18, s11;
	s13 =	simm.s32 $0x280;
	s18 =	simm.s32 $0xC80  }
0x19: {  	s9 =	sor.u32 $0x400, s12;
	s7 =	sshrl.u32 s7, $0x3;
	[dreg:$0xb] =	wrdreg s13  }
0x1a: {  	s11 =	smax.u32 s11, $0x1;
	s13 =	simm.s32 $0xB80;
	s12 =	sadd.s32 $0x800, s12  }
0x1b: {  	[dreg:$0x14] =	wrdreg s18;
	s18 =	simm.s32 $0x5000;
	s17 =	sshrl.u32 s9, $0x3  }
0x1c: {  	s0 =	sadd.s32 s7, s0;
	s7 =	simm.s32 $0x380;
	[dreg:$0x11] =	wrdreg s13  }
0x1d: {  	s1 =	sshrl.u32 s1, $0x3;
	s9 =	sadd.s32 s17, s6;
	[dreg:$0xf] =	wrdreg s7  }
0x1e: {  	s13 =	simm.s32 $0x6;
	s8 =	sadd.s32 s17, s5;
	[dreg:$0x3] =	wrdreg s9  }
0x1f: {  	s24 =	sadd.s32 s5, s1;
	s1 =	sadd.s32 s6, s1;
	[dreg:$0x4] =	wrdreg s8  }
0x20: {  	s10 =	sadd.s32 $0x7E600, s0;
	s17 =	simm.s32 $0x500;
	[dreg:$0x1f] =	wrdreg s24  }
0x21: {  	[smem:$0x7FD] =	sst s1;
	s9 =	sshrl.u32 s26, $0x2;
	s8 =	simm.s32 $0xB00  }
0x22: {  	[dreg:$0x13] =	wrdreg s17;
	s17 =	simm.s32 $0x80;
	s24 =	simm.s32 $0x680  }
0x23: {  	s26 =	simm.s32 $0x700;
	s16 =	sadd.s32 s9, s2;
	[dreg:$0x10] =	wrdreg s8  }
0x24: {  	s9 =	sadd.s32 $0x56600, s14;
	s14 =	simm.s32 $0x480;
	[dreg:$0x19] =	wrdreg s24  }
0x25: {  	[dreg:$0x1b] =	wrdreg s26;
	s24 =	simm.s32 $0x2;
	s26 =	simm.s32 $0x5  }
0x26: {  	[dreg:$0x12] =	wrdreg s14;
	s14 =	simm.s32 $0x800;
	s16 =	sshrl.u32 s16, $0x3  }
.LBB2_1:
0x27: {  	s0 =	rddreg [dreg:$0x1f]  }
0x28: {  	[tilespmem:s3], [sflag:$0x6] =	stream.linear.gather [hbm4b:s0+s3], $0x400, $0x38;
	[tilespmem:$0x1D000] =	vst v63  }
0x29: {  	_ =	swait.ge [sflag:s13], $0x400  }
0x2a: {  	s28 =	sld [smem:$0x7FD]  }
0x2b: {  	[sflag:s13] =	ssyncset.done $0x0  }
0x2c: {  	[sflag:s13] =	ssyncadd.s32 $0xFFFFFC00  }
0x2d: {  	[tilespmem:s14], [sflag:$0x6] =	stream.linear.gather [hbm4b:s28+s3], $0x400, $0x38;
	[tilespmem:$0x1D000] =	vst v63  }
0x2e: {  	_ =	swait.ge [sflag:s13], $0x400  }
0x2f: {  	[sflag:s13] =	ssyncset.done $0x0  }
0x30: {  	[sflag:s13] =	ssyncadd.s32 $0xFFFFFC00  }
0x31: {  	[spmem:s16], [sflag:s15] =	dma.local [hbm:s9], $0x2800  }
0x32: {  	_ =	swait.ge [sflag:s13], $0x2800  }
0x33: {  	p0 =	por $0x1, $0x1;
	[sflag:s13] =	ssyncset.done $0x0  }
0x34: {  	s0 =	simm.s32 @p0 $0x80;
	[sflag:s13] =	ssyncadd.s32 $0xFFFFD800  }
0x35: {  	s1 =	simm.s32 @p0 $0x0;
	s30 =	simm.s32 @p0 $0x1000;
	[bflag:$0x0] =	sbarrier.arrive $0xFFFF  }
0x36: {  	[tilespmem:s30], [sflag:$0x1] =	stream.indirect.gather @p0 [hbm4b:s4+s0], $0x80, s1, s0, $0xb8;
	[tilespmem:$0x1D000] =	vst v63  }
0x37: {  	s0 =	simm.s32 @!p0 $0x3  }
0x38: {  	_ =	swait.ge @!p0 [sflag:s0], $0x4000  }
0x39: {  	[sflag:s0] =	ssyncset.done @!p0 $0x0  }
0x3a: {  	s1 =	simm.s32 @!p0 $0x5;
	[sflag:s0] =	ssyncadd.s32 @!p0 $0xFFFFC000  }
0x3b: {  	_ =	swait.ge @!p0 [sflag:s1], $0x400  }
0x3c: {  	[sflag:s1] =	ssyncset.done @!p0 $0x0  }
0x3d: {  	[sflag:s1] =	ssyncadd.s32 @!p0 $0xFFFFFC00  }
0x3e: {  	_ =	swait.ge @!p0 [sflag:s1], $0x400  }
0x3f: {  	s30 =	simm.s32 @!p0 $0x80;
	[sflag:s1] =	ssyncset.done @!p0 $0x0  }
0x40: {  	s0 =	simm.s32 @!p0 $0x1000;
	[sflag:s1] =	ssyncadd.s32 @!p0 $0xFFFFFC00;
	s1 =	simm.s32 @!p0 $0x0  }
0x41: {  	[tilespmem:s0], [sflag:$0x1] =	stream.indirect.gather @!p0 [hbm4b:s4+s30], $0x80, s1, s30, $0xb8;
	[tilespmem:$0x1D000] =	vst v63  }
0x42: {  	s0 =	simm.s32 @!p0 $0x2  }
0x43: {  	_ =	swait.ge @!p0 [sflag:s0], $0x4000  }
0x44: {  	[sflag:s0] =	ssyncset.done @!p0 $0x0  }
0x45: {  	s1 =	simm.s32 @!p0 $0xF80;
	[sflag:s0] =	ssyncadd.s32 @!p0 $0xFFFFC000;
	s0 =	simm.s32 @!p0 $0x5000  }
0x46: {  	[spmem:s2] =	stream.indirect.scatter.add.f32 @!p0 [tilespmem:s0], [sflag:$0x4], $0x80, s1, s30, $0xb8;
	[tilespmem:$0x1D000] =	vst v63  }
0x47: {  	s0 =	simm.s32 @!p0 $0x4  }
0x48: {  	_ =	swait.ge @!p0 [sflag:s0], $0x4000  }
0x49: {  	[sflag:s0] =	ssyncset.done @!p0 $0x0  }
0x4a: {  	[sflag:s0] =	ssyncadd.s32 @!p0 $0xFFFFC000  }
0x4b: {  	[tilespmem:s18], [sflag:$0x2] =	stream.indirect.gather [hbm4b:s4+s17], $0x80, s17, s17, $0xb8;
	[tilespmem:$0x1D000] =	vst v63  }
0x4c: {  	_ =	swait.ge [sflag:s19], $0x4000  }
0x4d: {  	[sflag:s19] =	ssyncset.done $0x0  }
0x4e: {  	[sflag:s19] =	ssyncadd.s32 $0xFFFFC000  }
0x4f: {  	[spmem:s2] =	stream.indirect.scatter.add.f32 [tilespmem:s20], [sflag:$0x3], $0x80, s14, s17, $0xb8;
	[tilespmem:$0x1D000] =	vst v63  }
0x50: {  	_ =	swait.ge [sflag:s21], $0x4000  }
0x51: {  	s1 =	rddreg [dreg:$0x5];
	[sflag:s21] =	ssyncset.done $0x0  }
0x52: {  	s7 =	rddreg [dreg:$0x4];
	[sflag:s21] =	ssyncadd.s32 $0xFFFFC000  }
0x53: {  	[tilespmem:s20], [sflag:$0x1] =	stream.indirect.gather [hbm4b:s4+s17], $0x80, s1, s17, $0xb8;
	[tilespmem:$0x1D000] =	vst v63  }
0x54: {  	s30 =	rddreg [dreg:$0x3];
	s8 =	sadd.s32 $0x0, s7  }
0x55: {  	[tilespmem:s22], [sflag:$0x5] =	stream.linear.gather [hbm4b:s8+s3], $0x400, $0x38;
	[tilespmem:$0x1D000] =	vst v63  }
0x56: {  	s28 =	sadd.s32 $0x0, s30  }
0x57: {  	[tilespmem:s23], [sflag:$0x5] =	stream.linear.gather [hbm4b:s28+s3], $0x400, $0x38;
	[tilespmem:$0x1D000] =	vst v63  }
0x58: {  	_ =	swait.ge [sflag:s24], $0x4000  }
0x59: {  	[sflag:s24] =	ssyncset.done $0x0  }
0x5a: {  	s1 =	rddreg [dreg:$0x6];
	[sflag:s24] =	ssyncadd.s32 $0xFFFFC000  }
0x5b: {  	[spmem:s2] =	stream.indirect.scatter.add.f32 [tilespmem:s18], [sflag:$0x4], $0x80, s1, s17, $0xb8;
	[tilespmem:$0x1D000] =	vst v63  }
0x5c: {  	_ =	swait.ge [sflag:s25], $0x4000  }
0x5d: {  	[sflag:s25] =	ssyncset.done $0x0  }
0x5e: {  	s7 =	rddreg [dreg:$0x7];
	[sflag:s25] =	ssyncadd.s32 $0xFFFFC000  }
0x5f: {  	[tilespmem:s18], [sflag:$0x2] =	stream.indirect.gather [hbm4b:s4+s17], $0x80, s7, s17, $0xb8;
	[tilespmem:$0x1D000] =	vst v63  }
0x60: {  	_ =	swait.ge [sflag:s19], $0x4000  }
0x61: {  	[sflag:s19] =	ssyncset.done $0x0  }
0x62: {  	s8 =	rddreg [dreg:$0x8];
	[sflag:s19] =	ssyncadd.s32 $0xFFFFC000  }
0x63: {  	[spmem:s2] =	stream.indirect.scatter.add.f32 [tilespmem:s20], [sflag:$0x3], $0x80, s8, s17, $0xb8;
	[tilespmem:$0x1D000] =	vst v63  }
0x64: {  	_ =	swait.ge [sflag:s21], $0x4000  }
0x65: {  	[sflag:s21] =	ssyncset.done $0x0  }
0x66: {  	s28 =	rddreg [dreg:$0x9];
	[sflag:s21] =	ssyncadd.s32 $0xFFFFC000  }
0x67: {  	[tilespmem:s20], [sflag:$0x1] =	stream.indirect.gather [hbm4b:s4+s17], $0x80, s28, s17, $0xb8;
	[tilespmem:$0x1D000] =	vst v63  }
0x68: {  	_ =	swait.ge [sflag:s24], $0x4000  }
0x69: {  	[sflag:s24] =	ssyncset.done $0x0  }
0x6a: {  	s1 =	rddreg [dreg:$0xa];
	[sflag:s24] =	ssyncadd.s32 $0xFFFFC000  }
0x6b: {  	[spmem:s2] =	stream.indirect.scatter.add.f32 [tilespmem:s18], [sflag:$0x4], $0x80, s1, s17, $0xb8;
	[tilespmem:$0x1D000] =	vst v63  }
0x6c: {  	_ =	swait.ge [sflag:s25], $0x4000  }
0x6d: {  	[sflag:s25] =	ssyncset.done $0x0  }
0x6e: {  	s7 =	rddreg [dreg:$0xb];
	[sflag:s25] =	ssyncadd.s32 $0xFFFFC000  }
0x6f: {  	[tilespmem:s18], [sflag:$0x2] =	stream.indirect.gather [hbm4b:s4+s17], $0x80, s7, s17, $0xb8;
	[tilespmem:$0x1D000] =	vst v63  }
0x70: {  	_ =	swait.ge [sflag:s19], $0x4000  }
0x71: {  	[sflag:s19] =	ssyncset.done $0x0  }
0x72: {  	s8 =	rddreg [dreg:$0xc];
	[sflag:s19] =	ssyncadd.s32 $0xFFFFC000  }
0x73: {  	[spmem:s2] =	stream.indirect.scatter.add.f32 [tilespmem:s20], [sflag:$0x3], $0x80, s8, s17, $0xb8;
	[tilespmem:$0x1D000] =	vst v63  }
0x74: {  	_ =	swait.ge [sflag:s21], $0x4000  }
0x75: {  	[sflag:s21] =	ssyncset.done $0x0  }
0x76: {  	s28 =	rddreg [dreg:$0xd];
	[sflag:s21] =	ssyncadd.s32 $0xFFFFC000  }
0x77: {  	[tilespmem:s20], [sflag:$0x1] =	stream.indirect.gather [hbm4b:s4+s17], $0x80, s28, s17, $0xb8;
	[tilespmem:$0x1D000] =	vst v63  }
0x78: {  	_ =	swait.ge [sflag:s24], $0x4000  }
0x79: {  	[sflag:s24] =	ssyncset.done $0x0  }
0x7a: {  	s1 =	rddreg [dreg:$0xe];
	[sflag:s24] =	ssyncadd.s32 $0xFFFFC000  }
0x7b: {  	[spmem:s2] =	stream.indirect.scatter.add.f32 [tilespmem:s18], [sflag:$0x4], $0x80, s1, s17, $0xb8;
	[tilespmem:$0x1D000] =	vst v63  }
0x7c: {  	_ =	swait.ge [sflag:s25], $0x4000  }
0x7d: {  	[sflag:s25] =	ssyncset.done $0x0  }
0x7e: {  	s7 =	rddreg [dreg:$0xf];
	[sflag:s25] =	ssyncadd.s32 $0xFFFFC000  }
0x7f: {  	[tilespmem:s18], [sflag:$0x2] =	stream.indirect.gather [hbm4b:s4+s17], $0x80, s7, s17, $0xb8;
	[tilespmem:$0x1D000] =	vst v63  }
0x80: {  	_ =	swait.ge [sflag:s19], $0x4000  }
0x81: {  	[sflag:s19] =	ssyncset.done $0x0  }
0x82: {  	s8 =	rddreg [dreg:$0x10];
	[sflag:s19] =	ssyncadd.s32 $0xFFFFC000  }
0x83: {  	[spmem:s2] =	stream.indirect.scatter.add.f32 [tilespmem:s20], [sflag:$0x3], $0x80, s8, s17, $0xb8;
	[tilespmem:$0x1D000] =	vst v63  }
0x84: {  	_ =	swait.ge [sflag:s21], $0x4000  }
0x85: {  	[sflag:s21] =	ssyncset.done $0x0  }
0x86: {  	[sflag:s21] =	ssyncadd.s32 $0xFFFFC000  }
0x87: {  	_ =	swait.ge [sflag:s26], $0x400  }
0x88: {  	[sflag:s26] =	ssyncset.done $0x0  }
0x89: {  	[sflag:s26] =	ssyncadd.s32 $0xFFFFFC00  }
0x8a: {  	_ =	swait.ge [sflag:s26], $0x400  }
0x8b: {  	[sflag:s26] =	ssyncset.done $0x0  }
0x8c: {  	[sflag:s26] =	ssyncadd.s32 $0xFFFFFC00  }
0x8d: {  	[tilespmem:s20], [sflag:$0x1] =	stream.indirect.gather [hbm4b:s4+s17], $0x80, s22, s17, $0xb8;
	[tilespmem:$0x1D000] =	vst v63  }
0x8e: {  	_ =	swait.ge [sflag:s24], $0x4000  }
0x8f: {  	[sflag:s24] =	ssyncset.done $0x0  }
0x90: {  	s28 =	rddreg [dreg:$0x11];
	[sflag:s24] =	ssyncadd.s32 $0xFFFFC000  }
0x91: {  	[spmem:s2] =	stream.indirect.scatter.add.f32 [tilespmem:s18], [sflag:$0x4], $0x80, s28, s17, $0xb8;
	[tilespmem:$0x1D000] =	vst v63  }
0x92: {  	_ =	swait.ge [sflag:s25], $0x4000  }
0x93: {  	[sflag:s25] =	ssyncset.done $0x0  }
0x94: {  	s1 =	rddreg [dreg:$0x12];
	[sflag:s25] =	ssyncadd.s32 $0xFFFFC000  }
0x95: {  	[tilespmem:s18], [sflag:$0x2] =	stream.indirect.gather [hbm4b:s4+s17], $0x80, s1, s17, $0xb8;
	[tilespmem:$0x1D000] =	vst v63  }
0x96: {  	_ =	swait.ge [sflag:s19], $0x4000  }
0x97: {  	[sflag:s19] =	ssyncset.done $0x0  }
0x98: {  	[sflag:s19] =	ssyncadd.s32 $0xFFFFC000  }
0x99: {  	[spmem:s2] =	stream.indirect.scatter.add.f32 [tilespmem:s20], [sflag:$0x3], $0x80, s23, s17, $0xb8;
	[tilespmem:$0x1D000] =	vst v63  }
0x9a: {  	_ =	swait.ge [sflag:s21], $0x4000  }
0x9b: {  	p0 =	por $0x0, $0x0;
	[sflag:s21] =	ssyncset.done $0x0  }
0x9c: {  	s1 =	sshrl.u32 @!p0 s12, $0x3;
	s7 =	rddreg [dreg:$0x13];
	[sflag:s21] =	ssyncadd.s32 $0xFFFFC000  }
0x9d: {  	[tilespmem:s20], [sflag:$0x1] =	stream.indirect.gather [hbm4b:s4+s17], $0x80, s7, s17, $0xb8;
	[tilespmem:$0x1D000] =	vst v63  }
0x9e: {  	s0 =	simm.s32 @!p0 $0x0;
	s30 =	sadd.s32 @!p0 s5, s1  }
0x9f: {  	[tilespmem:s0], [sflag:$0x5] =	stream.linear.gather @!p0 [hbm4b:s30+s0], $0x400, $0x38;
	[tilespmem:$0x1D000] =	vst v63  }
0xa0: {  	s1 =	sadd.s32 @!p0 s6, s1;
	s30 =	simm.s32 @!p0 $0x800  }
0xa1: {  	[tilespmem:s30], [sflag:$0x5] =	stream.linear.gather @!p0 [hbm4b:s1+s0], $0x400, $0x38;
	[tilespmem:$0x1D000] =	vst v63  }
0xa2: {  	_ =	swait.ge [sflag:s24], $0x4000  }
0xa3: {  	[sflag:s24] =	ssyncset.done $0x0  }
0xa4: {  	s8 =	rddreg [dreg:$0x14];
	[sflag:s24] =	ssyncadd.s32 $0xFFFFC000  }
0xa5: {  	[spmem:s2] =	stream.indirect.scatter.add.f32 [tilespmem:s18], [sflag:$0x4], $0x80, s8, s17, $0xb8;
	[tilespmem:$0x1D000] =	vst v63  }
0xa6: {  	_ =	swait.ge [sflag:s25], $0x4000  }
0xa7: {  	[sflag:s25] =	ssyncset.done $0x0  }
0xa8: {  	s28 =	rddreg [dreg:$0x15];
	[sflag:s25] =	ssyncadd.s32 $0xFFFFC000  }
0xa9: {  	[tilespmem:s18], [sflag:$0x2] =	stream.indirect.gather [hbm4b:s4+s17], $0x80, s28, s17, $0xb8;
	[tilespmem:$0x1D000] =	vst v63  }
0xaa: {  	_ =	swait.ge [sflag:s19], $0x4000  }
0xab: {  	[sflag:s19] =	ssyncset.done $0x0  }
0xac: {  	s1 =	rddreg [dreg:$0x16];
	[sflag:s19] =	ssyncadd.s32 $0xFFFFC000  }
0xad: {  	[spmem:s2] =	stream.indirect.scatter.add.f32 [tilespmem:s20], [sflag:$0x3], $0x80, s1, s17, $0xb8;
	[tilespmem:$0x1D000] =	vst v63  }
0xae: {  	_ =	swait.ge [sflag:s21], $0x4000  }
0xaf: {  	[sflag:s21] =	ssyncset.done $0x0  }
0xb0: {  	s7 =	rddreg [dreg:$0x17];
	[sflag:s21] =	ssyncadd.s32 $0xFFFFC000  }
0xb1: {  	[tilespmem:s20], [sflag:$0x1] =	stream.indirect.gather [hbm4b:s4+s17], $0x80, s7, s17, $0xb8;
	[tilespmem:$0x1D000] =	vst v63  }
0xb2: {  	_ =	swait.ge [sflag:s24], $0x4000  }
0xb3: {  	[sflag:s24] =	ssyncset.done $0x0  }
0xb4: {  	s8 =	rddreg [dreg:$0x18];
	[sflag:s24] =	ssyncadd.s32 $0xFFFFC000  }
0xb5: {  	[spmem:s2] =	stream.indirect.scatter.add.f32 [tilespmem:s18], [sflag:$0x4], $0x80, s8, s17, $0xb8;
	[tilespmem:$0x1D000] =	vst v63  }
0xb6: {  	_ =	swait.ge [sflag:s25], $0x4000  }
0xb7: {  	[sflag:s25] =	ssyncset.done $0x0  }
0xb8: {  	s28 =	rddreg [dreg:$0x19];
	[sflag:s25] =	ssyncadd.s32 $0xFFFFC000  }
0xb9: {  	[tilespmem:s18], [sflag:$0x2] =	stream.indirect.gather [hbm4b:s4+s17], $0x80, s28, s17, $0xb8;
	[tilespmem:$0x1D000] =	vst v63  }
0xba: {  	_ =	swait.ge [sflag:s19], $0x4000  }
0xbb: {  	[sflag:s19] =	ssyncset.done $0x0  }
0xbc: {  	s1 =	rddreg [dreg:$0x1a];
	[sflag:s19] =	ssyncadd.s32 $0xFFFFC000  }
0xbd: {  	[spmem:s2] =	stream.indirect.scatter.add.f32 [tilespmem:s20], [sflag:$0x3], $0x80, s1, s17, $0xb8;
	[tilespmem:$0x1D000] =	vst v63  }
0xbe: {  	_ =	swait.ge [sflag:s21], $0x4000  }
0xbf: {  	[sflag:s21] =	ssyncset.done $0x0  }
0xc0: {  	s7 =	rddreg [dreg:$0x1b];
	[sflag:s21] =	ssyncadd.s32 $0xFFFFC000  }
0xc1: {  	[tilespmem:s20], [sflag:$0x1] =	stream.indirect.gather [hbm4b:s4+s17], $0x80, s7, s17, $0xb8;
	[tilespmem:$0x1D000] =	vst v63  }
0xc2: {  	_ =	swait.ge [sflag:s24], $0x4000  }
0xc3: {  	[sflag:s24] =	ssyncset.done $0x0  }
0xc4: {  	s8 =	rddreg [dreg:$0x1c];
	[sflag:s24] =	ssyncadd.s32 $0xFFFFC000  }
0xc5: {  	[spmem:s2] =	stream.indirect.scatter.add.f32 [tilespmem:s18], [sflag:$0x4], $0x80, s8, s17, $0xb8;
	[tilespmem:$0x1D000] =	vst v63  }
0xc6: {  	_ =	swait.ge [sflag:s25], $0x4000  }
0xc7: {  	[sflag:s25] =	ssyncset.done $0x0  }
0xc8: {  	s28 =	rddreg [dreg:$0x1d];
	[sflag:s25] =	ssyncadd.s32 $0xFFFFC000  }
0xc9: {  	[tilespmem:s18], [sflag:$0x2] =	stream.indirect.gather [hbm4b:s4+s17], $0x80, s28, s17, $0xb8;
	[tilespmem:$0x1D000] =	vst v63  }
0xca: {  	_ =	swait.ge [sflag:s19], $0x4000  }
0xcb: {  	s31 =	smov.u32 s12;
	[sflag:s19] =	ssyncset.done $0x0  }
0xcc: {  	s30 =	simm.s32 $0x100;
	s0 =	rddreg [dreg:$0x1e];
	[sflag:s19] =	ssyncadd.s32 $0xFFFFC000  }
.LBB2_2:
0xcd: {  	p1 =	seq.s32 s30, $0x0  }
0xce: {  	[spmem:s2] =	stream.indirect.scatter.add.f32 [tilespmem:s20], [sflag:$0x3], $0x80, s0, s17, $0xb8;
	[tilespmem:$0x1D000] =	vst v63  }
0xcf: {  	s0 =	simm.s32 @p1 $0x80;
	s28 =	simm.s32 @p1 $0x0;
	s7 =	simm.s32 @p1 $0x1000  }
0xd0: {  	[tilespmem:s7], [sflag:$0x1] =	stream.indirect.gather @p1 [hbm4b:s4+s0], $0x80, s28, s0, $0xb8;
	[tilespmem:$0x1D000] =	vst v63  }
0xd1: {  	s0 =	simm.s32 @!p1 $0x3  }
0xd2: {  	_ =	swait.ge @!p1 [sflag:s0], $0x4000  }
0xd3: {  	[sflag:s0] =	ssyncset.done @!p1 $0x0  }
0xd4: {  	s7 =	simm.s32 @!p1 $0x5;
	[sflag:s0] =	ssyncadd.s32 @!p1 $0xFFFFC000  }
0xd5: {  	_ =	swait.ge @!p1 [sflag:s7], $0x400  }
0xd6: {  	[sflag:s7] =	ssyncset.done @!p1 $0x0  }
0xd7: {  	[sflag:s7] =	ssyncadd.s32 @!p1 $0xFFFFFC00  }
0xd8: {  	_ =	swait.ge @!p1 [sflag:s7], $0x400  }
0xd9: {  	s8 =	simm.s32 @!p1 $0x0;
	s28 =	simm.s32 @!p1 $0x80;
	[sflag:s7] =	ssyncset.done @!p1 $0x0  }
0xda: {  	s0 =	simm.s32 @!p1 $0x1000;
	[sflag:s7] =	ssyncadd.s32 @!p1 $0xFFFFFC00;
	s7 =	simm.s32 @!p1 $0x2  }
0xdb: {  	[tilespmem:s0], [sflag:$0x1] =	stream.indirect.gather @!p1 [hbm4b:s4+s28], $0x80, s8, s28, $0xb8;
	[tilespmem:$0x1D000] =	vst v63  }
0xdc: {  	_ =	swait.ge @!p1 [sflag:s7], $0x4000  }
0xdd: {  	s0 =	simm.s32 @!p1 $0xF80;
	[sflag:s7] =	ssyncset.done @!p1 $0x0  }
0xde: {  	s8 =	simm.s32 @!p1 $0x5000;
	[sflag:s7] =	ssyncadd.s32 @!p1 $0xFFFFC000;
	s7 =	simm.s32 @!p1 $0x4  }
0xdf: {  	[spmem:s2] =	stream.indirect.scatter.add.f32 @!p1 [tilespmem:s8], [sflag:$0x4], $0x80, s0, s28, $0xb8;
	[tilespmem:$0x1D000] =	vst v63  }
0xe0: {  	_ =	swait.ge @!p1 [sflag:s7], $0x4000  }
0xe1: {  	[sflag:s7] =	ssyncset.done @!p1 $0x0  }
0xe2: {  	[sflag:s7] =	ssyncadd.s32 @!p1 $0xFFFFC000  }
0xe3: {  	[tilespmem:s18], [sflag:$0x2] =	stream.indirect.gather [hbm4b:s4+s17], $0x80, s17, s17, $0xb8;
	[tilespmem:$0x1D000] =	vst v63  }
0xe4: {  	_ =	swait.ge [sflag:s19], $0x4000  }
0xe5: {  	[sflag:s19] =	ssyncset.done $0x0  }
0xe6: {  	[sflag:s19] =	ssyncadd.s32 $0xFFFFC000  }
0xe7: {  	[spmem:s2] =	stream.indirect.scatter.add.f32 [tilespmem:s20], [sflag:$0x3], $0x80, s14, s17, $0xb8;
	[tilespmem:$0x1D000] =	vst v63  }
0xe8: {  	_ =	swait.ge [sflag:s21], $0x4000  }
0xe9: {  	[sflag:s21] =	ssyncset.done $0x0;
	s7 =	rddreg [dreg:$0x5]  }
0xea: {  	s1 =	smov.u32 s30;
	s28 =	rddreg [dreg:$0x4];
	[sflag:s21] =	ssyncadd.s32 $0xFFFFC000  }
0xeb: {  	[tilespmem:s20], [sflag:$0x1] =	stream.indirect.gather [hbm4b:s4+s17], $0x80, s7, s17, $0xb8;
	[tilespmem:$0x1D000] =	vst v63  }
0xec: {  	s8 =	rddreg [dreg:$0x3];
	s28 =	sadd.s32 s1, s28  }
0xed: {  	[tilespmem:s22], [sflag:$0x5] =	stream.linear.gather [hbm4b:s28+s3], $0x400, $0x38;
	[tilespmem:$0x1D000] =	vst v63  }
0xee: {  	s7 =	sadd.s32 s1, s8  }
0xef: {  	[tilespmem:s23], [sflag:$0x5] =	stream.linear.gather [hbm4b:s7+s3], $0x400, $0x38;
	[tilespmem:$0x1D000] =	vst v63  }
0xf0: {  	_ =	swait.ge [sflag:s24], $0x4000  }
0xf1: {  	[sflag:s24] =	ssyncset.done $0x0  }
0xf2: {  	s8 =	rddreg [dreg:$0x6];
	[sflag:s24] =	ssyncadd.s32 $0xFFFFC000  }
0xf3: {  	[spmem:s2] =	stream.indirect.scatter.add.f32 [tilespmem:s18], [sflag:$0x4], $0x80, s8, s17, $0xb8;
	[tilespmem:$0x1D000] =	vst v63  }
0xf4: {  	_ =	swait.ge [sflag:s25], $0x4000  }
0xf5: {  	[sflag:s25] =	ssyncset.done $0x0  }
0xf6: {  	s28 =	rddreg [dreg:$0x7];
	[sflag:s25] =	ssyncadd.s32 $0xFFFFC000  }
0xf7: {  	[tilespmem:s18], [sflag:$0x2] =	stream.indirect.gather [hbm4b:s4+s17], $0x80, s28, s17, $0xb8;
	[tilespmem:$0x1D000] =	vst v63  }
0xf8: {  	_ =	swait.ge [sflag:s19], $0x4000  }
0xf9: {  	[sflag:s19] =	ssyncset.done $0x0  }
0xfa: {  	s7 =	rddreg [dreg:$0x8];
	[sflag:s19] =	ssyncadd.s32 $0xFFFFC000  }
0xfb: {  	[spmem:s2] =	stream.indirect.scatter.add.f32 [tilespmem:s20], [sflag:$0x3], $0x80, s7, s17, $0xb8;
	[tilespmem:$0x1D000] =	vst v63  }
0xfc: {  	_ =	swait.ge [sflag:s21], $0x4000  }
0xfd: {  	[sflag:s21] =	ssyncset.done $0x0  }
0xfe: {  	s8 =	rddreg [dreg:$0x9];
	[sflag:s21] =	ssyncadd.s32 $0xFFFFC000  }
0xff: {  	[tilespmem:s20], [sflag:$0x1] =	stream.indirect.gather [hbm4b:s4+s17], $0x80, s8, s17, $0xb8;
	[tilespmem:$0x1D000] =	vst v63  }
0x100: {  	_ =	swait.ge [sflag:s24], $0x4000  }
0x101: {  	[sflag:s24] =	ssyncset.done $0x0  }
0x102: {  	s28 =	rddreg [dreg:$0xa];
	[sflag:s24] =	ssyncadd.s32 $0xFFFFC000  }
0x103: {  	[spmem:s2] =	stream.indirect.scatter.add.f32 [tilespmem:s18], [sflag:$0x4], $0x80, s28, s17, $0xb8;
	[tilespmem:$0x1D000] =	vst v63  }
0x104: {  	_ =	swait.ge [sflag:s25], $0x4000  }
0x105: {  	[sflag:s25] =	ssyncset.done $0x0  }
0x106: {  	s7 =	rddreg [dreg:$0xb];
	[sflag:s25] =	ssyncadd.s32 $0xFFFFC000  }
0x107: {  	[tilespmem:s18], [sflag:$0x2] =	stream.indirect.gather [hbm4b:s4+s17], $0x80, s7, s17, $0xb8;
	[tilespmem:$0x1D000] =	vst v63  }
0x108: {  	_ =	swait.ge [sflag:s19], $0x4000  }
0x109: {  	[sflag:s19] =	ssyncset.done $0x0  }
0x10a: {  	s8 =	rddreg [dreg:$0xc];
	[sflag:s19] =	ssyncadd.s32 $0xFFFFC000  }
0x10b: {  	[spmem:s2] =	stream.indirect.scatter.add.f32 [tilespmem:s20], [sflag:$0x3], $0x80, s8, s17, $0xb8;
	[tilespmem:$0x1D000] =	vst v63  }
0x10c: {  	_ =	swait.ge [sflag:s21], $0x4000  }
0x10d: {  	[sflag:s21] =	ssyncset.done $0x0  }
0x10e: {  	s28 =	rddreg [dreg:$0xd];
	[sflag:s21] =	ssyncadd.s32 $0xFFFFC000  }
0x10f: {  	[tilespmem:s20], [sflag:$0x1] =	stream.indirect.gather [hbm4b:s4+s17], $0x80, s28, s17, $0xb8;
	[tilespmem:$0x1D000] =	vst v63  }
0x110: {  	_ =	swait.ge [sflag:s24], $0x4000  }
0x111: {  	[sflag:s24] =	ssyncset.done $0x0  }
0x112: {  	s7 =	rddreg [dreg:$0xe];
	[sflag:s24] =	ssyncadd.s32 $0xFFFFC000  }
0x113: {  	[spmem:s2] =	stream.indirect.scatter.add.f32 [tilespmem:s18], [sflag:$0x4], $0x80, s7, s17, $0xb8;
	[tilespmem:$0x1D000] =	vst v63  }
0x114: {  	_ =	swait.ge [sflag:s25], $0x4000  }
0x115: {  	[sflag:s25] =	ssyncset.done $0x0  }
0x116: {  	s8 =	rddreg [dreg:$0xf];
	[sflag:s25] =	ssyncadd.s32 $0xFFFFC000  }
0x117: {  	[tilespmem:s18], [sflag:$0x2] =	stream.indirect.gather [hbm4b:s4+s17], $0x80, s8, s17, $0xb8;
	[tilespmem:$0x1D000] =	vst v63  }
0x118: {  	_ =	swait.ge [sflag:s19], $0x4000  }
0x119: {  	[sflag:s19] =	ssyncset.done $0x0  }
0x11a: {  	s28 =	rddreg [dreg:$0x10];
	[sflag:s19] =	ssyncadd.s32 $0xFFFFC000  }
0x11b: {  	[spmem:s2] =	stream.indirect.scatter.add.f32 [tilespmem:s20], [sflag:$0x3], $0x80, s28, s17, $0xb8;
	[tilespmem:$0x1D000] =	vst v63  }
0x11c: {  	_ =	swait.ge [sflag:s21], $0x4000  }
0x11d: {  	[sflag:s21] =	ssyncset.done $0x0  }
0x11e: {  	[sflag:s21] =	ssyncadd.s32 $0xFFFFC000  }
0x11f: {  	_ =	swait.ge [sflag:s26], $0x400  }
0x120: {  	[sflag:s26] =	ssyncset.done $0x0  }
0x121: {  	[sflag:s26] =	ssyncadd.s32 $0xFFFFFC00  }
0x122: {  	_ =	swait.ge [sflag:s26], $0x400  }
0x123: {  	[sflag:s26] =	ssyncset.done $0x0  }
0x124: {  	[sflag:s26] =	ssyncadd.s32 $0xFFFFFC00  }
0x125: {  	[tilespmem:s20], [sflag:$0x1] =	stream.indirect.gather [hbm4b:s4+s17], $0x80, s22, s17, $0xb8;
	[tilespmem:$0x1D000] =	vst v63  }
0x126: {  	_ =	swait.ge [sflag:s24], $0x4000  }
0x127: {  	[sflag:s24] =	ssyncset.done $0x0  }
0x128: {  	s7 =	rddreg [dreg:$0x11];
	[sflag:s24] =	ssyncadd.s32 $0xFFFFC000  }
0x129: {  	[spmem:s2] =	stream.indirect.scatter.add.f32 [tilespmem:s18], [sflag:$0x4], $0x80, s7, s17, $0xb8;
	[tilespmem:$0x1D000] =	vst v63  }
0x12a: {  	_ =	swait.ge [sflag:s25], $0x4000  }
0x12b: {  	[sflag:s25] =	ssyncset.done $0x0  }
0x12c: {  	s8 =	rddreg [dreg:$0x12];
	[sflag:s25] =	ssyncadd.s32 $0xFFFFC000  }
0x12d: {  	[tilespmem:s18], [sflag:$0x2] =	stream.indirect.gather [hbm4b:s4+s17], $0x80, s8, s17, $0xb8;
	[tilespmem:$0x1D000] =	vst v63  }
0x12e: {  	_ =	swait.ge [sflag:s19], $0x4000  }
0x12f: {  	[sflag:s19] =	ssyncset.done $0x0  }
0x130: {  	[sflag:s19] =	ssyncadd.s32 $0xFFFFC000  }
0x131: {  	[spmem:s2] =	stream.indirect.scatter.add.f32 [tilespmem:s20], [sflag:$0x3], $0x80, s23, s17, $0xb8;
	[tilespmem:$0x1D000] =	vst v63  }
0x132: {  	_ =	swait.ge [sflag:s21], $0x4000  }
0x133: {  	s31 =	sadd.s32 $0x800, s31;
	p1 =	seq.s32 s1, $0x400;
	[sflag:s21] =	ssyncset.done $0x0  }
0x134: {  	s1 =	sshrl.u32 @!p1 s31, $0x3;
	s28 =	rddreg [dreg:$0x13];
	[sflag:s21] =	ssyncadd.s32 $0xFFFFC000  }
0x135: {  	[tilespmem:s20], [sflag:$0x1] =	stream.indirect.gather [hbm4b:s4+s17], $0x80, s28, s17, $0xb8;
	[tilespmem:$0x1D000] =	vst v63  }
0x136: {  	s0 =	sadd.s32 @!p1 s5, s1;
	s7 =	simm.s32 @!p1 $0x0  }
0x137: {  	[tilespmem:s7], [sflag:$0x5] =	stream.linear.gather @!p1 [hbm4b:s0+s7], $0x400, $0x38;
	[tilespmem:$0x1D000] =	vst v63  }
0x138: {  	s1 =	sadd.s32 @!p1 s6, s1;
	s8 =	simm.s32 @!p1 $0x800  }
0x139: {  	[tilespmem:s8], [sflag:$0x5] =	stream.linear.gather @!p1 [hbm4b:s1+s7], $0x400, $0x38;
	[tilespmem:$0x1D000] =	vst v63  }
0x13a: {  	_ =	swait.ge [sflag:s24], $0x4000  }
0x13b: {  	[sflag:s24] =	ssyncset.done $0x0  }
0x13c: {  	s8 =	rddreg [dreg:$0x14];
	[sflag:s24] =	ssyncadd.s32 $0xFFFFC000  }
0x13d: {  	[spmem:s2] =	stream.indirect.scatter.add.f32 [tilespmem:s18], [sflag:$0x4], $0x80, s8, s17, $0xb8;
	[tilespmem:$0x1D000] =	vst v63  }
0x13e: {  	_ =	swait.ge [sflag:s25], $0x4000  }
0x13f: {  	[sflag:s25] =	ssyncset.done $0x0  }
0x140: {  	s28 =	rddreg [dreg:$0x15];
	[sflag:s25] =	ssyncadd.s32 $0xFFFFC000  }
0x141: {  	[tilespmem:s18], [sflag:$0x2] =	stream.indirect.gather [hbm4b:s4+s17], $0x80, s28, s17, $0xb8;
	[tilespmem:$0x1D000] =	vst v63  }
0x142: {  	_ =	swait.ge [sflag:s19], $0x4000  }
0x143: {  	[sflag:s19] =	ssyncset.done $0x0  }
0x144: {  	s1 =	rddreg [dreg:$0x16];
	[sflag:s19] =	ssyncadd.s32 $0xFFFFC000  }
0x145: {  	[spmem:s2] =	stream.indirect.scatter.add.f32 [tilespmem:s20], [sflag:$0x3], $0x80, s1, s17, $0xb8;
	[tilespmem:$0x1D000] =	vst v63  }
0x146: {  	_ =	swait.ge [sflag:s21], $0x4000  }
0x147: {  	[sflag:s21] =	ssyncset.done $0x0  }
0x148: {  	s7 =	rddreg [dreg:$0x17];
	[sflag:s21] =	ssyncadd.s32 $0xFFFFC000  }
0x149: {  	[tilespmem:s20], [sflag:$0x1] =	stream.indirect.gather [hbm4b:s4+s17], $0x80, s7, s17, $0xb8;
	[tilespmem:$0x1D000] =	vst v63  }
0x14a: {  	_ =	swait.ge [sflag:s24], $0x4000  }
0x14b: {  	[sflag:s24] =	ssyncset.done $0x0  }
0x14c: {  	s8 =	rddreg [dreg:$0x18];
	[sflag:s24] =	ssyncadd.s32 $0xFFFFC000  }
0x14d: {  	[spmem:s2] =	stream.indirect.scatter.add.f32 [tilespmem:s18], [sflag:$0x4], $0x80, s8, s17, $0xb8;
	[tilespmem:$0x1D000] =	vst v63  }
0x14e: {  	_ =	swait.ge [sflag:s25], $0x4000  }
0x14f: {  	[sflag:s25] =	ssyncset.done $0x0  }
0x150: {  	s28 =	rddreg [dreg:$0x19];
	[sflag:s25] =	ssyncadd.s32 $0xFFFFC000  }
0x151: {  	[tilespmem:s18], [sflag:$0x2] =	stream.indirect.gather [hbm4b:s4+s17], $0x80, s28, s17, $0xb8;
	[tilespmem:$0x1D000] =	vst v63  }
0x152: {  	_ =	swait.ge [sflag:s19], $0x4000  }
0x153: {  	[sflag:s19] =	ssyncset.done $0x0  }
0x154: {  	s1 =	rddreg [dreg:$0x1a];
	[sflag:s19] =	ssyncadd.s32 $0xFFFFC000  }
0x155: {  	[spmem:s2] =	stream.indirect.scatter.add.f32 [tilespmem:s20], [sflag:$0x3], $0x80, s1, s17, $0xb8;
	[tilespmem:$0x1D000] =	vst v63  }
0x156: {  	_ =	swait.ge [sflag:s21], $0x4000  }
0x157: {  	[sflag:s21] =	ssyncset.done $0x0  }
0x158: {  	s7 =	rddreg [dreg:$0x1b];
	[sflag:s21] =	ssyncadd.s32 $0xFFFFC000  }
0x159: {  	[tilespmem:s20], [sflag:$0x1] =	stream.indirect.gather [hbm4b:s4+s17], $0x80, s7, s17, $0xb8;
	[tilespmem:$0x1D000] =	vst v63  }
0x15a: {  	_ =	swait.ge [sflag:s24], $0x4000  }
0x15b: {  	[sflag:s24] =	ssyncset.done $0x0  }
0x15c: {  	s8 =	rddreg [dreg:$0x1c];
	[sflag:s24] =	ssyncadd.s32 $0xFFFFC000  }
0x15d: {  	[spmem:s2] =	stream.indirect.scatter.add.f32 [tilespmem:s18], [sflag:$0x4], $0x80, s8, s17, $0xb8;
	[tilespmem:$0x1D000] =	vst v63  }
0x15e: {  	s30 =	sadd.s32 $0x100, s30;
	_ =	swait.ge [sflag:s25], $0x4000  }
0x15f: {  	p0 =	sne.s32 s30, $0x500;
	[sflag:s25] =	ssyncset.done $0x0  }
.Ltmp0:
0x160: {  	s28 =	rddreg [dreg:$0x1d];
	[sflag:s25] =	ssyncadd.s32 $0xFFFFC000;
	(pc) =	sbr.rel @p0 .LBB2_2-.Ltmp0, $4  }
0x161: {  	[tilespmem:s18], [sflag:$0x2] =	stream.indirect.gather [hbm4b:s4+s17], $0x80, s28, s17, $0xb8;
	[tilespmem:$0x1D000] =	vst v63  }
0x162: {  	_ =	swait.ge [sflag:s19], $0x4000  }
0x163: {  	[sflag:s19] =	ssyncset.done $0x0  }
0x164: {  	s0 =	rddreg [dreg:$0x1e];
	[sflag:s19] =	ssyncadd.s32 $0xFFFFC000  }
0x165: {  	[spmem:s2] =	stream.indirect.scatter.add.f32 [tilespmem:s20], [sflag:$0x3], $0x80, s0, s17, $0xb8;
	[tilespmem:$0x1D000] =	vst v63  }
0x166: {  	_ =	swait.ge [sflag:s24], $0x4000  }
0x167: {  	[sflag:s24] =	ssyncset.done $0x0  }
0x168: {  	s31 =	simm.s32 $0xF80;
	[sflag:s24] =	ssyncadd.s32 $0xFFFFC000  }
0x169: {  	[spmem:s2] =	stream.indirect.scatter.add.f32 [tilespmem:s18], [sflag:$0x4], $0x80, s31, s17, $0xb8;
	[tilespmem:$0x1D000] =	vst v63  }
0x16a: {  	_ =	swait.ge [sflag:s21], $0x4000  }
0x16b: {  	[sflag:s21] =	ssyncset.done $0x0  }
0x16c: {  	[sflag:s21] =	ssyncadd.s32 $0xFFFFC000  }
0x16d: {  	_ =	swait.ge [sflag:s25], $0x4000  }
0x16e: {  	s29 =	sadd.s32 $0x1, s29;
	[sflag:s25] =	ssyncset.done $0x0  }
0x16f: {  	p0 =	sne.s32 s29, s11;
	[sflag:s25] =	ssyncadd.s32 $0xFFFFC000  }
.Ltmp1:
0x170: {  	[bflag:$0x0] =	sbarrier.arrive $0xFFFF;
	(pc) =	sbr.rel @p0 .LBB2_1-.Ltmp1, $4  }
0x171: {  	[hbm:s10], [sflag:s15] =	dma.local [spmem:s16], $0x2800  }
0x172: {  	_ =	swait.ge [sflag:s13], $0x2800  }
0x173: {  	[sflag:s13] =	ssyncset.done $0x0  }
0x174: {  	[sflag:s13] =	ssyncadd.s32 $0xFFFFD800  }
0x175: {  	_ =	sfence.sel $0x180000  }
0x176: {  	[bflag:$0x0] =	sbarrier.arrive $0xFFFF  }
0x177: {  	_ =	strace $0x9000004A  }
0x178: {  	s0 =	stileid.u32;
	[bflag:$0x2] =	sbarrier.arrive $0xFFFF  }
0x179: {  	p0 =	sne.s32 s0, $0x0;
	s0 =	rddreg [dreg:$0x2]  }
0x17a: {  	s0 =	sadd.s32 @!p0 $0x100000, s0  }
0x17b: {  	[sflag:s0] =	ssyncadd.tile.s32 @!p0 $0x1;
	_ =	shalt  }
.Lfunc_end2:
_tile_overlayer_lowered:
.L_overlay_start_2:
0x17c: {  	(tag) =	ssettag $0x2  }
0x17d: {  	s0 =	rddreg [dreg:$0x0];
	s2 =	stileid.u32  }
0x17e: {  	s1 =	rddreg [dreg:$0x1];
	p0 =	sne.s32 s2, $0x0  }
0x17f: {  	s3 =	rddreg [dreg:$0x2];
	[bflag:$0x3] =	sbarrier.arrive $0xFFFF;
	s2 =	simm.s32 @!p0 $0x1C06  }
0x180: {  	[timem:s3], [sflag:s2] =	dma.local @!p0 [hbm:s0], s1  }
0x181: {  	s0 =	simm.s32 @!p0 $0x6  }
0x182: {  	_ =	swait.ge @!p0 [sflag:s0], s1  }
0x183: {  	s1 =	ssub.s32 @!p0 $0x0, s1;
	[sflag:s0] =	ssyncset.done @!p0 $0x0  }
0x184: {  	[sflag:s0] =	ssyncadd.s32 @!p0 s1  }
0x185: {  	[bflag:$0x3] =	sbarrier.arrive $0xFFFF  }
0x186: {  	_ =	shalt  }

// kernel: kernel.16.cloned.1.call-start
scs
__scs_entry_jumppad:
0x0: {  	(pc) =	sbr.rel $0x88, $3  }
0x1: {  	(tag) =	ssettag $0x0;
	lr =	simm.s32 $0x1  }
0x2: {  	[smem:$0x3F99] =	sst lr;
	_ =	strace $0xD0000000  }
0x3: {  	_ = 	snop  }
0x4: {  	_ = 	snop  }
0x5: {  	_ = 	snop  }
0x6: {  	_ = 	snop  }
0x7: {  	_ = 	snop  }
__scs_overlays_trampoline_lowered:
0x8: {  	[smem:$0x3FA8] =	sst s0  }
0x9: {  	[smem:$0x3FA9] =	sst s1  }
0xa: {  	[smem:$0x3FAA] =	sst s2  }
0xb: {  	[smem:$0x3FAB] =	sst s3  }
0xc: {  	[smem:$0x3FAC] =	sst s4  }
0xd: {  	[smem:$0x3FAD] =	sst s5  }
0xe: {  	[smem:$0x3FAE] =	sst s6  }
0xf: {  	[smem:$0x3FAF] =	sst s7  }
0x10: {  	[smem:$0x3FB0] =	sst s8  }
0x11: {  	[smem:$0x3FB1] =	sst s9;
	s0 =	simm.s32 @!p0 $0x0  }
0x12: {  	s1 =	sld [smem:$0x3F97];
	s0 =	simm.s32 @p0 $0x1  }
0x13: {  	[smem:$0x3FB2] =	sst s0;
	s0 =	simm.s32 @!p1 $0x0  }
0x14: {  	s2 =	sld [smem:$0x3F96];
	s0 =	simm.s32 @p1 $0x1  }
0x15: {  	[smem:$0x3FB3] =	sst s0;
	s0 =	simm.s32 @!p2 $0x0  }
0x16: {  	s3 =	sld [smem:$0x3FDB];
	s0 =	simm.s32 @p2 $0x1  }
0x17: {  	s4 =	simm.s32 $0x1BF5;
	[smem:$0x3FB5] =	sst s0  }
0x18: {  	s0 =	sld [smem:$0x3F98];
	_ =	swait.ge [sflag:s4], $0x0  }
0x19: {  	s7 =	sld [smem:$0x3F99]  }
0x1a: {  	s8 =	sadd.s32 $0xFFFFE003, lr  }
0x1b: {  	s9 =	sadd.s32 $0xFFFFFEF7, lr;
	s5 =	simm.s32 $0xFFFFFFFF;
	p2 =	slt.u32 s8, $0xFFFFF086  }
0x1c: {  	p1 =	slt.u32 s9, $0xF7A;
	s5 =	simm.s32 @!p2 $0x0  }
0x1d: {  	s5 =	simm.s32 @p1 $0x1;
	p0 =	seq.s32 s7, s2  }
0x1e: {  	s7 =	smul.u32 @!p0 $0xF7A, s2;
	p2 =	seq.s32 @!p0 s5, $0x0  }
0x1f: {  	s9 =	smul.u32 $0xF7A, s1;
	s8 =	simm.s32 @!p0 $0x1BF5;
	p2 =	por !p2, p0  }
0x20: {  	[sflag:s8] =	ssyncset.s32 @!p0 $0xFFFFF086;
	s6 =	sadd.s32 @!p0 s3, s7;
	s7 =	simm.s32 @!p0 $0x108  }
0x21: {  	s3 =	sadd.s32 s3, s9;
	s6 =	sadd.s32 @!p0 $0x88, s6;
	s7 =	simm.s32 @p2 $0x1082  }
0x22: {  	[simem:s7], [sflag:s8] =	dma.local @!p0 [hbm:s6], $0xF7A  }
0x23: {  	s9 =	sor.u32 $0xD0000000, s2;
	s6 =	simm.s32 $0x108;
	_ =	swait.ge @!p0 [sflag:s8], $0x0  }
0x24: {  	s3 =	sadd.s32 $0x88, s3;
	s6 =	simm.s32 @!p1 $0x1082;
	[sflag:s4] =	ssyncset.s32 $0xFFFFF086  }
0x25: {  	[simem:s6], [sflag:s4] =	dma.local [hbm:s3], $0xF7A  }
0x26: {  	[smem:$0x3F99] =	sst s1;
	(tag) =	ssettag s2;
	_ =	strace s9  }
0x27: {  	s1 =	sld [smem:$0x3FA9]  }
0x28: {  	s2 =	sld [smem:$0x3FAA]  }
0x29: {  	s4 =	sld [smem:$0x3FAC]  }
0x2a: {  	p0 =	seq.s32 s5, $0x0;
	s5 =	sld [smem:$0x3FAD]  }
0x2b: {  	s6 =	sld [smem:$0x3FAE]  }
0x2c: {  	s7 =	sld [smem:$0x3FAF]  }
0x2d: {  	s3 =	simm.s32 $0x108;
	s8 =	sld [smem:$0x3FB0]  }
0x2e: {  	s3 =	simm.s32 @!p0 $0x1082;
	s9 =	sld [smem:$0x3FB1]  }
0x2f: {  	lr =	sadd.s32 s0, s3;
	s0 =	sld [smem:$0x3FA8]  }
0x30: {  	s3 =	sld [smem:$0x3FAB]  }
0x31: {  	[smem:$0x3FB4] =	sst s10  }
0x32: {  	s10 =	sld [smem:$0x3FB2];
	_ =	sdelay $0x3  }
0x33: {  	p0 =	seq.s32 s10, $0x1;
	s10 =	sld [smem:$0x3FB4];
	_ =	sdelay $0x3  }
0x34: {  	[smem:$0x3FB4] =	sst s10  }
0x35: {  	s10 =	sld [smem:$0x3FB3];
	_ =	sdelay $0x3  }
0x36: {  	p1 =	seq.s32 s10, $0x1;
	s10 =	sld [smem:$0x3FB4];
	_ =	sdelay $0x3  }
0x37: {  	[smem:$0x3FB4] =	sst s10  }
0x38: {  	s10 =	sld [smem:$0x3FB5]  }
0x39: {  	_ = 	snop;
	(pc) =	sbr.ind lr, $3  }
0x3a: {  	_ = 	snop  }
0x3b: {  	_ = 	snop  }
0x3c: {  	p2 =	seq.s32 s10, $0x1;
	s10 =	sld [smem:$0x3FB4]  }
0x3d: {  	_ =	shalt  }
0x3e: {  	_ =	shalt  }
0x3f: {  	_ =	shalt  }
0x40: {  	_ =	shalt  }
0x41: {  	_ =	shalt  }
0x42: {  	_ =	shalt  }
0x43: {  	_ =	shalt  }
0x44: {  	_ =	shalt  }
0x45: {  	_ =	shalt  }
0x46: {  	_ =	shalt  }
0x47: {  	_ =	shalt  }
0x48: {  	_ =	shalt  }
0x49: {  	_ =	shalt  }
0x4a: {  	_ =	shalt  }
0x4b: {  	_ =	shalt  }
0x4c: {  	_ =	shalt  }
0x4d: {  	_ =	shalt  }
0x4e: {  	_ =	shalt  }
0x4f: {  	_ =	shalt  }
0x50: {  	_ =	shalt  }
0x51: {  	_ =	shalt  }
0x52: {  	_ =	shalt  }
0x53: {  	_ =	shalt  }
0x54: {  	_ =	shalt  }
0x55: {  	_ =	shalt  }
0x56: {  	_ =	shalt  }
0x57: {  	_ =	shalt  }
0x58: {  	_ =	shalt  }
0x59: {  	_ =	shalt  }
0x5a: {  	_ =	shalt  }
0x5b: {  	_ =	shalt  }
0x5c: {  	_ =	shalt  }
0x5d: {  	_ =	shalt  }
0x5e: {  	_ =	shalt  }
0x5f: {  	_ =	shalt  }
0x60: {  	_ =	shalt  }
0x61: {  	_ =	shalt  }
0x62: {  	_ =	shalt  }
0x63: {  	_ =	shalt  }
0x64: {  	_ =	shalt  }
0x65: {  	_ =	shalt  }
0x66: {  	_ =	shalt  }
0x67: {  	_ =	shalt  }
0x68: {  	_ =	shalt  }
0x69: {  	_ =	shalt  }
0x6a: {  	_ =	shalt  }
0x6b: {  	_ =	shalt  }
0x6c: {  	_ =	shalt  }
0x6d: {  	_ =	shalt  }
0x6e: {  	_ =	shalt  }
0x6f: {  	_ =	shalt  }
0x70: {  	_ =	shalt  }
0x71: {  	_ =	shalt  }
0x72: {  	_ =	shalt  }
0x73: {  	_ =	shalt  }
0x74: {  	_ =	shalt  }
0x75: {  	_ =	shalt  }
0x76: {  	_ =	shalt  }
0x77: {  	_ =	shalt  }
0x78: {  	_ =	shalt  }
0x79: {  	_ =	shalt  }
0x7a: {  	_ =	shalt  }
0x7b: {  	_ =	shalt  }
0x7c: {  	_ =	shalt  }
0x7d: {  	_ =	shalt  }
0x7e: {  	_ =	shalt  }
0x7f: {  	_ =	shalt  }
0x80: {  	_ =	shalt  }
0x81: {  	_ =	shalt  }
0x82: {  	_ =	shalt  }
0x83: {  	_ =	shalt  }
0x84: {  	_ =	shalt  }
0x85: {  	_ =	shalt  }
0x86: {  	_ =	shalt  }
0x87: {  	_ =	shalt  }
.Lfunc_end0:
.L_simem_size_0:
called_computation.2_lowered:
.L_overlay_start_0:
0x88: {  	s2 =	sld [smem:$0x3FD9]  }
0x89: {  	s3 =	sld [smem:$0x3FFE];
	_ =	sdelay $0x1  }
0x8a: {  	s1 =	srdreg.scid  }
0x8b: {  	s0 =	sand.u32 $0x1, s1  }
0x8c: {  	s16 =	sshll.u32 s0, $0xA;
	s2 =	sadd.s32 s3, s2  }
0x8d: {  	s2 =	sadd.s32 s2, s16  }
0x8e: {  	[smem:$0x3FC0] =	sst s2  }
0x8f: {  	_ = 	snop  }
0x90: {  	(tm) =	ssettm $0x1  }
0x91: {  	s17 =	sld [smem:$0x3FFB];
	_ =	sdelay $0x3  }
0x92: {  	_ =	strace s17  }
0x93: {  	s2 =	sld [smem:$0x3FFC];
	_ =	sdelay $0x3  }
0x94: {  	_ =	strace s2  }
0x95: {  	s2 =	sld [smem:$0x3FFD];
	_ =	sdelay $0x3  }
0x96: {  	_ =	strace s2  }
0x97: {  	_ =	strace $0x8FFFFFFF  }
0x98: {  	s18 =	sld [smem:$0x3FDB];
	_ =	sdelay $0x1  }
0x99: {  	s19 =	simm.s32 $_scs_section_size  }
0x9a: {  	s4 =	simm.s32 $_size__tile_overlayer_lowered;
	s5 =	simm.s32 $_tile_overlayer_lowered  }
0x9b: {  	s22 =	simm.s32 $0x1BFF;
	s21 =	sshll.u32 s5, $0x1;
	s2 =	sadd.s32 s19, s18  }
0x9c: {  	s6 =	simm.s32 $0x0;
	s20 =	sshll.u32 s4, $0x1;
	s4 =	sadd.s32 s21, s2  }
0x9d: {  	[timem:s6], [sflag:s22] =	dma.local [hbm:s4], s20  }
0x9e: {  	_ =	swait.ge [sflag:s22], s20  }
0x9f: {  	s3 =	ssub.s32 $0x0, s20;
	[sflag:s22] =	ssyncset.done $0x0  }
0xa0: {  	[sflag:s22] =	ssyncadd.s32 s3;
	_ =	sdelay $0x1  }
0xa1: {  	s23 =	simm.s32 $0x1B8B  }
0xa2: {  	_ =	swait.ge [sflag:s23], $0x1  }
0xa3: {  	[sflag:s23] =	ssyncset.done $0x0  }
0xa4: {  	s25 =	simm.s32 $0x1B8E;
	s24 =	sld [smem:$0x3FFE];
	[sflag:s23] =	ssyncadd.s32 $0xFFFFFFFF  }
0xa5: {  	s26 =	simm.s32 $execute0_lowered;
	[smem:$0x3FD2] =	sst s25  }
0xa6: {  	s4 =	sshll.u32 s26, $0x1;
	_ =	strace $0x8000004C;
	[dreg:$0x1] =	wrdreg $0xFFFFFFFF  }
0xa7: {  	s28 =	simm.s32 $_size_execute0_lowered;
	s2 =	sadd.s32 s2, s4;
	[dreg:$0x0] =	wrdreg $0x0  }
0xa8: {  	s4 =	sshll.u32 s28, $0x1;
	[dreg:$0x2] =	wrdreg s2  }
0xa9: {  	[dreg:$0x3] =	wrdreg s4  }
0xaa: {  	[dreg:$0x4] =	wrdreg $0xC0  }
0xab: {  	_ =	task [dreg:s6], $0x5FFFF  }
0xac: {  	[dreg:$0x1] =	wrdreg $0xFFFFFFFF  }
0xad: {  	[dreg:$0x0] =	wrdreg $0x60  }
0xae: {  	[dreg:$0x2] =	wrdreg s24  }
0xaf: {  	[dreg:$0x3] =	wrdreg $0x90000  }
0xb0: {  	[dreg:$0x4] =	wrdreg $0x9  }
0xb1: {  	_ =	task.clear_ibuf [dreg:s6], $0x5FFFF;
	_ =	strace $0x9000004C  }
0xb2: {  	s29 =	simm.s32 $0x9;
	_ =	strace $0x8000004E  }
0xb3: {  	_ =	swait.ge [sflag:s29], $0x1  }
0xb4: {  	[sflag:s29] =	ssyncadd.s32 $0xFFFFFFFF  }
0xb5: {  	_ =	strace $0x9000004E  }
0xb6: {  	_ =	sfence  }
0xb7: {  	s30 =	sld [smem:$0x0];
	_ =	sdelay $0x2  }
0xb8: {  	s31 =	sshll.u32 s1, $0xD;
	s1 =	sshrl.u32 s1, $0x2  }
0xb9: {  	s3 =	sand.u32 $0x4000, s31;
	s1 =	sadd.s32 s1, s30  }
0xba: {  	s0 =	sor.u32 s3, s0;
	s1 =	sshll.u32 s1, $0x11  }
0xbb: {  	s0 =	sor.u32 s1, s0  }
0xbc: {  	s0 =	sadd.s32 $0x8F2B, s0  }
0xbd: {  	[sflag:s0] =	ssyncadd.remote.s32 $0x1  }
0xbe: {  	_ =	sfence.sel $0xFFFF  }
0xbf: {  	[dreg:$0x0] =	wrdreg $0xFFFFFFFF;
	(pc) =	sbr.abs _section_cstart, $3  }
0xc0: {  	[dreg:$0x1] =	wrdreg $0xFFFFFFFF  }
0xc1: {  	_ =	task.clear_ibuf [dreg:s6], $0x2FFFF;
	_ =	strace $0x9FFFFFFF  }
0xc2: {  	(tm) =	ssettm $0x7FFFFFFF  }
0xc3: {  	_ =	shalt  }
tec
execute0_lowered:
.L_overlay_start_1:
0x0: {  	(tag) =	ssettag $0x1  }
0x1: {  	s0 =	rddreg [dreg:$0x0];
	s15 =	stileid.u32  }
0x2: {  	s1 =	srdreg.scid;
	s2 =	rddreg [dreg:$0x1];
	s3 =	simm.s32 $0x0  }
0x3: {  	s19 =	simm.s32 $0x100;
	s20 =	simm.s32 $0x880;
	s21 =	simm.s32 $0x180  }
0x4: {  	s22 =	simm.s32 $0x900;
	s23 =	simm.s32 $0x200;
	[smem:$0x7FF] =	sst s3  }
0x5: {  	s25 =	simm.s32 $0x980;
	_ =	strace $0x8000004D;
	[dreg:$0x5] =	wrdreg s19  }
0x6: {  	s28 =	simm.s32 $0xA00;
	s30 =	simm.s32 $0x300;
	[dreg:$0x6] =	wrdreg s20  }
0x7: {  	s31 =	simm.s32 $0xA80;
	s29 =	simm.s32 $0x0;
	[dreg:$0x7] =	wrdreg s21  }
0x8: {  	s7 =	smul.u32 $0x14000, s15;
	s1 =	sand.u32 $0x1, s1;
	[dreg:$0x8] =	wrdreg s22  }
0x9: {  	s9 =	smul.u32 $0x2800, s15;
	s4 =	sadd.s32 $0x2F400, s0;
	[dreg:$0x9] =	wrdreg s23  }
0xa: {  	s5 =	sadd.s32 $0x1B400, s0;
	s26 =	smul.u32 $0x50000, s15;
	[dreg:$0xa] =	wrdreg s25  }
0xb: {  	s6 =	sadd.s32 $0x25400, s0;
	s8 =	smul.u32 $0x28000, s1;
	[dreg:$0xc] =	wrdreg s28  }
0xc: {  	s10 =	smul.u32 $0x140000, s1;
	s18 =	ssub.s32 $0x2, s1;
	[dreg:$0xd] =	wrdreg s30  }
0xd: {  	s1 =	sshll.u32 s1, $0x4;
	[dreg:$0xe] =	wrdreg s31;
	s19 =	sshll.u32 s15, $0x6  }
0xe: {  	s20 =	simm.s32 $0x580;
	s21 =	simm.s32 $0xD00;
	s22 =	simm.s32 $0x600  }
0xf: {  	s23 =	simm.s32 $0xD80;
	s25 =	simm.s32 $0xE00;
	[dreg:$0x15] =	wrdreg s20  }
0x10: {  	s28 =	simm.s32 $0xE80;
	s30 =	simm.s32 $0x780;
	[dreg:$0x16] =	wrdreg s21  }
0x11: {  	s31 =	simm.s32 $0xF00;
	s13 =	sshrl.u32 s7, $0x3;
	[dreg:$0x17] =	wrdreg s22  }
0x12: {  	s11 =	sshrl.u32 s18, $0x1;
	s1 =	sor.u32 s15, s1;
	[dreg:$0x18] =	wrdreg s23  }
0x13: {  	s15 =	sor.u32 $0x1C06, s19;
	s19 =	simm.s32 $0x1;
	[dreg:$0x1a] =	wrdreg s25  }
0x14: {  	s20 =	simm.s32 $0x1000;
	s21 =	simm.s32 $0x3;
	[dreg:$0x1c] =	wrdreg s28  }
0x15: {  	s22 =	simm.s32 $0x400;
	s23 =	simm.s32 $0xC00;
	[dreg:$0x1d] =	wrdreg s30  }
0x16: {  	[dreg:$0x1e] =	wrdreg s31;
	s25 =	simm.s32 $0x4;
	s12 =	sadd.s32 s9, s8  }
0x17: {  	s7 =	sadd.s32 s7, s10;
	s14 =	sadd.s32 s13, s0;
	s1 =	smul.u32 $0x2800, s1  }
0x18: {  	s11 =	ssub.s32 s18, s11;
	s13 =	simm.s32 $0x280;
	s18 =	simm.s32 $0xC80  }
0x19: {  	s9 =	sor.u32 $0x400, s12;
	s7 =	sshrl.u32 s7, $0x3;
	[dreg:$0xb] =	wrdreg s13  }
0x1a: {  	s11 =	smax.u32 s11, $0x1;
	s13 =	simm.s32 $0xB80;
	s12 =	sadd.s32 $0x800, s12  }
0x1b: {  	[dreg:$0x14] =	wrdreg s18;
	s18 =	simm.s32 $0x5000;
	s17 =	sshrl.u32 s9, $0x3  }
0x1c: {  	s0 =	sadd.s32 s7, s0;
	s7 =	simm.s32 $0x380;
	[dreg:$0x11] =	wrdreg s13  }
0x1d: {  	s1 =	sshrl.u32 s1, $0x3;
	s9 =	sadd.s32 s17, s6;
	[dreg:$0xf] =	wrdreg s7  }
0x1e: {  	s13 =	simm.s32 $0x6;
	s8 =	sadd.s32 s17, s5;
	[dreg:$0x3] =	wrdreg s9  }
0x1f: {  	s24 =	sadd.s32 s5, s1;
	s1 =	sadd.s32 s6, s1;
	[dreg:$0x4] =	wrdreg s8  }
0x20: {  	s10 =	sadd.s32 $0x7E600, s0;
	s17 =	simm.s32 $0x500;
	[dreg:$0x1f] =	wrdreg s24  }
0x21: {  	[smem:$0x7FD] =	sst s1;
	s9 =	sshrl.u32 s26, $0x2;
	s8 =	simm.s32 $0xB00  }
0x22: {  	[dreg:$0x13] =	wrdreg s17;
	s17 =	simm.s32 $0x80;
	s24 =	simm.s32 $0x680  }
0x23: {  	s26 =	simm.s32 $0x700;
	s16 =	sadd.s32 s9, s2;
	[dreg:$0x10] =	wrdreg s8  }
0x24: {  	s9 =	sadd.s32 $0x56600, s14;
	s14 =	simm.s32 $0x480;
	[dreg:$0x19] =	wrdreg s24  }
0x25: {  	[dreg:$0x1b] =	wrdreg s26;
	s24 =	simm.s32 $0x2;
	s26 =	simm.s32 $0x5  }
0x26: {  	[dreg:$0x12] =	wrdreg s14;
	s14 =	simm.s32 $0x800;
	s16 =	sshrl.u32 s16, $0x3  }
.LBB2_1:
0x27: {  	s0 =	rddreg [dreg:$0x1f]  }
0x28: {  	[tilespmem:s3], [sflag:$0x6] =	stream.linear.gather [hbm4b:s0+s3], $0x400, $0x38;
	[tilespmem:$0x1D000] =	vst v63  }
0x29: {  	_ =	swait.ge [sflag:s13], $0x400  }
0x2a: {  	s28 =	sld [smem:$0x7FD]  }
0x2b: {  	[sflag:s13] =	ssyncset.done $0x0  }
0x2c: {  	[sflag:s13] =	ssyncadd.s32 $0xFFFFFC00  }
0x2d: {  	[tilespmem:s14], [sflag:$0x6] =	stream.linear.gather [hbm4b:s28+s3], $0x400, $0x38;
	[tilespmem:$0x1D000] =	vst v63  }
0x2e: {  	_ =	swait.ge [sflag:s13], $0x400  }
0x2f: {  	[sflag:s13] =	ssyncset.done $0x0  }
0x30: {  	[sflag:s13] =	ssyncadd.s32 $0xFFFFFC00  }
0x31: {  	[spmem:s16], [sflag:s15] =	dma.local [hbm:s9], $0x2800  }
0x32: {  	_ =	swait.ge [sflag:s13], $0x2800  }
0x33: {  	p0 =	por $0x1, $0x1;
	[sflag:s13] =	ssyncset.done $0x0  }
0x34: {  	s0 =	simm.s32 @p0 $0x80;
	[sflag:s13] =	ssyncadd.s32 $0xFFFFD800  }
0x35: {  	s1 =	simm.s32 @p0 $0x0;
	s30 =	simm.s32 @p0 $0x1000;
	[bflag:$0x0] =	sbarrier.arrive $0xFFFF  }
0x36: {  	[tilespmem:s30], [sflag:$0x1] =	stream.indirect.gather @p0 [hbm4b:s4+s0], $0x80, s1, s0, $0xb8;
	[tilespmem:$0x1D000] =	vst v63  }
0x37: {  	s0 =	simm.s32 @!p0 $0x3  }
0x38: {  	_ =	swait.ge @!p0 [sflag:s0], $0x4000  }
0x39: {  	[sflag:s0] =	ssyncset.done @!p0 $0x0  }
0x3a: {  	s1 =	simm.s32 @!p0 $0x5;
	[sflag:s0] =	ssyncadd.s32 @!p0 $0xFFFFC000  }
0x3b: {  	_ =	swait.ge @!p0 [sflag:s1], $0x400  }
0x3c: {  	[sflag:s1] =	ssyncset.done @!p0 $0x0  }
0x3d: {  	[sflag:s1] =	ssyncadd.s32 @!p0 $0xFFFFFC00  }
0x3e: {  	_ =	swait.ge @!p0 [sflag:s1], $0x400  }
0x3f: {  	s30 =	simm.s32 @!p0 $0x80;
	[sflag:s1] =	ssyncset.done @!p0 $0x0  }
0x40: {  	s0 =	simm.s32 @!p0 $0x1000;
	[sflag:s1] =	ssyncadd.s32 @!p0 $0xFFFFFC00;
	s1 =	simm.s32 @!p0 $0x0  }
0x41: {  	[tilespmem:s0], [sflag:$0x1] =	stream.indirect.gather @!p0 [hbm4b:s4+s30], $0x80, s1, s30, $0xb8;
	[tilespmem:$0x1D000] =	vst v63  }
0x42: {  	s0 =	simm.s32 @!p0 $0x2  }
0x43: {  	_ =	swait.ge @!p0 [sflag:s0], $0x4000  }
0x44: {  	[sflag:s0] =	ssyncset.done @!p0 $0x0  }
0x45: {  	s1 =	simm.s32 @!p0 $0xF80;
	[sflag:s0] =	ssyncadd.s32 @!p0 $0xFFFFC000;
	s0 =	simm.s32 @!p0 $0x5000  }
0x46: {  	[spmem:s2] =	stream.indirect.scatter.add.f32 @!p0 [tilespmem:s0], [sflag:$0x4], $0x80, s1, s30, $0xb8;
	[tilespmem:$0x1D000] =	vst v63  }
0x47: {  	s0 =	simm.s32 @!p0 $0x4  }
0x48: {  	_ =	swait.ge @!p0 [sflag:s0], $0x4000  }
0x49: {  	[sflag:s0] =	ssyncset.done @!p0 $0x0  }
0x4a: {  	[sflag:s0] =	ssyncadd.s32 @!p0 $0xFFFFC000  }
0x4b: {  	[tilespmem:s18], [sflag:$0x2] =	stream.indirect.gather [hbm4b:s4+s17], $0x80, s17, s17, $0xb8;
	[tilespmem:$0x1D000] =	vst v63  }
0x4c: {  	_ =	swait.ge [sflag:s19], $0x4000  }
0x4d: {  	[sflag:s19] =	ssyncset.done $0x0  }
0x4e: {  	[sflag:s19] =	ssyncadd.s32 $0xFFFFC000  }
0x4f: {  	[spmem:s2] =	stream.indirect.scatter.add.f32 [tilespmem:s20], [sflag:$0x3], $0x80, s14, s17, $0xb8;
	[tilespmem:$0x1D000] =	vst v63  }
0x50: {  	_ =	swait.ge [sflag:s21], $0x4000  }
0x51: {  	s1 =	rddreg [dreg:$0x5];
	[sflag:s21] =	ssyncset.done $0x0  }
0x52: {  	s7 =	rddreg [dreg:$0x4];
	[sflag:s21] =	ssyncadd.s32 $0xFFFFC000  }
0x53: {  	[tilespmem:s20], [sflag:$0x1] =	stream.indirect.gather [hbm4b:s4+s17], $0x80, s1, s17, $0xb8;
	[tilespmem:$0x1D000] =	vst v63  }
0x54: {  	s30 =	rddreg [dreg:$0x3];
	s8 =	sadd.s32 $0x0, s7  }
0x55: {  	[tilespmem:s22], [sflag:$0x5] =	stream.linear.gather [hbm4b:s8+s3], $0x400, $0x38;
	[tilespmem:$0x1D000] =	vst v63  }
0x56: {  	s28 =	sadd.s32 $0x0, s30  }
0x57: {  	[tilespmem:s23], [sflag:$0x5] =	stream.linear.gather [hbm4b:s28+s3], $0x400, $0x38;
	[tilespmem:$0x1D000] =	vst v63  }
0x58: {  	_ =	swait.ge [sflag:s24], $0x4000  }
0x59: {  	[sflag:s24] =	ssyncset.done $0x0  }
0x5a: {  	s1 =	rddreg [dreg:$0x6];
	[sflag:s24] =	ssyncadd.s32 $0xFFFFC000  }
0x5b: {  	[spmem:s2] =	stream.indirect.scatter.add.f32 [tilespmem:s18], [sflag:$0x4], $0x80, s1, s17, $0xb8;
	[tilespmem:$0x1D000] =	vst v63  }
0x5c: {  	_ =	swait.ge [sflag:s25], $0x4000  }
0x5d: {  	[sflag:s25] =	ssyncset.done $0x0  }
0x5e: {  	s7 =	rddreg [dreg:$0x7];
	[sflag:s25] =	ssyncadd.s32 $0xFFFFC000  }
0x5f: {  	[tilespmem:s18], [sflag:$0x2] =	stream.indirect.gather [hbm4b:s4+s17], $0x80, s7, s17, $0xb8;
	[tilespmem:$0x1D000] =	vst v63  }
0x60: {  	_ =	swait.ge [sflag:s19], $0x4000  }
0x61: {  	[sflag:s19] =	ssyncset.done $0x0  }
0x62: {  	s8 =	rddreg [dreg:$0x8];
	[sflag:s19] =	ssyncadd.s32 $0xFFFFC000  }
0x63: {  	[spmem:s2] =	stream.indirect.scatter.add.f32 [tilespmem:s20], [sflag:$0x3], $0x80, s8, s17, $0xb8;
	[tilespmem:$0x1D000] =	vst v63  }
0x64: {  	_ =	swait.ge [sflag:s21], $0x4000  }
0x65: {  	[sflag:s21] =	ssyncset.done $0x0  }
0x66: {  	s28 =	rddreg [dreg:$0x9];
	[sflag:s21] =	ssyncadd.s32 $0xFFFFC000  }
0x67: {  	[tilespmem:s20], [sflag:$0x1] =	stream.indirect.gather [hbm4b:s4+s17], $0x80, s28, s17, $0xb8;
	[tilespmem:$0x1D000] =	vst v63  }
0x68: {  	_ =	swait.ge [sflag:s24], $0x4000  }
0x69: {  	[sflag:s24] =	ssyncset.done $0x0  }
0x6a: {  	s1 =	rddreg [dreg:$0xa];
	[sflag:s24] =	ssyncadd.s32 $0xFFFFC000  }
0x6b: {  	[spmem:s2] =	stream.indirect.scatter.add.f32 [tilespmem:s18], [sflag:$0x4], $0x80, s1, s17, $0xb8;
	[tilespmem:$0x1D000] =	vst v63  }
0x6c: {  	_ =	swait.ge [sflag:s25], $0x4000  }
0x6d: {  	[sflag:s25] =	ssyncset.done $0x0  }
0x6e: {  	s7 =	rddreg [dreg:$0xb];
	[sflag:s25] =	ssyncadd.s32 $0xFFFFC000  }
0x6f: {  	[tilespmem:s18], [sflag:$0x2] =	stream.indirect.gather [hbm4b:s4+s17], $0x80, s7, s17, $0xb8;
	[tilespmem:$0x1D000] =	vst v63  }
0x70: {  	_ =	swait.ge [sflag:s19], $0x4000  }
0x71: {  	[sflag:s19] =	ssyncset.done $0x0  }
0x72: {  	s8 =	rddreg [dreg:$0xc];
	[sflag:s19] =	ssyncadd.s32 $0xFFFFC000  }
0x73: {  	[spmem:s2] =	stream.indirect.scatter.add.f32 [tilespmem:s20], [sflag:$0x3], $0x80, s8, s17, $0xb8;
	[tilespmem:$0x1D000] =	vst v63  }
0x74: {  	_ =	swait.ge [sflag:s21], $0x4000  }
0x75: {  	[sflag:s21] =	ssyncset.done $0x0  }
0x76: {  	s28 =	rddreg [dreg:$0xd];
	[sflag:s21] =	ssyncadd.s32 $0xFFFFC000  }
0x77: {  	[tilespmem:s20], [sflag:$0x1] =	stream.indirect.gather [hbm4b:s4+s17], $0x80, s28, s17, $0xb8;
	[tilespmem:$0x1D000] =	vst v63  }
0x78: {  	_ =	swait.ge [sflag:s24], $0x4000  }
0x79: {  	[sflag:s24] =	ssyncset.done $0x0  }
0x7a: {  	s1 =	rddreg [dreg:$0xe];
	[sflag:s24] =	ssyncadd.s32 $0xFFFFC000  }
0x7b: {  	[spmem:s2] =	stream.indirect.scatter.add.f32 [tilespmem:s18], [sflag:$0x4], $0x80, s1, s17, $0xb8;
	[tilespmem:$0x1D000] =	vst v63  }
0x7c: {  	_ =	swait.ge [sflag:s25], $0x4000  }
0x7d: {  	[sflag:s25] =	ssyncset.done $0x0  }
0x7e: {  	s7 =	rddreg [dreg:$0xf];
	[sflag:s25] =	ssyncadd.s32 $0xFFFFC000  }
0x7f: {  	[tilespmem:s18], [sflag:$0x2] =	stream.indirect.gather [hbm4b:s4+s17], $0x80, s7, s17, $0xb8;
	[tilespmem:$0x1D000] =	vst v63  }
0x80: {  	_ =	swait.ge [sflag:s19], $0x4000  }
0x81: {  	[sflag:s19] =	ssyncset.done $0x0  }
0x82: {  	s8 =	rddreg [dreg:$0x10];
	[sflag:s19] =	ssyncadd.s32 $0xFFFFC000  }
0x83: {  	[spmem:s2] =	stream.indirect.scatter.add.f32 [tilespmem:s20], [sflag:$0x3], $0x80, s8, s17, $0xb8;
	[tilespmem:$0x1D000] =	vst v63  }
0x84: {  	_ =	swait.ge [sflag:s21], $0x4000  }
0x85: {  	[sflag:s21] =	ssyncset.done $0x0  }
0x86: {  	[sflag:s21] =	ssyncadd.s32 $0xFFFFC000  }
0x87: {  	_ =	swait.ge [sflag:s26], $0x400  }
0x88: {  	[sflag:s26] =	ssyncset.done $0x0  }
0x89: {  	[sflag:s26] =	ssyncadd.s32 $0xFFFFFC00  }
0x8a: {  	_ =	swait.ge [sflag:s26], $0x400  }
0x8b: {  	[sflag:s26] =	ssyncset.done $0x0  }
0x8c: {  	[sflag:s26] =	ssyncadd.s32 $0xFFFFFC00  }
0x8d: {  	[tilespmem:s20], [sflag:$0x1] =	stream.indirect.gather [hbm4b:s4+s17], $0x80, s22, s17, $0xb8;
	[tilespmem:$0x1D000] =	vst v63  }
0x8e: {  	_ =	swait.ge [sflag:s24], $0x4000  }
0x8f: {  	[sflag:s24] =	ssyncset.done $0x0  }
0x90: {  	s28 =	rddreg [dreg:$0x11];
	[sflag:s24] =	ssyncadd.s32 $0xFFFFC000  }
0x91: {  	[spmem:s2] =	stream.indirect.scatter.add.f32 [tilespmem:s18], [sflag:$0x4], $0x80, s28, s17, $0xb8;
	[tilespmem:$0x1D000] =	vst v63  }
0x92: {  	_ =	swait.ge [sflag:s25], $0x4000  }
0x93: {  	[sflag:s25] =	ssyncset.done $0x0  }
0x94: {  	s1 =	rddreg [dreg:$0x12];
	[sflag:s25] =	ssyncadd.s32 $0xFFFFC000  }
0x95: {  	[tilespmem:s18], [sflag:$0x2] =	stream.indirect.gather [hbm4b:s4+s17], $0x80, s1, s17, $0xb8;
	[tilespmem:$0x1D000] =	vst v63  }
0x96: {  	_ =	swait.ge [sflag:s19], $0x4000  }
0x97: {  	[sflag:s19] =	ssyncset.done $0x0  }
0x98: {  	[sflag:s19] =	ssyncadd.s32 $0xFFFFC000  }
0x99: {  	[spmem:s2] =	stream.indirect.scatter.add.f32 [tilespmem:s20], [sflag:$0x3], $0x80, s23, s17, $0xb8;
	[tilespmem:$0x1D000] =	vst v63  }
0x9a: {  	_ =	swait.ge [sflag:s21], $0x4000  }
0x9b: {  	p0 =	por $0x0, $0x0;
	[sflag:s21] =	ssyncset.done $0x0  }
0x9c: {  	s1 =	sshrl.u32 @!p0 s12, $0x3;
	s7 =	rddreg [dreg:$0x13];
	[sflag:s21] =	ssyncadd.s32 $0xFFFFC000  }
0x9d: {  	[tilespmem:s20], [sflag:$0x1] =	stream.indirect.gather [hbm4b:s4+s17], $0x80, s7, s17, $0xb8;
	[tilespmem:$0x1D000] =	vst v63  }
0x9e: {  	s0 =	simm.s32 @!p0 $0x0;
	s30 =	sadd.s32 @!p0 s5, s1  }
0x9f: {  	[tilespmem:s0], [sflag:$0x5] =	stream.linear.gather @!p0 [hbm4b:s30+s0], $0x400, $0x38;
	[tilespmem:$0x1D000] =	vst v63  }
0xa0: {  	s1 =	sadd.s32 @!p0 s6, s1;
	s30 =	simm.s32 @!p0 $0x800  }
0xa1: {  	[tilespmem:s30], [sflag:$0x5] =	stream.linear.gather @!p0 [hbm4b:s1+s0], $0x400, $0x38;
	[tilespmem:$0x1D000] =	vst v63  }
0xa2: {  	_ =	swait.ge [sflag:s24], $0x4000  }
0xa3: {  	[sflag:s24] =	ssyncset.done $0x0  }
0xa4: {  	s8 =	rddreg [dreg:$0x14];
	[sflag:s24] =	ssyncadd.s32 $0xFFFFC000  }
0xa5: {  	[spmem:s2] =	stream.indirect.scatter.add.f32 [tilespmem:s18], [sflag:$0x4], $0x80, s8, s17, $0xb8;
	[tilespmem:$0x1D000] =	vst v63  }
0xa6: {  	_ =	swait.ge [sflag:s25], $0x4000  }
0xa7: {  	[sflag:s25] =	ssyncset.done $0x0  }
0xa8: {  	s28 =	rddreg [dreg:$0x15];
	[sflag:s25] =	ssyncadd.s32 $0xFFFFC000  }
0xa9: {  	[tilespmem:s18], [sflag:$0x2] =	stream.indirect.gather [hbm4b:s4+s17], $0x80, s28, s17, $0xb8;
	[tilespmem:$0x1D000] =	vst v63  }
0xaa: {  	_ =	swait.ge [sflag:s19], $0x4000  }
0xab: {  	[sflag:s19] =	ssyncset.done $0x0  }
0xac: {  	s1 =	rddreg [dreg:$0x16];
	[sflag:s19] =	ssyncadd.s32 $0xFFFFC000  }
0xad: {  	[spmem:s2] =	stream.indirect.scatter.add.f32 [tilespmem:s20], [sflag:$0x3], $0x80, s1, s17, $0xb8;
	[tilespmem:$0x1D000] =	vst v63  }
0xae: {  	_ =	swait.ge [sflag:s21], $0x4000  }
0xaf: {  	[sflag:s21] =	ssyncset.done $0x0  }
0xb0: {  	s7 =	rddreg [dreg:$0x17];
	[sflag:s21] =	ssyncadd.s32 $0xFFFFC000  }
0xb1: {  	[tilespmem:s20], [sflag:$0x1] =	stream.indirect.gather [hbm4b:s4+s17], $0x80, s7, s17, $0xb8;
	[tilespmem:$0x1D000] =	vst v63  }
0xb2: {  	_ =	swait.ge [sflag:s24], $0x4000  }
0xb3: {  	[sflag:s24] =	ssyncset.done $0x0  }
0xb4: {  	s8 =	rddreg [dreg:$0x18];
	[sflag:s24] =	ssyncadd.s32 $0xFFFFC000  }
0xb5: {  	[spmem:s2] =	stream.indirect.scatter.add.f32 [tilespmem:s18], [sflag:$0x4], $0x80, s8, s17, $0xb8;
	[tilespmem:$0x1D000] =	vst v63  }
0xb6: {  	_ =	swait.ge [sflag:s25], $0x4000  }
0xb7: {  	[sflag:s25] =	ssyncset.done $0x0  }
0xb8: {  	s28 =	rddreg [dreg:$0x19];
	[sflag:s25] =	ssyncadd.s32 $0xFFFFC000  }
0xb9: {  	[tilespmem:s18], [sflag:$0x2] =	stream.indirect.gather [hbm4b:s4+s17], $0x80, s28, s17, $0xb8;
	[tilespmem:$0x1D000] =	vst v63  }
0xba: {  	_ =	swait.ge [sflag:s19], $0x4000  }
0xbb: {  	[sflag:s19] =	ssyncset.done $0x0  }
0xbc: {  	s1 =	rddreg [dreg:$0x1a];
	[sflag:s19] =	ssyncadd.s32 $0xFFFFC000  }
0xbd: {  	[spmem:s2] =	stream.indirect.scatter.add.f32 [tilespmem:s20], [sflag:$0x3], $0x80, s1, s17, $0xb8;
	[tilespmem:$0x1D000] =	vst v63  }
0xbe: {  	_ =	swait.ge [sflag:s21], $0x4000  }
0xbf: {  	[sflag:s21] =	ssyncset.done $0x0  }
0xc0: {  	s7 =	rddreg [dreg:$0x1b];
	[sflag:s21] =	ssyncadd.s32 $0xFFFFC000  }
0xc1: {  	[tilespmem:s20], [sflag:$0x1] =	stream.indirect.gather [hbm4b:s4+s17], $0x80, s7, s17, $0xb8;
	[tilespmem:$0x1D000] =	vst v63  }
0xc2: {  	_ =	swait.ge [sflag:s24], $0x4000  }
0xc3: {  	[sflag:s24] =	ssyncset.done $0x0  }
0xc4: {  	s8 =	rddreg [dreg:$0x1c];
	[sflag:s24] =	ssyncadd.s32 $0xFFFFC000  }
0xc5: {  	[spmem:s2] =	stream.indirect.scatter.add.f32 [tilespmem:s18], [sflag:$0x4], $0x80, s8, s17, $0xb8;
	[tilespmem:$0x1D000] =	vst v63  }
0xc6: {  	_ =	swait.ge [sflag:s25], $0x4000  }
0xc7: {  	[sflag:s25] =	ssyncset.done $0x0  }
0xc8: {  	s28 =	rddreg [dreg:$0x1d];
	[sflag:s25] =	ssyncadd.s32 $0xFFFFC000  }
0xc9: {  	[tilespmem:s18], [sflag:$0x2] =	stream.indirect.gather [hbm4b:s4+s17], $0x80, s28, s17, $0xb8;
	[tilespmem:$0x1D000] =	vst v63  }
0xca: {  	_ =	swait.ge [sflag:s19], $0x4000  }
0xcb: {  	s31 =	smov.u32 s12;
	[sflag:s19] =	ssyncset.done $0x0  }
0xcc: {  	s30 =	simm.s32 $0x100;
	s0 =	rddreg [dreg:$0x1e];
	[sflag:s19] =	ssyncadd.s32 $0xFFFFC000  }
.LBB2_2:
0xcd: {  	p1 =	seq.s32 s30, $0x0  }
0xce: {  	[spmem:s2] =	stream.indirect.scatter.add.f32 [tilespmem:s20], [sflag:$0x3], $0x80, s0, s17, $0xb8;
	[tilespmem:$0x1D000] =	vst v63  }
0xcf: {  	s0 =	simm.s32 @p1 $0x80;
	s28 =	simm.s32 @p1 $0x0;
	s7 =	simm.s32 @p1 $0x1000  }
0xd0: {  	[tilespmem:s7], [sflag:$0x1] =	stream.indirect.gather @p1 [hbm4b:s4+s0], $0x80, s28, s0, $0xb8;
	[tilespmem:$0x1D000] =	vst v63  }
0xd1: {  	s0 =	simm.s32 @!p1 $0x3  }
0xd2: {  	_ =	swait.ge @!p1 [sflag:s0], $0x4000  }
0xd3: {  	[sflag:s0] =	ssyncset.done @!p1 $0x0  }
0xd4: {  	s7 =	simm.s32 @!p1 $0x5;
	[sflag:s0] =	ssyncadd.s32 @!p1 $0xFFFFC000  }
0xd5: {  	_ =	swait.ge @!p1 [sflag:s7], $0x400  }
0xd6: {  	[sflag:s7] =	ssyncset.done @!p1 $0x0  }
0xd7: {  	[sflag:s7] =	ssyncadd.s32 @!p1 $0xFFFFFC00  }
0xd8: {  	_ =	swait.ge @!p1 [sflag:s7], $0x400  }
0xd9: {  	s8 =	simm.s32 @!p1 $0x0;
	s28 =	simm.s32 @!p1 $0x80;
	[sflag:s7] =	ssyncset.done @!p1 $0x0  }
0xda: {  	s0 =	simm.s32 @!p1 $0x1000;
	[sflag:s7] =	ssyncadd.s32 @!p1 $0xFFFFFC00;
	s7 =	simm.s32 @!p1 $0x2  }
0xdb: {  	[tilespmem:s0], [sflag:$0x1] =	stream.indirect.gather @!p1 [hbm4b:s4+s28], $0x80, s8, s28, $0xb8;
	[tilespmem:$0x1D000] =	vst v63  }
0xdc: {  	_ =	swait.ge @!p1 [sflag:s7], $0x4000  }
0xdd: {  	s0 =	simm.s32 @!p1 $0xF80;
	[sflag:s7] =	ssyncset.done @!p1 $0x0  }
0xde: {  	s8 =	simm.s32 @!p1 $0x5000;
	[sflag:s7] =	ssyncadd.s32 @!p1 $0xFFFFC000;
	s7 =	simm.s32 @!p1 $0x4  }
0xdf: {  	[spmem:s2] =	stream.indirect.scatter.add.f32 @!p1 [tilespmem:s8], [sflag:$0x4], $0x80, s0, s28, $0xb8;
	[tilespmem:$0x1D000] =	vst v63  }
0xe0: {  	_ =	swait.ge @!p1 [sflag:s7], $0x4000  }
0xe1: {  	[sflag:s7] =	ssyncset.done @!p1 $0x0  }
0xe2: {  	[sflag:s7] =	ssyncadd.s32 @!p1 $0xFFFFC000  }
0xe3: {  	[tilespmem:s18], [sflag:$0x2] =	stream.indirect.gather [hbm4b:s4+s17], $0x80, s17, s17, $0xb8;
	[tilespmem:$0x1D000] =	vst v63  }
0xe4: {  	_ =	swait.ge [sflag:s19], $0x4000  }
0xe5: {  	[sflag:s19] =	ssyncset.done $0x0  }
0xe6: {  	[sflag:s19] =	ssyncadd.s32 $0xFFFFC000  }
0xe7: {  	[spmem:s2] =	stream.indirect.scatter.add.f32 [tilespmem:s20], [sflag:$0x3], $0x80, s14, s17, $0xb8;
	[tilespmem:$0x1D000] =	vst v63  }
0xe8: {  	_ =	swait.ge [sflag:s21], $0x4000  }
0xe9: {  	[sflag:s21] =	ssyncset.done $0x0;
	s7 =	rddreg [dreg:$0x5]  }
0xea: {  	s1 =	smov.u32 s30;
	s28 =	rddreg [dreg:$0x4];
	[sflag:s21] =	ssyncadd.s32 $0xFFFFC000  }
0xeb: {  	[tilespmem:s20], [sflag:$0x1] =	stream.indirect.gather [hbm4b:s4+s17], $0x80, s7, s17, $0xb8;
	[tilespmem:$0x1D000] =	vst v63  }
0xec: {  	s8 =	rddreg [dreg:$0x3];
	s28 =	sadd.s32 s1, s28  }
0xed: {  	[tilespmem:s22], [sflag:$0x5] =	stream.linear.gather [hbm4b:s28+s3], $0x400, $0x38;
	[tilespmem:$0x1D000] =	vst v63  }
0xee: {  	s7 =	sadd.s32 s1, s8  }
0xef: {  	[tilespmem:s23], [sflag:$0x5] =	stream.linear.gather [hbm4b:s7+s3], $0x400, $0x38;
	[tilespmem:$0x1D000] =	vst v63  }
0xf0: {  	_ =	swait.ge [sflag:s24], $0x4000  }
0xf1: {  	[sflag:s24] =	ssyncset.done $0x0  }
0xf2: {  	s8 =	rddreg [dreg:$0x6];
	[sflag:s24] =	ssyncadd.s32 $0xFFFFC000  }
0xf3: {  	[spmem:s2] =	stream.indirect.scatter.add.f32 [tilespmem:s18], [sflag:$0x4], $0x80, s8, s17, $0xb8;
	[tilespmem:$0x1D000] =	vst v63  }
0xf4: {  	_ =	swait.ge [sflag:s25], $0x4000  }
0xf5: {  	[sflag:s25] =	ssyncset.done $0x0  }
0xf6: {  	s28 =	rddreg [dreg:$0x7];
	[sflag:s25] =	ssyncadd.s32 $0xFFFFC000  }
0xf7: {  	[tilespmem:s18], [sflag:$0x2] =	stream.indirect.gather [hbm4b:s4+s17], $0x80, s28, s17, $0xb8;
	[tilespmem:$0x1D000] =	vst v63  }
0xf8: {  	_ =	swait.ge [sflag:s19], $0x4000  }
0xf9: {  	[sflag:s19] =	ssyncset.done $0x0  }
0xfa: {  	s7 =	rddreg [dreg:$0x8];
	[sflag:s19] =	ssyncadd.s32 $0xFFFFC000  }
0xfb: {  	[spmem:s2] =	stream.indirect.scatter.add.f32 [tilespmem:s20], [sflag:$0x3], $0x80, s7, s17, $0xb8;
	[tilespmem:$0x1D000] =	vst v63  }
0xfc: {  	_ =	swait.ge [sflag:s21], $0x4000  }
0xfd: {  	[sflag:s21] =	ssyncset.done $0x0  }
0xfe: {  	s8 =	rddreg [dreg:$0x9];
	[sflag:s21] =	ssyncadd.s32 $0xFFFFC000  }
0xff: {  	[tilespmem:s20], [sflag:$0x1] =	stream.indirect.gather [hbm4b:s4+s17], $0x80, s8, s17, $0xb8;
	[tilespmem:$0x1D000] =	vst v63  }
0x100: {  	_ =	swait.ge [sflag:s24], $0x4000  }
0x101: {  	[sflag:s24] =	ssyncset.done $0x0  }
0x102: {  	s28 =	rddreg [dreg:$0xa];
	[sflag:s24] =	ssyncadd.s32 $0xFFFFC000  }
0x103: {  	[spmem:s2] =	stream.indirect.scatter.add.f32 [tilespmem:s18], [sflag:$0x4], $0x80, s28, s17, $0xb8;
	[tilespmem:$0x1D000] =	vst v63  }
0x104: {  	_ =	swait.ge [sflag:s25], $0x4000  }
0x105: {  	[sflag:s25] =	ssyncset.done $0x0  }
0x106: {  	s7 =	rddreg [dreg:$0xb];
	[sflag:s25] =	ssyncadd.s32 $0xFFFFC000  }
0x107: {  	[tilespmem:s18], [sflag:$0x2] =	stream.indirect.gather [hbm4b:s4+s17], $0x80, s7, s17, $0xb8;
	[tilespmem:$0x1D000] =	vst v63  }
0x108: {  	_ =	swait.ge [sflag:s19], $0x4000  }
0x109: {  	[sflag:s19] =	ssyncset.done $0x0  }
0x10a: {  	s8 =	rddreg [dreg:$0xc];
	[sflag:s19] =	ssyncadd.s32 $0xFFFFC000  }
0x10b: {  	[spmem:s2] =	stream.indirect.scatter.add.f32 [tilespmem:s20], [sflag:$0x3], $0x80, s8, s17, $0xb8;
	[tilespmem:$0x1D000] =	vst v63  }
0x10c: {  	_ =	swait.ge [sflag:s21], $0x4000  }
0x10d: {  	[sflag:s21] =	ssyncset.done $0x0  }
0x10e: {  	s28 =	rddreg [dreg:$0xd];
	[sflag:s21] =	ssyncadd.s32 $0xFFFFC000  }
0x10f: {  	[tilespmem:s20], [sflag:$0x1] =	stream.indirect.gather [hbm4b:s4+s17], $0x80, s28, s17, $0xb8;
	[tilespmem:$0x1D000] =	vst v63  }
0x110: {  	_ =	swait.ge [sflag:s24], $0x4000  }
0x111: {  	[sflag:s24] =	ssyncset.done $0x0  }
0x112: {  	s7 =	rddreg [dreg:$0xe];
	[sflag:s24] =	ssyncadd.s32 $0xFFFFC000  }
0x113: {  	[spmem:s2] =	stream.indirect.scatter.add.f32 [tilespmem:s18], [sflag:$0x4], $0x80, s7, s17, $0xb8;
	[tilespmem:$0x1D000] =	vst v63  }
0x114: {  	_ =	swait.ge [sflag:s25], $0x4000  }
0x115: {  	[sflag:s25] =	ssyncset.done $0x0  }
0x116: {  	s8 =	rddreg [dreg:$0xf];
	[sflag:s25] =	ssyncadd.s32 $0xFFFFC000  }
0x117: {  	[tilespmem:s18], [sflag:$0x2] =	stream.indirect.gather [hbm4b:s4+s17], $0x80, s8, s17, $0xb8;
	[tilespmem:$0x1D000] =	vst v63  }
0x118: {  	_ =	swait.ge [sflag:s19], $0x4000  }
0x119: {  	[sflag:s19] =	ssyncset.done $0x0  }
0x11a: {  	s28 =	rddreg [dreg:$0x10];
	[sflag:s19] =	ssyncadd.s32 $0xFFFFC000  }
0x11b: {  	[spmem:s2] =	stream.indirect.scatter.add.f32 [tilespmem:s20], [sflag:$0x3], $0x80, s28, s17, $0xb8;
	[tilespmem:$0x1D000] =	vst v63  }
0x11c: {  	_ =	swait.ge [sflag:s21], $0x4000  }
0x11d: {  	[sflag:s21] =	ssyncset.done $0x0  }
0x11e: {  	[sflag:s21] =	ssyncadd.s32 $0xFFFFC000  }
0x11f: {  	_ =	swait.ge [sflag:s26], $0x400  }
0x120: {  	[sflag:s26] =	ssyncset.done $0x0  }
0x121: {  	[sflag:s26] =	ssyncadd.s32 $0xFFFFFC00  }
0x122: {  	_ =	swait.ge [sflag:s26], $0x400  }
0x123: {  	[sflag:s26] =	ssyncset.done $0x0  }
0x124: {  	[sflag:s26] =	ssyncadd.s32 $0xFFFFFC00  }
0x125: {  	[tilespmem:s20], [sflag:$0x1] =	stream.indirect.gather [hbm4b:s4+s17], $0x80, s22, s17, $0xb8;
	[tilespmem:$0x1D000] =	vst v63  }
0x126: {  	_ =	swait.ge [sflag:s24], $0x4000  }
0x127: {  	[sflag:s24] =	ssyncset.done $0x0  }
0x128: {  	s7 =	rddreg [dreg:$0x11];
	[sflag:s24] =	ssyncadd.s32 $0xFFFFC000  }
0x129: {  	[spmem:s2] =	stream.indirect.scatter.add.f32 [tilespmem:s18], [sflag:$0x4], $0x80, s7, s17, $0xb8;
	[tilespmem:$0x1D000] =	vst v63  }
0x12a: {  	_ =	swait.ge [sflag:s25], $0x4000  }
0x12b: {  	[sflag:s25] =	ssyncset.done $0x0  }
0x12c: {  	s8 =	rddreg [dreg:$0x12];
	[sflag:s25] =	ssyncadd.s32 $0xFFFFC000  }
0x12d: {  	[tilespmem:s18], [sflag:$0x2] =	stream.indirect.gather [hbm4b:s4+s17], $0x80, s8, s17, $0xb8;
	[tilespmem:$0x1D000] =	vst v63  }
0x12e: {  	_ =	swait.ge [sflag:s19], $0x4000  }
0x12f: {  	[sflag:s19] =	ssyncset.done $0x0  }
0x130: {  	[sflag:s19] =	ssyncadd.s32 $0xFFFFC000  }
0x131: {  	[spmem:s2] =	stream.indirect.scatter.add.f32 [tilespmem:s20], [sflag:$0x3], $0x80, s23, s17, $0xb8;
	[tilespmem:$0x1D000] =	vst v63  }
0x132: {  	_ =	swait.ge [sflag:s21], $0x4000  }
0x133: {  	s31 =	sadd.s32 $0x800, s31;
	p1 =	seq.s32 s1, $0x400;
	[sflag:s21] =	ssyncset.done $0x0  }
0x134: {  	s1 =	sshrl.u32 @!p1 s31, $0x3;
	s28 =	rddreg [dreg:$0x13];
	[sflag:s21] =	ssyncadd.s32 $0xFFFFC000  }
0x135: {  	[tilespmem:s20], [sflag:$0x1] =	stream.indirect.gather [hbm4b:s4+s17], $0x80, s28, s17, $0xb8;
	[tilespmem:$0x1D000] =	vst v63  }
0x136: {  	s0 =	sadd.s32 @!p1 s5, s1;
	s7 =	simm.s32 @!p1 $0x0  }
0x137: {  	[tilespmem:s7], [sflag:$0x5] =	stream.linear.gather @!p1 [hbm4b:s0+s7], $0x400, $0x38;
	[tilespmem:$0x1D000] =	vst v63  }
0x138: {  	s1 =	sadd.s32 @!p1 s6, s1;
	s8 =	simm.s32 @!p1 $0x800  }
0x139: {  	[tilespmem:s8], [sflag:$0x5] =	stream.linear.gather @!p1 [hbm4b:s1+s7], $0x400, $0x38;
	[tilespmem:$0x1D000] =	vst v63  }
0x13a: {  	_ =	swait.ge [sflag:s24], $0x4000  }
0x13b: {  	[sflag:s24] =	ssyncset.done $0x0  }
0x13c: {  	s8 =	rddreg [dreg:$0x14];
	[sflag:s24] =	ssyncadd.s32 $0xFFFFC000  }
0x13d: {  	[spmem:s2] =	stream.indirect.scatter.add.f32 [tilespmem:s18], [sflag:$0x4], $0x80, s8, s17, $0xb8;
	[tilespmem:$0x1D000] =	vst v63  }
0x13e: {  	_ =	swait.ge [sflag:s25], $0x4000  }
0x13f: {  	[sflag:s25] =	ssyncset.done $0x0  }
0x140: {  	s28 =	rddreg [dreg:$0x15];
	[sflag:s25] =	ssyncadd.s32 $0xFFFFC000  }
0x141: {  	[tilespmem:s18], [sflag:$0x2] =	stream.indirect.gather [hbm4b:s4+s17], $0x80, s28, s17, $0xb8;
	[tilespmem:$0x1D000] =	vst v63  }
0x142: {  	_ =	swait.ge [sflag:s19], $0x4000  }
0x143: {  	[sflag:s19] =	ssyncset.done $0x0  }
0x144: {  	s1 =	rddreg [dreg:$0x16];
	[sflag:s19] =	ssyncadd.s32 $0xFFFFC000  }
0x145: {  	[spmem:s2] =	stream.indirect.scatter.add.f32 [tilespmem:s20], [sflag:$0x3], $0x80, s1, s17, $0xb8;
	[tilespmem:$0x1D000] =	vst v63  }
0x146: {  	_ =	swait.ge [sflag:s21], $0x4000  }
0x147: {  	[sflag:s21] =	ssyncset.done $0x0  }
0x148: {  	s7 =	rddreg [dreg:$0x17];
	[sflag:s21] =	ssyncadd.s32 $0xFFFFC000  }
0x149: {  	[tilespmem:s20], [sflag:$0x1] =	stream.indirect.gather [hbm4b:s4+s17], $0x80, s7, s17, $0xb8;
	[tilespmem:$0x1D000] =	vst v63  }
0x14a: {  	_ =	swait.ge [sflag:s24], $0x4000  }
0x14b: {  	[sflag:s24] =	ssyncset.done $0x0  }
0x14c: {  	s8 =	rddreg [dreg:$0x18];
	[sflag:s24] =	ssyncadd.s32 $0xFFFFC000  }
0x14d: {  	[spmem:s2] =	stream.indirect.scatter.add.f32 [tilespmem:s18], [sflag:$0x4], $0x80, s8, s17, $0xb8;
	[tilespmem:$0x1D000] =	vst v63  }
0x14e: {  	_ =	swait.ge [sflag:s25], $0x4000  }
0x14f: {  	[sflag:s25] =	ssyncset.done $0x0  }
0x150: {  	s28 =	rddreg [dreg:$0x19];
	[sflag:s25] =	ssyncadd.s32 $0xFFFFC000  }
0x151: {  	[tilespmem:s18], [sflag:$0x2] =	stream.indirect.gather [hbm4b:s4+s17], $0x80, s28, s17, $0xb8;
	[tilespmem:$0x1D000] =	vst v63  }
0x152: {  	_ =	swait.ge [sflag:s19], $0x4000  }
0x153: {  	[sflag:s19] =	ssyncset.done $0x0  }
0x154: {  	s1 =	rddreg [dreg:$0x1a];
	[sflag:s19] =	ssyncadd.s32 $0xFFFFC000  }
0x155: {  	[spmem:s2] =	stream.indirect.scatter.add.f32 [tilespmem:s20], [sflag:$0x3], $0x80, s1, s17, $0xb8;
	[tilespmem:$0x1D000] =	vst v63  }
0x156: {  	_ =	swait.ge [sflag:s21], $0x4000  }
0x157: {  	[sflag:s21] =	ssyncset.done $0x0  }
0x158: {  	s7 =	rddreg [dreg:$0x1b];
	[sflag:s21] =	ssyncadd.s32 $0xFFFFC000  }
0x159: {  	[tilespmem:s20], [sflag:$0x1] =	stream.indirect.gather [hbm4b:s4+s17], $0x80, s7, s17, $0xb8;
	[tilespmem:$0x1D000] =	vst v63  }
0x15a: {  	_ =	swait.ge [sflag:s24], $0x4000  }
0x15b: {  	[sflag:s24] =	ssyncset.done $0x0  }
0x15c: {  	s8 =	rddreg [dreg:$0x1c];
	[sflag:s24] =	ssyncadd.s32 $0xFFFFC000  }
0x15d: {  	[spmem:s2] =	stream.indirect.scatter.add.f32 [tilespmem:s18], [sflag:$0x4], $0x80, s8, s17, $0xb8;
	[tilespmem:$0x1D000] =	vst v63  }
0x15e: {  	s30 =	sadd.s32 $0x100, s30;
	_ =	swait.ge [sflag:s25], $0x4000  }
0x15f: {  	p0 =	sne.s32 s30, $0x500;
	[sflag:s25] =	ssyncset.done $0x0  }
.Ltmp0:
0x160: {  	s28 =	rddreg [dreg:$0x1d];
	[sflag:s25] =	ssyncadd.s32 $0xFFFFC000;
	(pc) =	sbr.rel @p0 .LBB2_2-.Ltmp0, $4  }
0x161: {  	[tilespmem:s18], [sflag:$0x2] =	stream.indirect.gather [hbm4b:s4+s17], $0x80, s28, s17, $0xb8;
	[tilespmem:$0x1D000] =	vst v63  }
0x162: {  	_ =	swait.ge [sflag:s19], $0x4000  }
0x163: {  	[sflag:s19] =	ssyncset.done $0x0  }
0x164: {  	s0 =	rddreg [dreg:$0x1e];
	[sflag:s19] =	ssyncadd.s32 $0xFFFFC000  }
0x165: {  	[spmem:s2] =	stream.indirect.scatter.add.f32 [tilespmem:s20], [sflag:$0x3], $0x80, s0, s17, $0xb8;
	[tilespmem:$0x1D000] =	vst v63  }
0x166: {  	_ =	swait.ge [sflag:s24], $0x4000  }
0x167: {  	[sflag:s24] =	ssyncset.done $0x0  }
0x168: {  	s31 =	simm.s32 $0xF80;
	[sflag:s24] =	ssyncadd.s32 $0xFFFFC000  }
0x169: {  	[spmem:s2] =	stream.indirect.scatter.add.f32 [tilespmem:s18], [sflag:$0x4], $0x80, s31, s17, $0xb8;
	[tilespmem:$0x1D000] =	vst v63  }
0x16a: {  	_ =	swait.ge [sflag:s21], $0x4000  }
0x16b: {  	[sflag:s21] =	ssyncset.done $0x0  }
0x16c: {  	[sflag:s21] =	ssyncadd.s32 $0xFFFFC000  }
0x16d: {  	_ =	swait.ge [sflag:s25], $0x4000  }
0x16e: {  	s29 =	sadd.s32 $0x1, s29;
	[sflag:s25] =	ssyncset.done $0x0  }
0x16f: {  	p0 =	sne.s32 s29, s11;
	[sflag:s25] =	ssyncadd.s32 $0xFFFFC000  }
.Ltmp1:
0x170: {  	[bflag:$0x0] =	sbarrier.arrive $0xFFFF;
	(pc) =	sbr.rel @p0 .LBB2_1-.Ltmp1, $4  }
0x171: {  	[hbm:s10], [sflag:s15] =	dma.local [spmem:s16], $0x2800  }
0x172: {  	_ =	swait.ge [sflag:s13], $0x2800  }
0x173: {  	[sflag:s13] =	ssyncset.done $0x0  }
0x174: {  	[sflag:s13] =	ssyncadd.s32 $0xFFFFD800  }
0x175: {  	_ =	sfence.sel $0x180000  }
0x176: {  	[bflag:$0x0] =	sbarrier.arrive $0xFFFF  }
0x177: {  	_ =	strace $0x9000004D  }
0x178: {  	s0 =	stileid.u32;
	[bflag:$0x2] =	sbarrier.arrive $0xFFFF  }
0x179: {  	p0 =	sne.s32 s0, $0x0;
	s0 =	rddreg [dreg:$0x2]  }
0x17a: {  	s0 =	sadd.s32 @!p0 $0x100000, s0  }
0x17b: {  	[sflag:s0] =	ssyncadd.tile.s32 @!p0 $0x1;
	_ =	shalt  }
.Lfunc_end2:
_tile_overlayer_lowered:
.L_overlay_start_2:
0x17c: {  	(tag) =	ssettag $0x2  }
0x17d: {  	s0 =	rddreg [dreg:$0x0];
	s2 =	stileid.u32  }
0x17e: {  	s1 =	rddreg [dreg:$0x1];
	p0 =	sne.s32 s2, $0x0  }
0x17f: {  	s3 =	rddreg [dreg:$0x2];
	[bflag:$0x3] =	sbarrier.arrive $0xFFFF;
	s2 =	simm.s32 @!p0 $0x1C06  }
0x180: {  	[timem:s3], [sflag:s2] =	dma.local @!p0 [hbm:s0], s1  }
0x181: {  	s0 =	simm.s32 @!p0 $0x6  }
0x182: {  	_ =	swait.ge @!p0 [sflag:s0], s1  }
0x183: {  	s1 =	ssub.s32 @!p0 $0x0, s1;
	[sflag:s0] =	ssyncset.done @!p0 $0x0  }
0x184: {  	[sflag:s0] =	ssyncadd.s32 @!p0 s1  }
0x185: {  	[bflag:$0x3] =	sbarrier.arrive $0xFFFF  }
0x186: {  	_ =	shalt  }

// kernel: kernel.19.cloned.1.call-start
scs
__scs_entry_jumppad:
0x0: {  	(pc) =	sbr.rel $0x88, $3  }
0x1: {  	(tag) =	ssettag $0x0;
	lr =	simm.s32 $0x1  }
0x2: {  	[smem:$0x3F99] =	sst lr;
	_ =	strace $0xD0000000  }
0x3: {  	_ = 	snop  }
0x4: {  	_ = 	snop  }
0x5: {  	_ = 	snop  }
0x6: {  	_ = 	snop  }
0x7: {  	_ = 	snop  }
__scs_overlays_trampoline_lowered:
0x8: {  	[smem:$0x3FA8] =	sst s0  }
0x9: {  	[smem:$0x3FA9] =	sst s1  }
0xa: {  	[smem:$0x3FAA] =	sst s2  }
0xb: {  	[smem:$0x3FAB] =	sst s3  }
0xc: {  	[smem:$0x3FAC] =	sst s4  }
0xd: {  	[smem:$0x3FAD] =	sst s5  }
0xe: {  	[smem:$0x3FAE] =	sst s6  }
0xf: {  	[smem:$0x3FAF] =	sst s7  }
0x10: {  	[smem:$0x3FB0] =	sst s8  }
0x11: {  	[smem:$0x3FB1] =	sst s9;
	s0 =	simm.s32 @!p0 $0x0  }
0x12: {  	s1 =	sld [smem:$0x3F97];
	s0 =	simm.s32 @p0 $0x1  }
0x13: {  	[smem:$0x3FB2] =	sst s0;
	s0 =	simm.s32 @!p1 $0x0  }
0x14: {  	s2 =	sld [smem:$0x3F96];
	s0 =	simm.s32 @p1 $0x1  }
0x15: {  	[smem:$0x3FB3] =	sst s0;
	s0 =	simm.s32 @!p2 $0x0  }
0x16: {  	s3 =	sld [smem:$0x3FDB];
	s0 =	simm.s32 @p2 $0x1  }
0x17: {  	s4 =	simm.s32 $0x1BF5;
	[smem:$0x3FB5] =	sst s0  }
0x18: {  	s0 =	sld [smem:$0x3F98];
	_ =	swait.ge [sflag:s4], $0x0  }
0x19: {  	s7 =	sld [smem:$0x3F99]  }
0x1a: {  	s8 =	sadd.s32 $0xFFFFE003, lr  }
0x1b: {  	s9 =	sadd.s32 $0xFFFFFEF7, lr;
	s5 =	simm.s32 $0xFFFFFFFF;
	p2 =	slt.u32 s8, $0xFFFFF086  }
0x1c: {  	p1 =	slt.u32 s9, $0xF7A;
	s5 =	simm.s32 @!p2 $0x0  }
0x1d: {  	s5 =	simm.s32 @p1 $0x1;
	p0 =	seq.s32 s7, s2  }
0x1e: {  	s7 =	smul.u32 @!p0 $0xF7A, s2;
	p2 =	seq.s32 @!p0 s5, $0x0  }
0x1f: {  	s9 =	smul.u32 $0xF7A, s1;
	s8 =	simm.s32 @!p0 $0x1BF5;
	p2 =	por !p2, p0  }
0x20: {  	[sflag:s8] =	ssyncset.s32 @!p0 $0xFFFFF086;
	s6 =	sadd.s32 @!p0 s3, s7;
	s7 =	simm.s32 @!p0 $0x108  }
0x21: {  	s3 =	sadd.s32 s3, s9;
	s6 =	sadd.s32 @!p0 $0x88, s6;
	s7 =	simm.s32 @p2 $0x1082  }
0x22: {  	[simem:s7], [sflag:s8] =	dma.local @!p0 [hbm:s6], $0xF7A  }
0x23: {  	s9 =	sor.u32 $0xD0000000, s2;
	s6 =	simm.s32 $0x108;
	_ =	swait.ge @!p0 [sflag:s8], $0x0  }
0x24: {  	s3 =	sadd.s32 $0x88, s3;
	s6 =	simm.s32 @!p1 $0x1082;
	[sflag:s4] =	ssyncset.s32 $0xFFFFF086  }
0x25: {  	[simem:s6], [sflag:s4] =	dma.local [hbm:s3], $0xF7A  }
0x26: {  	[smem:$0x3F99] =	sst s1;
	(tag) =	ssettag s2;
	_ =	strace s9  }
0x27: {  	s1 =	sld [smem:$0x3FA9]  }
0x28: {  	s2 =	sld [smem:$0x3FAA]  }
0x29: {  	s4 =	sld [smem:$0x3FAC]  }
0x2a: {  	p0 =	seq.s32 s5, $0x0;
	s5 =	sld [smem:$0x3FAD]  }
0x2b: {  	s6 =	sld [smem:$0x3FAE]  }
0x2c: {  	s7 =	sld [smem:$0x3FAF]  }
0x2d: {  	s3 =	simm.s32 $0x108;
	s8 =	sld [smem:$0x3FB0]  }
0x2e: {  	s3 =	simm.s32 @!p0 $0x1082;
	s9 =	sld [smem:$0x3FB1]  }
0x2f: {  	lr =	sadd.s32 s0, s3;
	s0 =	sld [smem:$0x3FA8]  }
0x30: {  	s3 =	sld [smem:$0x3FAB]  }
0x31: {  	[smem:$0x3FB4] =	sst s10  }
0x32: {  	s10 =	sld [smem:$0x3FB2];
	_ =	sdelay $0x3  }
0x33: {  	p0 =	seq.s32 s10, $0x1;
	s10 =	sld [smem:$0x3FB4];
	_ =	sdelay $0x3  }
0x34: {  	[smem:$0x3FB4] =	sst s10  }
0x35: {  	s10 =	sld [smem:$0x3FB3];
	_ =	sdelay $0x3  }
0x36: {  	p1 =	seq.s32 s10, $0x1;
	s10 =	sld [smem:$0x3FB4];
	_ =	sdelay $0x3  }
0x37: {  	[smem:$0x3FB4] =	sst s10  }
0x38: {  	s10 =	sld [smem:$0x3FB5]  }
0x39: {  	_ = 	snop;
	(pc) =	sbr.ind lr, $3  }
0x3a: {  	_ = 	snop  }
0x3b: {  	_ = 	snop  }
0x3c: {  	p2 =	seq.s32 s10, $0x1;
	s10 =	sld [smem:$0x3FB4]  }
0x3d: {  	_ =	shalt  }
0x3e: {  	_ =	shalt  }
0x3f: {  	_ =	shalt  }
0x40: {  	_ =	shalt  }
0x41: {  	_ =	shalt  }
0x42: {  	_ =	shalt  }
0x43: {  	_ =	shalt  }
0x44: {  	_ =	shalt  }
0x45: {  	_ =	shalt  }
0x46: {  	_ =	shalt  }
0x47: {  	_ =	shalt  }
0x48: {  	_ =	shalt  }
0x49: {  	_ =	shalt  }
0x4a: {  	_ =	shalt  }
0x4b: {  	_ =	shalt  }
0x4c: {  	_ =	shalt  }
0x4d: {  	_ =	shalt  }
0x4e: {  	_ =	shalt  }
0x4f: {  	_ =	shalt  }
0x50: {  	_ =	shalt  }
0x51: {  	_ =	shalt  }
0x52: {  	_ =	shalt  }
0x53: {  	_ =	shalt  }
0x54: {  	_ =	shalt  }
0x55: {  	_ =	shalt  }
0x56: {  	_ =	shalt  }
0x57: {  	_ =	shalt  }
0x58: {  	_ =	shalt  }
0x59: {  	_ =	shalt  }
0x5a: {  	_ =	shalt  }
0x5b: {  	_ =	shalt  }
0x5c: {  	_ =	shalt  }
0x5d: {  	_ =	shalt  }
0x5e: {  	_ =	shalt  }
0x5f: {  	_ =	shalt  }
0x60: {  	_ =	shalt  }
0x61: {  	_ =	shalt  }
0x62: {  	_ =	shalt  }
0x63: {  	_ =	shalt  }
0x64: {  	_ =	shalt  }
0x65: {  	_ =	shalt  }
0x66: {  	_ =	shalt  }
0x67: {  	_ =	shalt  }
0x68: {  	_ =	shalt  }
0x69: {  	_ =	shalt  }
0x6a: {  	_ =	shalt  }
0x6b: {  	_ =	shalt  }
0x6c: {  	_ =	shalt  }
0x6d: {  	_ =	shalt  }
0x6e: {  	_ =	shalt  }
0x6f: {  	_ =	shalt  }
0x70: {  	_ =	shalt  }
0x71: {  	_ =	shalt  }
0x72: {  	_ =	shalt  }
0x73: {  	_ =	shalt  }
0x74: {  	_ =	shalt  }
0x75: {  	_ =	shalt  }
0x76: {  	_ =	shalt  }
0x77: {  	_ =	shalt  }
0x78: {  	_ =	shalt  }
0x79: {  	_ =	shalt  }
0x7a: {  	_ =	shalt  }
0x7b: {  	_ =	shalt  }
0x7c: {  	_ =	shalt  }
0x7d: {  	_ =	shalt  }
0x7e: {  	_ =	shalt  }
0x7f: {  	_ =	shalt  }
0x80: {  	_ =	shalt  }
0x81: {  	_ =	shalt  }
0x82: {  	_ =	shalt  }
0x83: {  	_ =	shalt  }
0x84: {  	_ =	shalt  }
0x85: {  	_ =	shalt  }
0x86: {  	_ =	shalt  }
0x87: {  	_ =	shalt  }
.Lfunc_end0:
.L_simem_size_0:
called_computation.3_lowered:
.L_overlay_start_0:
0x88: {  	s2 =	sld [smem:$0x3FD9]  }
0x89: {  	s3 =	sld [smem:$0x3FFE];
	_ =	sdelay $0x1  }
0x8a: {  	s1 =	srdreg.scid  }
0x8b: {  	s0 =	sand.u32 $0x1, s1  }
0x8c: {  	s17 =	sshll.u32 s0, $0xA;
	s2 =	sadd.s32 s3, s2  }
0x8d: {  	s2 =	sadd.s32 s2, s17  }
0x8e: {  	[smem:$0x3FC0] =	sst s2  }
0x8f: {  	_ = 	snop  }
0x90: {  	s2 =	sld [smem:$0x3FD0];
	(tm) =	ssettm $0x1  }
0x91: {  	s18 =	sld [smem:$0x3FFB];
	_ =	sdelay $0x3  }
0x92: {  	_ =	strace s18  }
0x93: {  	s3 =	sld [smem:$0x3FFC];
	_ =	sdelay $0x3  }
0x94: {  	_ =	strace s3  }
0x95: {  	s3 =	sld [smem:$0x3FFD];
	_ =	sdelay $0x3  }
0x96: {  	_ =	strace s3  }
0x97: {  	_ =	strace $0x8FFFFFFF  }
0x98: {  	s19 =	sld [smem:$0x3FDB];
	_ =	sdelay $0x1  }
0x99: {  	s4 =	simm.s32 $_scs_section_size  }
0x9a: {  	s5 =	simm.s32 $_size__tile_overlayer_lowered;
	s6 =	simm.s32 $_tile_overlayer_lowered  }
0x9b: {  	s22 =	simm.s32 $0x1BFF;
	s21 =	sshll.u32 s6, $0x1;
	s3 =	sadd.s32 s4, s19  }
0x9c: {  	s7 =	simm.s32 $0x0;
	s20 =	sshll.u32 s5, $0x1;
	s5 =	sadd.s32 s21, s3  }
0x9d: {  	[timem:s7], [sflag:s22] =	dma.local [hbm:s5], s20  }
0x9e: {  	_ =	swait.ge [sflag:s22], s20  }
0x9f: {  	s4 =	ssub.s32 $0x0, s20;
	[sflag:s22] =	ssyncset.done $0x0  }
0xa0: {  	[sflag:s22] =	ssyncadd.s32 s4;
	_ =	sdelay $0x1  }
0xa1: {  	s23 =	simm.s32 $0x1B8B  }
0xa2: {  	_ =	swait.ge [sflag:s23], $0x1  }
0xa3: {  	[sflag:s23] =	ssyncset.done $0x0  }
0xa4: {  	s25 =	simm.s32 $0x1B8E;
	s24 =	sld [smem:$0x3FFE];
	[sflag:s23] =	ssyncadd.s32 $0xFFFFFFFF  }
0xa5: {  	s26 =	simm.s32 $execute0_lowered;
	[smem:$0x3FD2] =	sst s25  }
0xa6: {  	s5 =	sshll.u32 s26, $0x1;
	_ =	strace $0x8000004F;
	[dreg:$0x1] =	wrdreg $0xFFFFFFFF  }
0xa7: {  	s28 =	simm.s32 $_size_execute0_lowered;
	s3 =	sadd.s32 s3, s5;
	[dreg:$0x0] =	wrdreg $0x0  }
0xa8: {  	s5 =	sshll.u32 s28, $0x1;
	[dreg:$0x2] =	wrdreg s3  }
0xa9: {  	[dreg:$0x3] =	wrdreg s5  }
0xaa: {  	[dreg:$0x4] =	wrdreg $0xC0  }
0xab: {  	_ =	task [dreg:s7], $0x5FFFF  }
0xac: {  	[dreg:$0x1] =	wrdreg $0xFFFFFFFF  }
0xad: {  	[dreg:$0x0] =	wrdreg $0x60  }
0xae: {  	[dreg:$0x2] =	wrdreg s2  }
0xaf: {  	[dreg:$0x3] =	wrdreg s24  }
0xb0: {  	[dreg:$0x4] =	wrdreg $0x70000  }
0xb1: {  	[dreg:$0x5] =	wrdreg $0x9  }
0xb2: {  	_ =	task.clear_ibuf [dreg:s7], $0x6FFFF;
	_ =	strace $0x9000004F  }
0xb3: {  	s29 =	simm.s32 $0x9;
	_ =	strace $0x80000051  }
0xb4: {  	_ =	swait.ge [sflag:s29], $0x1  }
0xb5: {  	[sflag:s29] =	ssyncadd.s32 $0xFFFFFFFF  }
0xb6: {  	_ =	strace $0x90000051  }
0xb7: {  	_ =	sfence  }
0xb8: {  	s30 =	sld [smem:$0x0];
	_ =	sdelay $0x2  }
0xb9: {  	s31 =	sshll.u32 s1, $0xD;
	s1 =	sshrl.u32 s1, $0x2  }
0xba: {  	s3 =	sand.u32 $0x4000, s31;
	s1 =	sadd.s32 s1, s30  }
0xbb: {  	s0 =	sor.u32 s3, s0;
	s1 =	sshll.u32 s1, $0x11  }
0xbc: {  	s0 =	sor.u32 s1, s0  }
0xbd: {  	s0 =	sadd.s32 $0x8F2B, s0  }
0xbe: {  	[sflag:s0] =	ssyncadd.remote.s32 $0x1  }
0xbf: {  	_ =	sfence.sel $0xFFFF  }
0xc0: {  	[dreg:$0x0] =	wrdreg $0xFFFFFFFF;
	(pc) =	sbr.abs _section_cstart, $3  }
0xc1: {  	[dreg:$0x1] =	wrdreg $0xFFFFFFFF  }
0xc2: {  	_ =	task.clear_ibuf [dreg:s7], $0x2FFFF;
	_ =	strace $0x9FFFFFFF  }
0xc3: {  	(tm) =	ssettm $0x7FFFFFFF  }
tec
execute0_lowered:
.L_overlay_start_1:
0x0: {  	(tag) =	ssettag $0x1  }
0x1: {  	s1 =	rddreg [dreg:$0x0]  }
0x2: {  	s0 =	srdreg.scid;
	s5 =	rddreg [dreg:$0x1]  }
0x3: {  	s11 =	stileid.u32;
	s3 =	rddreg [dreg:$0x2]  }
0x4: {  	s4 =	simm.s32 $0x0;
	s14 =	simm.s32 $0x80;
	s15 =	simm.s32 $0x5000  }
0x5: {  	s16 =	simm.s32 $0x5800;
	s18 =	simm.s32 $0x6000;
	s20 =	simm.s32 $0x6800  }
0x6: {  	s21 =	simm.s32 $0x1;
	s23 =	simm.s32 $0x3;
	s26 =	simm.s32 $0x2  }
0x7: {  	s30 =	simm.s32 $0x4;
	s31 =	simm.s32 $0x2700;
	s17 =	simm.s32 $0x4E80  }
0x8: {  	s19 =	simm.s32 $0x4F00;
	s22 =	simm.s32 $0x4F80;
	s24 =	simm.s32 $0x0  }
0x9: {  	s0 =	sand.u32 $0x1, s0;
	s7 =	smul.u32 $0x2800, s11;
	[smem:$0x7FF] =	sst s4  }
0xa: {  	s29 =	sshll.u32 s11, $0x6;
	s2 =	sshll.u32 s0, $0x4;
	s6 =	smul.u32 $0x28000, s0  }
0xb: {  	_ =	strace $0x80000050;
	s0 =	ssub.s32 $0x2, s0;
	s12 =	sor.u32 $0x1C05, s29  }
0xc: {  	s2 =	sor.u32 s11, s2;
	s8 =	sshrl.u32 s7, $0x3;
	s9 =	sshrl.u32 s0, $0x1  }
0xd: {  	s28 =	sadd.s32 s7, s3;
	s11 =	simm.s32 $0x2800;
	s2 =	smul.u32 $0x500, s2  }
0xe: {  	s6 =	sadd.s32 s7, s6;
	s8 =	sadd.s32 s8, s5;
	s0 =	ssub.s32 s0, s9  }
0xf: {  	s13 =	sshrl.u32 s28, $0x3;
	s6 =	sshrl.u32 s6, $0x3;
	s7 =	sadd.s32 $0xC400, s8  }
0x10: {  	s9 =	smax.u32 s0, $0x1;
	s0 =	simm.s32 $0x4E00;
	s2 =	sadd.s32 s2, s5  }
0x11: {  	s10 =	sadd.s32 s6, s5;
	s5 =	sadd.s32 $0x11400, s2;
	s6 =	sadd.s32 $0x2400, s2  }
0x12: {  	s8 =	sadd.s32 $0x1B400, s10;
	s10 =	simm.s32 $0x5;
	s2 =	simm.s32 $0x2780  }
.LBB2_1:
0x13: {  	[tilespmem:s4], [sflag:$0x5] =	stream.linear.gather [hbm4b:s5+s4], $0x2800, $0x38;
	[tilespmem:$0x9800] =	vst v63  }
0x14: {  	_ =	swait.ge [sflag:s10], $0x2800  }
0x15: {  	[sflag:s10] =	ssyncset.done $0x0  }
0x16: {  	[sflag:s10] =	ssyncadd.s32 $0xFFFFD800  }
0x17: {  	[tilespmem:s11], [sflag:$0x5] =	stream.linear.gather [hbm4b:s6+s4], $0x2800, $0x38;
	[tilespmem:$0x9800] =	vst v63  }
0x18: {  	_ =	swait.ge [sflag:s10], $0x2800  }
0x19: {  	[sflag:s10] =	ssyncset.done $0x0  }
0x1a: {  	[sflag:s10] =	ssyncadd.s32 $0xFFFFD800  }
0x1b: {  	[spmem:s13], [sflag:s12] =	dma.local [hbm:s7], $0x500  }
0x1c: {  	_ =	swait.ge [sflag:s10], $0x500  }
0x1d: {  	[sflag:s10] =	ssyncset.done $0x0  }
0x1e: {  	[sflag:s10] =	ssyncadd.s32 $0xFFFFFB00  }
0x1f: {  	[bflag:$0x0] =	sbarrier.arrive $0xFFFF  }
0x20: {  	[tilespmem:s15], [sflag:$0x1] =	stream.indirect.gather [hbm4b:s1+s14], $0x10, s4, s14, $0xb8;
	[tilespmem:$0x9800] =	vst v63  }
0x21: {  	_ = 	snop  }
0x22: {  	[tilespmem:s16], [sflag:$0x1] =	stream.indirect.gather [hbm4b:s1+s14], $0x10, s14, s14, $0xb8;
	[tilespmem:$0x9800] =	vst v63  }
0x23: {  	s25 =	simm.s32 $0x100  }
0x24: {  	[tilespmem:s18], [sflag:$0x2] =	stream.indirect.gather [hbm4b:s1+s14], $0x10, s25, s14, $0xb8;
	[tilespmem:$0x9800] =	vst v63  }
0x25: {  	s29 =	simm.s32 $0x180  }
0x26: {  	[tilespmem:s20], [sflag:$0x2] =	stream.indirect.gather [hbm4b:s1+s14], $0x10, s29, s14, $0xb8;
	[tilespmem:$0x9800] =	vst v63  }
0x27: {  	_ =	swait.ge [sflag:s21], $0x800  }
0x28: {  	[sflag:s21] =	ssyncset.done $0x0  }
0x29: {  	[sflag:s21] =	ssyncadd.s32 $0xFFFFF800  }
0x2a: {  	_ =	swait.ge [sflag:s21], $0x800  }
0x2b: {  	[sflag:s21] =	ssyncset.done $0x0  }
0x2c: {  	[sflag:s21] =	ssyncadd.s32 $0xFFFFF800  }
0x2d: {  	[spmem:s3] =	stream.indirect.scatter.add.f32 [tilespmem:s15], [sflag:$0x3], $0x10, s11, s14, $0xb8;
	[tilespmem:$0x9800] =	vst v63  }
0x2e: {  	s29 =	simm.s32 $0x2880  }
0x2f: {  	[spmem:s3] =	stream.indirect.scatter.add.f32 [tilespmem:s16], [sflag:$0x3], $0x10, s29, s14, $0xb8;
	[tilespmem:$0x9800] =	vst v63  }
0x30: {  	_ =	swait.ge [sflag:s23], $0x800  }
0x31: {  	[sflag:s23] =	ssyncset.done $0x0  }
0x32: {  	[sflag:s23] =	ssyncadd.s32 $0xFFFFF800  }
0x33: {  	_ =	swait.ge [sflag:s23], $0x800  }
0x34: {  	[sflag:s23] =	ssyncset.done $0x0  }
0x35: {  	s29 =	simm.s32 $0x200;
	[sflag:s23] =	ssyncadd.s32 $0xFFFFF800  }
0x36: {  	[tilespmem:s15], [sflag:$0x1] =	stream.indirect.gather [hbm4b:s1+s14], $0x10, s29, s14, $0xb8;
	[tilespmem:$0x9800] =	vst v63  }
0x37: {  	s29 =	simm.s32 $0x280  }
0x38: {  	[tilespmem:s16], [sflag:$0x1] =	stream.indirect.gather [hbm4b:s1+s14], $0x10, s29, s14, $0xb8;
	[tilespmem:$0x9800] =	vst v63  }
0x39: {  	_ =	swait.ge [sflag:s26], $0x800  }
0x3a: {  	[sflag:s26] =	ssyncset.done $0x0  }
0x3b: {  	[sflag:s26] =	ssyncadd.s32 $0xFFFFF800  }
0x3c: {  	_ =	swait.ge [sflag:s26], $0x800  }
0x3d: {  	[sflag:s26] =	ssyncset.done $0x0  }
0x3e: {  	s29 =	simm.s32 $0x2900;
	[sflag:s26] =	ssyncadd.s32 $0xFFFFF800  }
0x3f: {  	[spmem:s3] =	stream.indirect.scatter.add.f32 [tilespmem:s18], [sflag:$0x4], $0x10, s29, s14, $0xb8;
	[tilespmem:$0x9800] =	vst v63  }
0x40: {  	s29 =	simm.s32 $0x2980  }
0x41: {  	[spmem:s3] =	stream.indirect.scatter.add.f32 [tilespmem:s20], [sflag:$0x4], $0x10, s29, s14, $0xb8;
	[tilespmem:$0x9800] =	vst v63  }
0x42: {  	_ =	swait.ge [sflag:s30], $0x800  }
0x43: {  	[sflag:s30] =	ssyncset.done $0x0  }
0x44: {  	[sflag:s30] =	ssyncadd.s32 $0xFFFFF800  }
0x45: {  	_ =	swait.ge [sflag:s30], $0x800  }
0x46: {  	[sflag:s30] =	ssyncset.done $0x0  }
0x47: {  	s29 =	simm.s32 $0x300;
	[sflag:s30] =	ssyncadd.s32 $0xFFFFF800  }
0x48: {  	[tilespmem:s18], [sflag:$0x2] =	stream.indirect.gather [hbm4b:s1+s14], $0x10, s29, s14, $0xb8;
	[tilespmem:$0x9800] =	vst v63  }
0x49: {  	s29 =	simm.s32 $0x380  }
0x4a: {  	[tilespmem:s20], [sflag:$0x2] =	stream.indirect.gather [hbm4b:s1+s14], $0x10, s29, s14, $0xb8;
	[tilespmem:$0x9800] =	vst v63  }
0x4b: {  	_ =	swait.ge [sflag:s21], $0x800  }
0x4c: {  	[sflag:s21] =	ssyncset.done $0x0  }
0x4d: {  	[sflag:s21] =	ssyncadd.s32 $0xFFFFF800  }
0x4e: {  	_ =	swait.ge [sflag:s21], $0x800  }
0x4f: {  	[sflag:s21] =	ssyncset.done $0x0  }
0x50: {  	s29 =	simm.s32 $0x2A00;
	[sflag:s21] =	ssyncadd.s32 $0xFFFFF800  }
0x51: {  	[spmem:s3] =	stream.indirect.scatter.add.f32 [tilespmem:s15], [sflag:$0x3], $0x10, s29, s14, $0xb8;
	[tilespmem:$0x9800] =	vst v63  }
0x52: {  	s29 =	simm.s32 $0x2A80  }
0x53: {  	[spmem:s3] =	stream.indirect.scatter.add.f32 [tilespmem:s16], [sflag:$0x3], $0x10, s29, s14, $0xb8;
	[tilespmem:$0x9800] =	vst v63  }
0x54: {  	_ =	swait.ge [sflag:s23], $0x800  }
0x55: {  	[sflag:s23] =	ssyncset.done $0x0  }
0x56: {  	[sflag:s23] =	ssyncadd.s32 $0xFFFFF800  }
0x57: {  	_ =	swait.ge [sflag:s23], $0x800  }
0x58: {  	[sflag:s23] =	ssyncset.done $0x0  }
0x59: {  	s29 =	simm.s32 $0x400;
	[sflag:s23] =	ssyncadd.s32 $0xFFFFF800  }
0x5a: {  	[tilespmem:s15], [sflag:$0x1] =	stream.indirect.gather [hbm4b:s1+s14], $0x10, s29, s14, $0xb8;
	[tilespmem:$0x9800] =	vst v63  }
0x5b: {  	s29 =	simm.s32 $0x480  }
0x5c: {  	[tilespmem:s16], [sflag:$0x1] =	stream.indirect.gather [hbm4b:s1+s14], $0x10, s29, s14, $0xb8;
	[tilespmem:$0x9800] =	vst v63  }
0x5d: {  	_ =	swait.ge [sflag:s26], $0x800  }
0x5e: {  	[sflag:s26] =	ssyncset.done $0x0  }
0x5f: {  	[sflag:s26] =	ssyncadd.s32 $0xFFFFF800  }
0x60: {  	_ =	swait.ge [sflag:s26], $0x800  }
0x61: {  	s28 =	simm.s32 $0x2B80;
	[sflag:s26] =	ssyncset.done $0x0  }
0x62: {  	s25 =	simm.s32 $0x800;
	s29 =	simm.s32 $0x2B00;
	[sflag:s26] =	ssyncadd.s32 $0xFFFFF800  }
0x63: {  	[spmem:s3] =	stream.indirect.scatter.add.f32 [tilespmem:s18], [sflag:$0x4], $0x10, s29, s14, $0xb8;
	[tilespmem:$0x9800] =	vst v63  }
.LBB2_2:
0x64: {  	[spmem:s3] =	stream.indirect.scatter.add.f32 [tilespmem:s20], [sflag:$0x4], $0x10, s28, s14, $0xb8;
	[tilespmem:$0x9800] =	vst v63  }
0x65: {  	s28 =	smov.u32 s25  }
0x66: {  	p0 =	sne.s32 s25, $0x8800;
	s25 =	sadd.s32 $0x800, s25;
	_ =	swait.ge [sflag:s30], $0x800  }
0x67: {  	[sflag:s30] =	ssyncset.done $0x0  }
0x68: {  	[sflag:s30] =	ssyncadd.s32 $0xFFFFF800  }
0x69: {  	_ =	swait.ge [sflag:s30], $0x800  }
0x6a: {  	s28 =	sshra.s32 s28, $0x2;
	[sflag:s30] =	ssyncset.done $0x0  }
0x6b: {  	s29 =	sadd.s32 $0x300, s28;
	[sflag:s30] =	ssyncadd.s32 $0xFFFFF800  }
0x6c: {  	[tilespmem:s18], [sflag:$0x2] =	stream.indirect.gather [hbm4b:s1+s14], $0x10, s29, s14, $0xb8;
	[tilespmem:$0x9800] =	vst v63  }
0x6d: {  	s29 =	sadd.s32 $0x380, s28  }
0x6e: {  	[tilespmem:s20], [sflag:$0x2] =	stream.indirect.gather [hbm4b:s1+s14], $0x10, s29, s14, $0xb8;
	[tilespmem:$0x9800] =	vst v63  }
0x6f: {  	_ =	swait.ge [sflag:s21], $0x800  }
0x70: {  	[sflag:s21] =	ssyncset.done $0x0  }
0x71: {  	[sflag:s21] =	ssyncadd.s32 $0xFFFFF800  }
0x72: {  	_ =	swait.ge [sflag:s21], $0x800  }
0x73: {  	[sflag:s21] =	ssyncset.done $0x0  }
0x74: {  	s29 =	sadd.s32 $0x2A00, s28;
	[sflag:s21] =	ssyncadd.s32 $0xFFFFF800  }
0x75: {  	[spmem:s3] =	stream.indirect.scatter.add.f32 [tilespmem:s15], [sflag:$0x3], $0x10, s29, s14, $0xb8;
	[tilespmem:$0x9800] =	vst v63  }
0x76: {  	s29 =	sadd.s32 $0x2A80, s28  }
0x77: {  	[spmem:s3] =	stream.indirect.scatter.add.f32 [tilespmem:s16], [sflag:$0x3], $0x10, s29, s14, $0xb8;
	[tilespmem:$0x9800] =	vst v63  }
0x78: {  	_ =	swait.ge [sflag:s23], $0x800  }
0x79: {  	[sflag:s23] =	ssyncset.done $0x0  }
0x7a: {  	[sflag:s23] =	ssyncadd.s32 $0xFFFFF800  }
0x7b: {  	_ =	swait.ge [sflag:s23], $0x800  }
0x7c: {  	[sflag:s23] =	ssyncset.done $0x0  }
0x7d: {  	s29 =	sadd.s32 $0x400, s28;
	[sflag:s23] =	ssyncadd.s32 $0xFFFFF800  }
0x7e: {  	[tilespmem:s15], [sflag:$0x1] =	stream.indirect.gather [hbm4b:s1+s14], $0x10, s29, s14, $0xb8;
	[tilespmem:$0x9800] =	vst v63  }
0x7f: {  	s29 =	sadd.s32 $0x480, s28  }
0x80: {  	[tilespmem:s16], [sflag:$0x1] =	stream.indirect.gather [hbm4b:s1+s14], $0x10, s29, s14, $0xb8;
	[tilespmem:$0x9800] =	vst v63  }
0x81: {  	_ =	swait.ge [sflag:s26], $0x800  }
0x82: {  	[sflag:s26] =	ssyncset.done $0x0  }
0x83: {  	[sflag:s26] =	ssyncadd.s32 $0xFFFFF800  }
.Ltmp0:
0x84: {  	_ =	swait.ge [sflag:s26], $0x800;
	(pc) =	sbr.rel @p0 .LBB2_2-.Ltmp0, $4  }
0x85: {  	[sflag:s26] =	ssyncset.done $0x0  }
0x86: {  	s29 =	sadd.s32 $0x2B00, s28;
	[sflag:s26] =	ssyncadd.s32 $0xFFFFF800  }
0x87: {  	[spmem:s3] =	stream.indirect.scatter.add.f32 [tilespmem:s18], [sflag:$0x4], $0x10, s29, s14, $0xb8;
	[tilespmem:$0x9800] =	vst v63  }
0x88: {  	s28 =	sadd.s32 $0x2B80, s28  }
0x89: {  	[spmem:s3] =	stream.indirect.scatter.add.f32 [tilespmem:s20], [sflag:$0x4], $0x10, s28, s14, $0xb8;
	[tilespmem:$0x9800] =	vst v63  }
0x8a: {  	_ =	swait.ge [sflag:s30], $0x800  }
0x8b: {  	[sflag:s30] =	ssyncset.done $0x0  }
0x8c: {  	[sflag:s30] =	ssyncadd.s32 $0xFFFFF800  }
0x8d: {  	_ =	swait.ge [sflag:s30], $0x800  }
0x8e: {  	[sflag:s30] =	ssyncset.done $0x0  }
0x8f: {  	[sflag:s30] =	ssyncadd.s32 $0xFFFFF800  }
0x90: {  	[tilespmem:s18], [sflag:$0x2] =	stream.indirect.gather [hbm4b:s1+s14], $0x10, s31, s14, $0xb8;
	[tilespmem:$0x9800] =	vst v63  }
0x91: {  	_ = 	snop  }
0x92: {  	[tilespmem:s20], [sflag:$0x2] =	stream.indirect.gather [hbm4b:s1+s14], $0x10, s2, s14, $0xb8;
	[tilespmem:$0x9800] =	vst v63  }
0x93: {  	_ =	swait.ge [sflag:s21], $0x800  }
0x94: {  	[sflag:s21] =	ssyncset.done $0x0  }
0x95: {  	[sflag:s21] =	ssyncadd.s32 $0xFFFFF800  }
0x96: {  	_ =	swait.ge [sflag:s21], $0x800  }
0x97: {  	[sflag:s21] =	ssyncset.done $0x0  }
0x98: {  	[sflag:s21] =	ssyncadd.s32 $0xFFFFF800  }
0x99: {  	[spmem:s3] =	stream.indirect.scatter.add.f32 [tilespmem:s15], [sflag:$0x3], $0x10, s0, s14, $0xb8;
	[tilespmem:$0x9800] =	vst v63  }
0x9a: {  	_ = 	snop  }
0x9b: {  	[spmem:s3] =	stream.indirect.scatter.add.f32 [tilespmem:s16], [sflag:$0x3], $0x10, s17, s14, $0xb8;
	[tilespmem:$0x9800] =	vst v63  }
0x9c: {  	_ =	swait.ge [sflag:s23], $0x800  }
0x9d: {  	[sflag:s23] =	ssyncset.done $0x0  }
0x9e: {  	[sflag:s23] =	ssyncadd.s32 $0xFFFFF800  }
0x9f: {  	_ =	swait.ge [sflag:s23], $0x800  }
0xa0: {  	[sflag:s23] =	ssyncset.done $0x0  }
0xa1: {  	[sflag:s23] =	ssyncadd.s32 $0xFFFFF800  }
0xa2: {  	_ =	swait.ge [sflag:s26], $0x800  }
0xa3: {  	[sflag:s26] =	ssyncset.done $0x0  }
0xa4: {  	[sflag:s26] =	ssyncadd.s32 $0xFFFFF800  }
0xa5: {  	_ =	swait.ge [sflag:s26], $0x800  }
0xa6: {  	[sflag:s26] =	ssyncset.done $0x0  }
0xa7: {  	[sflag:s26] =	ssyncadd.s32 $0xFFFFF800  }
0xa8: {  	[spmem:s3] =	stream.indirect.scatter.add.f32 [tilespmem:s18], [sflag:$0x4], $0x10, s19, s14, $0xb8;
	[tilespmem:$0x9800] =	vst v63  }
0xa9: {  	_ = 	snop  }
0xaa: {  	[spmem:s3] =	stream.indirect.scatter.add.f32 [tilespmem:s20], [sflag:$0x4], $0x10, s22, s14, $0xb8;
	[tilespmem:$0x9800] =	vst v63  }
0xab: {  	_ =	swait.ge [sflag:s30], $0x800  }
0xac: {  	[sflag:s30] =	ssyncset.done $0x0  }
0xad: {  	[sflag:s30] =	ssyncadd.s32 $0xFFFFF800  }
0xae: {  	_ =	swait.ge [sflag:s30], $0x800  }
0xaf: {  	s24 =	sadd.s32 $0x1, s24;
	[sflag:s30] =	ssyncset.done $0x0  }
0xb0: {  	p0 =	sne.s32 s24, s9;
	[sflag:s30] =	ssyncadd.s32 $0xFFFFF800  }
.Ltmp1:
0xb1: {  	[bflag:$0x0] =	sbarrier.arrive $0xFFFF;
	(pc) =	sbr.rel @p0 .LBB2_1-.Ltmp1, $4  }
0xb2: {  	[hbm:s8], [sflag:s12] =	dma.local [spmem:s13], $0x500  }
0xb3: {  	_ =	swait.ge [sflag:s10], $0x500  }
0xb4: {  	[sflag:s10] =	ssyncset.done $0x0  }
0xb5: {  	[sflag:s10] =	ssyncadd.s32 $0xFFFFFB00  }
0xb6: {  	_ =	sfence.sel $0x180000  }
0xb7: {  	[bflag:$0x0] =	sbarrier.arrive $0xFFFF  }
0xb8: {  	_ =	strace $0x90000050  }
0xb9: {  	s0 =	stileid.u32;
	[bflag:$0x2] =	sbarrier.arrive $0xFFFF  }
0xba: {  	p0 =	sne.s32 s0, $0x0;
	s0 =	rddreg [dreg:$0x3]  }
0xbb: {  	s0 =	sadd.s32 @!p0 $0x100000, s0  }
0xbc: {  	[sflag:s0] =	ssyncadd.tile.s32 @!p0 $0x1;
	_ =	shalt  }
.Lfunc_end2:
_tile_overlayer_lowered:
.L_overlay_start_2:
0xbd: {  	(tag) =	ssettag $0x2  }
0xbe: {  	s0 =	rddreg [dreg:$0x0];
	s2 =	stileid.u32  }
0xbf: {  	s1 =	rddreg [dreg:$0x1];
	p0 =	sne.s32 s2, $0x0  }
0xc0: {  	s3 =	rddreg [dreg:$0x2];
	[bflag:$0x3] =	sbarrier.arrive $0xFFFF;
	s2 =	simm.s32 @!p0 $0x1C05  }
0xc1: {  	[timem:s3], [sflag:s2] =	dma.local @!p0 [hbm:s0], s1  }
0xc2: {  	s0 =	simm.s32 @!p0 $0x5  }
0xc3: {  	_ =	swait.ge @!p0 [sflag:s0], s1  }
0xc4: {  	s1 =	ssub.s32 @!p0 $0x0, s1;
	[sflag:s0] =	ssyncset.done @!p0 $0x0  }
0xc5: {  	[sflag:s0] =	ssyncadd.s32 @!p0 s1  }
0xc6: {  	[bflag:$0x3] =	sbarrier.arrive $0xFFFF  }
0xc7: {  	_ =	shalt  }

</sc_bundles>
